<compile_context>
chip_gen: v7x
topology: tpu7x:2x2x1
jax: 0.10.2.dev20260603
libtpu: 0.0.44.dev20260713+nightly
codegen_flags: <defaults>
</compile_context>

<pallas_src>
import functools

import jax
import jax.numpy as jnp
from jax import lax
from jax.experimental import pallas as pl
from jax.experimental.pallas import tpu as pltpu
from jax.experimental.pallas import tpu_sc as plsc



_ROWS = 400


def _mm2_body(y_ref, wl_ref, wr_ref, xl_ref, xr_ref):
    yb = y_ref[...]
    xl_ref[...] = jnp.dot(yb, wl_ref[...], preferred_element_type=jnp.float32)
    xr_ref[...] = jnp.dot(yb, wr_ref[...], preferred_element_type=jnp.float32)


def _mm2(y, Wl, Wr):
    n, p = y.shape
    d = Wl.shape[1]
    grid = n // _ROWS
    return pl.pallas_call(
        _mm2_body,
        grid=(grid,),
        in_specs=[
            pl.BlockSpec((_ROWS, p), lambda i: (i, 0)),
            pl.BlockSpec((p, d), lambda i: (0, 0)),
            pl.BlockSpec((p, d), lambda i: (0, 0)),
        ],
        out_specs=[
            pl.BlockSpec((_ROWS, d), lambda i: (i, 0)),
            pl.BlockSpec((_ROWS, d), lambda i: (i, 0)),
        ],
        out_shape=[
            jax.ShapeDtypeStruct((n, d), jnp.float32),
            jax.ShapeDtypeStruct((n, d), jnp.float32),
        ],
    )(y, Wl, Wr)


def _mid_body(a0_ref, a1_ref, exp_ref, b_ref, wl_ref, wr_ref, xl_ref, xr_ref):
    s = a0_ref[...] + a1_ref[...]
    msg = s[:, :128]
    r8 = 1.0 / (s[:, 128:136] + 1e-16)
    rw = jnp.dot(r8, exp_ref[...], preferred_element_type=jnp.float32)
    out1 = msg * rw + b_ref[...][0:1, :]
    h = jnp.where(out1 > 0.0, out1, jnp.exp(out1) - 1.0)
    xl_ref[...] = jnp.dot(h, wl_ref[...], preferred_element_type=jnp.float32)
    xr_ref[...] = jnp.dot(h, wr_ref[...], preferred_element_type=jnp.float32)


def _mid(a0, a1, expand, b1, Wl2, Wr2):
    n, w = a0.shape
    z = Wl2.shape[1]
    grid = n // _ROWS
    return pl.pallas_call(
        _mid_body,
        grid=(grid,),
        in_specs=[
            pl.BlockSpec((_ROWS, w), lambda i: (i, 0)),
            pl.BlockSpec((_ROWS, w), lambda i: (i, 0)),
            pl.BlockSpec((8, 128), lambda i: (0, 0)),
            pl.BlockSpec((8, 128), lambda i: (0, 0)),
            pl.BlockSpec((128, z), lambda i: (0, 0)),
            pl.BlockSpec((128, z), lambda i: (0, 0)),
        ],
        out_specs=[
            pl.BlockSpec((_ROWS, z), lambda i: (i, 0)),
            pl.BlockSpec((_ROWS, z), lambda i: (i, 0)),
        ],
        out_shape=[
            jax.ShapeDtypeStruct((n, z), jnp.float32),
            jax.ShapeDtypeStruct((n, z), jnp.float32),
        ],
    )(a0, a1, expand, b1, Wl2, Wr2)


def _fin_body(a0_ref, a1_ref, b_ref, z_ref):
    s = a0_ref[...] + a1_ref[...]
    msg = s[:, :64]
    r = 1.0 / (s[:, 64:65] + 1e-16)
    z_ref[...] = msg * r + b_ref[...][0:1, :]


def _fin(a0, a1, b2):
    n, w = a0.shape
    z = b2.shape[1]
    grid = n // _ROWS
    return pl.pallas_call(
        _fin_body,
        grid=(grid,),
        in_specs=[
            pl.BlockSpec((_ROWS, w), lambda i: (i, 0)),
            pl.BlockSpec((_ROWS, w), lambda i: (i, 0)),
            pl.BlockSpec((8, z), lambda i: (0, 0)),
        ],
        out_specs=pl.BlockSpec((_ROWS, z), lambda i: (i, 0)),
        out_shape=jax.ShapeDtypeStruct((n, z), jnp.float32),
    )(a0, a1, b2)



_NC, _NS = 2, 16
_K = 40


def _make_edge_kernel(N, E, D, H):
    ACCW = D + 16
    NW = _NC * _NS
    EPT = E // NW
    NCH = EPT // _K
    NPT = N // _NS
    NJ = D // 16
    JH = NJ // H
    assert EPT % _K == 0 and NCH % 2 == 0 and NJ % H == 0

    mesh = plsc.VectorSubcoreMesh(core_axis_name="c", subcore_axis_name="s")

    @functools.partial(
        pl.kernel,
        out_type=jax.ShapeDtypeStruct((_NC, N, ACCW), jnp.float32),
        mesh=mesh,
        compiler_params=pltpu.CompilerParams(
            use_tc_tiling_on_sc=False, needs_layout_passes=False),
        scratch_types=[
            pltpu.VMEM_SHARED((N, ACCW), jnp.float32),
            pltpu.VMEM((_K,), jnp.int32),
            pltpu.VMEM((_K,), jnp.int32),
            pltpu.VMEM((_K,), jnp.int32),
            pltpu.VMEM((_K,), jnp.int32),
            pltpu.VMEM((_K, D), jnp.float32),
            pltpu.VMEM((_K, D), jnp.float32),
            pltpu.VMEM((_K, D), jnp.float32),
            pltpu.VMEM((_K, D), jnp.float32),
            pltpu.VMEM((_K, ACCW), jnp.float32),
            pltpu.VMEM((D,), jnp.float32),
            pltpu.SemaphoreType.DMA,
            pltpu.SemaphoreType.DMA,
            pltpu.SemaphoreType.DMA,
            pltpu.SemaphoreType.DMA,
        ],
    )
    def ek(xl_hbm, xr_hbm, ei_hbm, att_hbm, out_hbm,
           acc, src_a, dst_a, src_b, dst_b, xlb_a, xrb_a, xlb_b, xrb_b,
           msgb, attb, sxl_a, sxr_a, sxl_b, sxr_b):
        cid = lax.axis_index("c")
        sid = lax.axis_index("s")
        wid = cid * _NS + sid
        zv = jnp.zeros((16,), jnp.float32)
        lane = lax.iota(jnp.int32, 16)

        nseg = ACCW // 16

        def zbody(t, carry):
            msgb[t // nseg, pl.ds((t % nseg) * 16, 16)] = zv
            return carry

        lax.fori_loop(0, _K * nseg, zbody, 0)
        for j in range(NPT // _K):
            pltpu.sync_copy(msgb, acc.at[pl.ds(sid * NPT + j * _K, _K)])
        zrem = NPT % _K
        if zrem:
            pltpu.sync_copy(
                msgb.at[pl.ds(0, zrem)],
                acc.at[pl.ds(sid * NPT + (NPT // _K) * _K, zrem)])
        pltpu.sync_copy(att_hbm, attb)
        plsc.subcore_barrier()

        attv = [attb[pl.ds(16 * j, 16)] for j in range(NJ)]

        bufa = (src_a, dst_a, xlb_a, xrb_a, sxl_a, sxr_a)
        bufb = (src_b, dst_b, xlb_b, xrb_b, sxl_b, sxr_b)

        def issue(i, buf):
            src_v, dst_v, xlb, xrb, sxl, sxr = buf
            ebase = wid * EPT + i * _K
            pltpu.sync_copy(ei_hbm.at[0, pl.ds(ebase, _K)], src_v)
            pltpu.sync_copy(ei_hbm.at[1, pl.ds(ebase, _K)], dst_v)
            pltpu.async_copy(xl_hbm.at[src_v], xlb, sxl)
            pltpu.async_copy(xr_hbm.at[dst_v], xrb, sxr)

        def step(i, cur, nxt):
            src_v, dst_v, xlb, xrb, sxl, sxr = cur

            @pl.when(i + 1 < NCH)
            def _():
                issue(i + 1, nxt)

            pltpu.make_async_copy(xl_hbm.at[src_v], xlb, sxl).wait()
            pltpu.make_async_copy(xr_hbm.at[dst_v], xrb, sxr).wait()

            def edge(k):
                xs = [xlb[k, pl.ds(16 * j, 16)] for j in range(NJ)]
                ts = []
                for j in range(NJ):
                    s = xs[j] + xrb[k, pl.ds(16 * j, 16)]
                    m = jnp.maximum(s, 0.2 * s)
                    ts.append(m * attv[j])
                exb = []
                for h in range(H):
                    u = ts[h * JH]
                    for q in range(1, JH):
                        u = u + ts[h * JH + q]
                    eh = jnp.sum(u)
                    exb.append(jnp.exp(jnp.full((16,), eh, jnp.float32)))
                for j in range(NJ):
                    msgb[k, pl.ds(16 * j, 16)] = xs[j] * exb[j // JH]
                evec = zv
                for h in range(H):
                    evec = jnp.where(lane == h, exb[h], evec)
                msgb[k, pl.ds(D, 16)] = evec

            plsc.parallel_loop(0, _K, 1, unroll=4)(lambda k: edge(k))
            pltpu.sync_copy(msgb, acc.at[dst_v], add=True)

        issue(0, bufa)

        def chunk2(t, carry):
            step(2 * t, bufa, bufb)
            step(2 * t + 1, bufb, bufa)
            return carry

        lax.fori_loop(0, NCH // 2, chunk2, 0)
        plsc.subcore_barrier()
        pltpu.sync_copy(acc.at[pl.ds(sid * NPT, NPT)],
                        out_hbm.at[cid, pl.ds(sid * NPT, NPT)])

    return ek




def kernel(y, y_edge_index, Wl1, Wr1, att1, b1, Wl2, Wr2, att2, b2):
    n = y.shape[0]
    e = y_edge_index.shape[1]
    ei = y_edge_index.astype(jnp.int32)

    expand = jnp.zeros((8, 128), jnp.float32)
    hidx = jnp.arange(128) // 32
    expand = expand.at[hidx, jnp.arange(128)].set(1.0)

    b1m = jnp.broadcast_to(b1.reshape(1, -1), (8, 128))
    b2m = jnp.broadcast_to(b2.reshape(1, -1), (8, 64))

    xl1, xr1 = _mm2(y, Wl1, Wr1)
    acc1 = _make_edge_kernel(n, e, 128, 4)(xl1, xr1, ei, att1.reshape(-1))
    xl2, xr2 = _mid(acc1[0], acc1[1], expand, b1m, Wl2, Wr2)

    acc2 = _make_edge_kernel(n, e, 64, 1)(xl2, xr2, ei, att2.reshape(-1))
    return _fin(acc2[0], acc2[1], b2m)

# --- scband reference (transcript-rebuilt; emitter-appended) ---
"""Pipeline reference for scband-gatv2-encoder-40303973105858 (READ-ONLY COPY).

The authoritative reference and input builder live on the scoring server;
editing this copy changes nothing except your own understanding.
"""

import jax, jax.numpy as jnp
import numpy as np


def gatv2_layer(x, edge_index, Wl, Wr, att, b, H, C, concat=True):
    # Faithful GATv2Conv (PyG semantics): lin_l on source, lin_r on target,
    # e = att . LeakyReLU(x_l[src] + x_r[dst]), softmax over incoming edges of dst,
    # out_i = sum_j alpha_ij * x_l[j], plus bias.
    N = x.shape[0]
    src = edge_index[0]
    dst = edge_index[1]
    xl = (x @ Wl).reshape(N, H, C)
    xr = (x @ Wr).reshape(N, H, C)
    m = xl[src] + xr[dst]                      # [E, H, C]
    m = jax.nn.leaky_relu(m, 0.2)
    e = (m * att[None, :, :]).sum(-1)          # [E, H]
    emax = jax.ops.segment_max(e, dst, num_segments=N)
    emax = jnp.where(jnp.isfinite(emax), emax, 0.0)
    emax = jax.lax.stop_gradient(emax)
    ex = jnp.exp(e - emax[dst])
    denom = jax.ops.segment_sum(ex, dst, num_segments=N)
    alpha = ex / (denom[dst] + 1e-16)          # [E, H]
    msg = xl[src] * alpha[:, :, None]          # [E, H, C]
    out = jax.ops.segment_sum(msg, dst, num_segments=N)  # [N, H, C]
    if concat:
        out = out.reshape(N, H * C)
    else:
        out = out.mean(axis=1)
    return out + b


def setup_inputs(seed: int = 0) -> dict:
    key = jax.random.key(seed)
    ks = jax.random.split(key, 12)
    N, P, HID, Z, HEADS = 10000, 128, 128, 64, 4
    E = 320000
    C1 = HID // HEADS  # 32
    y = jax.random.uniform(ks[0], (N, P), dtype=jnp.float32)
    y_edge_index = jax.random.randint(ks[1], (2, E), 0, N, dtype=jnp.int64)
    s1 = 1.0 / np.sqrt(P)
    s2 = 1.0 / np.sqrt(HID)
    Wl1 = jax.random.normal(ks[2], (P, HEADS * C1), dtype=jnp.float32) * s1
    Wr1 = jax.random.normal(ks[3], (P, HEADS * C1), dtype=jnp.float32) * s1
    att1 = jax.random.normal(ks[4], (HEADS, C1), dtype=jnp.float32) * (1.0 / np.sqrt(C1))
    b1 = jnp.zeros((HEADS * C1,), dtype=jnp.float32)
    Wl2 = jax.random.normal(ks[5], (HID, Z), dtype=jnp.float32) * s2
    Wr2 = jax.random.normal(ks[6], (HID, Z), dtype=jnp.float32) * s2
    att2 = jax.random.normal(ks[7], (1, Z), dtype=jnp.float32) * (1.0 / np.sqrt(Z))
    b2 = jnp.zeros((Z,), dtype=jnp.float32)
    return {"y": y, "y_edge_index": y_edge_index,
            "Wl1": Wl1, "Wr1": Wr1, "att1": att1, "b1": b1,
            "Wl2": Wl2, "Wr2": Wr2, "att2": att2, "b2": b2}


def reference(y, y_edge_index, Wl1, Wr1, att1, b1, Wl2, Wr2, att2, b2):
    # layer 1 (heads=4, concat) + ELU; dropout is identity in eval mode
    h = gatv2_layer(y, y_edge_index, Wl1, Wr1, att1, b1, 4, 32, concat=True)
    h = jax.nn.elu(h)
    # final layer (heads=1)
    z_atac = gatv2_layer(h, y_edge_index, Wl2, Wr2, att2, b2, 1, 64, concat=True)
    return z_atac

if __name__ == "__main__":
    import jax
    _d = setup_inputs()
    print(jax.jit(kernel)(*tuple(_d.values())))

</pallas_src>

<mosaic_0001>
#map = affine_map<(d0, d1) -> (0, 0)>
#map1 = affine_map<(d0, d1) -> (0)>
#map2 = affine_map<(d0, d1) -> (0, 0, 0)>
module attributes {stable_mosaic.version = 14 : i64} {
  func.func @ek(%arg0: i32, %arg1: i32, %arg2: memref<10000x128xf32, #tpu.memory_space<hbm>>, %arg3: memref<10000x128xf32, #tpu.memory_space<hbm>>, %arg4: memref<2x320000xi32, #tpu.memory_space<hbm>>, %arg5: memref<128xf32, #tpu.memory_space<hbm>>, %arg6: memref<2x10000x144xf32, #tpu.memory_space<hbm>>, %arg7: memref<10000x144xf32, #tpu.memory_space<vmem_shared>>, %arg8: memref<40xi32, #tpu.memory_space<vmem>>, %arg9: memref<40xi32, #tpu.memory_space<vmem>>, %arg10: memref<40xi32, #tpu.memory_space<vmem>>, %arg11: memref<40xi32, #tpu.memory_space<vmem>>, %arg12: memref<40x128xf32, #tpu.memory_space<vmem>>, %arg13: memref<40x128xf32, #tpu.memory_space<vmem>>, %arg14: memref<40x128xf32, #tpu.memory_space<vmem>>, %arg15: memref<40x128xf32, #tpu.memory_space<vmem>>, %arg16: memref<40x144xf32, #tpu.memory_space<vmem>>, %arg17: memref<128xf32, #tpu.memory_space<vmem>>, %arg18: memref<!tpu.dma_semaphore, #tpu.memory_space<semaphore_mem>>, %arg19: memref<!tpu.dma_semaphore, #tpu.memory_space<semaphore_mem>>, %arg20: memref<!tpu.dma_semaphore, #tpu.memory_space<semaphore_mem>>, %arg21: memref<!tpu.dma_semaphore, #tpu.memory_space<semaphore_mem>>) attributes {dimension_semantics = [#tpu.dimension_semantics<core_parallel>, #tpu.dimension_semantics<subcore_parallel>], iteration_bounds = array<i64: 2, 16>, scalar_prefetch = 0 : i64, scratch_operands = 15 : i64, tpu.core_type = #tpu.core_type<sc_vector_subcore>, window_params = [{transform_indices = #map}, {transform_indices = #map}, {transform_indices = #map}, {transform_indices = #map1}, {transform_indices = #map2}]} {
    %mul3A = arith.constant 16 : i32
    %mul3A_0 = arith.muli %arg0, %mul3A : i32
    %add3A = arith.addi %mul3A_0, %arg1 : i32
    %broadcast_in_dim3A = arith.constant 0.000000e+00 : f32
    %broadcast_in_dim3A_1 = vector.broadcast %broadcast_in_dim3A : f32 to vector<16xf32>
    %iota3A = tpu.iota {dimensions = array<i32: 0>} : vector<16xi32>
    %scan3A = arith.constant 0 : i32
    %scan3A_2 = arith.constant 0 : i32
    %scan3A_3 = arith.constant 360 : i32
    %scan3A_4 = arith.addi %scan3A_2, %scan3A_3 : i32
    %scan3A_5 = arith.constant 1 : i32
    scf.for %scan3A_107 = %scan3A_2 to %scan3A_4 step %scan3A_5  : i32 {
      %jit3A = arith.constant 9 : i32
      %div3A = arith.divsi %scan3A_107, %jit3A : i32
      %sign3A = arith.constant 0 : i32
      %sign3A_108 = arith.cmpi sgt, %scan3A_107, %sign3A : i32
      %sign3A_109 = arith.extui %sign3A_108 : i1 to i32
      %sign3A_110 = arith.constant 0 : i32
      %sign3A_111 = arith.cmpi slt, %scan3A_107, %sign3A_110 : i32
      %sign3A_112 = arith.extui %sign3A_111 : i1 to i32
      %sign3A_113 = arith.subi %sign3A_109, %sign3A_112 : i32
      %sign3A_114 = arith.constant 0 : i32
      %sign3A_115 = arith.cmpi sgt, %jit3A, %sign3A_114 : i32
      %sign3A_116 = arith.extui %sign3A_115 : i1 to i32
      %sign3A_117 = arith.constant 0 : i32
      %sign3A_118 = arith.cmpi slt, %jit3A, %sign3A_117 : i32
      %sign3A_119 = arith.extui %sign3A_118 : i1 to i32
      %sign3A_120 = arith.subi %sign3A_116, %sign3A_119 : i32
      %ne3A = arith.cmpi ne, %sign3A_113, %sign3A_120 : i32
      %rem3A = arith.remsi %scan3A_107, %jit3A : i32
      %ne3A_121 = arith.constant 0 : i32
      %ne3A_122 = arith.cmpi ne, %rem3A, %ne3A_121 : i32
      %and3A = arith.andi %ne3A, %ne3A_122 : i1
      %sub3A = arith.constant 1 : i32
      %sub3A_123 = arith.subi %div3A, %sub3A : i32
      %select_n3A = arith.select %and3A, %sub3A_123, %div3A : i32
      %jit3A_124 = arith.constant 9 : i32
      %eq3A = arith.constant 0 : i32
      %eq3A_125 = arith.cmpi eq, %jit3A_124, %eq3A : i32
      %jit3A_126 = arith.constant 1 : i32
      %select_n3A_127 = arith.select %eq3A_125, %jit3A_126, %jit3A_124 : i32
      %rem3A_128 = arith.remsi %scan3A_107, %select_n3A_127 : i32
      %ne3A_129 = arith.constant 0 : i32
      %ne3A_130 = arith.cmpi ne, %rem3A_128, %ne3A_129 : i32
      %lt3A = arith.constant 0 : i32
      %lt3A_131 = arith.cmpi slt, %rem3A_128, %lt3A : i32
      %lt3A_132 = arith.constant 0 : i32
      %lt3A_133 = arith.cmpi slt, %select_n3A_127, %lt3A_132 : i32
      %ne3A_134 = arith.xori %lt3A_131, %lt3A_133 : i1
      %and3A_135 = arith.andi %ne3A_134, %ne3A_130 : i1
      %add3A_136 = arith.addi %rem3A_128, %select_n3A_127 : i32
      %select_n3A_137 = arith.select %and3A_135, %add3A_136, %rem3A_128 : i32
      %mul3A_138 = arith.constant 16 : i32
      %mul3A_139 = arith.muli %select_n3A_137, %mul3A_138 : i32
      %swap3A = arith.index_cast %select_n3A : i32 to index
      %swap3A_140 = arith.index_cast %mul3A_139 : i32 to index
      %swap3A_141 = tpu.vector_load %arg16[%swap3A, %swap3A_140] {strides = array<i32>} : memref<40x144xf32, #tpu.memory_space<vmem>>, vector<16xf32>,
      tpu.vector_store %arg16[%swap3A, %swap3A_140], %broadcast_in_dim3A_1 {strides = array<i32>} : memref<40x144xf32, #tpu.memory_space<vmem>>, vector<16xf32>,
    }
    %scan3A_6 = arith.constant 360 : i32
    %mul3A_7 = arith.constant 625 : i32
    %mul3A_8 = arith.muli %arg1, %mul3A_7 : i32
    %add3A_9 = arith.constant 0 : i32
    %add3A_10 = arith.addi %mul3A_8, %add3A_9 : i32
    "tpu.region"() ({
      %run_scoped3A_107 = tpu.sem_alloc : memref<!tpu.dma_semaphore, #tpu.memory_space<semaphore_mem>>
      %dma_start3A_108 = arith.constant 0 : i32
      %dma_start3A_109 = tpu.memref_slice %arg7[%add3A_10, %dma_start3A_108] : memref<10000x144xf32, #tpu.memory_space<vmem_shared>> -> memref<40x144xf32, #tpu.memory_space<vmem_shared>>
      %dma_start3A_110 = arith.constant 0 : i32
      %dma_start3A_111 = tpu.memref_slice %arg7[%add3A_10, %dma_start3A_110] : memref<10000x144xf32, #tpu.memory_space<vmem_shared>> -> memref<40x144xf32, #tpu.memory_space<vmem_shared>>
      tpu.enqueue_dma source(%arg16 : memref<40x144xf32, #tpu.memory_space<vmem>>) target(%dma_start3A_111 : memref<40x144xf32, #tpu.memory_space<vmem_shared>>) target_semaphore(%run_scoped3A_107 : memref<!tpu.dma_semaphore, #tpu.memory_space<semaphore_mem>>)
      %dma_wait3A = arith.constant 0 : i32
      %dma_wait3A_112 = tpu.memref_slice %arg7[%add3A_10, %dma_wait3A] : memref<10000x144xf32, #tpu.memory_space<vmem_shared>> -> memref<40x144xf32, #tpu.memory_space<vmem_shared>>
      %dma_wait3A_113 = arith.constant 0 : i32
      %dma_wait3A_114 = tpu.memref_slice %arg7[%add3A_10, %dma_wait3A_113] : memref<10000x144xf32, #tpu.memory_space<vmem_shared>> -> memref<40x144xf32, #tpu.memory_space<vmem_shared>>
      tpu.wait_dma2 semaphore(%run_scoped3A_107 : memref<!tpu.dma_semaphore, #tpu.memory_space<semaphore_mem>>) src(%arg16 : memref<40x144xf32, #tpu.memory_space<vmem>>) dst(%dma_wait3A_114 : memref<40x144xf32, #tpu.memory_space<vmem_shared>>)
      tpu.yield
    }) : () -> ()
    %mul3A_11 = arith.constant 625 : i32
    %mul3A_12 = arith.muli %arg1, %mul3A_11 : i32
    %add3A_13 = arith.constant 40 : i32
    %add3A_14 = arith.addi %mul3A_12, %add3A_13 : i32
    "tpu.region"() ({
      %run_scoped3A_107 = tpu.sem_alloc : memref<!tpu.dma_semaphore, #tpu.memory_space<semaphore_mem>>
      %dma_start3A_108 = arith.constant 0 : i32
      %dma_start3A_109 = tpu.memref_slice %arg7[%add3A_14, %dma_start3A_108] : memref<10000x144xf32, #tpu.memory_space<vmem_shared>> -> memref<40x144xf32, #tpu.memory_space<vmem_shared>>
      %dma_start3A_110 = arith.constant 0 : i32
      %dma_start3A_111 = tpu.memref_slice %arg7[%add3A_14, %dma_start3A_110] : memref<10000x144xf32, #tpu.memory_space<vmem_shared>> -> memref<40x144xf32, #tpu.memory_space<vmem_shared>>
      tpu.enqueue_dma source(%arg16 : memref<40x144xf32, #tpu.memory_space<vmem>>) target(%dma_start3A_111 : memref<40x144xf32, #tpu.memory_space<vmem_shared>>) target_semaphore(%run_scoped3A_107 : memref<!tpu.dma_semaphore, #tpu.memory_space<semaphore_mem>>)
      %dma_wait3A = arith.constant 0 : i32
      %dma_wait3A_112 = tpu.memref_slice %arg7[%add3A_14, %dma_wait3A] : memref<10000x144xf32, #tpu.memory_space<vmem_shared>> -> memref<40x144xf32, #tpu.memory_space<vmem_shared>>
      %dma_wait3A_113 = arith.constant 0 : i32
      %dma_wait3A_114 = tpu.memref_slice %arg7[%add3A_14, %dma_wait3A_113] : memref<10000x144xf32, #tpu.memory_space<vmem_shared>> -> memref<40x144xf32, #tpu.memory_space<vmem_shared>>
      tpu.wait_dma2 semaphore(%run_scoped3A_107 : memref<!tpu.dma_semaphore, #tpu.memory_space<semaphore_mem>>) src(%arg16 : memref<40x144xf32, #tpu.memory_space<vmem>>) dst(%dma_wait3A_114 : memref<40x144xf32, #tpu.memory_space<vmem_shared>>)
      tpu.yield
    }) : () -> ()
    %mul3A_15 = arith.constant 625 : i32
    %mul3A_16 = arith.muli %arg1, %mul3A_15 : i32
    %add3A_17 = arith.constant 80 : i32
    %add3A_18 = arith.addi %mul3A_16, %add3A_17 : i32
    "tpu.region"() ({
      %run_scoped3A_107 = tpu.sem_alloc : memref<!tpu.dma_semaphore, #tpu.memory_space<semaphore_mem>>
      %dma_start3A_108 = arith.constant 0 : i32
      %dma_start3A_109 = tpu.memref_slice %arg7[%add3A_18, %dma_start3A_108] : memref<10000x144xf32, #tpu.memory_space<vmem_shared>> -> memref<40x144xf32, #tpu.memory_space<vmem_shared>>
      %dma_start3A_110 = arith.constant 0 : i32
      %dma_start3A_111 = tpu.memref_slice %arg7[%add3A_18, %dma_start3A_110] : memref<10000x144xf32, #tpu.memory_space<vmem_shared>> -> memref<40x144xf32, #tpu.memory_space<vmem_shared>>
      tpu.enqueue_dma source(%arg16 : memref<40x144xf32, #tpu.memory_space<vmem>>) target(%dma_start3A_111 : memref<40x144xf32, #tpu.memory_space<vmem_shared>>) target_semaphore(%run_scoped3A_107 : memref<!tpu.dma_semaphore, #tpu.memory_space<semaphore_mem>>)
      %dma_wait3A = arith.constant 0 : i32
      %dma_wait3A_112 = tpu.memref_slice %arg7[%add3A_18, %dma_wait3A] : memref<10000x144xf32, #tpu.memory_space<vmem_shared>> -> memref<40x144xf32, #tpu.memory_space<vmem_shared>>
      %dma_wait3A_113 = arith.constant 0 : i32
      %dma_wait3A_114 = tpu.memref_slice %arg7[%add3A_18, %dma_wait3A_113] : memref<10000x144xf32, #tpu.memory_space<vmem_shared>> -> memref<40x144xf32, #tpu.memory_space<vmem_shared>>
      tpu.wait_dma2 semaphore(%run_scoped3A_107 : memref<!tpu.dma_semaphore, #tpu.memory_space<semaphore_mem>>) src(%arg16 : memref<40x144xf32, #tpu.memory_space<vmem>>) dst(%dma_wait3A_114 : memref<40x144xf32, #tpu.memory_space<vmem_shared>>)
      tpu.yield
    }) : () -> ()
    %mul3A_19 = arith.constant 625 : i32
    %mul3A_20 = arith.muli %arg1, %mul3A_19 : i32
    %add3A_21 = arith.constant 120 : i32
    %add3A_22 = arith.addi %mul3A_20, %add3A_21 : i32
    "tpu.region"() ({
      %run_scoped3A_107 = tpu.sem_alloc : memref<!tpu.dma_semaphore, #tpu.memory_space<semaphore_mem>>
      %dma_start3A_108 = arith.constant 0 : i32
      %dma_start3A_109 = tpu.memref_slice %arg7[%add3A_22, %dma_start3A_108] : memref<10000x144xf32, #tpu.memory_space<vmem_shared>> -> memref<40x144xf32, #tpu.memory_space<vmem_shared>>
      %dma_start3A_110 = arith.constant 0 : i32
      %dma_start3A_111 = tpu.memref_slice %arg7[%add3A_22, %dma_start3A_110] : memref<10000x144xf32, #tpu.memory_space<vmem_shared>> -> memref<40x144xf32, #tpu.memory_space<vmem_shared>>
      tpu.enqueue_dma source(%arg16 : memref<40x144xf32, #tpu.memory_space<vmem>>) target(%dma_start3A_111 : memref<40x144xf32, #tpu.memory_space<vmem_shared>>) target_semaphore(%run_scoped3A_107 : memref<!tpu.dma_semaphore, #tpu.memory_space<semaphore_mem>>)
      %dma_wait3A = arith.constant 0 : i32
      %dma_wait3A_112 = tpu.memref_slice %arg7[%add3A_22, %dma_wait3A] : memref<10000x144xf32, #tpu.memory_space<vmem_shared>> -> memref<40x144xf32, #tpu.memory_space<vmem_shared>>
      %dma_wait3A_113 = arith.constant 0 : i32
      %dma_wait3A_114 = tpu.memref_slice %arg7[%add3A_22, %dma_wait3A_113] : memref<10000x144xf32, #tpu.memory_space<vmem_shared>> -> memref<40x144xf32, #tpu.memory_space<vmem_shared>>
      tpu.wait_dma2 semaphore(%run_scoped3A_107 : memref<!tpu.dma_semaphore, #tpu.memory_space<semaphore_mem>>) src(%arg16 : memref<40x144xf32, #tpu.memory_space<vmem>>) dst(%dma_wait3A_114 : memref<40x144xf32, #tpu.memory_space<vmem_shared>>)
      tpu.yield
    }) : () -> ()
    %mul3A_23 = arith.constant 625 : i32
    %mul3A_24 = arith.muli %arg1, %mul3A_23 : i32
    %add3A_25 = arith.constant 160 : i32
    %add3A_26 = arith.addi %mul3A_24, %add3A_25 : i32
    "tpu.region"() ({
      %run_scoped3A_107 = tpu.sem_alloc : memref<!tpu.dma_semaphore, #tpu.memory_space<semaphore_mem>>
      %dma_start3A_108 = arith.constant 0 : i32
      %dma_start3A_109 = tpu.memref_slice %arg7[%add3A_26, %dma_start3A_108] : memref<10000x144xf32, #tpu.memory_space<vmem_shared>> -> memref<40x144xf32, #tpu.memory_space<vmem_shared>>
      %dma_start3A_110 = arith.constant 0 : i32
      %dma_start3A_111 = tpu.memref_slice %arg7[%add3A_26, %dma_start3A_110] : memref<10000x144xf32, #tpu.memory_space<vmem_shared>> -> memref<40x144xf32, #tpu.memory_space<vmem_shared>>
      tpu.enqueue_dma source(%arg16 : memref<40x144xf32, #tpu.memory_space<vmem>>) target(%dma_start3A_111 : memref<40x144xf32, #tpu.memory_space<vmem_shared>>) target_semaphore(%run_scoped3A_107 : memref<!tpu.dma_semaphore, #tpu.memory_space<semaphore_mem>>)
      %dma_wait3A = arith.constant 0 : i32
      %dma_wait3A_112 = tpu.memref_slice %arg7[%add3A_26, %dma_wait3A] : memref<10000x144xf32, #tpu.memory_space<vmem_shared>> -> memref<40x144xf32, #tpu.memory_space<vmem_shared>>
      %dma_wait3A_113 = arith.constant 0 : i32
      %dma_wait3A_114 = tpu.memref_slice %arg7[%add3A_26, %dma_wait3A_113] : memref<10000x144xf32, #tpu.memory_space<vmem_shared>> -> memref<40x144xf32, #tpu.memory_space<vmem_shared>>
      tpu.wait_dma2 semaphore(%run_scoped3A_107 : memref<!tpu.dma_semaphore, #tpu.memory_space<semaphore_mem>>) src(%arg16 : memref<40x144xf32, #tpu.memory_space<vmem>>) dst(%dma_wait3A_114 : memref<40x144xf32, #tpu.memory_space<vmem_shared>>)
      tpu.yield
    }) : () -> ()
    %mul3A_27 = arith.constant 625 : i32
    %mul3A_28 = arith.muli %arg1, %mul3A_27 : i32
    %add3A_29 = arith.constant 200 : i32
    %add3A_30 = arith.addi %mul3A_28, %add3A_29 : i32
    "tpu.region"() ({
      %run_scoped3A_107 = tpu.sem_alloc : memref<!tpu.dma_semaphore, #tpu.memory_space<semaphore_mem>>
      %dma_start3A_108 = arith.constant 0 : i32
      %dma_start3A_109 = tpu.memref_slice %arg7[%add3A_30, %dma_start3A_108] : memref<10000x144xf32, #tpu.memory_space<vmem_shared>> -> memref<40x144xf32, #tpu.memory_space<vmem_shared>>
      %dma_start3A_110 = arith.constant 0 : i32
      %dma_start3A_111 = tpu.memref_slice %arg7[%add3A_30, %dma_start3A_110] : memref<10000x144xf32, #tpu.memory_space<vmem_shared>> -> memref<40x144xf32, #tpu.memory_space<vmem_shared>>
      tpu.enqueue_dma source(%arg16 : memref<40x144xf32, #tpu.memory_space<vmem>>) target(%dma_start3A_111 : memref<40x144xf32, #tpu.memory_space<vmem_shared>>) target_semaphore(%run_scoped3A_107 : memref<!tpu.dma_semaphore, #tpu.memory_space<semaphore_mem>>)
      %dma_wait3A = arith.constant 0 : i32
      %dma_wait3A_112 = tpu.memref_slice %arg7[%add3A_30, %dma_wait3A] : memref<10000x144xf32, #tpu.memory_space<vmem_shared>> -> memref<40x144xf32, #tpu.memory_space<vmem_shared>>
      %dma_wait3A_113 = arith.constant 0 : i32
      %dma_wait3A_114 = tpu.memref_slice %arg7[%add3A_30, %dma_wait3A_113] : memref<10000x144xf32, #tpu.memory_space<vmem_shared>> -> memref<40x144xf32, #tpu.memory_space<vmem_shared>>
      tpu.wait_dma2 semaphore(%run_scoped3A_107 : memref<!tpu.dma_semaphore, #tpu.memory_space<semaphore_mem>>) src(%arg16 : memref<40x144xf32, #tpu.memory_space<vmem>>) dst(%dma_wait3A_114 : memref<40x144xf32, #tpu.memory_space<vmem_shared>>)
      tpu.yield
    }) : () -> ()
    %mul3A_31 = arith.constant 625 : i32
    %mul3A_32 = arith.muli %arg1, %mul3A_31 : i32
    %add3A_33 = arith.constant 240 : i32
    %add3A_34 = arith.addi %mul3A_32, %add3A_33 : i32
    "tpu.region"() ({
      %run_scoped3A_107 = tpu.sem_alloc : memref<!tpu.dma_semaphore, #tpu.memory_space<semaphore_mem>>
      %dma_start3A_108 = arith.constant 0 : i32
      %dma_start3A_109 = tpu.memref_slice %arg7[%add3A_34, %dma_start3A_108] : memref<10000x144xf32, #tpu.memory_space<vmem_shared>> -> memref<40x144xf32, #tpu.memory_space<vmem_shared>>
      %dma_start3A_110 = arith.constant 0 : i32
      %dma_start3A_111 = tpu.memref_slice %arg7[%add3A_34, %dma_start3A_110] : memref<10000x144xf32, #tpu.memory_space<vmem_shared>> -> memref<40x144xf32, #tpu.memory_space<vmem_shared>>
      tpu.enqueue_dma source(%arg16 : memref<40x144xf32, #tpu.memory_space<vmem>>) target(%dma_start3A_111 : memref<40x144xf32, #tpu.memory_space<vmem_shared>>) target_semaphore(%run_scoped3A_107 : memref<!tpu.dma_semaphore, #tpu.memory_space<semaphore_mem>>)
      %dma_wait3A = arith.constant 0 : i32
      %dma_wait3A_112 = tpu.memref_slice %arg7[%add3A_34, %dma_wait3A] : memref<10000x144xf32, #tpu.memory_space<vmem_shared>> -> memref<40x144xf32, #tpu.memory_space<vmem_shared>>
      %dma_wait3A_113 = arith.constant 0 : i32
      %dma_wait3A_114 = tpu.memref_slice %arg7[%add3A_34, %dma_wait3A_113] : memref<10000x144xf32, #tpu.memory_space<vmem_shared>> -> memref<40x144xf32, #tpu.memory_space<vmem_shared>>
      tpu.wait_dma2 semaphore(%run_scoped3A_107 : memref<!tpu.dma_semaphore, #tpu.memory_space<semaphore_mem>>) src(%arg16 : memref<40x144xf32, #tpu.memory_space<vmem>>) dst(%dma_wait3A_114 : memref<40x144xf32, #tpu.memory_space<vmem_shared>>)
      tpu.yield
    }) : () -> ()
    %mul3A_35 = arith.constant 625 : i32
    %mul3A_36 = arith.muli %arg1, %mul3A_35 : i32
    %add3A_37 = arith.constant 280 : i32
    %add3A_38 = arith.addi %mul3A_36, %add3A_37 : i32
    "tpu.region"() ({
      %run_scoped3A_107 = tpu.sem_alloc : memref<!tpu.dma_semaphore, #tpu.memory_space<semaphore_mem>>
      %dma_start3A_108 = arith.constant 0 : i32
      %dma_start3A_109 = tpu.memref_slice %arg7[%add3A_38, %dma_start3A_108] : memref<10000x144xf32, #tpu.memory_space<vmem_shared>> -> memref<40x144xf32, #tpu.memory_space<vmem_shared>>
      %dma_start3A_110 = arith.constant 0 : i32
      %dma_start3A_111 = tpu.memref_slice %arg7[%add3A_38, %dma_start3A_110] : memref<10000x144xf32, #tpu.memory_space<vmem_shared>> -> memref<40x144xf32, #tpu.memory_space<vmem_shared>>
      tpu.enqueue_dma source(%arg16 : memref<40x144xf32, #tpu.memory_space<vmem>>) target(%dma_start3A_111 : memref<40x144xf32, #tpu.memory_space<vmem_shared>>) target_semaphore(%run_scoped3A_107 : memref<!tpu.dma_semaphore, #tpu.memory_space<semaphore_mem>>)
      %dma_wait3A = arith.constant 0 : i32
      %dma_wait3A_112 = tpu.memref_slice %arg7[%add3A_38, %dma_wait3A] : memref<10000x144xf32, #tpu.memory_space<vmem_shared>> -> memref<40x144xf32, #tpu.memory_space<vmem_shared>>
      %dma_wait3A_113 = arith.constant 0 : i32
      %dma_wait3A_114 = tpu.memref_slice %arg7[%add3A_38, %dma_wait3A_113] : memref<10000x144xf32, #tpu.memory_space<vmem_shared>> -> memref<40x144xf32, #tpu.memory_space<vmem_shared>>
      tpu.wait_dma2 semaphore(%run_scoped3A_107 : memref<!tpu.dma_semaphore, #tpu.memory_space<semaphore_mem>>) src(%arg16 : memref<40x144xf32, #tpu.memory_space<vmem>>) dst(%dma_wait3A_114 : memref<40x144xf32, #tpu.memory_space<vmem_shared>>)
      tpu.yield
    }) : () -> ()
    %mul3A_39 = arith.constant 625 : i32
    %mul3A_40 = arith.muli %arg1, %mul3A_39 : i32
    %add3A_41 = arith.constant 320 : i32
    %add3A_42 = arith.addi %mul3A_40, %add3A_41 : i32
    "tpu.region"() ({
      %run_scoped3A_107 = tpu.sem_alloc : memref<!tpu.dma_semaphore, #tpu.memory_space<semaphore_mem>>
      %dma_start3A_108 = arith.constant 0 : i32
      %dma_start3A_109 = tpu.memref_slice %arg7[%add3A_42, %dma_start3A_108] : memref<10000x144xf32, #tpu.memory_space<vmem_shared>> -> memref<40x144xf32, #tpu.memory_space<vmem_shared>>
      %dma_start3A_110 = arith.constant 0 : i32
      %dma_start3A_111 = tpu.memref_slice %arg7[%add3A_42, %dma_start3A_110] : memref<10000x144xf32, #tpu.memory_space<vmem_shared>> -> memref<40x144xf32, #tpu.memory_space<vmem_shared>>
      tpu.enqueue_dma source(%arg16 : memref<40x144xf32, #tpu.memory_space<vmem>>) target(%dma_start3A_111 : memref<40x144xf32, #tpu.memory_space<vmem_shared>>) target_semaphore(%run_scoped3A_107 : memref<!tpu.dma_semaphore, #tpu.memory_space<semaphore_mem>>)
      %dma_wait3A = arith.constant 0 : i32
      %dma_wait3A_112 = tpu.memref_slice %arg7[%add3A_42, %dma_wait3A] : memref<10000x144xf32, #tpu.memory_space<vmem_shared>> -> memref<40x144xf32, #tpu.memory_space<vmem_shared>>
      %dma_wait3A_113 = arith.constant 0 : i32
      %dma_wait3A_114 = tpu.memref_slice %arg7[%add3A_42, %dma_wait3A_113] : memref<10000x144xf32, #tpu.memory_space<vmem_shared>> -> memref<40x144xf32, #tpu.memory_space<vmem_shared>>
      tpu.wait_dma2 semaphore(%run_scoped3A_107 : memref<!tpu.dma_semaphore, #tpu.memory_space<semaphore_mem>>) src(%arg16 : memref<40x144xf32, #tpu.memory_space<vmem>>) dst(%dma_wait3A_114 : memref<40x144xf32, #tpu.memory_space<vmem_shared>>)
      tpu.yield
    }) : () -> ()
    %mul3A_43 = arith.constant 625 : i32
    %mul3A_44 = arith.muli %arg1, %mul3A_43 : i32
    %add3A_45 = arith.constant 360 : i32
    %add3A_46 = arith.addi %mul3A_44, %add3A_45 : i32
    "tpu.region"() ({
      %run_scoped3A_107 = tpu.sem_alloc : memref<!tpu.dma_semaphore, #tpu.memory_space<semaphore_mem>>
      %dma_start3A_108 = arith.constant 0 : i32
      %dma_start3A_109 = tpu.memref_slice %arg7[%add3A_46, %dma_start3A_108] : memref<10000x144xf32, #tpu.memory_space<vmem_shared>> -> memref<40x144xf32, #tpu.memory_space<vmem_shared>>
      %dma_start3A_110 = arith.constant 0 : i32
      %dma_start3A_111 = tpu.memref_slice %arg7[%add3A_46, %dma_start3A_110] : memref<10000x144xf32, #tpu.memory_space<vmem_shared>> -> memref<40x144xf32, #tpu.memory_space<vmem_shared>>
      tpu.enqueue_dma source(%arg16 : memref<40x144xf32, #tpu.memory_space<vmem>>) target(%dma_start3A_111 : memref<40x144xf32, #tpu.memory_space<vmem_shared>>) target_semaphore(%run_scoped3A_107 : memref<!tpu.dma_semaphore, #tpu.memory_space<semaphore_mem>>)
      %dma_wait3A = arith.constant 0 : i32
      %dma_wait3A_112 = tpu.memref_slice %arg7[%add3A_46, %dma_wait3A] : memref<10000x144xf32, #tpu.memory_space<vmem_shared>> -> memref<40x144xf32, #tpu.memory_space<vmem_shared>>
      %dma_wait3A_113 = arith.constant 0 : i32
      %dma_wait3A_114 = tpu.memref_slice %arg7[%add3A_46, %dma_wait3A_113] : memref<10000x144xf32, #tpu.memory_space<vmem_shared>> -> memref<40x144xf32, #tpu.memory_space<vmem_shared>>
      tpu.wait_dma2 semaphore(%run_scoped3A_107 : memref<!tpu.dma_semaphore, #tpu.memory_space<semaphore_mem>>) src(%arg16 : memref<40x144xf32, #tpu.memory_space<vmem>>) dst(%dma_wait3A_114 : memref<40x144xf32, #tpu.memory_space<vmem_shared>>)
      tpu.yield
    }) : () -> ()
    %mul3A_47 = arith.constant 625 : i32
    %mul3A_48 = arith.muli %arg1, %mul3A_47 : i32
    %add3A_49 = arith.constant 400 : i32
    %add3A_50 = arith.addi %mul3A_48, %add3A_49 : i32
    "tpu.region"() ({
      %run_scoped3A_107 = tpu.sem_alloc : memref<!tpu.dma_semaphore, #tpu.memory_space<semaphore_mem>>
      %dma_start3A_108 = arith.constant 0 : i32
      %dma_start3A_109 = tpu.memref_slice %arg7[%add3A_50, %dma_start3A_108] : memref<10000x144xf32, #tpu.memory_space<vmem_shared>> -> memref<40x144xf32, #tpu.memory_space<vmem_shared>>
      %dma_start3A_110 = arith.constant 0 : i32
      %dma_start3A_111 = tpu.memref_slice %arg7[%add3A_50, %dma_start3A_110] : memref<10000x144xf32, #tpu.memory_space<vmem_shared>> -> memref<40x144xf32, #tpu.memory_space<vmem_shared>>
      tpu.enqueue_dma source(%arg16 : memref<40x144xf32, #tpu.memory_space<vmem>>) target(%dma_start3A_111 : memref<40x144xf32, #tpu.memory_space<vmem_shared>>) target_semaphore(%run_scoped3A_107 : memref<!tpu.dma_semaphore, #tpu.memory_space<semaphore_mem>>)
      %dma_wait3A = arith.constant 0 : i32
      %dma_wait3A_112 = tpu.memref_slice %arg7[%add3A_50, %dma_wait3A] : memref<10000x144xf32, #tpu.memory_space<vmem_shared>> -> memref<40x144xf32, #tpu.memory_space<vmem_shared>>
      %dma_wait3A_113 = arith.constant 0 : i32
      %dma_wait3A_114 = tpu.memref_slice %arg7[%add3A_50, %dma_wait3A_113] : memref<10000x144xf32, #tpu.memory_space<vmem_shared>> -> memref<40x144xf32, #tpu.memory_space<vmem_shared>>
      tpu.wait_dma2 semaphore(%run_scoped3A_107 : memref<!tpu.dma_semaphore, #tpu.memory_space<semaphore_mem>>) src(%arg16 : memref<40x144xf32, #tpu.memory_space<vmem>>) dst(%dma_wait3A_114 : memref<40x144xf32, #tpu.memory_space<vmem_shared>>)
      tpu.yield
    }) : () -> ()
    %mul3A_51 = arith.constant 625 : i32
    %mul3A_52 = arith.muli %arg1, %mul3A_51 : i32
    %add3A_53 = arith.constant 440 : i32
    %add3A_54 = arith.addi %mul3A_52, %add3A_53 : i32
    "tpu.region"() ({
      %run_scoped3A_107 = tpu.sem_alloc : memref<!tpu.dma_semaphore, #tpu.memory_space<semaphore_mem>>
      %dma_start3A_108 = arith.constant 0 : i32
      %dma_start3A_109 = tpu.memref_slice %arg7[%add3A_54, %dma_start3A_108] : memref<10000x144xf32, #tpu.memory_space<vmem_shared>> -> memref<40x144xf32, #tpu.memory_space<vmem_shared>>
      %dma_start3A_110 = arith.constant 0 : i32
      %dma_start3A_111 = tpu.memref_slice %arg7[%add3A_54, %dma_start3A_110] : memref<10000x144xf32, #tpu.memory_space<vmem_shared>> -> memref<40x144xf32, #tpu.memory_space<vmem_shared>>
      tpu.enqueue_dma source(%arg16 : memref<40x144xf32, #tpu.memory_space<vmem>>) target(%dma_start3A_111 : memref<40x144xf32, #tpu.memory_space<vmem_shared>>) target_semaphore(%run_scoped3A_107 : memref<!tpu.dma_semaphore, #tpu.memory_space<semaphore_mem>>)
      %dma_wait3A = arith.constant 0 : i32
      %dma_wait3A_112 = tpu.memref_slice %arg7[%add3A_54, %dma_wait3A] : memref<10000x144xf32, #tpu.memory_space<vmem_shared>> -> memref<40x144xf32, #tpu.memory_space<vmem_shared>>
      %dma_wait3A_113 = arith.constant 0 : i32
      %dma_wait3A_114 = tpu.memref_slice %arg7[%add3A_54, %dma_wait3A_113] : memref<10000x144xf32, #tpu.memory_space<vmem_shared>> -> memref<40x144xf32, #tpu.memory_space<vmem_shared>>
      tpu.wait_dma2 semaphore(%run_scoped3A_107 : memref<!tpu.dma_semaphore, #tpu.memory_space<semaphore_mem>>) src(%arg16 : memref<40x144xf32, #tpu.memory_space<vmem>>) dst(%dma_wait3A_114 : memref<40x144xf32, #tpu.memory_space<vmem_shared>>)
      tpu.yield
    }) : () -> ()
    %mul3A_55 = arith.constant 625 : i32
    %mul3A_56 = arith.muli %arg1, %mul3A_55 : i32
    %add3A_57 = arith.constant 480 : i32
    %add3A_58 = arith.addi %mul3A_56, %add3A_57 : i32
    "tpu.region"() ({
      %run_scoped3A_107 = tpu.sem_alloc : memref<!tpu.dma_semaphore, #tpu.memory_space<semaphore_mem>>
      %dma_start3A_108 = arith.constant 0 : i32
      %dma_start3A_109 = tpu.memref_slice %arg7[%add3A_58, %dma_start3A_108] : memref<10000x144xf32, #tpu.memory_space<vmem_shared>> -> memref<40x144xf32, #tpu.memory_space<vmem_shared>>
      %dma_start3A_110 = arith.constant 0 : i32
      %dma_start3A_111 = tpu.memref_slice %arg7[%add3A_58, %dma_start3A_110] : memref<10000x144xf32, #tpu.memory_space<vmem_shared>> -> memref<40x144xf32, #tpu.memory_space<vmem_shared>>
      tpu.enqueue_dma source(%arg16 : memref<40x144xf32, #tpu.memory_space<vmem>>) target(%dma_start3A_111 : memref<40x144xf32, #tpu.memory_space<vmem_shared>>) target_semaphore(%run_scoped3A_107 : memref<!tpu.dma_semaphore, #tpu.memory_space<semaphore_mem>>)
      %dma_wait3A = arith.constant 0 : i32
      %dma_wait3A_112 = tpu.memref_slice %arg7[%add3A_58, %dma_wait3A] : memref<10000x144xf32, #tpu.memory_space<vmem_shared>> -> memref<40x144xf32, #tpu.memory_space<vmem_shared>>
      %dma_wait3A_113 = arith.constant 0 : i32
      %dma_wait3A_114 = tpu.memref_slice %arg7[%add3A_58, %dma_wait3A_113] : memref<10000x144xf32, #tpu.memory_space<vmem_shared>> -> memref<40x144xf32, #tpu.memory_space<vmem_shared>>
      tpu.wait_dma2 semaphore(%run_scoped3A_107 : memref<!tpu.dma_semaphore, #tpu.memory_space<semaphore_mem>>) src(%arg16 : memref<40x144xf32, #tpu.memory_space<vmem>>) dst(%dma_wait3A_114 : memref<40x144xf32, #tpu.memory_space<vmem_shared>>)
      tpu.yield
    }) : () -> ()
    %mul3A_59 = arith.constant 625 : i32
    %mul3A_60 = arith.muli %arg1, %mul3A_59 : i32
    %add3A_61 = arith.constant 520 : i32
    %add3A_62 = arith.addi %mul3A_60, %add3A_61 : i32
    "tpu.region"() ({
      %run_scoped3A_107 = tpu.sem_alloc : memref<!tpu.dma_semaphore, #tpu.memory_space<semaphore_mem>>
      %dma_start3A_108 = arith.constant 0 : i32
      %dma_start3A_109 = tpu.memref_slice %arg7[%add3A_62, %dma_start3A_108] : memref<10000x144xf32, #tpu.memory_space<vmem_shared>> -> memref<40x144xf32, #tpu.memory_space<vmem_shared>>
      %dma_start3A_110 = arith.constant 0 : i32
      %dma_start3A_111 = tpu.memref_slice %arg7[%add3A_62, %dma_start3A_110] : memref<10000x144xf32, #tpu.memory_space<vmem_shared>> -> memref<40x144xf32, #tpu.memory_space<vmem_shared>>
      tpu.enqueue_dma source(%arg16 : memref<40x144xf32, #tpu.memory_space<vmem>>) target(%dma_start3A_111 : memref<40x144xf32, #tpu.memory_space<vmem_shared>>) target_semaphore(%run_scoped3A_107 : memref<!tpu.dma_semaphore, #tpu.memory_space<semaphore_mem>>)
      %dma_wait3A = arith.constant 0 : i32
      %dma_wait3A_112 = tpu.memref_slice %arg7[%add3A_62, %dma_wait3A] : memref<10000x144xf32, #tpu.memory_space<vmem_shared>> -> memref<40x144xf32, #tpu.memory_space<vmem_shared>>
      %dma_wait3A_113 = arith.constant 0 : i32
      %dma_wait3A_114 = tpu.memref_slice %arg7[%add3A_62, %dma_wait3A_113] : memref<10000x144xf32, #tpu.memory_space<vmem_shared>> -> memref<40x144xf32, #tpu.memory_space<vmem_shared>>
      tpu.wait_dma2 semaphore(%run_scoped3A_107 : memref<!tpu.dma_semaphore, #tpu.memory_space<semaphore_mem>>) src(%arg16 : memref<40x144xf32, #tpu.memory_space<vmem>>) dst(%dma_wait3A_114 : memref<40x144xf32, #tpu.memory_space<vmem_shared>>)
      tpu.yield
    }) : () -> ()
    %mul3A_63 = arith.constant 625 : i32
    %mul3A_64 = arith.muli %arg1, %mul3A_63 : i32
    %add3A_65 = arith.constant 560 : i32
    %add3A_66 = arith.addi %mul3A_64, %add3A_65 : i32
    "tpu.region"() ({
      %run_scoped3A_107 = tpu.sem_alloc : memref<!tpu.dma_semaphore, #tpu.memory_space<semaphore_mem>>
      %dma_start3A_108 = arith.constant 0 : i32
      %dma_start3A_109 = tpu.memref_slice %arg7[%add3A_66, %dma_start3A_108] : memref<10000x144xf32, #tpu.memory_space<vmem_shared>> -> memref<40x144xf32, #tpu.memory_space<vmem_shared>>
      %dma_start3A_110 = arith.constant 0 : i32
      %dma_start3A_111 = tpu.memref_slice %arg7[%add3A_66, %dma_start3A_110] : memref<10000x144xf32, #tpu.memory_space<vmem_shared>> -> memref<40x144xf32, #tpu.memory_space<vmem_shared>>
      tpu.enqueue_dma source(%arg16 : memref<40x144xf32, #tpu.memory_space<vmem>>) target(%dma_start3A_111 : memref<40x144xf32, #tpu.memory_space<vmem_shared>>) target_semaphore(%run_scoped3A_107 : memref<!tpu.dma_semaphore, #tpu.memory_space<semaphore_mem>>)
      %dma_wait3A = arith.constant 0 : i32
      %dma_wait3A_112 = tpu.memref_slice %arg7[%add3A_66, %dma_wait3A] : memref<10000x144xf32, #tpu.memory_space<vmem_shared>> -> memref<40x144xf32, #tpu.memory_space<vmem_shared>>
      %dma_wait3A_113 = arith.constant 0 : i32
      %dma_wait3A_114 = tpu.memref_slice %arg7[%add3A_66, %dma_wait3A_113] : memref<10000x144xf32, #tpu.memory_space<vmem_shared>> -> memref<40x144xf32, #tpu.memory_space<vmem_shared>>
      tpu.wait_dma2 semaphore(%run_scoped3A_107 : memref<!tpu.dma_semaphore, #tpu.memory_space<semaphore_mem>>) src(%arg16 : memref<40x144xf32, #tpu.memory_space<vmem>>) dst(%dma_wait3A_114 : memref<40x144xf32, #tpu.memory_space<vmem_shared>>)
      tpu.yield
    }) : () -> ()
    %mul3A_67 = arith.constant 625 : i32
    %mul3A_68 = arith.muli %arg1, %mul3A_67 : i32
    %add3A_69 = arith.constant 600 : i32
    %add3A_70 = arith.addi %mul3A_68, %add3A_69 : i32
    "tpu.region"() ({
      %run_scoped3A_107 = tpu.sem_alloc : memref<!tpu.dma_semaphore, #tpu.memory_space<semaphore_mem>>
      %dma_start3A_108 = arith.constant 0 : i32
      %dma_start3A_109 = arith.constant 0 : i32
      %dma_start3A_110 = tpu.memref_slice %arg16[%dma_start3A_108, %dma_start3A_109] : memref<40x144xf32, #tpu.memory_space<vmem>> -> memref<25x144xf32, #tpu.memory_space<vmem>>
      %dma_start3A_111 = arith.constant 0 : i32
      %dma_start3A_112 = tpu.memref_slice %arg7[%add3A_70, %dma_start3A_111] : memref<10000x144xf32, #tpu.memory_space<vmem_shared>> -> memref<25x144xf32, #tpu.memory_space<vmem_shared>>
      %dma_start3A_113 = arith.constant 0 : i32
      %dma_start3A_114 = tpu.memref_slice %arg7[%add3A_70, %dma_start3A_113] : memref<10000x144xf32, #tpu.memory_space<vmem_shared>> -> memref<25x144xf32, #tpu.memory_space<vmem_shared>>
      %dma_start3A_115 = arith.constant 0 : i32
      %dma_start3A_116 = arith.constant 0 : i32
      %dma_start3A_117 = tpu.memref_slice %arg16[%dma_start3A_115, %dma_start3A_116] : memref<40x144xf32, #tpu.memory_space<vmem>> -> memref<25x144xf32, #tpu.memory_space<vmem>>
      tpu.enqueue_dma source(%dma_start3A_117 : memref<25x144xf32, #tpu.memory_space<vmem>>) target(%dma_start3A_114 : memref<25x144xf32, #tpu.memory_space<vmem_shared>>) target_semaphore(%run_scoped3A_107 : memref<!tpu.dma_semaphore, #tpu.memory_space<semaphore_mem>>)
      %dma_wait3A = arith.constant 0 : i32
      %dma_wait3A_118 = arith.constant 0 : i32
      %dma_wait3A_119 = tpu.memref_slice %arg16[%dma_wait3A, %dma_wait3A_118] : memref<40x144xf32, #tpu.memory_space<vmem>> -> memref<25x144xf32, #tpu.memory_space<vmem>>
      %dma_wait3A_120 = arith.constant 0 : i32
      %dma_wait3A_121 = tpu.memref_slice %arg7[%add3A_70, %dma_wait3A_120] : memref<10000x144xf32, #tpu.memory_space<vmem_shared>> -> memref<25x144xf32, #tpu.memory_space<vmem_shared>>
      %dma_wait3A_122 = arith.constant 0 : i32
      %dma_wait3A_123 = tpu.memref_slice %arg7[%add3A_70, %dma_wait3A_122] : memref<10000x144xf32, #tpu.memory_space<vmem_shared>> -> memref<25x144xf32, #tpu.memory_space<vmem_shared>>
      %dma_wait3A_124 = arith.constant 0 : i32
      %dma_wait3A_125 = arith.constant 0 : i32
      %dma_wait3A_126 = tpu.memref_slice %arg16[%dma_wait3A_124, %dma_wait3A_125] : memref<40x144xf32, #tpu.memory_space<vmem>> -> memref<25x144xf32, #tpu.memory_space<vmem>>
      tpu.wait_dma2 semaphore(%run_scoped3A_107 : memref<!tpu.dma_semaphore, #tpu.memory_space<semaphore_mem>>) src(%dma_wait3A_126 : memref<25x144xf32, #tpu.memory_space<vmem>>) dst(%dma_wait3A_123 : memref<25x144xf32, #tpu.memory_space<vmem_shared>>)
      tpu.yield
    }) : () -> ()
    "tpu.region"() ({
      %run_scoped3A_107 = tpu.sem_alloc : memref<!tpu.dma_semaphore, #tpu.memory_space<semaphore_mem>>
      tpu.enqueue_dma source(%arg5 : memref<128xf32, #tpu.memory_space<hbm>>) target(%arg17 : memref<128xf32, #tpu.memory_space<vmem>>) target_semaphore(%run_scoped3A_107 : memref<!tpu.dma_semaphore, #tpu.memory_space<semaphore_mem>>)
      tpu.wait_dma2 semaphore(%run_scoped3A_107 : memref<!tpu.dma_semaphore, #tpu.memory_space<semaphore_mem>>) src(%arg5 : memref<128xf32, #tpu.memory_space<hbm>>) dst(%arg17 : memref<128xf32, #tpu.memory_space<vmem>>)
      tpu.yield
    }) : () -> ()
    %barrier3A = arith.constant 0 : index
    tpu.barrier barrier_id(%barrier3A)
    %get3A = arith.constant 0 : index
    %get3A_71 = tpu.vector_load %arg17[%get3A] {strides = array<i32>} : memref<128xf32, #tpu.memory_space<vmem>>, vector<16xf32>,
    %get3A_72 = arith.constant 16 : index
    %get3A_73 = tpu.vector_load %arg17[%get3A_72] {strides = array<i32>} : memref<128xf32, #tpu.memory_space<vmem>>, vector<16xf32>,
    %get3A_74 = arith.constant 32 : index
    %get3A_75 = tpu.vector_load %arg17[%get3A_74] {strides = array<i32>} : memref<128xf32, #tpu.memory_space<vmem>>, vector<16xf32>,
    %get3A_76 = arith.constant 48 : index
    %get3A_77 = tpu.vector_load %arg17[%get3A_76] {strides = array<i32>} : memref<128xf32, #tpu.memory_space<vmem>>, vector<16xf32>,
    %get3A_78 = arith.constant 64 : index
    %get3A_79 = tpu.vector_load %arg17[%get3A_78] {strides = array<i32>} : memref<128xf32, #tpu.memory_space<vmem>>, vector<16xf32>,
    %get3A_80 = arith.constant 80 : index
    %get3A_81 = tpu.vector_load %arg17[%get3A_80] {strides = array<i32>} : memref<128xf32, #tpu.memory_space<vmem>>, vector<16xf32>,
    %get3A_82 = arith.constant 96 : index
    %get3A_83 = tpu.vector_load %arg17[%get3A_82] {strides = array<i32>} : memref<128xf32, #tpu.memory_space<vmem>>, vector<16xf32>,
    %get3A_84 = arith.constant 112 : index
    %get3A_85 = tpu.vector_load %arg17[%get3A_84] {strides = array<i32>} : memref<128xf32, #tpu.memory_space<vmem>>, vector<16xf32>,
    %mul3A_86 = arith.constant 10000 : i32
    %mul3A_87 = arith.muli %add3A, %mul3A_86 : i32
    %add3A_88 = arith.constant 0 : i32
    %add3A_89 = arith.addi %mul3A_87, %add3A_88 : i32
    %run_scoped3A = arith.constant 0 : i32
    "tpu.region"() ({
      %run_scoped3A_107 = tpu.sem_alloc : memref<!tpu.dma_semaphore, #tpu.memory_space<semaphore_mem>>
      %dma_start3A_108 = tpu.memref_slice %arg4[%run_scoped3A, %add3A_89] : memref<2x320000xi32, #tpu.memory_space<hbm>> -> memref<1x40xi32, #tpu.memory_space<hbm>>
      %dma_start3A_109 = tpu.memref_squeeze %dma_start3A_108 : memref<1x40xi32, #tpu.memory_space<hbm>> -> memref<40xi32, #tpu.memory_space<hbm>>
      %dma_start3A_110 = tpu.memref_slice %arg4[%run_scoped3A, %add3A_89] : memref<2x320000xi32, #tpu.memory_space<hbm>> -> memref<1x40xi32, #tpu.memory_space<hbm>>
      %dma_start3A_111 = tpu.memref_squeeze %dma_start3A_110 : memref<1x40xi32, #tpu.memory_space<hbm>> -> memref<40xi32, #tpu.memory_space<hbm>>
      tpu.enqueue_dma source(%dma_start3A_111 : memref<40xi32, #tpu.memory_space<hbm>>) target(%arg8 : memref<40xi32, #tpu.memory_space<vmem>>) target_semaphore(%run_scoped3A_107 : memref<!tpu.dma_semaphore, #tpu.memory_space<semaphore_mem>>)
      %dma_wait3A = tpu.memref_slice %arg4[%run_scoped3A, %add3A_89] : memref<2x320000xi32, #tpu.memory_space<hbm>> -> memref<1x40xi32, #tpu.memory_space<hbm>>
      %dma_wait3A_112 = tpu.memref_squeeze %dma_wait3A : memref<1x40xi32, #tpu.memory_space<hbm>> -> memref<40xi32, #tpu.memory_space<hbm>>
      %dma_wait3A_113 = tpu.memref_slice %arg4[%run_scoped3A, %add3A_89] : memref<2x320000xi32, #tpu.memory_space<hbm>> -> memref<1x40xi32, #tpu.memory_space<hbm>>
      %dma_wait3A_114 = tpu.memref_squeeze %dma_wait3A_113 : memref<1x40xi32, #tpu.memory_space<hbm>> -> memref<40xi32, #tpu.memory_space<hbm>>
      tpu.wait_dma2 semaphore(%run_scoped3A_107 : memref<!tpu.dma_semaphore, #tpu.memory_space<semaphore_mem>>) src(%dma_wait3A_114 : memref<40xi32, #tpu.memory_space<hbm>>) dst(%arg8 : memref<40xi32, #tpu.memory_space<vmem>>)
      tpu.yield
    }) : () -> ()
    %run_scoped3A_90 = arith.constant 1 : i32
    "tpu.region"() ({
      %run_scoped3A_107 = tpu.sem_alloc : memref<!tpu.dma_semaphore, #tpu.memory_space<semaphore_mem>>
      %dma_start3A_108 = tpu.memref_slice %arg4[%run_scoped3A_90, %add3A_89] : memref<2x320000xi32, #tpu.memory_space<hbm>> -> memref<1x40xi32, #tpu.memory_space<hbm>>
      %dma_start3A_109 = tpu.memref_squeeze %dma_start3A_108 : memref<1x40xi32, #tpu.memory_space<hbm>> -> memref<40xi32, #tpu.memory_space<hbm>>
      %dma_start3A_110 = tpu.memref_slice %arg4[%run_scoped3A_90, %add3A_89] : memref<2x320000xi32, #tpu.memory_space<hbm>> -> memref<1x40xi32, #tpu.memory_space<hbm>>
      %dma_start3A_111 = tpu.memref_squeeze %dma_start3A_110 : memref<1x40xi32, #tpu.memory_space<hbm>> -> memref<40xi32, #tpu.memory_space<hbm>>
      tpu.enqueue_dma source(%dma_start3A_111 : memref<40xi32, #tpu.memory_space<hbm>>) target(%arg9 : memref<40xi32, #tpu.memory_space<vmem>>) target_semaphore(%run_scoped3A_107 : memref<!tpu.dma_semaphore, #tpu.memory_space<semaphore_mem>>)
      %dma_wait3A = tpu.memref_slice %arg4[%run_scoped3A_90, %add3A_89] : memref<2x320000xi32, #tpu.memory_space<hbm>> -> memref<1x40xi32, #tpu.memory_space<hbm>>
      %dma_wait3A_112 = tpu.memref_squeeze %dma_wait3A : memref<1x40xi32, #tpu.memory_space<hbm>> -> memref<40xi32, #tpu.memory_space<hbm>>
      %dma_wait3A_113 = tpu.memref_slice %arg4[%run_scoped3A_90, %add3A_89] : memref<2x320000xi32, #tpu.memory_space<hbm>> -> memref<1x40xi32, #tpu.memory_space<hbm>>
      %dma_wait3A_114 = tpu.memref_squeeze %dma_wait3A_113 : memref<1x40xi32, #tpu.memory_space<hbm>> -> memref<40xi32, #tpu.memory_space<hbm>>
      tpu.wait_dma2 semaphore(%run_scoped3A_107 : memref<!tpu.dma_semaphore, #tpu.memory_space<semaphore_mem>>) src(%dma_wait3A_114 : memref<40xi32, #tpu.memory_space<hbm>>) dst(%arg9 : memref<40xi32, #tpu.memory_space<vmem>>)
      tpu.yield
    }) : () -> ()
    %dma_start3A = arith.constant 0 : i32
    %dma_start3A_91 = arith.constant 0 : i32
    %dma_start3A_92 = tpu.memref_slice %arg2[%dma_start3A, %dma_start3A_91] : memref<10000x128xf32, #tpu.memory_space<hbm>> -> memref<10000x128xf32, #tpu.memory_space<hbm>>
    tpu.enqueue_indirect_dma source(%dma_start3A_92 : memref<10000x128xf32, #tpu.memory_space<hbm>>) target(%arg12 : memref<40x128xf32, #tpu.memory_space<vmem>>) offsets(%arg8 : memref<40xi32, #tpu.memory_space<vmem>>) semaphore(%arg18 : memref<!tpu.dma_semaphore, #tpu.memory_space<semaphore_mem>>)
    %dma_start3A_93 = arith.constant 0 : i32
    %dma_start3A_94 = arith.constant 0 : i32
    %dma_start3A_95 = tpu.memref_slice %arg3[%dma_start3A_93, %dma_start3A_94] : memref<10000x128xf32, #tpu.memory_space<hbm>> -> memref<10000x128xf32, #tpu.memory_space<hbm>>
    tpu.enqueue_indirect_dma source(%dma_start3A_95 : memref<10000x128xf32, #tpu.memory_space<hbm>>) target(%arg13 : memref<40x128xf32, #tpu.memory_space<vmem>>) offsets(%arg9 : memref<40xi32, #tpu.memory_space<vmem>>) semaphore(%arg19 : memref<!tpu.dma_semaphore, #tpu.memory_space<semaphore_mem>>)
    %scan3A_96 = arith.constant 0 : i32
    %scan3A_97 = arith.constant 0 : i32
    %scan3A_98 = arith.constant 125 : i32
    %scan3A_99 = arith.addi %scan3A_97, %scan3A_98 : i32
    %scan3A_100 = arith.constant 1 : i32
    scf.for %scan3A_107 = %scan3A_97 to %scan3A_99 step %scan3A_100  : i32 {
      %mul3A_108 = arith.constant 2 : i32
      %mul3A_109 = arith.muli %mul3A_108, %scan3A_107 : i32
      %add3A_110 = arith.constant 1 : i32
      %add3A_111 = arith.addi %mul3A_109, %add3A_110 : i32
      %lt3A = arith.constant 250 : i32
      %lt3A_112 = arith.cmpi slt, %add3A_111, %lt3A : i32
      %convert_element_type3A = arith.extui %lt3A_112 : i1 to i32
      %cond3A = arith.constant 0 : i32
      %cond3A_113 = arith.cmpi ne, %convert_element_type3A, %cond3A : i32
      scf.if %cond3A_113 {
        %add3A_141 = arith.constant 1 : i32
        %add3A_142 = arith.addi %mul3A_109, %add3A_141 : i32
        %mul3A_143 = arith.constant 10000 : i32
        %mul3A_144 = arith.muli %add3A, %mul3A_143 : i32
        %mul3A_145 = arith.constant 40 : i32
        %mul3A_146 = arith.muli %add3A_142, %mul3A_145 : i32
        %add3A_147 = arith.addi %mul3A_144, %mul3A_146 : i32
        %run_scoped3A_148 = arith.constant 0 : i32
        "tpu.region"() ({
          %run_scoped3A_156 = tpu.sem_alloc : memref<!tpu.dma_semaphore, #tpu.memory_space<semaphore_mem>>
          %dma_start3A_157 = tpu.memref_slice %arg4[%run_scoped3A_148, %add3A_147] : memref<2x320000xi32, #tpu.memory_space<hbm>> -> memref<1x40xi32, #tpu.memory_space<hbm>>
          %dma_start3A_158 = tpu.memref_squeeze %dma_start3A_157 : memref<1x40xi32, #tpu.memory_space<hbm>> -> memref<40xi32, #tpu.memory_space<hbm>>
          %dma_start3A_159 = tpu.memref_slice %arg4[%run_scoped3A_148, %add3A_147] : memref<2x320000xi32, #tpu.memory_space<hbm>> -> memref<1x40xi32, #tpu.memory_space<hbm>>
          %dma_start3A_160 = tpu.memref_squeeze %dma_start3A_159 : memref<1x40xi32, #tpu.memory_space<hbm>> -> memref<40xi32, #tpu.memory_space<hbm>>
          tpu.enqueue_dma source(%dma_start3A_160 : memref<40xi32, #tpu.memory_space<hbm>>) target(%arg10 : memref<40xi32, #tpu.memory_space<vmem>>) target_semaphore(%run_scoped3A_156 : memref<!tpu.dma_semaphore, #tpu.memory_space<semaphore_mem>>)
          %dma_wait3A_161 = tpu.memref_slice %arg4[%run_scoped3A_148, %add3A_147] : memref<2x320000xi32, #tpu.memory_space<hbm>> -> memref<1x40xi32, #tpu.memory_space<hbm>>
          %dma_wait3A_162 = tpu.memref_squeeze %dma_wait3A_161 : memref<1x40xi32, #tpu.memory_space<hbm>> -> memref<40xi32, #tpu.memory_space<hbm>>
          %dma_wait3A_163 = tpu.memref_slice %arg4[%run_scoped3A_148, %add3A_147] : memref<2x320000xi32, #tpu.memory_space<hbm>> -> memref<1x40xi32, #tpu.memory_space<hbm>>
          %dma_wait3A_164 = tpu.memref_squeeze %dma_wait3A_163 : memref<1x40xi32, #tpu.memory_space<hbm>> -> memref<40xi32, #tpu.memory_space<hbm>>
          tpu.wait_dma2 semaphore(%run_scoped3A_156 : memref<!tpu.dma_semaphore, #tpu.memory_space<semaphore_mem>>) src(%dma_wait3A_164 : memref<40xi32, #tpu.memory_space<hbm>>) dst(%arg10 : memref<40xi32, #tpu.memory_space<vmem>>)
          tpu.yield
        }) : () -> ()
        %run_scoped3A_149 = arith.constant 1 : i32
        "tpu.region"() ({
          %run_scoped3A_156 = tpu.sem_alloc : memref<!tpu.dma_semaphore, #tpu.memory_space<semaphore_mem>>
          %dma_start3A_157 = tpu.memref_slice %arg4[%run_scoped3A_149, %add3A_147] : memref<2x320000xi32, #tpu.memory_space<hbm>> -> memref<1x40xi32, #tpu.memory_space<hbm>>
          %dma_start3A_158 = tpu.memref_squeeze %dma_start3A_157 : memref<1x40xi32, #tpu.memory_space<hbm>> -> memref<40xi32, #tpu.memory_space<hbm>>
          %dma_start3A_159 = tpu.memref_slice %arg4[%run_scoped3A_149, %add3A_147] : memref<2x320000xi32, #tpu.memory_space<hbm>> -> memref<1x40xi32, #tpu.memory_space<hbm>>
          %dma_start3A_160 = tpu.memref_squeeze %dma_start3A_159 : memref<1x40xi32, #tpu.memory_space<hbm>> -> memref<40xi32, #tpu.memory_space<hbm>>
          tpu.enqueue_dma source(%dma_start3A_160 : memref<40xi32, #tpu.memory_space<hbm>>) target(%arg11 : memref<40xi32, #tpu.memory_space<vmem>>) target_semaphore(%run_scoped3A_156 : memref<!tpu.dma_semaphore, #tpu.memory_space<semaphore_mem>>)
          %dma_wait3A_161 = tpu.memref_slice %arg4[%run_scoped3A_149, %add3A_147] : memref<2x320000xi32, #tpu.memory_space<hbm>> -> memref<1x40xi32, #tpu.memory_space<hbm>>
          %dma_wait3A_162 = tpu.memref_squeeze %dma_wait3A_161 : memref<1x40xi32, #tpu.memory_space<hbm>> -> memref<40xi32, #tpu.memory_space<hbm>>
          %dma_wait3A_163 = tpu.memref_slice %arg4[%run_scoped3A_149, %add3A_147] : memref<2x320000xi32, #tpu.memory_space<hbm>> -> memref<1x40xi32, #tpu.memory_space<hbm>>
          %dma_wait3A_164 = tpu.memref_squeeze %dma_wait3A_163 : memref<1x40xi32, #tpu.memory_space<hbm>> -> memref<40xi32, #tpu.memory_space<hbm>>
          tpu.wait_dma2 semaphore(%run_scoped3A_156 : memref<!tpu.dma_semaphore, #tpu.memory_space<semaphore_mem>>) src(%dma_wait3A_164 : memref<40xi32, #tpu.memory_space<hbm>>) dst(%arg11 : memref<40xi32, #tpu.memory_space<vmem>>)
          tpu.yield
        }) : () -> ()
        %dma_start3A_150 = arith.constant 0 : i32
        %dma_start3A_151 = arith.constant 0 : i32
        %dma_start3A_152 = tpu.memref_slice %arg2[%dma_start3A_150, %dma_start3A_151] : memref<10000x128xf32, #tpu.memory_space<hbm>> -> memref<10000x128xf32, #tpu.memory_space<hbm>>
        tpu.enqueue_indirect_dma source(%dma_start3A_152 : memref<10000x128xf32, #tpu.memory_space<hbm>>) target(%arg14 : memref<40x128xf32, #tpu.memory_space<vmem>>) offsets(%arg10 : memref<40xi32, #tpu.memory_space<vmem>>) semaphore(%arg20 : memref<!tpu.dma_semaphore, #tpu.memory_space<semaphore_mem>>)
        %dma_start3A_153 = arith.constant 0 : i32
        %dma_start3A_154 = arith.constant 0 : i32
        %dma_start3A_155 = tpu.memref_slice %arg3[%dma_start3A_153, %dma_start3A_154] : memref<10000x128xf32, #tpu.memory_space<hbm>> -> memref<10000x128xf32, #tpu.memory_space<hbm>>
        tpu.enqueue_indirect_dma source(%dma_start3A_155 : memref<10000x128xf32, #tpu.memory_space<hbm>>) target(%arg15 : memref<40x128xf32, #tpu.memory_space<vmem>>) offsets(%arg11 : memref<40xi32, #tpu.memory_space<vmem>>) semaphore(%arg21 : memref<!tpu.dma_semaphore, #tpu.memory_space<semaphore_mem>>)
      } else {
      }
      %dma_wait3A = arith.constant 0 : i32
      %dma_wait3A_114 = arith.constant 0 : i32
      %dma_wait3A_115 = tpu.memref_slice %arg2[%dma_wait3A, %dma_wait3A_114] : memref<10000x128xf32, #tpu.memory_space<hbm>> -> memref<10000x128xf32, #tpu.memory_space<hbm>>
      tpu.wait_indirect_dma semaphore(%arg18 : memref<!tpu.dma_semaphore, #tpu.memory_space<semaphore_mem>>) src(%dma_wait3A_115 : memref<10000x128xf32, #tpu.memory_space<hbm>>) dst(%arg12 : memref<40x128xf32, #tpu.memory_space<vmem>>)
      %dma_wait3A_116 = arith.constant 0 : i32
      %dma_wait3A_117 = arith.constant 0 : i32
      %dma_wait3A_118 = tpu.memref_slice %arg3[%dma_wait3A_116, %dma_wait3A_117] : memref<10000x128xf32, #tpu.memory_space<hbm>> -> memref<10000x128xf32, #tpu.memory_space<hbm>>
      tpu.wait_indirect_dma semaphore(%arg19 : memref<!tpu.dma_semaphore, #tpu.memory_space<semaphore_mem>>) src(%dma_wait3A_118 : memref<10000x128xf32, #tpu.memory_space<hbm>>) dst(%arg13 : memref<40x128xf32, #tpu.memory_space<vmem>>)
      %parallel_loop3A = arith.constant 0 : i32
      %parallel_loop3A_119 = arith.constant 40 : i32
      %parallel_loop3A_120 = arith.constant 1 : i32
      scf.for %parallel_loop3A_141 = %parallel_loop3A to %parallel_loop3A_119 step %parallel_loop3A_120  : i32 {
        %parallel_loop3A_142 = arith.index_cast %parallel_loop3A_141 : i32 to index
        %parallel_loop3A_143 = arith.constant 0 : index
        %parallel_loop3A_144 = tpu.vector_load %arg12[%parallel_loop3A_142, %parallel_loop3A_143] {strides = array<i32>} : memref<40x128xf32, #tpu.memory_space<vmem>>, vector<16xf32>,
        %parallel_loop3A_145 = arith.index_cast %parallel_loop3A_141 : i32 to index
        %parallel_loop3A_146 = arith.constant 16 : index
        %parallel_loop3A_147 = tpu.vector_load %arg12[%parallel_loop3A_145, %parallel_loop3A_146] {strides = array<i32>} : memref<40x128xf32, #tpu.memory_space<vmem>>, vector<16xf32>,
        %parallel_loop3A_148 = arith.index_cast %parallel_loop3A_141 : i32 to index
        %parallel_loop3A_149 = arith.constant 32 : index
        %parallel_loop3A_150 = tpu.vector_load %arg12[%parallel_loop3A_148, %parallel_loop3A_149] {strides = array<i32>} : memref<40x128xf32, #tpu.memory_space<vmem>>, vector<16xf32>,
        %parallel_loop3A_151 = arith.index_cast %parallel_loop3A_141 : i32 to index
        %parallel_loop3A_152 = arith.constant 48 : index
        %parallel_loop3A_153 = tpu.vector_load %arg12[%parallel_loop3A_151, %parallel_loop3A_152] {strides = array<i32>} : memref<40x128xf32, #tpu.memory_space<vmem>>, vector<16xf32>,
        %parallel_loop3A_154 = arith.index_cast %parallel_loop3A_141 : i32 to index
        %parallel_loop3A_155 = arith.constant 64 : index
        %parallel_loop3A_156 = tpu.vector_load %arg12[%parallel_loop3A_154, %parallel_loop3A_155] {strides = array<i32>} : memref<40x128xf32, #tpu.memory_space<vmem>>, vector<16xf32>,
        %parallel_loop3A_157 = arith.index_cast %parallel_loop3A_141 : i32 to index
        %parallel_loop3A_158 = arith.constant 80 : index
        %parallel_loop3A_159 = tpu.vector_load %arg12[%parallel_loop3A_157, %parallel_loop3A_158] {strides = array<i32>} : memref<40x128xf32, #tpu.memory_space<vmem>>, vector<16xf32>,
        %parallel_loop3A_160 = arith.index_cast %parallel_loop3A_141 : i32 to index
        %parallel_loop3A_161 = arith.constant 96 : index
        %parallel_loop3A_162 = tpu.vector_load %arg12[%parallel_loop3A_160, %parallel_loop3A_161] {strides = array<i32>} : memref<40x128xf32, #tpu.memory_space<vmem>>, vector<16xf32>,
        %parallel_loop3A_163 = arith.index_cast %parallel_loop3A_141 : i32 to index
        %parallel_loop3A_164 = arith.constant 112 : index
        %parallel_loop3A_165 = tpu.vector_load %arg12[%parallel_loop3A_163, %parallel_loop3A_164] {strides = array<i32>} : memref<40x128xf32, #tpu.memory_space<vmem>>, vector<16xf32>,
        %parallel_loop3A_166 = arith.index_cast %parallel_loop3A_141 : i32 to index
        %parallel_loop3A_167 = arith.constant 0 : index
        %parallel_loop3A_168 = tpu.vector_load %arg13[%parallel_loop3A_166, %parallel_loop3A_167] {strides = array<i32>} : memref<40x128xf32, #tpu.memory_space<vmem>>, vector<16xf32>,
        %parallel_loop3A_169 = arith.addf %parallel_loop3A_144, %parallel_loop3A_168 : vector<16xf32>
        %parallel_loop3A_170 = arith.constant 2.000000e-01 : f32
        %parallel_loop3A_171 = vector.broadcast %parallel_loop3A_170 : f32 to vector<16xf32>
        %parallel_loop3A_172 = arith.mulf %parallel_loop3A_171, %parallel_loop3A_169 : vector<16xf32>
        %parallel_loop3A_173 = arith.maximumf %parallel_loop3A_169, %parallel_loop3A_172 : vector<16xf32>
        %parallel_loop3A_174 = arith.mulf %parallel_loop3A_173, %get3A_71 : vector<16xf32>
        %parallel_loop3A_175 = arith.index_cast %parallel_loop3A_141 : i32 to index
        %parallel_loop3A_176 = arith.constant 16 : index
        %parallel_loop3A_177 = tpu.vector_load %arg13[%parallel_loop3A_175, %parallel_loop3A_176] {strides = array<i32>} : memref<40x128xf32, #tpu.memory_space<vmem>>, vector<16xf32>,
        %parallel_loop3A_178 = arith.addf %parallel_loop3A_147, %parallel_loop3A_177 : vector<16xf32>
        %parallel_loop3A_179 = arith.constant 2.000000e-01 : f32
        %parallel_loop3A_180 = vector.broadcast %parallel_loop3A_179 : f32 to vector<16xf32>
        %parallel_loop3A_181 = arith.mulf %parallel_loop3A_180, %parallel_loop3A_178 : vector<16xf32>
        %parallel_loop3A_182 = arith.maximumf %parallel_loop3A_178, %parallel_loop3A_181 : vector<16xf32>
        %parallel_loop3A_183 = arith.mulf %parallel_loop3A_182, %get3A_73 : vector<16xf32>
        %parallel_loop3A_184 = arith.index_cast %parallel_loop3A_141 : i32 to index
        %parallel_loop3A_185 = arith.constant 32 : index
        %parallel_loop3A_186 = tpu.vector_load %arg13[%parallel_loop3A_184, %parallel_loop3A_185] {strides = array<i32>} : memref<40x128xf32, #tpu.memory_space<vmem>>, vector<16xf32>,
        %parallel_loop3A_187 = arith.addf %parallel_loop3A_150, %parallel_loop3A_186 : vector<16xf32>
        %parallel_loop3A_188 = arith.constant 2.000000e-01 : f32
        %parallel_loop3A_189 = vector.broadcast %parallel_loop3A_188 : f32 to vector<16xf32>
        %parallel_loop3A_190 = arith.mulf %parallel_loop3A_189, %parallel_loop3A_187 : vector<16xf32>
        %parallel_loop3A_191 = arith.maximumf %parallel_loop3A_187, %parallel_loop3A_190 : vector<16xf32>
        %parallel_loop3A_192 = arith.mulf %parallel_loop3A_191, %get3A_75 : vector<16xf32>
        %parallel_loop3A_193 = arith.index_cast %parallel_loop3A_141 : i32 to index
        %parallel_loop3A_194 = arith.constant 48 : index
        %parallel_loop3A_195 = tpu.vector_load %arg13[%parallel_loop3A_193, %parallel_loop3A_194] {strides = array<i32>} : memref<40x128xf32, #tpu.memory_space<vmem>>, vector<16xf32>,
        %parallel_loop3A_196 = arith.addf %parallel_loop3A_153, %parallel_loop3A_195 : vector<16xf32>
        %parallel_loop3A_197 = arith.constant 2.000000e-01 : f32
        %parallel_loop3A_198 = vector.broadcast %parallel_loop3A_197 : f32 to vector<16xf32>
        %parallel_loop3A_199 = arith.mulf %parallel_loop3A_198, %parallel_loop3A_196 : vector<16xf32>
        %parallel_loop3A_200 = arith.maximumf %parallel_loop3A_196, %parallel_loop3A_199 : vector<16xf32>
        %parallel_loop3A_201 = arith.mulf %parallel_loop3A_200, %get3A_77 : vector<16xf32>
        %parallel_loop3A_202 = arith.index_cast %parallel_loop3A_141 : i32 to index
        %parallel_loop3A_203 = arith.constant 64 : index
        %parallel_loop3A_204 = tpu.vector_load %arg13[%parallel_loop3A_202, %parallel_loop3A_203] {strides = array<i32>} : memref<40x128xf32, #tpu.memory_space<vmem>>, vector<16xf32>,
        %parallel_loop3A_205 = arith.addf %parallel_loop3A_156, %parallel_loop3A_204 : vector<16xf32>
        %parallel_loop3A_206 = arith.constant 2.000000e-01 : f32
        %parallel_loop3A_207 = vector.broadcast %parallel_loop3A_206 : f32 to vector<16xf32>
        %parallel_loop3A_208 = arith.mulf %parallel_loop3A_207, %parallel_loop3A_205 : vector<16xf32>
        %parallel_loop3A_209 = arith.maximumf %parallel_loop3A_205, %parallel_loop3A_208 : vector<16xf32>
        %parallel_loop3A_210 = arith.mulf %parallel_loop3A_209, %get3A_79 : vector<16xf32>
        %parallel_loop3A_211 = arith.index_cast %parallel_loop3A_141 : i32 to index
        %parallel_loop3A_212 = arith.constant 80 : index
        %parallel_loop3A_213 = tpu.vector_load %arg13[%parallel_loop3A_211, %parallel_loop3A_212] {strides = array<i32>} : memref<40x128xf32, #tpu.memory_space<vmem>>, vector<16xf32>,
        %parallel_loop3A_214 = arith.addf %parallel_loop3A_159, %parallel_loop3A_213 : vector<16xf32>
        %parallel_loop3A_215 = arith.constant 2.000000e-01 : f32
        %parallel_loop3A_216 = vector.broadcast %parallel_loop3A_215 : f32 to vector<16xf32>
        %parallel_loop3A_217 = arith.mulf %parallel_loop3A_216, %parallel_loop3A_214 : vector<16xf32>
        %parallel_loop3A_218 = arith.maximumf %parallel_loop3A_214, %parallel_loop3A_217 : vector<16xf32>
        %parallel_loop3A_219 = arith.mulf %parallel_loop3A_218, %get3A_81 : vector<16xf32>
        %parallel_loop3A_220 = arith.index_cast %parallel_loop3A_141 : i32 to index
        %parallel_loop3A_221 = arith.constant 96 : index
        %parallel_loop3A_222 = tpu.vector_load %arg13[%parallel_loop3A_220, %parallel_loop3A_221] {strides = array<i32>} : memref<40x128xf32, #tpu.memory_space<vmem>>, vector<16xf32>,
        %parallel_loop3A_223 = arith.addf %parallel_loop3A_162, %parallel_loop3A_222 : vector<16xf32>
        %parallel_loop3A_224 = arith.constant 2.000000e-01 : f32
        %parallel_loop3A_225 = vector.broadcast %parallel_loop3A_224 : f32 to vector<16xf32>
        %parallel_loop3A_226 = arith.mulf %parallel_loop3A_225, %parallel_loop3A_223 : vector<16xf32>
        %parallel_loop3A_227 = arith.maximumf %parallel_loop3A_223, %parallel_loop3A_226 : vector<16xf32>
        %parallel_loop3A_228 = arith.mulf %parallel_loop3A_227, %get3A_83 : vector<16xf32>
        %parallel_loop3A_229 = arith.index_cast %parallel_loop3A_141 : i32 to index
        %parallel_loop3A_230 = arith.constant 112 : index
        %parallel_loop3A_231 = tpu.vector_load %arg13[%parallel_loop3A_229, %parallel_loop3A_230] {strides = array<i32>} : memref<40x128xf32, #tpu.memory_space<vmem>>, vector<16xf32>,
        %parallel_loop3A_232 = arith.addf %parallel_loop3A_165, %parallel_loop3A_231 : vector<16xf32>
        %parallel_loop3A_233 = arith.constant 2.000000e-01 : f32
        %parallel_loop3A_234 = vector.broadcast %parallel_loop3A_233 : f32 to vector<16xf32>
        %parallel_loop3A_235 = arith.mulf %parallel_loop3A_234, %parallel_loop3A_232 : vector<16xf32>
        %parallel_loop3A_236 = arith.maximumf %parallel_loop3A_232, %parallel_loop3A_235 : vector<16xf32>
        %parallel_loop3A_237 = arith.mulf %parallel_loop3A_236, %get3A_85 : vector<16xf32>
        %parallel_loop3A_238 = arith.addf %parallel_loop3A_174, %parallel_loop3A_183 : vector<16xf32>
        %parallel_loop3A_239 = arith.constant true
        %parallel_loop3A_240 = vector.broadcast %parallel_loop3A_239 : i1 to vector<16xi1>
        %parallel_loop3A_241 = tpu.scan <sum>, %parallel_loop3A_238 masked %parallel_loop3A_240 : vector<16xf32>, vector<16xi1> -> vector<16xf32>
        %parallel_loop3A_242 = vector.extract %parallel_loop3A_241[15] : f32 from vector<16xf32>
        %parallel_loop3A_243 = vector.broadcast %parallel_loop3A_242 : f32 to vector<16xf32>
        %parallel_loop3A_244 = math.exp %parallel_loop3A_243 : vector<16xf32>
        %parallel_loop3A_245 = arith.addf %parallel_loop3A_192, %parallel_loop3A_201 : vector<16xf32>
        %parallel_loop3A_246 = arith.constant true
        %parallel_loop3A_247 = vector.broadcast %parallel_loop3A_246 : i1 to vector<16xi1>
        %parallel_loop3A_248 = tpu.scan <sum>, %parallel_loop3A_245 masked %parallel_loop3A_247 : vector<16xf32>, vector<16xi1> -> vector<16xf32>
        %parallel_loop3A_249 = vector.extract %parallel_loop3A_248[15] : f32 from vector<16xf32>
        %parallel_loop3A_250 = vector.broadcast %parallel_loop3A_249 : f32 to vector<16xf32>
        %parallel_loop3A_251 = math.exp %parallel_loop3A_250 : vector<16xf32>
        %parallel_loop3A_252 = arith.addf %parallel_loop3A_210, %parallel_loop3A_219 : vector<16xf32>
        %parallel_loop3A_253 = arith.constant true
        %parallel_loop3A_254 = vector.broadcast %parallel_loop3A_253 : i1 to vector<16xi1>
        %parallel_loop3A_255 = tpu.scan <sum>, %parallel_loop3A_252 masked %parallel_loop3A_254 : vector<16xf32>, vector<16xi1> -> vector<16xf32>
        %parallel_loop3A_256 = vector.extract %parallel_loop3A_255[15] : f32 from vector<16xf32>
        %parallel_loop3A_257 = vector.broadcast %parallel_loop3A_256 : f32 to vector<16xf32>
        %parallel_loop3A_258 = math.exp %parallel_loop3A_257 : vector<16xf32>
        %parallel_loop3A_259 = arith.addf %parallel_loop3A_228, %parallel_loop3A_237 : vector<16xf32>
        %parallel_loop3A_260 = arith.constant true
        %parallel_loop3A_261 = vector.broadcast %parallel_loop3A_260 : i1 to vector<16xi1>
        %parallel_loop3A_262 = tpu.scan <sum>, %parallel_loop3A_259 masked %parallel_loop3A_261 : vector<16xf32>, vector<16xi1> -> vector<16xf32>
        %parallel_loop3A_263 = vector.extract %parallel_loop3A_262[15] : f32 from vector<16xf32>
        %parallel_loop3A_264 = vector.broadcast %parallel_loop3A_263 : f32 to vector<16xf32>
        %parallel_loop3A_265 = math.exp %parallel_loop3A_264 : vector<16xf32>
        %parallel_loop3A_266 = arith.mulf %parallel_loop3A_144, %parallel_loop3A_244 : vector<16xf32>
        %parallel_loop3A_267 = arith.index_cast %parallel_loop3A_141 : i32 to index
        %parallel_loop3A_268 = arith.constant 0 : index
        %parallel_loop3A_269 = tpu.vector_load %arg16[%parallel_loop3A_267, %parallel_loop3A_268] {strides = array<i32>} : memref<40x144xf32, #tpu.memory_space<vmem>>, vector<16xf32>,
        tpu.vector_store %arg16[%parallel_loop3A_267, %parallel_loop3A_268], %parallel_loop3A_266 {strides = array<i32>} : memref<40x144xf32, #tpu.memory_space<vmem>>, vector<16xf32>,
        %parallel_loop3A_270 = arith.mulf %parallel_loop3A_147, %parallel_loop3A_244 : vector<16xf32>
        %parallel_loop3A_271 = arith.index_cast %parallel_loop3A_141 : i32 to index
        %parallel_loop3A_272 = arith.constant 16 : index
        %parallel_loop3A_273 = tpu.vector_load %arg16[%parallel_loop3A_271, %parallel_loop3A_272] {strides = array<i32>} : memref<40x144xf32, #tpu.memory_space<vmem>>, vector<16xf32>,
        tpu.vector_store %arg16[%parallel_loop3A_271, %parallel_loop3A_272], %parallel_loop3A_270 {strides = array<i32>} : memref<40x144xf32, #tpu.memory_space<vmem>>, vector<16xf32>,
        %parallel_loop3A_274 = arith.mulf %parallel_loop3A_150, %parallel_loop3A_251 : vector<16xf32>
        %parallel_loop3A_275 = arith.index_cast %parallel_loop3A_141 : i32 to index
        %parallel_loop3A_276 = arith.constant 32 : index
        %parallel_loop3A_277 = tpu.vector_load %arg16[%parallel_loop3A_275, %parallel_loop3A_276] {strides = array<i32>} : memref<40x144xf32, #tpu.memory_space<vmem>>, vector<16xf32>,
        tpu.vector_store %arg16[%parallel_loop3A_275, %parallel_loop3A_276], %parallel_loop3A_274 {strides = array<i32>} : memref<40x144xf32, #tpu.memory_space<vmem>>, vector<16xf32>,
        %parallel_loop3A_278 = arith.mulf %parallel_loop3A_153, %parallel_loop3A_251 : vector<16xf32>
        %parallel_loop3A_279 = arith.index_cast %parallel_loop3A_141 : i32 to index
        %parallel_loop3A_280 = arith.constant 48 : index
        %parallel_loop3A_281 = tpu.vector_load %arg16[%parallel_loop3A_279, %parallel_loop3A_280] {strides = array<i32>} : memref<40x144xf32, #tpu.memory_space<vmem>>, vector<16xf32>,
        tpu.vector_store %arg16[%parallel_loop3A_279, %parallel_loop3A_280], %parallel_loop3A_278 {strides = array<i32>} : memref<40x144xf32, #tpu.memory_space<vmem>>, vector<16xf32>,
        %parallel_loop3A_282 = arith.mulf %parallel_loop3A_156, %parallel_loop3A_258 : vector<16xf32>
        %parallel_loop3A_283 = arith.index_cast %parallel_loop3A_141 : i32 to index
        %parallel_loop3A_284 = arith.constant 64 : index
        %parallel_loop3A_285 = tpu.vector_load %arg16[%parallel_loop3A_283, %parallel_loop3A_284] {strides = array<i32>} : memref<40x144xf32, #tpu.memory_space<vmem>>, vector<16xf32>,
        tpu.vector_store %arg16[%parallel_loop3A_283, %parallel_loop3A_284], %parallel_loop3A_282 {strides = array<i32>} : memref<40x144xf32, #tpu.memory_space<vmem>>, vector<16xf32>,
        %parallel_loop3A_286 = arith.mulf %parallel_loop3A_159, %parallel_loop3A_258 : vector<16xf32>
        %parallel_loop3A_287 = arith.index_cast %parallel_loop3A_141 : i32 to index
        %parallel_loop3A_288 = arith.constant 80 : index
        %parallel_loop3A_289 = tpu.vector_load %arg16[%parallel_loop3A_287, %parallel_loop3A_288] {strides = array<i32>} : memref<40x144xf32, #tpu.memory_space<vmem>>, vector<16xf32>,
        tpu.vector_store %arg16[%parallel_loop3A_287, %parallel_loop3A_288], %parallel_loop3A_286 {strides = array<i32>} : memref<40x144xf32, #tpu.memory_space<vmem>>, vector<16xf32>,
        %parallel_loop3A_290 = arith.mulf %parallel_loop3A_162, %parallel_loop3A_265 : vector<16xf32>
        %parallel_loop3A_291 = arith.index_cast %parallel_loop3A_141 : i32 to index
        %parallel_loop3A_292 = arith.constant 96 : index
        %parallel_loop3A_293 = tpu.vector_load %arg16[%parallel_loop3A_291, %parallel_loop3A_292] {strides = array<i32>} : memref<40x144xf32, #tpu.memory_space<vmem>>, vector<16xf32>,
        tpu.vector_store %arg16[%parallel_loop3A_291, %parallel_loop3A_292], %parallel_loop3A_290 {strides = array<i32>} : memref<40x144xf32, #tpu.memory_space<vmem>>, vector<16xf32>,
        %parallel_loop3A_294 = arith.mulf %parallel_loop3A_165, %parallel_loop3A_265 : vector<16xf32>
        %parallel_loop3A_295 = arith.index_cast %parallel_loop3A_141 : i32 to index
        %parallel_loop3A_296 = arith.constant 112 : index
        %parallel_loop3A_297 = tpu.vector_load %arg16[%parallel_loop3A_295, %parallel_loop3A_296] {strides = array<i32>} : memref<40x144xf32, #tpu.memory_space<vmem>>, vector<16xf32>,
        tpu.vector_store %arg16[%parallel_loop3A_295, %parallel_loop3A_296], %parallel_loop3A_294 {strides = array<i32>} : memref<40x144xf32, #tpu.memory_space<vmem>>, vector<16xf32>,
        %parallel_loop3A_298 = arith.constant 0 : i32
        %parallel_loop3A_299 = vector.broadcast %parallel_loop3A_298 : i32 to vector<16xi32>
        %parallel_loop3A_300 = arith.cmpi eq, %iota3A, %parallel_loop3A_299 : vector<16xi32>
        %parallel_loop3A_301 = arith.select %parallel_loop3A_300, %parallel_loop3A_244, %broadcast_in_dim3A_1 : vector<16xi1>, vector<16xf32>
        %parallel_loop3A_302 = arith.constant 1 : i32
        %parallel_loop3A_303 = vector.broadcast %parallel_loop3A_302 : i32 to vector<16xi32>
        %parallel_loop3A_304 = arith.cmpi eq, %iota3A, %parallel_loop3A_303 : vector<16xi32>
        %parallel_loop3A_305 = arith.select %parallel_loop3A_304, %parallel_loop3A_251, %parallel_loop3A_301 : vector<16xi1>, vector<16xf32>
        %parallel_loop3A_306 = arith.constant 2 : i32
        %parallel_loop3A_307 = vector.broadcast %parallel_loop3A_306 : i32 to vector<16xi32>
        %parallel_loop3A_308 = arith.cmpi eq, %iota3A, %parallel_loop3A_307 : vector<16xi32>
        %parallel_loop3A_309 = arith.select %parallel_loop3A_308, %parallel_loop3A_258, %parallel_loop3A_305 : vector<16xi1>, vector<16xf32>
        %parallel_loop3A_310 = arith.constant 3 : i32
        %parallel_loop3A_311 = vector.broadcast %parallel_loop3A_310 : i32 to vector<16xi32>
        %parallel_loop3A_312 = arith.cmpi eq, %iota3A, %parallel_loop3A_311 : vector<16xi32>
        %parallel_loop3A_313 = arith.select %parallel_loop3A_312, %parallel_loop3A_265, %parallel_loop3A_309 : vector<16xi1>, vector<16xf32>
        %parallel_loop3A_314 = arith.index_cast %parallel_loop3A_141 : i32 to index
        %parallel_loop3A_315 = arith.constant 128 : index
        %parallel_loop3A_316 = tpu.vector_load %arg16[%parallel_loop3A_314, %parallel_loop3A_315] {strides = array<i32>} : memref<40x144xf32, #tpu.memory_space<vmem>>, vector<16xf32>,
        tpu.vector_store %arg16[%parallel_loop3A_314, %parallel_loop3A_315], %parallel_loop3A_313 {strides = array<i32>} : memref<40x144xf32, #tpu.memory_space<vmem>>, vector<16xf32>,
      } {sc.loop_unroll_factor = 4 : i64, sc.parallel_access}
      "tpu.region"() ({
        %run_scoped3A_141 = tpu.sem_alloc : memref<!tpu.dma_semaphore, #tpu.memory_space<semaphore_mem>>
        %dma_start3A_142 = arith.constant 0 : i32
        %dma_start3A_143 = arith.constant 0 : i32
        %dma_start3A_144 = tpu.memref_slice %arg7[%dma_start3A_142, %dma_start3A_143] : memref<10000x144xf32, #tpu.memory_space<vmem_shared>> -> memref<10000x144xf32, #tpu.memory_space<vmem_shared>>
        tpu.enqueue_indirect_dma source(%arg16 : memref<40x144xf32, #tpu.memory_space<vmem>>) target(%dma_start3A_144 : memref<10000x144xf32, #tpu.memory_space<vmem_shared>>) offsets(%arg9 : memref<40xi32, #tpu.memory_space<vmem>>) semaphore(%run_scoped3A_141 : memref<!tpu.dma_semaphore, #tpu.memory_space<semaphore_mem>>) {add = true}
        %dma_wait3A_145 = arith.constant 0 : i32
        %dma_wait3A_146 = arith.constant 0 : i32
        %dma_wait3A_147 = tpu.memref_slice %arg7[%dma_wait3A_145, %dma_wait3A_146] : memref<10000x144xf32, #tpu.memory_space<vmem_shared>> -> memref<10000x144xf32, #tpu.memory_space<vmem_shared>>
        tpu.wait_indirect_dma semaphore(%run_scoped3A_141 : memref<!tpu.dma_semaphore, #tpu.memory_space<semaphore_mem>>) src(%arg16 : memref<40x144xf32, #tpu.memory_space<vmem>>) dst(%dma_wait3A_147 : memref<10000x144xf32, #tpu.memory_space<vmem_shared>>)
        tpu.yield
      }) : () -> ()
      %mul3A_121 = arith.constant 2 : i32
      %mul3A_122 = arith.muli %mul3A_121, %scan3A_107 : i32
      %add3A_123 = arith.constant 1 : i32
      %add3A_124 = arith.addi %mul3A_122, %add3A_123 : i32
      %add3A_125 = arith.constant 1 : i32
      %add3A_126 = arith.addi %add3A_124, %add3A_125 : i32
      %lt3A_127 = arith.constant 250 : i32
      %lt3A_128 = arith.cmpi slt, %add3A_126, %lt3A_127 : i32
      %convert_element_type3A_129 = arith.extui %lt3A_128 : i1 to i32
      %cond3A_130 = arith.constant 0 : i32
      %cond3A_131 = arith.cmpi ne, %convert_element_type3A_129, %cond3A_130 : i32
      scf.if %cond3A_131 {
        %add3A_141 = arith.constant 1 : i32
        %add3A_142 = arith.addi %add3A_124, %add3A_141 : i32
        %mul3A_143 = arith.constant 10000 : i32
        %mul3A_144 = arith.muli %add3A, %mul3A_143 : i32
        %mul3A_145 = arith.constant 40 : i32
        %mul3A_146 = arith.muli %add3A_142, %mul3A_145 : i32
        %add3A_147 = arith.addi %mul3A_144, %mul3A_146 : i32
        %run_scoped3A_148 = arith.constant 0 : i32
        "tpu.region"() ({
          %run_scoped3A_156 = tpu.sem_alloc : memref<!tpu.dma_semaphore, #tpu.memory_space<semaphore_mem>>
          %dma_start3A_157 = tpu.memref_slice %arg4[%run_scoped3A_148, %add3A_147] : memref<2x320000xi32, #tpu.memory_space<hbm>> -> memref<1x40xi32, #tpu.memory_space<hbm>>
          %dma_start3A_158 = tpu.memref_squeeze %dma_start3A_157 : memref<1x40xi32, #tpu.memory_space<hbm>> -> memref<40xi32, #tpu.memory_space<hbm>>
          %dma_start3A_159 = tpu.memref_slice %arg4[%run_scoped3A_148, %add3A_147] : memref<2x320000xi32, #tpu.memory_space<hbm>> -> memref<1x40xi32, #tpu.memory_space<hbm>>
          %dma_start3A_160 = tpu.memref_squeeze %dma_start3A_159 : memref<1x40xi32, #tpu.memory_space<hbm>> -> memref<40xi32, #tpu.memory_space<hbm>>
          tpu.enqueue_dma source(%dma_start3A_160 : memref<40xi32, #tpu.memory_space<hbm>>) target(%arg8 : memref<40xi32, #tpu.memory_space<vmem>>) target_semaphore(%run_scoped3A_156 : memref<!tpu.dma_semaphore, #tpu.memory_space<semaphore_mem>>)
          %dma_wait3A_161 = tpu.memref_slice %arg4[%run_scoped3A_148, %add3A_147] : memref<2x320000xi32, #tpu.memory_space<hbm>> -> memref<1x40xi32, #tpu.memory_space<hbm>>
          %dma_wait3A_162 = tpu.memref_squeeze %dma_wait3A_161 : memref<1x40xi32, #tpu.memory_space<hbm>> -> memref<40xi32, #tpu.memory_space<hbm>>
          %dma_wait3A_163 = tpu.memref_slice %arg4[%run_scoped3A_148, %add3A_147] : memref<2x320000xi32, #tpu.memory_space<hbm>> -> memref<1x40xi32, #tpu.memory_space<hbm>>
          %dma_wait3A_164 = tpu.memref_squeeze %dma_wait3A_163 : memref<1x40xi32, #tpu.memory_space<hbm>> -> memref<40xi32, #tpu.memory_space<hbm>>
          tpu.wait_dma2 semaphore(%run_scoped3A_156 : memref<!tpu.dma_semaphore, #tpu.memory_space<semaphore_mem>>) src(%dma_wait3A_164 : memref<40xi32, #tpu.memory_space<hbm>>) dst(%arg8 : memref<40xi32, #tpu.memory_space<vmem>>)
          tpu.yield
        }) : () -> ()
        %run_scoped3A_149 = arith.constant 1 : i32
        "tpu.region"() ({
          %run_scoped3A_156 = tpu.sem_alloc : memref<!tpu.dma_semaphore, #tpu.memory_space<semaphore_mem>>
          %dma_start3A_157 = tpu.memref_slice %arg4[%run_scoped3A_149, %add3A_147] : memref<2x320000xi32, #tpu.memory_space<hbm>> -> memref<1x40xi32, #tpu.memory_space<hbm>>
          %dma_start3A_158 = tpu.memref_squeeze %dma_start3A_157 : memref<1x40xi32, #tpu.memory_space<hbm>> -> memref<40xi32, #tpu.memory_space<hbm>>
          %dma_start3A_159 = tpu.memref_slice %arg4[%run_scoped3A_149, %add3A_147] : memref<2x320000xi32, #tpu.memory_space<hbm>> -> memref<1x40xi32, #tpu.memory_space<hbm>>
          %dma_start3A_160 = tpu.memref_squeeze %dma_start3A_159 : memref<1x40xi32, #tpu.memory_space<hbm>> -> memref<40xi32, #tpu.memory_space<hbm>>
          tpu.enqueue_dma source(%dma_start3A_160 : memref<40xi32, #tpu.memory_space<hbm>>) target(%arg9 : memref<40xi32, #tpu.memory_space<vmem>>) target_semaphore(%run_scoped3A_156 : memref<!tpu.dma_semaphore, #tpu.memory_space<semaphore_mem>>)
          %dma_wait3A_161 = tpu.memref_slice %arg4[%run_scoped3A_149, %add3A_147] : memref<2x320000xi32, #tpu.memory_space<hbm>> -> memref<1x40xi32, #tpu.memory_space<hbm>>
          %dma_wait3A_162 = tpu.memref_squeeze %dma_wait3A_161 : memref<1x40xi32, #tpu.memory_space<hbm>> -> memref<40xi32, #tpu.memory_space<hbm>>
          %dma_wait3A_163 = tpu.memref_slice %arg4[%run_scoped3A_149, %add3A_147] : memref<2x320000xi32, #tpu.memory_space<hbm>> -> memref<1x40xi32, #tpu.memory_space<hbm>>
          %dma_wait3A_164 = tpu.memref_squeeze %dma_wait3A_163 : memref<1x40xi32, #tpu.memory_space<hbm>> -> memref<40xi32, #tpu.memory_space<hbm>>
          tpu.wait_dma2 semaphore(%run_scoped3A_156 : memref<!tpu.dma_semaphore, #tpu.memory_space<semaphore_mem>>) src(%dma_wait3A_164 : memref<40xi32, #tpu.memory_space<hbm>>) dst(%arg9 : memref<40xi32, #tpu.memory_space<vmem>>)
          tpu.yield
        }) : () -> ()
        %dma_start3A_150 = arith.constant 0 : i32
        %dma_start3A_151 = arith.constant 0 : i32
        %dma_start3A_152 = tpu.memref_slice %arg2[%dma_start3A_150, %dma_start3A_151] : memref<10000x128xf32, #tpu.memory_space<hbm>> -> memref<10000x128xf32, #tpu.memory_space<hbm>>
        tpu.enqueue_indirect_dma source(%dma_start3A_152 : memref<10000x128xf32, #tpu.memory_space<hbm>>) target(%arg12 : memref<40x128xf32, #tpu.memory_space<vmem>>) offsets(%arg8 : memref<40xi32, #tpu.memory_space<vmem>>) semaphore(%arg18 : memref<!tpu.dma_semaphore, #tpu.memory_space<semaphore_mem>>)
        %dma_start3A_153 = arith.constant 0 : i32
        %dma_start3A_154 = arith.constant 0 : i32
        %dma_start3A_155 = tpu.memref_slice %arg3[%dma_start3A_153, %dma_start3A_154] : memref<10000x128xf32, #tpu.memory_space<hbm>> -> memref<10000x128xf32, #tpu.memory_space<hbm>>
        tpu.enqueue_indirect_dma source(%dma_start3A_155 : memref<10000x128xf32, #tpu.memory_space<hbm>>) target(%arg13 : memref<40x128xf32, #tpu.memory_space<vmem>>) offsets(%arg9 : memref<40xi32, #tpu.memory_space<vmem>>) semaphore(%arg19 : memref<!tpu.dma_semaphore, #tpu.memory_space<semaphore_mem>>)
      } else {
      }
      %dma_wait3A_132 = arith.constant 0 : i32
      %dma_wait3A_133 = arith.constant 0 : i32
      %dma_wait3A_134 = tpu.memref_slice %arg2[%dma_wait3A_132, %dma_wait3A_133] : memref<10000x128xf32, #tpu.memory_space<hbm>> -> memref<10000x128xf32, #tpu.memory_space<hbm>>
      tpu.wait_indirect_dma semaphore(%arg20 : memref<!tpu.dma_semaphore, #tpu.memory_space<semaphore_mem>>) src(%dma_wait3A_134 : memref<10000x128xf32, #tpu.memory_space<hbm>>) dst(%arg14 : memref<40x128xf32, #tpu.memory_space<vmem>>)
      %dma_wait3A_135 = arith.constant 0 : i32
      %dma_wait3A_136 = arith.constant 0 : i32
      %dma_wait3A_137 = tpu.memref_slice %arg3[%dma_wait3A_135, %dma_wait3A_136] : memref<10000x128xf32, #tpu.memory_space<hbm>> -> memref<10000x128xf32, #tpu.memory_space<hbm>>
      tpu.wait_indirect_dma semaphore(%arg21 : memref<!tpu.dma_semaphore, #tpu.memory_space<semaphore_mem>>) src(%dma_wait3A_137 : memref<10000x128xf32, #tpu.memory_space<hbm>>) dst(%arg15 : memref<40x128xf32, #tpu.memory_space<vmem>>)
      %parallel_loop3A_138 = arith.constant 0 : i32
      %parallel_loop3A_139 = arith.constant 40 : i32
      %parallel_loop3A_140 = arith.constant 1 : i32
      scf.for %parallel_loop3A_141 = %parallel_loop3A_138 to %parallel_loop3A_139 step %parallel_loop3A_140  : i32 {
        %parallel_loop3A_142 = arith.index_cast %parallel_loop3A_141 : i32 to index
        %parallel_loop3A_143 = arith.constant 0 : index
        %parallel_loop3A_144 = tpu.vector_load %arg14[%parallel_loop3A_142, %parallel_loop3A_143] {strides = array<i32>} : memref<40x128xf32, #tpu.memory_space<vmem>>, vector<16xf32>,
        %parallel_loop3A_145 = arith.index_cast %parallel_loop3A_141 : i32 to index
        %parallel_loop3A_146 = arith.constant 16 : index
        %parallel_loop3A_147 = tpu.vector_load %arg14[%parallel_loop3A_145, %parallel_loop3A_146] {strides = array<i32>} : memref<40x128xf32, #tpu.memory_space<vmem>>, vector<16xf32>,
        %parallel_loop3A_148 = arith.index_cast %parallel_loop3A_141 : i32 to index
        %parallel_loop3A_149 = arith.constant 32 : index
        %parallel_loop3A_150 = tpu.vector_load %arg14[%parallel_loop3A_148, %parallel_loop3A_149] {strides = array<i32>} : memref<40x128xf32, #tpu.memory_space<vmem>>, vector<16xf32>,
        %parallel_loop3A_151 = arith.index_cast %parallel_loop3A_141 : i32 to index
        %parallel_loop3A_152 = arith.constant 48 : index
        %parallel_loop3A_153 = tpu.vector_load %arg14[%parallel_loop3A_151, %parallel_loop3A_152] {strides = array<i32>} : memref<40x128xf32, #tpu.memory_space<vmem>>, vector<16xf32>,
        %parallel_loop3A_154 = arith.index_cast %parallel_loop3A_141 : i32 to index
        %parallel_loop3A_155 = arith.constant 64 : index
        %parallel_loop3A_156 = tpu.vector_load %arg14[%parallel_loop3A_154, %parallel_loop3A_155] {strides = array<i32>} : memref<40x128xf32, #tpu.memory_space<vmem>>, vector<16xf32>,
        %parallel_loop3A_157 = arith.index_cast %parallel_loop3A_141 : i32 to index
        %parallel_loop3A_158 = arith.constant 80 : index
        %parallel_loop3A_159 = tpu.vector_load %arg14[%parallel_loop3A_157, %parallel_loop3A_158] {strides = array<i32>} : memref<40x128xf32, #tpu.memory_space<vmem>>, vector<16xf32>,
        %parallel_loop3A_160 = arith.index_cast %parallel_loop3A_141 : i32 to index
        %parallel_loop3A_161 = arith.constant 96 : index
        %parallel_loop3A_162 = tpu.vector_load %arg14[%parallel_loop3A_160, %parallel_loop3A_161] {strides = array<i32>} : memref<40x128xf32, #tpu.memory_space<vmem>>, vector<16xf32>,
        %parallel_loop3A_163 = arith.index_cast %parallel_loop3A_141 : i32 to index
        %parallel_loop3A_164 = arith.constant 112 : index
        %parallel_loop3A_165 = tpu.vector_load %arg14[%parallel_loop3A_163, %parallel_loop3A_164] {strides = array<i32>} : memref<40x128xf32, #tpu.memory_space<vmem>>, vector<16xf32>,
        %parallel_loop3A_166 = arith.index_cast %parallel_loop3A_141 : i32 to index
        %parallel_loop3A_167 = arith.constant 0 : index
        %parallel_loop3A_168 = tpu.vector_load %arg15[%parallel_loop3A_166, %parallel_loop3A_167] {strides = array<i32>} : memref<40x128xf32, #tpu.memory_space<vmem>>, vector<16xf32>,
        %parallel_loop3A_169 = arith.addf %parallel_loop3A_144, %parallel_loop3A_168 : vector<16xf32>
        %parallel_loop3A_170 = arith.constant 2.000000e-01 : f32
        %parallel_loop3A_171 = vector.broadcast %parallel_loop3A_170 : f32 to vector<16xf32>
        %parallel_loop3A_172 = arith.mulf %parallel_loop3A_171, %parallel_loop3A_169 : vector<16xf32>
        %parallel_loop3A_173 = arith.maximumf %parallel_loop3A_169, %parallel_loop3A_172 : vector<16xf32>
        %parallel_loop3A_174 = arith.mulf %parallel_loop3A_173, %get3A_71 : vector<16xf32>
        %parallel_loop3A_175 = arith.index_cast %parallel_loop3A_141 : i32 to index
        %parallel_loop3A_176 = arith.constant 16 : index
        %parallel_loop3A_177 = tpu.vector_load %arg15[%parallel_loop3A_175, %parallel_loop3A_176] {strides = array<i32>} : memref<40x128xf32, #tpu.memory_space<vmem>>, vector<16xf32>,
        %parallel_loop3A_178 = arith.addf %parallel_loop3A_147, %parallel_loop3A_177 : vector<16xf32>
        %parallel_loop3A_179 = arith.constant 2.000000e-01 : f32
        %parallel_loop3A_180 = vector.broadcast %parallel_loop3A_179 : f32 to vector<16xf32>
        %parallel_loop3A_181 = arith.mulf %parallel_loop3A_180, %parallel_loop3A_178 : vector<16xf32>
        %parallel_loop3A_182 = arith.maximumf %parallel_loop3A_178, %parallel_loop3A_181 : vector<16xf32>
        %parallel_loop3A_183 = arith.mulf %parallel_loop3A_182, %get3A_73 : vector<16xf32>
        %parallel_loop3A_184 = arith.index_cast %parallel_loop3A_141 : i32 to index
        %parallel_loop3A_185 = arith.constant 32 : index
        %parallel_loop3A_186 = tpu.vector_load %arg15[%parallel_loop3A_184, %parallel_loop3A_185] {strides = array<i32>} : memref<40x128xf32, #tpu.memory_space<vmem>>, vector<16xf32>,
        %parallel_loop3A_187 = arith.addf %parallel_loop3A_150, %parallel_loop3A_186 : vector<16xf32>
        %parallel_loop3A_188 = arith.constant 2.000000e-01 : f32
        %parallel_loop3A_189 = vector.broadcast %parallel_loop3A_188 : f32 to vector<16xf32>
        %parallel_loop3A_190 = arith.mulf %parallel_loop3A_189, %parallel_loop3A_187 : vector<16xf32>
        %parallel_loop3A_191 = arith.maximumf %parallel_loop3A_187, %parallel_loop3A_190 : vector<16xf32>
        %parallel_loop3A_192 = arith.mulf %parallel_loop3A_191, %get3A_75 : vector<16xf32>
        %parallel_loop3A_193 = arith.index_cast %parallel_loop3A_141 : i32 to index
        %parallel_loop3A_194 = arith.constant 48 : index
        %parallel_loop3A_195 = tpu.vector_load %arg15[%parallel_loop3A_193, %parallel_loop3A_194] {strides = array<i32>} : memref<40x128xf32, #tpu.memory_space<vmem>>, vector<16xf32>,
        %parallel_loop3A_196 = arith.addf %parallel_loop3A_153, %parallel_loop3A_195 : vector<16xf32>
        %parallel_loop3A_197 = arith.constant 2.000000e-01 : f32
        %parallel_loop3A_198 = vector.broadcast %parallel_loop3A_197 : f32 to vector<16xf32>
        %parallel_loop3A_199 = arith.mulf %parallel_loop3A_198, %parallel_loop3A_196 : vector<16xf32>
        %parallel_loop3A_200 = arith.maximumf %parallel_loop3A_196, %parallel_loop3A_199 : vector<16xf32>
        %parallel_loop3A_201 = arith.mulf %parallel_loop3A_200, %get3A_77 : vector<16xf32>
        %parallel_loop3A_202 = arith.index_cast %parallel_loop3A_141 : i32 to index
        %parallel_loop3A_203 = arith.constant 64 : index
        %parallel_loop3A_204 = tpu.vector_load %arg15[%parallel_loop3A_202, %parallel_loop3A_203] {strides = array<i32>} : memref<40x128xf32, #tpu.memory_space<vmem>>, vector<16xf32>,
        %parallel_loop3A_205 = arith.addf %parallel_loop3A_156, %parallel_loop3A_204 : vector<16xf32>
        %parallel_loop3A_206 = arith.constant 2.000000e-01 : f32
        %parallel_loop3A_207 = vector.broadcast %parallel_loop3A_206 : f32 to vector<16xf32>
        %parallel_loop3A_208 = arith.mulf %parallel_loop3A_207, %parallel_loop3A_205 : vector<16xf32>
        %parallel_loop3A_209 = arith.maximumf %parallel_loop3A_205, %parallel_loop3A_208 : vector<16xf32>
        %parallel_loop3A_210 = arith.mulf %parallel_loop3A_209, %get3A_79 : vector<16xf32>
        %parallel_loop3A_211 = arith.index_cast %parallel_loop3A_141 : i32 to index
        %parallel_loop3A_212 = arith.constant 80 : index
        %parallel_loop3A_213 = tpu.vector_load %arg15[%parallel_loop3A_211, %parallel_loop3A_212] {strides = array<i32>} : memref<40x128xf32, #tpu.memory_space<vmem>>, vector<16xf32>,
        %parallel_loop3A_214 = arith.addf %parallel_loop3A_159, %parallel_loop3A_213 : vector<16xf32>
        %parallel_loop3A_215 = arith.constant 2.000000e-01 : f32
        %parallel_loop3A_216 = vector.broadcast %parallel_loop3A_215 : f32 to vector<16xf32>
        %parallel_loop3A_217 = arith.mulf %parallel_loop3A_216, %parallel_loop3A_214 : vector<16xf32>
        %parallel_loop3A_218 = arith.maximumf %parallel_loop3A_214, %parallel_loop3A_217 : vector<16xf32>
        %parallel_loop3A_219 = arith.mulf %parallel_loop3A_218, %get3A_81 : vector<16xf32>
        %parallel_loop3A_220 = arith.index_cast %parallel_loop3A_141 : i32 to index
        %parallel_loop3A_221 = arith.constant 96 : index
        %parallel_loop3A_222 = tpu.vector_load %arg15[%parallel_loop3A_220, %parallel_loop3A_221] {strides = array<i32>} : memref<40x128xf32, #tpu.memory_space<vmem>>, vector<16xf32>,
        %parallel_loop3A_223 = arith.addf %parallel_loop3A_162, %parallel_loop3A_222 : vector<16xf32>
        %parallel_loop3A_224 = arith.constant 2.000000e-01 : f32
        %parallel_loop3A_225 = vector.broadcast %parallel_loop3A_224 : f32 to vector<16xf32>
        %parallel_loop3A_226 = arith.mulf %parallel_loop3A_225, %parallel_loop3A_223 : vector<16xf32>
        %parallel_loop3A_227 = arith.maximumf %parallel_loop3A_223, %parallel_loop3A_226 : vector<16xf32>
        %parallel_loop3A_228 = arith.mulf %parallel_loop3A_227, %get3A_83 : vector<16xf32>
        %parallel_loop3A_229 = arith.index_cast %parallel_loop3A_141 : i32 to index
        %parallel_loop3A_230 = arith.constant 112 : index
        %parallel_loop3A_231 = tpu.vector_load %arg15[%parallel_loop3A_229, %parallel_loop3A_230] {strides = array<i32>} : memref<40x128xf32, #tpu.memory_space<vmem>>, vector<16xf32>,
        %parallel_loop3A_232 = arith.addf %parallel_loop3A_165, %parallel_loop3A_231 : vector<16xf32>
        %parallel_loop3A_233 = arith.constant 2.000000e-01 : f32
        %parallel_loop3A_234 = vector.broadcast %parallel_loop3A_233 : f32 to vector<16xf32>
        %parallel_loop3A_235 = arith.mulf %parallel_loop3A_234, %parallel_loop3A_232 : vector<16xf32>
        %parallel_loop3A_236 = arith.maximumf %parallel_loop3A_232, %parallel_loop3A_235 : vector<16xf32>
        %parallel_loop3A_237 = arith.mulf %parallel_loop3A_236, %get3A_85 : vector<16xf32>
        %parallel_loop3A_238 = arith.addf %parallel_loop3A_174, %parallel_loop3A_183 : vector<16xf32>
        %parallel_loop3A_239 = arith.constant true
        %parallel_loop3A_240 = vector.broadcast %parallel_loop3A_239 : i1 to vector<16xi1>
        %parallel_loop3A_241 = tpu.scan <sum>, %parallel_loop3A_238 masked %parallel_loop3A_240 : vector<16xf32>, vector<16xi1> -> vector<16xf32>
        %parallel_loop3A_242 = vector.extract %parallel_loop3A_241[15] : f32 from vector<16xf32>
        %parallel_loop3A_243 = vector.broadcast %parallel_loop3A_242 : f32 to vector<16xf32>
        %parallel_loop3A_244 = math.exp %parallel_loop3A_243 : vector<16xf32>
        %parallel_loop3A_245 = arith.addf %parallel_loop3A_192, %parallel_loop3A_201 : vector<16xf32>
        %parallel_loop3A_246 = arith.constant true
        %parallel_loop3A_247 = vector.broadcast %parallel_loop3A_246 : i1 to vector<16xi1>
        %parallel_loop3A_248 = tpu.scan <sum>, %parallel_loop3A_245 masked %parallel_loop3A_247 : vector<16xf32>, vector<16xi1> -> vector<16xf32>
        %parallel_loop3A_249 = vector.extract %parallel_loop3A_248[15] : f32 from vector<16xf32>
        %parallel_loop3A_250 = vector.broadcast %parallel_loop3A_249 : f32 to vector<16xf32>
        %parallel_loop3A_251 = math.exp %parallel_loop3A_250 : vector<16xf32>
        %parallel_loop3A_252 = arith.addf %parallel_loop3A_210, %parallel_loop3A_219 : vector<16xf32>
        %parallel_loop3A_253 = arith.constant true
        %parallel_loop3A_254 = vector.broadcast %parallel_loop3A_253 : i1 to vector<16xi1>
        %parallel_loop3A_255 = tpu.scan <sum>, %parallel_loop3A_252 masked %parallel_loop3A_254 : vector<16xf32>, vector<16xi1> -> vector<16xf32>
        %parallel_loop3A_256 = vector.extract %parallel_loop3A_255[15] : f32 from vector<16xf32>
        %parallel_loop3A_257 = vector.broadcast %parallel_loop3A_256 : f32 to vector<16xf32>
        %parallel_loop3A_258 = math.exp %parallel_loop3A_257 : vector<16xf32>
        %parallel_loop3A_259 = arith.addf %parallel_loop3A_228, %parallel_loop3A_237 : vector<16xf32>
        %parallel_loop3A_260 = arith.constant true
        %parallel_loop3A_261 = vector.broadcast %parallel_loop3A_260 : i1 to vector<16xi1>
        %parallel_loop3A_262 = tpu.scan <sum>, %parallel_loop3A_259 masked %parallel_loop3A_261 : vector<16xf32>, vector<16xi1> -> vector<16xf32>
        %parallel_loop3A_263 = vector.extract %parallel_loop3A_262[15] : f32 from vector<16xf32>
        %parallel_loop3A_264 = vector.broadcast %parallel_loop3A_263 : f32 to vector<16xf32>
        %parallel_loop3A_265 = math.exp %parallel_loop3A_264 : vector<16xf32>
        %parallel_loop3A_266 = arith.mulf %parallel_loop3A_144, %parallel_loop3A_244 : vector<16xf32>
        %parallel_loop3A_267 = arith.index_cast %parallel_loop3A_141 : i32 to index
        %parallel_loop3A_268 = arith.constant 0 : index
        %parallel_loop3A_269 = tpu.vector_load %arg16[%parallel_loop3A_267, %parallel_loop3A_268] {strides = array<i32>} : memref<40x144xf32, #tpu.memory_space<vmem>>, vector<16xf32>,
        tpu.vector_store %arg16[%parallel_loop3A_267, %parallel_loop3A_268], %parallel_loop3A_266 {strides = array<i32>} : memref<40x144xf32, #tpu.memory_space<vmem>>, vector<16xf32>,
        %parallel_loop3A_270 = arith.mulf %parallel_loop3A_147, %parallel_loop3A_244 : vector<16xf32>
        %parallel_loop3A_271 = arith.index_cast %parallel_loop3A_141 : i32 to index
        %parallel_loop3A_272 = arith.constant 16 : index
        %parallel_loop3A_273 = tpu.vector_load %arg16[%parallel_loop3A_271, %parallel_loop3A_272] {strides = array<i32>} : memref<40x144xf32, #tpu.memory_space<vmem>>, vector<16xf32>,
        tpu.vector_store %arg16[%parallel_loop3A_271, %parallel_loop3A_272], %parallel_loop3A_270 {strides = array<i32>} : memref<40x144xf32, #tpu.memory_space<vmem>>, vector<16xf32>,
        %parallel_loop3A_274 = arith.mulf %parallel_loop3A_150, %parallel_loop3A_251 : vector<16xf32>
        %parallel_loop3A_275 = arith.index_cast %parallel_loop3A_141 : i32 to index
        %parallel_loop3A_276 = arith.constant 32 : index
        %parallel_loop3A_277 = tpu.vector_load %arg16[%parallel_loop3A_275, %parallel_loop3A_276] {strides = array<i32>} : memref<40x144xf32, #tpu.memory_space<vmem>>, vector<16xf32>,
        tpu.vector_store %arg16[%parallel_loop3A_275, %parallel_loop3A_276], %parallel_loop3A_274 {strides = array<i32>} : memref<40x144xf32, #tpu.memory_space<vmem>>, vector<16xf32>,
        %parallel_loop3A_278 = arith.mulf %parallel_loop3A_153, %parallel_loop3A_251 : vector<16xf32>
        %parallel_loop3A_279 = arith.index_cast %parallel_loop3A_141 : i32 to index
        %parallel_loop3A_280 = arith.constant 48 : index
        %parallel_loop3A_281 = tpu.vector_load %arg16[%parallel_loop3A_279, %parallel_loop3A_280] {strides = array<i32>} : memref<40x144xf32, #tpu.memory_space<vmem>>, vector<16xf32>,
        tpu.vector_store %arg16[%parallel_loop3A_279, %parallel_loop3A_280], %parallel_loop3A_278 {strides = array<i32>} : memref<40x144xf32, #tpu.memory_space<vmem>>, vector<16xf32>,
        %parallel_loop3A_282 = arith.mulf %parallel_loop3A_156, %parallel_loop3A_258 : vector<16xf32>
        %parallel_loop3A_283 = arith.index_cast %parallel_loop3A_141 : i32 to index
        %parallel_loop3A_284 = arith.constant 64 : index
        %parallel_loop3A_285 = tpu.vector_load %arg16[%parallel_loop3A_283, %parallel_loop3A_284] {strides = array<i32>} : memref<40x144xf32, #tpu.memory_space<vmem>>, vector<16xf32>,
        tpu.vector_store %arg16[%parallel_loop3A_283, %parallel_loop3A_284], %parallel_loop3A_282 {strides = array<i32>} : memref<40x144xf32, #tpu.memory_space<vmem>>, vector<16xf32>,
        %parallel_loop3A_286 = arith.mulf %parallel_loop3A_159, %parallel_loop3A_258 : vector<16xf32>
        %parallel_loop3A_287 = arith.index_cast %parallel_loop3A_141 : i32 to index
        %parallel_loop3A_288 = arith.constant 80 : index
        %parallel_loop3A_289 = tpu.vector_load %arg16[%parallel_loop3A_287, %parallel_loop3A_288] {strides = array<i32>} : memref<40x144xf32, #tpu.memory_space<vmem>>, vector<16xf32>,
        tpu.vector_store %arg16[%parallel_loop3A_287, %parallel_loop3A_288], %parallel_loop3A_286 {strides = array<i32>} : memref<40x144xf32, #tpu.memory_space<vmem>>, vector<16xf32>,
        %parallel_loop3A_290 = arith.mulf %parallel_loop3A_162, %parallel_loop3A_265 : vector<16xf32>
        %parallel_loop3A_291 = arith.index_cast %parallel_loop3A_141 : i32 to index
        %parallel_loop3A_292 = arith.constant 96 : index
        %parallel_loop3A_293 = tpu.vector_load %arg16[%parallel_loop3A_291, %parallel_loop3A_292] {strides = array<i32>} : memref<40x144xf32, #tpu.memory_space<vmem>>, vector<16xf32>,
        tpu.vector_store %arg16[%parallel_loop3A_291, %parallel_loop3A_292], %parallel_loop3A_290 {strides = array<i32>} : memref<40x144xf32, #tpu.memory_space<vmem>>, vector<16xf32>,
        %parallel_loop3A_294 = arith.mulf %parallel_loop3A_165, %parallel_loop3A_265 : vector<16xf32>
        %parallel_loop3A_295 = arith.index_cast %parallel_loop3A_141 : i32 to index
        %parallel_loop3A_296 = arith.constant 112 : index
        %parallel_loop3A_297 = tpu.vector_load %arg16[%parallel_loop3A_295, %parallel_loop3A_296] {strides = array<i32>} : memref<40x144xf32, #tpu.memory_space<vmem>>, vector<16xf32>,
        tpu.vector_store %arg16[%parallel_loop3A_295, %parallel_loop3A_296], %parallel_loop3A_294 {strides = array<i32>} : memref<40x144xf32, #tpu.memory_space<vmem>>, vector<16xf32>,
        %parallel_loop3A_298 = arith.constant 0 : i32
        %parallel_loop3A_299 = vector.broadcast %parallel_loop3A_298 : i32 to vector<16xi32>
        %parallel_loop3A_300 = arith.cmpi eq, %iota3A, %parallel_loop3A_299 : vector<16xi32>
        %parallel_loop3A_301 = arith.select %parallel_loop3A_300, %parallel_loop3A_244, %broadcast_in_dim3A_1 : vector<16xi1>, vector<16xf32>
        %parallel_loop3A_302 = arith.constant 1 : i32
        %parallel_loop3A_303 = vector.broadcast %parallel_loop3A_302 : i32 to vector<16xi32>
        %parallel_loop3A_304 = arith.cmpi eq, %iota3A, %parallel_loop3A_303 : vector<16xi32>
        %parallel_loop3A_305 = arith.select %parallel_loop3A_304, %parallel_loop3A_251, %parallel_loop3A_301 : vector<16xi1>, vector<16xf32>
        %parallel_loop3A_306 = arith.constant 2 : i32
        %parallel_loop3A_307 = vector.broadcast %parallel_loop3A_306 : i32 to vector<16xi32>
        %parallel_loop3A_308 = arith.cmpi eq, %iota3A, %parallel_loop3A_307 : vector<16xi32>
        %parallel_loop3A_309 = arith.select %parallel_loop3A_308, %parallel_loop3A_258, %parallel_loop3A_305 : vector<16xi1>, vector<16xf32>
        %parallel_loop3A_310 = arith.constant 3 : i32
        %parallel_loop3A_311 = vector.broadcast %parallel_loop3A_310 : i32 to vector<16xi32>
        %parallel_loop3A_312 = arith.cmpi eq, %iota3A, %parallel_loop3A_311 : vector<16xi32>
        %parallel_loop3A_313 = arith.select %parallel_loop3A_312, %parallel_loop3A_265, %parallel_loop3A_309 : vector<16xi1>, vector<16xf32>
        %parallel_loop3A_314 = arith.index_cast %parallel_loop3A_141 : i32 to index
        %parallel_loop3A_315 = arith.constant 128 : index
        %parallel_loop3A_316 = tpu.vector_load %arg16[%parallel_loop3A_314, %parallel_loop3A_315] {strides = array<i32>} : memref<40x144xf32, #tpu.memory_space<vmem>>, vector<16xf32>,
        tpu.vector_store %arg16[%parallel_loop3A_314, %parallel_loop3A_315], %parallel_loop3A_313 {strides = array<i32>} : memref<40x144xf32, #tpu.memory_space<vmem>>, vector<16xf32>,
      } {sc.loop_unroll_factor = 4 : i64, sc.parallel_access}
      "tpu.region"() ({
        %run_scoped3A_141 = tpu.sem_alloc : memref<!tpu.dma_semaphore, #tpu.memory_space<semaphore_mem>>
        %dma_start3A_142 = arith.constant 0 : i32
        %dma_start3A_143 = arith.constant 0 : i32
        %dma_start3A_144 = tpu.memref_slice %arg7[%dma_start3A_142, %dma_start3A_143] : memref<10000x144xf32, #tpu.memory_space<vmem_shared>> -> memref<10000x144xf32, #tpu.memory_space<vmem_shared>>
        tpu.enqueue_indirect_dma source(%arg16 : memref<40x144xf32, #tpu.memory_space<vmem>>) target(%dma_start3A_144 : memref<10000x144xf32, #tpu.memory_space<vmem_shared>>) offsets(%arg11 : memref<40xi32, #tpu.memory_space<vmem>>) semaphore(%run_scoped3A_141 : memref<!tpu.dma_semaphore, #tpu.memory_space<semaphore_mem>>) {add = true}
        %dma_wait3A_145 = arith.constant 0 : i32
        %dma_wait3A_146 = arith.constant 0 : i32
        %dma_wait3A_147 = tpu.memref_slice %arg7[%dma_wait3A_145, %dma_wait3A_146] : memref<10000x144xf32, #tpu.memory_space<vmem_shared>> -> memref<10000x144xf32, #tpu.memory_space<vmem_shared>>
        tpu.wait_indirect_dma semaphore(%run_scoped3A_141 : memref<!tpu.dma_semaphore, #tpu.memory_space<semaphore_mem>>) src(%arg16 : memref<40x144xf32, #tpu.memory_space<vmem>>) dst(%dma_wait3A_147 : memref<10000x144xf32, #tpu.memory_space<vmem_shared>>)
        tpu.yield
      }) : () -> ()
    }
    %scan3A_101 = arith.constant 125 : i32
    %barrier3A_102 = arith.constant 0 : index
    tpu.barrier barrier_id(%barrier3A_102)
    %mul3A_103 = arith.constant 625 : i32
    %mul3A_104 = arith.muli %arg1, %mul3A_103 : i32
    %mul3A_105 = arith.constant 625 : i32
    %mul3A_106 = arith.muli %arg1, %mul3A_105 : i32
    "tpu.region"() ({
      %run_scoped3A_107 = tpu.sem_alloc : memref<!tpu.dma_semaphore, #tpu.memory_space<semaphore_mem>>
      %dma_start3A_108 = arith.constant 0 : i32
      %dma_start3A_109 = tpu.memref_slice %arg6[%arg0, %mul3A_106, %dma_start3A_108] : memref<2x10000x144xf32, #tpu.memory_space<hbm>> -> memref<1x625x144xf32, #tpu.memory_space<hbm>>
      %dma_start3A_110 = tpu.memref_squeeze %dma_start3A_109 : memref<1x625x144xf32, #tpu.memory_space<hbm>> -> memref<625x144xf32, #tpu.memory_space<hbm>>
      %dma_start3A_111 = arith.constant 0 : i32
      %dma_start3A_112 = tpu.memref_slice %arg7[%mul3A_104, %dma_start3A_111] : memref<10000x144xf32, #tpu.memory_space<vmem_shared>> -> memref<625x144xf32, #tpu.memory_space<vmem_shared>>
      tpu.enqueue_dma source(%dma_start3A_112 : memref<625x144xf32, #tpu.memory_space<vmem_shared>>) target(%dma_start3A_110 : memref<625x144xf32, #tpu.memory_space<hbm>>) target_semaphore(%run_scoped3A_107 : memref<!tpu.dma_semaphore, #tpu.memory_space<semaphore_mem>>)
      %dma_wait3A = arith.constant 0 : i32
      %dma_wait3A_113 = tpu.memref_slice %arg6[%arg0, %mul3A_106, %dma_wait3A] : memref<2x10000x144xf32, #tpu.memory_space<hbm>> -> memref<1x625x144xf32, #tpu.memory_space<hbm>>
      %dma_wait3A_114 = tpu.memref_squeeze %dma_wait3A_113 : memref<1x625x144xf32, #tpu.memory_space<hbm>> -> memref<625x144xf32, #tpu.memory_space<hbm>>
      %dma_wait3A_115 = arith.constant 0 : i32
      %dma_wait3A_116 = tpu.memref_slice %arg7[%mul3A_104, %dma_wait3A_115] : memref<10000x144xf32, #tpu.memory_space<vmem_shared>> -> memref<625x144xf32, #tpu.memory_space<vmem_shared>>
      tpu.wait_dma2 semaphore(%run_scoped3A_107 : memref<!tpu.dma_semaphore, #tpu.memory_space<semaphore_mem>>) src(%dma_wait3A_116 : memref<625x144xf32, #tpu.memory_space<vmem_shared>>) dst(%dma_wait3A_114 : memref<625x144xf32, #tpu.memory_space<hbm>>)
      tpu.yield
    }) : () -> ()
    return
  }
}

#map = affine_map<(d0, d1) -> (0, 0)>
#map1 = affine_map<(d0, d1) -> (0)>
#map2 = affine_map<(d0, d1) -> (0, 0, 0)>
module attributes {stable_mosaic.version = 14 : i64} {
  func.func @ek(%arg0: i32, %arg1: i32, %arg2: memref<10000x64xf32, #tpu.memory_space<hbm>>, %arg3: memref<10000x64xf32, #tpu.memory_space<hbm>>, %arg4: memref<2x320000xi32, #tpu.memory_space<hbm>>, %arg5: memref<64xf32, #tpu.memory_space<hbm>>, %arg6: memref<2x10000x80xf32, #tpu.memory_space<hbm>>, %arg7: memref<10000x80xf32, #tpu.memory_space<vmem_shared>>, %arg8: memref<40xi32, #tpu.memory_space<vmem>>, %arg9: memref<40xi32, #tpu.memory_space<vmem>>, %arg10: memref<40xi32, #tpu.memory_space<vmem>>, %arg11: memref<40xi32, #tpu.memory_space<vmem>>, %arg12: memref<40x64xf32, #tpu.memory_space<vmem>>, %arg13: memref<40x64xf32, #tpu.memory_space<vmem>>, %arg14: memref<40x64xf32, #tpu.memory_space<vmem>>, %arg15: memref<40x64xf32, #tpu.memory_space<vmem>>, %arg16: memref<40x80xf32, #tpu.memory_space<vmem>>, %arg17: memref<64xf32, #tpu.memory_space<vmem>>, %arg18: memref<!tpu.dma_semaphore, #tpu.memory_space<semaphore_mem>>, %arg19: memref<!tpu.dma_semaphore, #tpu.memory_space<semaphore_mem>>, %arg20: memref<!tpu.dma_semaphore, #tpu.memory_space<semaphore_mem>>, %arg21: memref<!tpu.dma_semaphore, #tpu.memory_space<semaphore_mem>>) attributes {dimension_semantics = [#tpu.dimension_semantics<core_parallel>, #tpu.dimension_semantics<subcore_parallel>], iteration_bounds = array<i64: 2, 16>, scalar_prefetch = 0 : i64, scratch_operands = 15 : i64, tpu.core_type = #tpu.core_type<sc_vector_subcore>, window_params = [{transform_indices = #map}, {transform_indices = #map}, {transform_indices = #map}, {transform_indices = #map1}, {transform_indices = #map2}]} {
    %mul3A = arith.constant 16 : i32
    %mul3A_0 = arith.muli %arg0, %mul3A : i32
    %add3A = arith.addi %mul3A_0, %arg1 : i32
    %broadcast_in_dim3A = arith.constant 0.000000e+00 : f32
    %broadcast_in_dim3A_1 = vector.broadcast %broadcast_in_dim3A : f32 to vector<16xf32>
    %iota3A = tpu.iota {dimensions = array<i32: 0>} : vector<16xi32>
    %scan3A = arith.constant 0 : i32
    %scan3A_2 = arith.constant 0 : i32
    %scan3A_3 = arith.constant 200 : i32
    %scan3A_4 = arith.addi %scan3A_2, %scan3A_3 : i32
    %scan3A_5 = arith.constant 1 : i32
    scf.for %scan3A_99 = %scan3A_2 to %scan3A_4 step %scan3A_5  : i32 {
      %jit3A = arith.constant 5 : i32
      %div3A = arith.divsi %scan3A_99, %jit3A : i32
      %sign3A = arith.constant 0 : i32
      %sign3A_100 = arith.cmpi sgt, %scan3A_99, %sign3A : i32
      %sign3A_101 = arith.extui %sign3A_100 : i1 to i32
      %sign3A_102 = arith.constant 0 : i32
      %sign3A_103 = arith.cmpi slt, %scan3A_99, %sign3A_102 : i32
      %sign3A_104 = arith.extui %sign3A_103 : i1 to i32
      %sign3A_105 = arith.subi %sign3A_101, %sign3A_104 : i32
      %sign3A_106 = arith.constant 0 : i32
      %sign3A_107 = arith.cmpi sgt, %jit3A, %sign3A_106 : i32
      %sign3A_108 = arith.extui %sign3A_107 : i1 to i32
      %sign3A_109 = arith.constant 0 : i32
      %sign3A_110 = arith.cmpi slt, %jit3A, %sign3A_109 : i32
      %sign3A_111 = arith.extui %sign3A_110 : i1 to i32
      %sign3A_112 = arith.subi %sign3A_108, %sign3A_111 : i32
      %ne3A = arith.cmpi ne, %sign3A_105, %sign3A_112 : i32
      %rem3A = arith.remsi %scan3A_99, %jit3A : i32
      %ne3A_113 = arith.constant 0 : i32
      %ne3A_114 = arith.cmpi ne, %rem3A, %ne3A_113 : i32
      %and3A = arith.andi %ne3A, %ne3A_114 : i1
      %sub3A = arith.constant 1 : i32
      %sub3A_115 = arith.subi %div3A, %sub3A : i32
      %select_n3A = arith.select %and3A, %sub3A_115, %div3A : i32
      %jit3A_116 = arith.constant 5 : i32
      %eq3A = arith.constant 0 : i32
      %eq3A_117 = arith.cmpi eq, %jit3A_116, %eq3A : i32
      %jit3A_118 = arith.constant 1 : i32
      %select_n3A_119 = arith.select %eq3A_117, %jit3A_118, %jit3A_116 : i32
      %rem3A_120 = arith.remsi %scan3A_99, %select_n3A_119 : i32
      %ne3A_121 = arith.constant 0 : i32
      %ne3A_122 = arith.cmpi ne, %rem3A_120, %ne3A_121 : i32
      %lt3A = arith.constant 0 : i32
      %lt3A_123 = arith.cmpi slt, %rem3A_120, %lt3A : i32
      %lt3A_124 = arith.constant 0 : i32
      %lt3A_125 = arith.cmpi slt, %select_n3A_119, %lt3A_124 : i32
      %ne3A_126 = arith.xori %lt3A_123, %lt3A_125 : i1
      %and3A_127 = arith.andi %ne3A_126, %ne3A_122 : i1
      %add3A_128 = arith.addi %rem3A_120, %select_n3A_119 : i32
      %select_n3A_129 = arith.select %and3A_127, %add3A_128, %rem3A_120 : i32
      %mul3A_130 = arith.constant 16 : i32
      %mul3A_131 = arith.muli %select_n3A_129, %mul3A_130 : i32
      %swap3A = arith.index_cast %select_n3A : i32 to index
      %swap3A_132 = arith.index_cast %mul3A_131 : i32 to index
      %swap3A_133 = tpu.vector_load %arg16[%swap3A, %swap3A_132] {strides = array<i32>} : memref<40x80xf32, #tpu.memory_space<vmem>>, vector<16xf32>,
      tpu.vector_store %arg16[%swap3A, %swap3A_132], %broadcast_in_dim3A_1 {strides = array<i32>} : memref<40x80xf32, #tpu.memory_space<vmem>>, vector<16xf32>,
    }
    %scan3A_6 = arith.constant 200 : i32
    %mul3A_7 = arith.constant 625 : i32
    %mul3A_8 = arith.muli %arg1, %mul3A_7 : i32
    %add3A_9 = arith.constant 0 : i32
    %add3A_10 = arith.addi %mul3A_8, %add3A_9 : i32
    "tpu.region"() ({
      %run_scoped3A_99 = tpu.sem_alloc : memref<!tpu.dma_semaphore, #tpu.memory_space<semaphore_mem>>
      %dma_start3A_100 = arith.constant 0 : i32
      %dma_start3A_101 = tpu.memref_slice %arg7[%add3A_10, %dma_start3A_100] : memref<10000x80xf32, #tpu.memory_space<vmem_shared>> -> memref<40x80xf32, #tpu.memory_space<vmem_shared>>
      %dma_start3A_102 = arith.constant 0 : i32
      %dma_start3A_103 = tpu.memref_slice %arg7[%add3A_10, %dma_start3A_102] : memref<10000x80xf32, #tpu.memory_space<vmem_shared>> -> memref<40x80xf32, #tpu.memory_space<vmem_shared>>
      tpu.enqueue_dma source(%arg16 : memref<40x80xf32, #tpu.memory_space<vmem>>) target(%dma_start3A_103 : memref<40x80xf32, #tpu.memory_space<vmem_shared>>) target_semaphore(%run_scoped3A_99 : memref<!tpu.dma_semaphore, #tpu.memory_space<semaphore_mem>>)
      %dma_wait3A = arith.constant 0 : i32
      %dma_wait3A_104 = tpu.memref_slice %arg7[%add3A_10, %dma_wait3A] : memref<10000x80xf32, #tpu.memory_space<vmem_shared>> -> memref<40x80xf32, #tpu.memory_space<vmem_shared>>
      %dma_wait3A_105 = arith.constant 0 : i32
      %dma_wait3A_106 = tpu.memref_slice %arg7[%add3A_10, %dma_wait3A_105] : memref<10000x80xf32, #tpu.memory_space<vmem_shared>> -> memref<40x80xf32, #tpu.memory_space<vmem_shared>>
      tpu.wait_dma2 semaphore(%run_scoped3A_99 : memref<!tpu.dma_semaphore, #tpu.memory_space<semaphore_mem>>) src(%arg16 : memref<40x80xf32, #tpu.memory_space<vmem>>) dst(%dma_wait3A_106 : memref<40x80xf32, #tpu.memory_space<vmem_shared>>)
      tpu.yield
    }) : () -> ()
    %mul3A_11 = arith.constant 625 : i32
    %mul3A_12 = arith.muli %arg1, %mul3A_11 : i32
    %add3A_13 = arith.constant 40 : i32
    %add3A_14 = arith.addi %mul3A_12, %add3A_13 : i32
    "tpu.region"() ({
      %run_scoped3A_99 = tpu.sem_alloc : memref<!tpu.dma_semaphore, #tpu.memory_space<semaphore_mem>>
      %dma_start3A_100 = arith.constant 0 : i32
      %dma_start3A_101 = tpu.memref_slice %arg7[%add3A_14, %dma_start3A_100] : memref<10000x80xf32, #tpu.memory_space<vmem_shared>> -> memref<40x80xf32, #tpu.memory_space<vmem_shared>>
      %dma_start3A_102 = arith.constant 0 : i32
      %dma_start3A_103 = tpu.memref_slice %arg7[%add3A_14, %dma_start3A_102] : memref<10000x80xf32, #tpu.memory_space<vmem_shared>> -> memref<40x80xf32, #tpu.memory_space<vmem_shared>>
      tpu.enqueue_dma source(%arg16 : memref<40x80xf32, #tpu.memory_space<vmem>>) target(%dma_start3A_103 : memref<40x80xf32, #tpu.memory_space<vmem_shared>>) target_semaphore(%run_scoped3A_99 : memref<!tpu.dma_semaphore, #tpu.memory_space<semaphore_mem>>)
      %dma_wait3A = arith.constant 0 : i32
      %dma_wait3A_104 = tpu.memref_slice %arg7[%add3A_14, %dma_wait3A] : memref<10000x80xf32, #tpu.memory_space<vmem_shared>> -> memref<40x80xf32, #tpu.memory_space<vmem_shared>>
      %dma_wait3A_105 = arith.constant 0 : i32
      %dma_wait3A_106 = tpu.memref_slice %arg7[%add3A_14, %dma_wait3A_105] : memref<10000x80xf32, #tpu.memory_space<vmem_shared>> -> memref<40x80xf32, #tpu.memory_space<vmem_shared>>
      tpu.wait_dma2 semaphore(%run_scoped3A_99 : memref<!tpu.dma_semaphore, #tpu.memory_space<semaphore_mem>>) src(%arg16 : memref<40x80xf32, #tpu.memory_space<vmem>>) dst(%dma_wait3A_106 : memref<40x80xf32, #tpu.memory_space<vmem_shared>>)
      tpu.yield
    }) : () -> ()
    %mul3A_15 = arith.constant 625 : i32
    %mul3A_16 = arith.muli %arg1, %mul3A_15 : i32
    %add3A_17 = arith.constant 80 : i32
    %add3A_18 = arith.addi %mul3A_16, %add3A_17 : i32
    "tpu.region"() ({
      %run_scoped3A_99 = tpu.sem_alloc : memref<!tpu.dma_semaphore, #tpu.memory_space<semaphore_mem>>
      %dma_start3A_100 = arith.constant 0 : i32
      %dma_start3A_101 = tpu.memref_slice %arg7[%add3A_18, %dma_start3A_100] : memref<10000x80xf32, #tpu.memory_space<vmem_shared>> -> memref<40x80xf32, #tpu.memory_space<vmem_shared>>
      %dma_start3A_102 = arith.constant 0 : i32
      %dma_start3A_103 = tpu.memref_slice %arg7[%add3A_18, %dma_start3A_102] : memref<10000x80xf32, #tpu.memory_space<vmem_shared>> -> memref<40x80xf32, #tpu.memory_space<vmem_shared>>
      tpu.enqueue_dma source(%arg16 : memref<40x80xf32, #tpu.memory_space<vmem>>) target(%dma_start3A_103 : memref<40x80xf32, #tpu.memory_space<vmem_shared>>) target_semaphore(%run_scoped3A_99 : memref<!tpu.dma_semaphore, #tpu.memory_space<semaphore_mem>>)
      %dma_wait3A = arith.constant 0 : i32
      %dma_wait3A_104 = tpu.memref_slice %arg7[%add3A_18, %dma_wait3A] : memref<10000x80xf32, #tpu.memory_space<vmem_shared>> -> memref<40x80xf32, #tpu.memory_space<vmem_shared>>
      %dma_wait3A_105 = arith.constant 0 : i32
      %dma_wait3A_106 = tpu.memref_slice %arg7[%add3A_18, %dma_wait3A_105] : memref<10000x80xf32, #tpu.memory_space<vmem_shared>> -> memref<40x80xf32, #tpu.memory_space<vmem_shared>>
      tpu.wait_dma2 semaphore(%run_scoped3A_99 : memref<!tpu.dma_semaphore, #tpu.memory_space<semaphore_mem>>) src(%arg16 : memref<40x80xf32, #tpu.memory_space<vmem>>) dst(%dma_wait3A_106 : memref<40x80xf32, #tpu.memory_space<vmem_shared>>)
      tpu.yield
    }) : () -> ()
    %mul3A_19 = arith.constant 625 : i32
    %mul3A_20 = arith.muli %arg1, %mul3A_19 : i32
    %add3A_21 = arith.constant 120 : i32
    %add3A_22 = arith.addi %mul3A_20, %add3A_21 : i32
    "tpu.region"() ({
      %run_scoped3A_99 = tpu.sem_alloc : memref<!tpu.dma_semaphore, #tpu.memory_space<semaphore_mem>>
      %dma_start3A_100 = arith.constant 0 : i32
      %dma_start3A_101 = tpu.memref_slice %arg7[%add3A_22, %dma_start3A_100] : memref<10000x80xf32, #tpu.memory_space<vmem_shared>> -> memref<40x80xf32, #tpu.memory_space<vmem_shared>>
      %dma_start3A_102 = arith.constant 0 : i32
      %dma_start3A_103 = tpu.memref_slice %arg7[%add3A_22, %dma_start3A_102] : memref<10000x80xf32, #tpu.memory_space<vmem_shared>> -> memref<40x80xf32, #tpu.memory_space<vmem_shared>>
      tpu.enqueue_dma source(%arg16 : memref<40x80xf32, #tpu.memory_space<vmem>>) target(%dma_start3A_103 : memref<40x80xf32, #tpu.memory_space<vmem_shared>>) target_semaphore(%run_scoped3A_99 : memref<!tpu.dma_semaphore, #tpu.memory_space<semaphore_mem>>)
      %dma_wait3A = arith.constant 0 : i32
      %dma_wait3A_104 = tpu.memref_slice %arg7[%add3A_22, %dma_wait3A] : memref<10000x80xf32, #tpu.memory_space<vmem_shared>> -> memref<40x80xf32, #tpu.memory_space<vmem_shared>>
      %dma_wait3A_105 = arith.constant 0 : i32
      %dma_wait3A_106 = tpu.memref_slice %arg7[%add3A_22, %dma_wait3A_105] : memref<10000x80xf32, #tpu.memory_space<vmem_shared>> -> memref<40x80xf32, #tpu.memory_space<vmem_shared>>
      tpu.wait_dma2 semaphore(%run_scoped3A_99 : memref<!tpu.dma_semaphore, #tpu.memory_space<semaphore_mem>>) src(%arg16 : memref<40x80xf32, #tpu.memory_space<vmem>>) dst(%dma_wait3A_106 : memref<40x80xf32, #tpu.memory_space<vmem_shared>>)
      tpu.yield
    }) : () -> ()
    %mul3A_23 = arith.constant 625 : i32
    %mul3A_24 = arith.muli %arg1, %mul3A_23 : i32
    %add3A_25 = arith.constant 160 : i32
    %add3A_26 = arith.addi %mul3A_24, %add3A_25 : i32
    "tpu.region"() ({
      %run_scoped3A_99 = tpu.sem_alloc : memref<!tpu.dma_semaphore, #tpu.memory_space<semaphore_mem>>
      %dma_start3A_100 = arith.constant 0 : i32
      %dma_start3A_101 = tpu.memref_slice %arg7[%add3A_26, %dma_start3A_100] : memref<10000x80xf32, #tpu.memory_space<vmem_shared>> -> memref<40x80xf32, #tpu.memory_space<vmem_shared>>
      %dma_start3A_102 = arith.constant 0 : i32
      %dma_start3A_103 = tpu.memref_slice %arg7[%add3A_26, %dma_start3A_102] : memref<10000x80xf32, #tpu.memory_space<vmem_shared>> -> memref<40x80xf32, #tpu.memory_space<vmem_shared>>
      tpu.enqueue_dma source(%arg16 : memref<40x80xf32, #tpu.memory_space<vmem>>) target(%dma_start3A_103 : memref<40x80xf32, #tpu.memory_space<vmem_shared>>) target_semaphore(%run_scoped3A_99 : memref<!tpu.dma_semaphore, #tpu.memory_space<semaphore_mem>>)
      %dma_wait3A = arith.constant 0 : i32
      %dma_wait3A_104 = tpu.memref_slice %arg7[%add3A_26, %dma_wait3A] : memref<10000x80xf32, #tpu.memory_space<vmem_shared>> -> memref<40x80xf32, #tpu.memory_space<vmem_shared>>
      %dma_wait3A_105 = arith.constant 0 : i32
      %dma_wait3A_106 = tpu.memref_slice %arg7[%add3A_26, %dma_wait3A_105] : memref<10000x80xf32, #tpu.memory_space<vmem_shared>> -> memref<40x80xf32, #tpu.memory_space<vmem_shared>>
      tpu.wait_dma2 semaphore(%run_scoped3A_99 : memref<!tpu.dma_semaphore, #tpu.memory_space<semaphore_mem>>) src(%arg16 : memref<40x80xf32, #tpu.memory_space<vmem>>) dst(%dma_wait3A_106 : memref<40x80xf32, #tpu.memory_space<vmem_shared>>)
      tpu.yield
    }) : () -> ()
    %mul3A_27 = arith.constant 625 : i32
    %mul3A_28 = arith.muli %arg1, %mul3A_27 : i32
    %add3A_29 = arith.constant 200 : i32
    %add3A_30 = arith.addi %mul3A_28, %add3A_29 : i32
    "tpu.region"() ({
      %run_scoped3A_99 = tpu.sem_alloc : memref<!tpu.dma_semaphore, #tpu.memory_space<semaphore_mem>>
      %dma_start3A_100 = arith.constant 0 : i32
      %dma_start3A_101 = tpu.memref_slice %arg7[%add3A_30, %dma_start3A_100] : memref<10000x80xf32, #tpu.memory_space<vmem_shared>> -> memref<40x80xf32, #tpu.memory_space<vmem_shared>>
      %dma_start3A_102 = arith.constant 0 : i32
      %dma_start3A_103 = tpu.memref_slice %arg7[%add3A_30, %dma_start3A_102] : memref<10000x80xf32, #tpu.memory_space<vmem_shared>> -> memref<40x80xf32, #tpu.memory_space<vmem_shared>>
      tpu.enqueue_dma source(%arg16 : memref<40x80xf32, #tpu.memory_space<vmem>>) target(%dma_start3A_103 : memref<40x80xf32, #tpu.memory_space<vmem_shared>>) target_semaphore(%run_scoped3A_99 : memref<!tpu.dma_semaphore, #tpu.memory_space<semaphore_mem>>)
      %dma_wait3A = arith.constant 0 : i32
      %dma_wait3A_104 = tpu.memref_slice %arg7[%add3A_30, %dma_wait3A] : memref<10000x80xf32, #tpu.memory_space<vmem_shared>> -> memref<40x80xf32, #tpu.memory_space<vmem_shared>>
      %dma_wait3A_105 = arith.constant 0 : i32
      %dma_wait3A_106 = tpu.memref_slice %arg7[%add3A_30, %dma_wait3A_105] : memref<10000x80xf32, #tpu.memory_space<vmem_shared>> -> memref<40x80xf32, #tpu.memory_space<vmem_shared>>
      tpu.wait_dma2 semaphore(%run_scoped3A_99 : memref<!tpu.dma_semaphore, #tpu.memory_space<semaphore_mem>>) src(%arg16 : memref<40x80xf32, #tpu.memory_space<vmem>>) dst(%dma_wait3A_106 : memref<40x80xf32, #tpu.memory_space<vmem_shared>>)
      tpu.yield
    }) : () -> ()
    %mul3A_31 = arith.constant 625 : i32
    %mul3A_32 = arith.muli %arg1, %mul3A_31 : i32
    %add3A_33 = arith.constant 240 : i32
    %add3A_34 = arith.addi %mul3A_32, %add3A_33 : i32
    "tpu.region"() ({
      %run_scoped3A_99 = tpu.sem_alloc : memref<!tpu.dma_semaphore, #tpu.memory_space<semaphore_mem>>
      %dma_start3A_100 = arith.constant 0 : i32
      %dma_start3A_101 = tpu.memref_slice %arg7[%add3A_34, %dma_start3A_100] : memref<10000x80xf32, #tpu.memory_space<vmem_shared>> -> memref<40x80xf32, #tpu.memory_space<vmem_shared>>
      %dma_start3A_102 = arith.constant 0 : i32
      %dma_start3A_103 = tpu.memref_slice %arg7[%add3A_34, %dma_start3A_102] : memref<10000x80xf32, #tpu.memory_space<vmem_shared>> -> memref<40x80xf32, #tpu.memory_space<vmem_shared>>
      tpu.enqueue_dma source(%arg16 : memref<40x80xf32, #tpu.memory_space<vmem>>) target(%dma_start3A_103 : memref<40x80xf32, #tpu.memory_space<vmem_shared>>) target_semaphore(%run_scoped3A_99 : memref<!tpu.dma_semaphore, #tpu.memory_space<semaphore_mem>>)
      %dma_wait3A = arith.constant 0 : i32
      %dma_wait3A_104 = tpu.memref_slice %arg7[%add3A_34, %dma_wait3A] : memref<10000x80xf32, #tpu.memory_space<vmem_shared>> -> memref<40x80xf32, #tpu.memory_space<vmem_shared>>
      %dma_wait3A_105 = arith.constant 0 : i32
      %dma_wait3A_106 = tpu.memref_slice %arg7[%add3A_34, %dma_wait3A_105] : memref<10000x80xf32, #tpu.memory_space<vmem_shared>> -> memref<40x80xf32, #tpu.memory_space<vmem_shared>>
      tpu.wait_dma2 semaphore(%run_scoped3A_99 : memref<!tpu.dma_semaphore, #tpu.memory_space<semaphore_mem>>) src(%arg16 : memref<40x80xf32, #tpu.memory_space<vmem>>) dst(%dma_wait3A_106 : memref<40x80xf32, #tpu.memory_space<vmem_shared>>)
      tpu.yield
    }) : () -> ()
    %mul3A_35 = arith.constant 625 : i32
    %mul3A_36 = arith.muli %arg1, %mul3A_35 : i32
    %add3A_37 = arith.constant 280 : i32
    %add3A_38 = arith.addi %mul3A_36, %add3A_37 : i32
    "tpu.region"() ({
      %run_scoped3A_99 = tpu.sem_alloc : memref<!tpu.dma_semaphore, #tpu.memory_space<semaphore_mem>>
      %dma_start3A_100 = arith.constant 0 : i32
      %dma_start3A_101 = tpu.memref_slice %arg7[%add3A_38, %dma_start3A_100] : memref<10000x80xf32, #tpu.memory_space<vmem_shared>> -> memref<40x80xf32, #tpu.memory_space<vmem_shared>>
      %dma_start3A_102 = arith.constant 0 : i32
      %dma_start3A_103 = tpu.memref_slice %arg7[%add3A_38, %dma_start3A_102] : memref<10000x80xf32, #tpu.memory_space<vmem_shared>> -> memref<40x80xf32, #tpu.memory_space<vmem_shared>>
      tpu.enqueue_dma source(%arg16 : memref<40x80xf32, #tpu.memory_space<vmem>>) target(%dma_start3A_103 : memref<40x80xf32, #tpu.memory_space<vmem_shared>>) target_semaphore(%run_scoped3A_99 : memref<!tpu.dma_semaphore, #tpu.memory_space<semaphore_mem>>)
      %dma_wait3A = arith.constant 0 : i32
      %dma_wait3A_104 = tpu.memref_slice %arg7[%add3A_38, %dma_wait3A] : memref<10000x80xf32, #tpu.memory_space<vmem_shared>> -> memref<40x80xf32, #tpu.memory_space<vmem_shared>>
      %dma_wait3A_105 = arith.constant 0 : i32
      %dma_wait3A_106 = tpu.memref_slice %arg7[%add3A_38, %dma_wait3A_105] : memref<10000x80xf32, #tpu.memory_space<vmem_shared>> -> memref<40x80xf32, #tpu.memory_space<vmem_shared>>
      tpu.wait_dma2 semaphore(%run_scoped3A_99 : memref<!tpu.dma_semaphore, #tpu.memory_space<semaphore_mem>>) src(%arg16 : memref<40x80xf32, #tpu.memory_space<vmem>>) dst(%dma_wait3A_106 : memref<40x80xf32, #tpu.memory_space<vmem_shared>>)
      tpu.yield
    }) : () -> ()
    %mul3A_39 = arith.constant 625 : i32
    %mul3A_40 = arith.muli %arg1, %mul3A_39 : i32
    %add3A_41 = arith.constant 320 : i32
    %add3A_42 = arith.addi %mul3A_40, %add3A_41 : i32
    "tpu.region"() ({
      %run_scoped3A_99 = tpu.sem_alloc : memref<!tpu.dma_semaphore, #tpu.memory_space<semaphore_mem>>
      %dma_start3A_100 = arith.constant 0 : i32
      %dma_start3A_101 = tpu.memref_slice %arg7[%add3A_42, %dma_start3A_100] : memref<10000x80xf32, #tpu.memory_space<vmem_shared>> -> memref<40x80xf32, #tpu.memory_space<vmem_shared>>
      %dma_start3A_102 = arith.constant 0 : i32
      %dma_start3A_103 = tpu.memref_slice %arg7[%add3A_42, %dma_start3A_102] : memref<10000x80xf32, #tpu.memory_space<vmem_shared>> -> memref<40x80xf32, #tpu.memory_space<vmem_shared>>
      tpu.enqueue_dma source(%arg16 : memref<40x80xf32, #tpu.memory_space<vmem>>) target(%dma_start3A_103 : memref<40x80xf32, #tpu.memory_space<vmem_shared>>) target_semaphore(%run_scoped3A_99 : memref<!tpu.dma_semaphore, #tpu.memory_space<semaphore_mem>>)
      %dma_wait3A = arith.constant 0 : i32
      %dma_wait3A_104 = tpu.memref_slice %arg7[%add3A_42, %dma_wait3A] : memref<10000x80xf32, #tpu.memory_space<vmem_shared>> -> memref<40x80xf32, #tpu.memory_space<vmem_shared>>
      %dma_wait3A_105 = arith.constant 0 : i32
      %dma_wait3A_106 = tpu.memref_slice %arg7[%add3A_42, %dma_wait3A_105] : memref<10000x80xf32, #tpu.memory_space<vmem_shared>> -> memref<40x80xf32, #tpu.memory_space<vmem_shared>>
      tpu.wait_dma2 semaphore(%run_scoped3A_99 : memref<!tpu.dma_semaphore, #tpu.memory_space<semaphore_mem>>) src(%arg16 : memref<40x80xf32, #tpu.memory_space<vmem>>) dst(%dma_wait3A_106 : memref<40x80xf32, #tpu.memory_space<vmem_shared>>)
      tpu.yield
    }) : () -> ()
    %mul3A_43 = arith.constant 625 : i32
    %mul3A_44 = arith.muli %arg1, %mul3A_43 : i32
    %add3A_45 = arith.constant 360 : i32
    %add3A_46 = arith.addi %mul3A_44, %add3A_45 : i32
    "tpu.region"() ({
      %run_scoped3A_99 = tpu.sem_alloc : memref<!tpu.dma_semaphore, #tpu.memory_space<semaphore_mem>>
      %dma_start3A_100 = arith.constant 0 : i32
      %dma_start3A_101 = tpu.memref_slice %arg7[%add3A_46, %dma_start3A_100] : memref<10000x80xf32, #tpu.memory_space<vmem_shared>> -> memref<40x80xf32, #tpu.memory_space<vmem_shared>>
      %dma_start3A_102 = arith.constant 0 : i32
      %dma_start3A_103 = tpu.memref_slice %arg7[%add3A_46, %dma_start3A_102] : memref<10000x80xf32, #tpu.memory_space<vmem_shared>> -> memref<40x80xf32, #tpu.memory_space<vmem_shared>>
      tpu.enqueue_dma source(%arg16 : memref<40x80xf32, #tpu.memory_space<vmem>>) target(%dma_start3A_103 : memref<40x80xf32, #tpu.memory_space<vmem_shared>>) target_semaphore(%run_scoped3A_99 : memref<!tpu.dma_semaphore, #tpu.memory_space<semaphore_mem>>)
      %dma_wait3A = arith.constant 0 : i32
      %dma_wait3A_104 = tpu.memref_slice %arg7[%add3A_46, %dma_wait3A] : memref<10000x80xf32, #tpu.memory_space<vmem_shared>> -> memref<40x80xf32, #tpu.memory_space<vmem_shared>>
      %dma_wait3A_105 = arith.constant 0 : i32
      %dma_wait3A_106 = tpu.memref_slice %arg7[%add3A_46, %dma_wait3A_105] : memref<10000x80xf32, #tpu.memory_space<vmem_shared>> -> memref<40x80xf32, #tpu.memory_space<vmem_shared>>
      tpu.wait_dma2 semaphore(%run_scoped3A_99 : memref<!tpu.dma_semaphore, #tpu.memory_space<semaphore_mem>>) src(%arg16 : memref<40x80xf32, #tpu.memory_space<vmem>>) dst(%dma_wait3A_106 : memref<40x80xf32, #tpu.memory_space<vmem_shared>>)
      tpu.yield
    }) : () -> ()
    %mul3A_47 = arith.constant 625 : i32
    %mul3A_48 = arith.muli %arg1, %mul3A_47 : i32
    %add3A_49 = arith.constant 400 : i32
    %add3A_50 = arith.addi %mul3A_48, %add3A_49 : i32
    "tpu.region"() ({
      %run_scoped3A_99 = tpu.sem_alloc : memref<!tpu.dma_semaphore, #tpu.memory_space<semaphore_mem>>
      %dma_start3A_100 = arith.constant 0 : i32
      %dma_start3A_101 = tpu.memref_slice %arg7[%add3A_50, %dma_start3A_100] : memref<10000x80xf32, #tpu.memory_space<vmem_shared>> -> memref<40x80xf32, #tpu.memory_space<vmem_shared>>
      %dma_start3A_102 = arith.constant 0 : i32
      %dma_start3A_103 = tpu.memref_slice %arg7[%add3A_50, %dma_start3A_102] : memref<10000x80xf32, #tpu.memory_space<vmem_shared>> -> memref<40x80xf32, #tpu.memory_space<vmem_shared>>
      tpu.enqueue_dma source(%arg16 : memref<40x80xf32, #tpu.memory_space<vmem>>) target(%dma_start3A_103 : memref<40x80xf32, #tpu.memory_space<vmem_shared>>) target_semaphore(%run_scoped3A_99 : memref<!tpu.dma_semaphore, #tpu.memory_space<semaphore_mem>>)
      %dma_wait3A = arith.constant 0 : i32
      %dma_wait3A_104 = tpu.memref_slice %arg7[%add3A_50, %dma_wait3A] : memref<10000x80xf32, #tpu.memory_space<vmem_shared>> -> memref<40x80xf32, #tpu.memory_space<vmem_shared>>
      %dma_wait3A_105 = arith.constant 0 : i32
      %dma_wait3A_106 = tpu.memref_slice %arg7[%add3A_50, %dma_wait3A_105] : memref<10000x80xf32, #tpu.memory_space<vmem_shared>> -> memref<40x80xf32, #tpu.memory_space<vmem_shared>>
      tpu.wait_dma2 semaphore(%run_scoped3A_99 : memref<!tpu.dma_semaphore, #tpu.memory_space<semaphore_mem>>) src(%arg16 : memref<40x80xf32, #tpu.memory_space<vmem>>) dst(%dma_wait3A_106 : memref<40x80xf32, #tpu.memory_space<vmem_shared>>)
      tpu.yield
    }) : () -> ()
    %mul3A_51 = arith.constant 625 : i32
    %mul3A_52 = arith.muli %arg1, %mul3A_51 : i32
    %add3A_53 = arith.constant 440 : i32
    %add3A_54 = arith.addi %mul3A_52, %add3A_53 : i32
    "tpu.region"() ({
      %run_scoped3A_99 = tpu.sem_alloc : memref<!tpu.dma_semaphore, #tpu.memory_space<semaphore_mem>>
      %dma_start3A_100 = arith.constant 0 : i32
      %dma_start3A_101 = tpu.memref_slice %arg7[%add3A_54, %dma_start3A_100] : memref<10000x80xf32, #tpu.memory_space<vmem_shared>> -> memref<40x80xf32, #tpu.memory_space<vmem_shared>>
      %dma_start3A_102 = arith.constant 0 : i32
      %dma_start3A_103 = tpu.memref_slice %arg7[%add3A_54, %dma_start3A_102] : memref<10000x80xf32, #tpu.memory_space<vmem_shared>> -> memref<40x80xf32, #tpu.memory_space<vmem_shared>>
      tpu.enqueue_dma source(%arg16 : memref<40x80xf32, #tpu.memory_space<vmem>>) target(%dma_start3A_103 : memref<40x80xf32, #tpu.memory_space<vmem_shared>>) target_semaphore(%run_scoped3A_99 : memref<!tpu.dma_semaphore, #tpu.memory_space<semaphore_mem>>)
      %dma_wait3A = arith.constant 0 : i32
      %dma_wait3A_104 = tpu.memref_slice %arg7[%add3A_54, %dma_wait3A] : memref<10000x80xf32, #tpu.memory_space<vmem_shared>> -> memref<40x80xf32, #tpu.memory_space<vmem_shared>>
      %dma_wait3A_105 = arith.constant 0 : i32
      %dma_wait3A_106 = tpu.memref_slice %arg7[%add3A_54, %dma_wait3A_105] : memref<10000x80xf32, #tpu.memory_space<vmem_shared>> -> memref<40x80xf32, #tpu.memory_space<vmem_shared>>
      tpu.wait_dma2 semaphore(%run_scoped3A_99 : memref<!tpu.dma_semaphore, #tpu.memory_space<semaphore_mem>>) src(%arg16 : memref<40x80xf32, #tpu.memory_space<vmem>>) dst(%dma_wait3A_106 : memref<40x80xf32, #tpu.memory_space<vmem_shared>>)
      tpu.yield
    }) : () -> ()
    %mul3A_55 = arith.constant 625 : i32
    %mul3A_56 = arith.muli %arg1, %mul3A_55 : i32
    %add3A_57 = arith.constant 480 : i32
    %add3A_58 = arith.addi %mul3A_56, %add3A_57 : i32
    "tpu.region"() ({
      %run_scoped3A_99 = tpu.sem_alloc : memref<!tpu.dma_semaphore, #tpu.memory_space<semaphore_mem>>
      %dma_start3A_100 = arith.constant 0 : i32
      %dma_start3A_101 = tpu.memref_slice %arg7[%add3A_58, %dma_start3A_100] : memref<10000x80xf32, #tpu.memory_space<vmem_shared>> -> memref<40x80xf32, #tpu.memory_space<vmem_shared>>
      %dma_start3A_102 = arith.constant 0 : i32
      %dma_start3A_103 = tpu.memref_slice %arg7[%add3A_58, %dma_start3A_102] : memref<10000x80xf32, #tpu.memory_space<vmem_shared>> -> memref<40x80xf32, #tpu.memory_space<vmem_shared>>
      tpu.enqueue_dma source(%arg16 : memref<40x80xf32, #tpu.memory_space<vmem>>) target(%dma_start3A_103 : memref<40x80xf32, #tpu.memory_space<vmem_shared>>) target_semaphore(%run_scoped3A_99 : memref<!tpu.dma_semaphore, #tpu.memory_space<semaphore_mem>>)
      %dma_wait3A = arith.constant 0 : i32
      %dma_wait3A_104 = tpu.memref_slice %arg7[%add3A_58, %dma_wait3A] : memref<10000x80xf32, #tpu.memory_space<vmem_shared>> -> memref<40x80xf32, #tpu.memory_space<vmem_shared>>
      %dma_wait3A_105 = arith.constant 0 : i32
      %dma_wait3A_106 = tpu.memref_slice %arg7[%add3A_58, %dma_wait3A_105] : memref<10000x80xf32, #tpu.memory_space<vmem_shared>> -> memref<40x80xf32, #tpu.memory_space<vmem_shared>>
      tpu.wait_dma2 semaphore(%run_scoped3A_99 : memref<!tpu.dma_semaphore, #tpu.memory_space<semaphore_mem>>) src(%arg16 : memref<40x80xf32, #tpu.memory_space<vmem>>) dst(%dma_wait3A_106 : memref<40x80xf32, #tpu.memory_space<vmem_shared>>)
      tpu.yield
    }) : () -> ()
    %mul3A_59 = arith.constant 625 : i32
    %mul3A_60 = arith.muli %arg1, %mul3A_59 : i32
    %add3A_61 = arith.constant 520 : i32
    %add3A_62 = arith.addi %mul3A_60, %add3A_61 : i32
    "tpu.region"() ({
      %run_scoped3A_99 = tpu.sem_alloc : memref<!tpu.dma_semaphore, #tpu.memory_space<semaphore_mem>>
      %dma_start3A_100 = arith.constant 0 : i32
      %dma_start3A_101 = tpu.memref_slice %arg7[%add3A_62, %dma_start3A_100] : memref<10000x80xf32, #tpu.memory_space<vmem_shared>> -> memref<40x80xf32, #tpu.memory_space<vmem_shared>>
      %dma_start3A_102 = arith.constant 0 : i32
      %dma_start3A_103 = tpu.memref_slice %arg7[%add3A_62, %dma_start3A_102] : memref<10000x80xf32, #tpu.memory_space<vmem_shared>> -> memref<40x80xf32, #tpu.memory_space<vmem_shared>>
      tpu.enqueue_dma source(%arg16 : memref<40x80xf32, #tpu.memory_space<vmem>>) target(%dma_start3A_103 : memref<40x80xf32, #tpu.memory_space<vmem_shared>>) target_semaphore(%run_scoped3A_99 : memref<!tpu.dma_semaphore, #tpu.memory_space<semaphore_mem>>)
      %dma_wait3A = arith.constant 0 : i32
      %dma_wait3A_104 = tpu.memref_slice %arg7[%add3A_62, %dma_wait3A] : memref<10000x80xf32, #tpu.memory_space<vmem_shared>> -> memref<40x80xf32, #tpu.memory_space<vmem_shared>>
      %dma_wait3A_105 = arith.constant 0 : i32
      %dma_wait3A_106 = tpu.memref_slice %arg7[%add3A_62, %dma_wait3A_105] : memref<10000x80xf32, #tpu.memory_space<vmem_shared>> -> memref<40x80xf32, #tpu.memory_space<vmem_shared>>
      tpu.wait_dma2 semaphore(%run_scoped3A_99 : memref<!tpu.dma_semaphore, #tpu.memory_space<semaphore_mem>>) src(%arg16 : memref<40x80xf32, #tpu.memory_space<vmem>>) dst(%dma_wait3A_106 : memref<40x80xf32, #tpu.memory_space<vmem_shared>>)
      tpu.yield
    }) : () -> ()
    %mul3A_63 = arith.constant 625 : i32
    %mul3A_64 = arith.muli %arg1, %mul3A_63 : i32
    %add3A_65 = arith.constant 560 : i32
    %add3A_66 = arith.addi %mul3A_64, %add3A_65 : i32
    "tpu.region"() ({
      %run_scoped3A_99 = tpu.sem_alloc : memref<!tpu.dma_semaphore, #tpu.memory_space<semaphore_mem>>
      %dma_start3A_100 = arith.constant 0 : i32
      %dma_start3A_101 = tpu.memref_slice %arg7[%add3A_66, %dma_start3A_100] : memref<10000x80xf32, #tpu.memory_space<vmem_shared>> -> memref<40x80xf32, #tpu.memory_space<vmem_shared>>
      %dma_start3A_102 = arith.constant 0 : i32
      %dma_start3A_103 = tpu.memref_slice %arg7[%add3A_66, %dma_start3A_102] : memref<10000x80xf32, #tpu.memory_space<vmem_shared>> -> memref<40x80xf32, #tpu.memory_space<vmem_shared>>
      tpu.enqueue_dma source(%arg16 : memref<40x80xf32, #tpu.memory_space<vmem>>) target(%dma_start3A_103 : memref<40x80xf32, #tpu.memory_space<vmem_shared>>) target_semaphore(%run_scoped3A_99 : memref<!tpu.dma_semaphore, #tpu.memory_space<semaphore_mem>>)
      %dma_wait3A = arith.constant 0 : i32
      %dma_wait3A_104 = tpu.memref_slice %arg7[%add3A_66, %dma_wait3A] : memref<10000x80xf32, #tpu.memory_space<vmem_shared>> -> memref<40x80xf32, #tpu.memory_space<vmem_shared>>
      %dma_wait3A_105 = arith.constant 0 : i32
      %dma_wait3A_106 = tpu.memref_slice %arg7[%add3A_66, %dma_wait3A_105] : memref<10000x80xf32, #tpu.memory_space<vmem_shared>> -> memref<40x80xf32, #tpu.memory_space<vmem_shared>>
      tpu.wait_dma2 semaphore(%run_scoped3A_99 : memref<!tpu.dma_semaphore, #tpu.memory_space<semaphore_mem>>) src(%arg16 : memref<40x80xf32, #tpu.memory_space<vmem>>) dst(%dma_wait3A_106 : memref<40x80xf32, #tpu.memory_space<vmem_shared>>)
      tpu.yield
    }) : () -> ()
    %mul3A_67 = arith.constant 625 : i32
    %mul3A_68 = arith.muli %arg1, %mul3A_67 : i32
    %add3A_69 = arith.constant 600 : i32
    %add3A_70 = arith.addi %mul3A_68, %add3A_69 : i32
    "tpu.region"() ({
      %run_scoped3A_99 = tpu.sem_alloc : memref<!tpu.dma_semaphore, #tpu.memory_space<semaphore_mem>>
      %dma_start3A_100 = arith.constant 0 : i32
      %dma_start3A_101 = arith.constant 0 : i32
      %dma_start3A_102 = tpu.memref_slice %arg16[%dma_start3A_100, %dma_start3A_101] : memref<40x80xf32, #tpu.memory_space<vmem>> -> memref<25x80xf32, #tpu.memory_space<vmem>>
      %dma_start3A_103 = arith.constant 0 : i32
      %dma_start3A_104 = tpu.memref_slice %arg7[%add3A_70, %dma_start3A_103] : memref<10000x80xf32, #tpu.memory_space<vmem_shared>> -> memref<25x80xf32, #tpu.memory_space<vmem_shared>>
      %dma_start3A_105 = arith.constant 0 : i32
      %dma_start3A_106 = tpu.memref_slice %arg7[%add3A_70, %dma_start3A_105] : memref<10000x80xf32, #tpu.memory_space<vmem_shared>> -> memref<25x80xf32, #tpu.memory_space<vmem_shared>>
      %dma_start3A_107 = arith.constant 0 : i32
      %dma_start3A_108 = arith.constant 0 : i32
      %dma_start3A_109 = tpu.memref_slice %arg16[%dma_start3A_107, %dma_start3A_108] : memref<40x80xf32, #tpu.memory_space<vmem>> -> memref<25x80xf32, #tpu.memory_space<vmem>>
      tpu.enqueue_dma source(%dma_start3A_109 : memref<25x80xf32, #tpu.memory_space<vmem>>) target(%dma_start3A_106 : memref<25x80xf32, #tpu.memory_space<vmem_shared>>) target_semaphore(%run_scoped3A_99 : memref<!tpu.dma_semaphore, #tpu.memory_space<semaphore_mem>>)
      %dma_wait3A = arith.constant 0 : i32
      %dma_wait3A_110 = arith.constant 0 : i32
      %dma_wait3A_111 = tpu.memref_slice %arg16[%dma_wait3A, %dma_wait3A_110] : memref<40x80xf32, #tpu.memory_space<vmem>> -> memref<25x80xf32, #tpu.memory_space<vmem>>
      %dma_wait3A_112 = arith.constant 0 : i32
      %dma_wait3A_113 = tpu.memref_slice %arg7[%add3A_70, %dma_wait3A_112] : memref<10000x80xf32, #tpu.memory_space<vmem_shared>> -> memref<25x80xf32, #tpu.memory_space<vmem_shared>>
      %dma_wait3A_114 = arith.constant 0 : i32
      %dma_wait3A_115 = tpu.memref_slice %arg7[%add3A_70, %dma_wait3A_114] : memref<10000x80xf32, #tpu.memory_space<vmem_shared>> -> memref<25x80xf32, #tpu.memory_space<vmem_shared>>
      %dma_wait3A_116 = arith.constant 0 : i32
      %dma_wait3A_117 = arith.constant 0 : i32
      %dma_wait3A_118 = tpu.memref_slice %arg16[%dma_wait3A_116, %dma_wait3A_117] : memref<40x80xf32, #tpu.memory_space<vmem>> -> memref<25x80xf32, #tpu.memory_space<vmem>>
      tpu.wait_dma2 semaphore(%run_scoped3A_99 : memref<!tpu.dma_semaphore, #tpu.memory_space<semaphore_mem>>) src(%dma_wait3A_118 : memref<25x80xf32, #tpu.memory_space<vmem>>) dst(%dma_wait3A_115 : memref<25x80xf32, #tpu.memory_space<vmem_shared>>)
      tpu.yield
    }) : () -> ()
    "tpu.region"() ({
      %run_scoped3A_99 = tpu.sem_alloc : memref<!tpu.dma_semaphore, #tpu.memory_space<semaphore_mem>>
      tpu.enqueue_dma source(%arg5 : memref<64xf32, #tpu.memory_space<hbm>>) target(%arg17 : memref<64xf32, #tpu.memory_space<vmem>>) target_semaphore(%run_scoped3A_99 : memref<!tpu.dma_semaphore, #tpu.memory_space<semaphore_mem>>)
      tpu.wait_dma2 semaphore(%run_scoped3A_99 : memref<!tpu.dma_semaphore, #tpu.memory_space<semaphore_mem>>) src(%arg5 : memref<64xf32, #tpu.memory_space<hbm>>) dst(%arg17 : memref<64xf32, #tpu.memory_space<vmem>>)
      tpu.yield
    }) : () -> ()
    %barrier3A = arith.constant 0 : index
    tpu.barrier barrier_id(%barrier3A)
    %get3A = arith.constant 0 : index
    %get3A_71 = tpu.vector_load %arg17[%get3A] {strides = array<i32>} : memref<64xf32, #tpu.memory_space<vmem>>, vector<16xf32>,
    %get3A_72 = arith.constant 16 : index
    %get3A_73 = tpu.vector_load %arg17[%get3A_72] {strides = array<i32>} : memref<64xf32, #tpu.memory_space<vmem>>, vector<16xf32>,
    %get3A_74 = arith.constant 32 : index
    %get3A_75 = tpu.vector_load %arg17[%get3A_74] {strides = array<i32>} : memref<64xf32, #tpu.memory_space<vmem>>, vector<16xf32>,
    %get3A_76 = arith.constant 48 : index
    %get3A_77 = tpu.vector_load %arg17[%get3A_76] {strides = array<i32>} : memref<64xf32, #tpu.memory_space<vmem>>, vector<16xf32>,
    %mul3A_78 = arith.constant 10000 : i32
    %mul3A_79 = arith.muli %add3A, %mul3A_78 : i32
    %add3A_80 = arith.constant 0 : i32
    %add3A_81 = arith.addi %mul3A_79, %add3A_80 : i32
    %run_scoped3A = arith.constant 0 : i32
    "tpu.region"() ({
      %run_scoped3A_99 = tpu.sem_alloc : memref<!tpu.dma_semaphore, #tpu.memory_space<semaphore_mem>>
      %dma_start3A_100 = tpu.memref_slice %arg4[%run_scoped3A, %add3A_81] : memref<2x320000xi32, #tpu.memory_space<hbm>> -> memref<1x40xi32, #tpu.memory_space<hbm>>
      %dma_start3A_101 = tpu.memref_squeeze %dma_start3A_100 : memref<1x40xi32, #tpu.memory_space<hbm>> -> memref<40xi32, #tpu.memory_space<hbm>>
      %dma_start3A_102 = tpu.memref_slice %arg4[%run_scoped3A, %add3A_81] : memref<2x320000xi32, #tpu.memory_space<hbm>> -> memref<1x40xi32, #tpu.memory_space<hbm>>
      %dma_start3A_103 = tpu.memref_squeeze %dma_start3A_102 : memref<1x40xi32, #tpu.memory_space<hbm>> -> memref<40xi32, #tpu.memory_space<hbm>>
      tpu.enqueue_dma source(%dma_start3A_103 : memref<40xi32, #tpu.memory_space<hbm>>) target(%arg8 : memref<40xi32, #tpu.memory_space<vmem>>) target_semaphore(%run_scoped3A_99 : memref<!tpu.dma_semaphore, #tpu.memory_space<semaphore_mem>>)
      %dma_wait3A = tpu.memref_slice %arg4[%run_scoped3A, %add3A_81] : memref<2x320000xi32, #tpu.memory_space<hbm>> -> memref<1x40xi32, #tpu.memory_space<hbm>>
      %dma_wait3A_104 = tpu.memref_squeeze %dma_wait3A : memref<1x40xi32, #tpu.memory_space<hbm>> -> memref<40xi32, #tpu.memory_space<hbm>>
      %dma_wait3A_105 = tpu.memref_slice %arg4[%run_scoped3A, %add3A_81] : memref<2x320000xi32, #tpu.memory_space<hbm>> -> memref<1x40xi32, #tpu.memory_space<hbm>>
      %dma_wait3A_106 = tpu.memref_squeeze %dma_wait3A_105 : memref<1x40xi32, #tpu.memory_space<hbm>> -> memref<40xi32, #tpu.memory_space<hbm>>
      tpu.wait_dma2 semaphore(%run_scoped3A_99 : memref<!tpu.dma_semaphore, #tpu.memory_space<semaphore_mem>>) src(%dma_wait3A_106 : memref<40xi32, #tpu.memory_space<hbm>>) dst(%arg8 : memref<40xi32, #tpu.memory_space<vmem>>)
      tpu.yield
    }) : () -> ()
    %run_scoped3A_82 = arith.constant 1 : i32
    "tpu.region"() ({
      %run_scoped3A_99 = tpu.sem_alloc : memref<!tpu.dma_semaphore, #tpu.memory_space<semaphore_mem>>
      %dma_start3A_100 = tpu.memref_slice %arg4[%run_scoped3A_82, %add3A_81] : memref<2x320000xi32, #tpu.memory_space<hbm>> -> memref<1x40xi32, #tpu.memory_space<hbm>>
      %dma_start3A_101 = tpu.memref_squeeze %dma_start3A_100 : memref<1x40xi32, #tpu.memory_space<hbm>> -> memref<40xi32, #tpu.memory_space<hbm>>
      %dma_start3A_102 = tpu.memref_slice %arg4[%run_scoped3A_82, %add3A_81] : memref<2x320000xi32, #tpu.memory_space<hbm>> -> memref<1x40xi32, #tpu.memory_space<hbm>>
      %dma_start3A_103 = tpu.memref_squeeze %dma_start3A_102 : memref<1x40xi32, #tpu.memory_space<hbm>> -> memref<40xi32, #tpu.memory_space<hbm>>
      tpu.enqueue_dma source(%dma_start3A_103 : memref<40xi32, #tpu.memory_space<hbm>>) target(%arg9 : memref<40xi32, #tpu.memory_space<vmem>>) target_semaphore(%run_scoped3A_99 : memref<!tpu.dma_semaphore, #tpu.memory_space<semaphore_mem>>)
      %dma_wait3A = tpu.memref_slice %arg4[%run_scoped3A_82, %add3A_81] : memref<2x320000xi32, #tpu.memory_space<hbm>> -> memref<1x40xi32, #tpu.memory_space<hbm>>
      %dma_wait3A_104 = tpu.memref_squeeze %dma_wait3A : memref<1x40xi32, #tpu.memory_space<hbm>> -> memref<40xi32, #tpu.memory_space<hbm>>
      %dma_wait3A_105 = tpu.memref_slice %arg4[%run_scoped3A_82, %add3A_81] : memref<2x320000xi32, #tpu.memory_space<hbm>> -> memref<1x40xi32, #tpu.memory_space<hbm>>
      %dma_wait3A_106 = tpu.memref_squeeze %dma_wait3A_105 : memref<1x40xi32, #tpu.memory_space<hbm>> -> memref<40xi32, #tpu.memory_space<hbm>>
      tpu.wait_dma2 semaphore(%run_scoped3A_99 : memref<!tpu.dma_semaphore, #tpu.memory_space<semaphore_mem>>) src(%dma_wait3A_106 : memref<40xi32, #tpu.memory_space<hbm>>) dst(%arg9 : memref<40xi32, #tpu.memory_space<vmem>>)
      tpu.yield
    }) : () -> ()
    %dma_start3A = arith.constant 0 : i32
    %dma_start3A_83 = arith.constant 0 : i32
    %dma_start3A_84 = tpu.memref_slice %arg2[%dma_start3A, %dma_start3A_83] : memref<10000x64xf32, #tpu.memory_space<hbm>> -> memref<10000x64xf32, #tpu.memory_space<hbm>>
    tpu.enqueue_indirect_dma source(%dma_start3A_84 : memref<10000x64xf32, #tpu.memory_space<hbm>>) target(%arg12 : memref<40x64xf32, #tpu.memory_space<vmem>>) offsets(%arg8 : memref<40xi32, #tpu.memory_space<vmem>>) semaphore(%arg18 : memref<!tpu.dma_semaphore, #tpu.memory_space<semaphore_mem>>)
    %dma_start3A_85 = arith.constant 0 : i32
    %dma_start3A_86 = arith.constant 0 : i32
    %dma_start3A_87 = tpu.memref_slice %arg3[%dma_start3A_85, %dma_start3A_86] : memref<10000x64xf32, #tpu.memory_space<hbm>> -> memref<10000x64xf32, #tpu.memory_space<hbm>>
    tpu.enqueue_indirect_dma source(%dma_start3A_87 : memref<10000x64xf32, #tpu.memory_space<hbm>>) target(%arg13 : memref<40x64xf32, #tpu.memory_space<vmem>>) offsets(%arg9 : memref<40xi32, #tpu.memory_space<vmem>>) semaphore(%arg19 : memref<!tpu.dma_semaphore, #tpu.memory_space<semaphore_mem>>)
    %scan3A_88 = arith.constant 0 : i32
    %scan3A_89 = arith.constant 0 : i32
    %scan3A_90 = arith.constant 125 : i32
    %scan3A_91 = arith.addi %scan3A_89, %scan3A_90 : i32
    %scan3A_92 = arith.constant 1 : i32
    scf.for %scan3A_99 = %scan3A_89 to %scan3A_91 step %scan3A_92  : i32 {
      %mul3A_100 = arith.constant 2 : i32
      %mul3A_101 = arith.muli %mul3A_100, %scan3A_99 : i32
      %add3A_102 = arith.constant 1 : i32
      %add3A_103 = arith.addi %mul3A_101, %add3A_102 : i32
      %lt3A = arith.constant 250 : i32
      %lt3A_104 = arith.cmpi slt, %add3A_103, %lt3A : i32
      %convert_element_type3A = arith.extui %lt3A_104 : i1 to i32
      %cond3A = arith.constant 0 : i32
      %cond3A_105 = arith.cmpi ne, %convert_element_type3A, %cond3A : i32
      scf.if %cond3A_105 {
        %add3A_133 = arith.constant 1 : i32
        %add3A_134 = arith.addi %mul3A_101, %add3A_133 : i32
        %mul3A_135 = arith.constant 10000 : i32
        %mul3A_136 = arith.muli %add3A, %mul3A_135 : i32
        %mul3A_137 = arith.constant 40 : i32
        %mul3A_138 = arith.muli %add3A_134, %mul3A_137 : i32
        %add3A_139 = arith.addi %mul3A_136, %mul3A_138 : i32
        %run_scoped3A_140 = arith.constant 0 : i32
        "tpu.region"() ({
          %run_scoped3A_148 = tpu.sem_alloc : memref<!tpu.dma_semaphore, #tpu.memory_space<semaphore_mem>>
          %dma_start3A_149 = tpu.memref_slice %arg4[%run_scoped3A_140, %add3A_139] : memref<2x320000xi32, #tpu.memory_space<hbm>> -> memref<1x40xi32, #tpu.memory_space<hbm>>
          %dma_start3A_150 = tpu.memref_squeeze %dma_start3A_149 : memref<1x40xi32, #tpu.memory_space<hbm>> -> memref<40xi32, #tpu.memory_space<hbm>>
          %dma_start3A_151 = tpu.memref_slice %arg4[%run_scoped3A_140, %add3A_139] : memref<2x320000xi32, #tpu.memory_space<hbm>> -> memref<1x40xi32, #tpu.memory_space<hbm>>
          %dma_start3A_152 = tpu.memref_squeeze %dma_start3A_151 : memref<1x40xi32, #tpu.memory_space<hbm>> -> memref<40xi32, #tpu.memory_space<hbm>>
          tpu.enqueue_dma source(%dma_start3A_152 : memref<40xi32, #tpu.memory_space<hbm>>) target(%arg10 : memref<40xi32, #tpu.memory_space<vmem>>) target_semaphore(%run_scoped3A_148 : memref<!tpu.dma_semaphore, #tpu.memory_space<semaphore_mem>>)
          %dma_wait3A_153 = tpu.memref_slice %arg4[%run_scoped3A_140, %add3A_139] : memref<2x320000xi32, #tpu.memory_space<hbm>> -> memref<1x40xi32, #tpu.memory_space<hbm>>
          %dma_wait3A_154 = tpu.memref_squeeze %dma_wait3A_153 : memref<1x40xi32, #tpu.memory_space<hbm>> -> memref<40xi32, #tpu.memory_space<hbm>>
          %dma_wait3A_155 = tpu.memref_slice %arg4[%run_scoped3A_140, %add3A_139] : memref<2x320000xi32, #tpu.memory_space<hbm>> -> memref<1x40xi32, #tpu.memory_space<hbm>>
          %dma_wait3A_156 = tpu.memref_squeeze %dma_wait3A_155 : memref<1x40xi32, #tpu.memory_space<hbm>> -> memref<40xi32, #tpu.memory_space<hbm>>
          tpu.wait_dma2 semaphore(%run_scoped3A_148 : memref<!tpu.dma_semaphore, #tpu.memory_space<semaphore_mem>>) src(%dma_wait3A_156 : memref<40xi32, #tpu.memory_space<hbm>>) dst(%arg10 : memref<40xi32, #tpu.memory_space<vmem>>)
          tpu.yield
        }) : () -> ()
        %run_scoped3A_141 = arith.constant 1 : i32
        "tpu.region"() ({
          %run_scoped3A_148 = tpu.sem_alloc : memref<!tpu.dma_semaphore, #tpu.memory_space<semaphore_mem>>
          %dma_start3A_149 = tpu.memref_slice %arg4[%run_scoped3A_141, %add3A_139] : memref<2x320000xi32, #tpu.memory_space<hbm>> -> memref<1x40xi32, #tpu.memory_space<hbm>>
          %dma_start3A_150 = tpu.memref_squeeze %dma_start3A_149 : memref<1x40xi32, #tpu.memory_space<hbm>> -> memref<40xi32, #tpu.memory_space<hbm>>
          %dma_start3A_151 = tpu.memref_slice %arg4[%run_scoped3A_141, %add3A_139] : memref<2x320000xi32, #tpu.memory_space<hbm>> -> memref<1x40xi32, #tpu.memory_space<hbm>>
          %dma_start3A_152 = tpu.memref_squeeze %dma_start3A_151 : memref<1x40xi32, #tpu.memory_space<hbm>> -> memref<40xi32, #tpu.memory_space<hbm>>
          tpu.enqueue_dma source(%dma_start3A_152 : memref<40xi32, #tpu.memory_space<hbm>>) target(%arg11 : memref<40xi32, #tpu.memory_space<vmem>>) target_semaphore(%run_scoped3A_148 : memref<!tpu.dma_semaphore, #tpu.memory_space<semaphore_mem>>)
          %dma_wait3A_153 = tpu.memref_slice %arg4[%run_scoped3A_141, %add3A_139] : memref<2x320000xi32, #tpu.memory_space<hbm>> -> memref<1x40xi32, #tpu.memory_space<hbm>>
          %dma_wait3A_154 = tpu.memref_squeeze %dma_wait3A_153 : memref<1x40xi32, #tpu.memory_space<hbm>> -> memref<40xi32, #tpu.memory_space<hbm>>
          %dma_wait3A_155 = tpu.memref_slice %arg4[%run_scoped3A_141, %add3A_139] : memref<2x320000xi32, #tpu.memory_space<hbm>> -> memref<1x40xi32, #tpu.memory_space<hbm>>
          %dma_wait3A_156 = tpu.memref_squeeze %dma_wait3A_155 : memref<1x40xi32, #tpu.memory_space<hbm>> -> memref<40xi32, #tpu.memory_space<hbm>>
          tpu.wait_dma2 semaphore(%run_scoped3A_148 : memref<!tpu.dma_semaphore, #tpu.memory_space<semaphore_mem>>) src(%dma_wait3A_156 : memref<40xi32, #tpu.memory_space<hbm>>) dst(%arg11 : memref<40xi32, #tpu.memory_space<vmem>>)
          tpu.yield
        }) : () -> ()
        %dma_start3A_142 = arith.constant 0 : i32
        %dma_start3A_143 = arith.constant 0 : i32
        %dma_start3A_144 = tpu.memref_slice %arg2[%dma_start3A_142, %dma_start3A_143] : memref<10000x64xf32, #tpu.memory_space<hbm>> -> memref<10000x64xf32, #tpu.memory_space<hbm>>
        tpu.enqueue_indirect_dma source(%dma_start3A_144 : memref<10000x64xf32, #tpu.memory_space<hbm>>) target(%arg14 : memref<40x64xf32, #tpu.memory_space<vmem>>) offsets(%arg10 : memref<40xi32, #tpu.memory_space<vmem>>) semaphore(%arg20 : memref<!tpu.dma_semaphore, #tpu.memory_space<semaphore_mem>>)
        %dma_start3A_145 = arith.constant 0 : i32
        %dma_start3A_146 = arith.constant 0 : i32
        %dma_start3A_147 = tpu.memref_slice %arg3[%dma_start3A_145, %dma_start3A_146] : memref<10000x64xf32, #tpu.memory_space<hbm>> -> memref<10000x64xf32, #tpu.memory_space<hbm>>
        tpu.enqueue_indirect_dma source(%dma_start3A_147 : memref<10000x64xf32, #tpu.memory_space<hbm>>) target(%arg15 : memref<40x64xf32, #tpu.memory_space<vmem>>) offsets(%arg11 : memref<40xi32, #tpu.memory_space<vmem>>) semaphore(%arg21 : memref<!tpu.dma_semaphore, #tpu.memory_space<semaphore_mem>>)
      } else {
      }
      %dma_wait3A = arith.constant 0 : i32
      %dma_wait3A_106 = arith.constant 0 : i32
      %dma_wait3A_107 = tpu.memref_slice %arg2[%dma_wait3A, %dma_wait3A_106] : memref<10000x64xf32, #tpu.memory_space<hbm>> -> memref<10000x64xf32, #tpu.memory_space<hbm>>
      tpu.wait_indirect_dma semaphore(%arg18 : memref<!tpu.dma_semaphore, #tpu.memory_space<semaphore_mem>>) src(%dma_wait3A_107 : memref<10000x64xf32, #tpu.memory_space<hbm>>) dst(%arg12 : memref<40x64xf32, #tpu.memory_space<vmem>>)
      %dma_wait3A_108 = arith.constant 0 : i32
      %dma_wait3A_109 = arith.constant 0 : i32
      %dma_wait3A_110 = tpu.memref_slice %arg3[%dma_wait3A_108, %dma_wait3A_109] : memref<10000x64xf32, #tpu.memory_space<hbm>> -> memref<10000x64xf32, #tpu.memory_space<hbm>>
      tpu.wait_indirect_dma semaphore(%arg19 : memref<!tpu.dma_semaphore, #tpu.memory_space<semaphore_mem>>) src(%dma_wait3A_110 : memref<10000x64xf32, #tpu.memory_space<hbm>>) dst(%arg13 : memref<40x64xf32, #tpu.memory_space<vmem>>)
      %parallel_loop3A = arith.constant 0 : i32
      %parallel_loop3A_111 = arith.constant 40 : i32
      %parallel_loop3A_112 = arith.constant 1 : i32
      scf.for %parallel_loop3A_133 = %parallel_loop3A to %parallel_loop3A_111 step %parallel_loop3A_112  : i32 {
        %parallel_loop3A_134 = arith.index_cast %parallel_loop3A_133 : i32 to index
        %parallel_loop3A_135 = arith.constant 0 : index
        %parallel_loop3A_136 = tpu.vector_load %arg12[%parallel_loop3A_134, %parallel_loop3A_135] {strides = array<i32>} : memref<40x64xf32, #tpu.memory_space<vmem>>, vector<16xf32>,
        %parallel_loop3A_137 = arith.index_cast %parallel_loop3A_133 : i32 to index
        %parallel_loop3A_138 = arith.constant 16 : index
        %parallel_loop3A_139 = tpu.vector_load %arg12[%parallel_loop3A_137, %parallel_loop3A_138] {strides = array<i32>} : memref<40x64xf32, #tpu.memory_space<vmem>>, vector<16xf32>,
        %parallel_loop3A_140 = arith.index_cast %parallel_loop3A_133 : i32 to index
        %parallel_loop3A_141 = arith.constant 32 : index
        %parallel_loop3A_142 = tpu.vector_load %arg12[%parallel_loop3A_140, %parallel_loop3A_141] {strides = array<i32>} : memref<40x64xf32, #tpu.memory_space<vmem>>, vector<16xf32>,
        %parallel_loop3A_143 = arith.index_cast %parallel_loop3A_133 : i32 to index
        %parallel_loop3A_144 = arith.constant 48 : index
        %parallel_loop3A_145 = tpu.vector_load %arg12[%parallel_loop3A_143, %parallel_loop3A_144] {strides = array<i32>} : memref<40x64xf32, #tpu.memory_space<vmem>>, vector<16xf32>,
        %parallel_loop3A_146 = arith.index_cast %parallel_loop3A_133 : i32 to index
        %parallel_loop3A_147 = arith.constant 0 : index
        %parallel_loop3A_148 = tpu.vector_load %arg13[%parallel_loop3A_146, %parallel_loop3A_147] {strides = array<i32>} : memref<40x64xf32, #tpu.memory_space<vmem>>, vector<16xf32>,
        %parallel_loop3A_149 = arith.addf %parallel_loop3A_136, %parallel_loop3A_148 : vector<16xf32>
        %parallel_loop3A_150 = arith.constant 2.000000e-01 : f32
        %parallel_loop3A_151 = vector.broadcast %parallel_loop3A_150 : f32 to vector<16xf32>
        %parallel_loop3A_152 = arith.mulf %parallel_loop3A_151, %parallel_loop3A_149 : vector<16xf32>
        %parallel_loop3A_153 = arith.maximumf %parallel_loop3A_149, %parallel_loop3A_152 : vector<16xf32>
        %parallel_loop3A_154 = arith.mulf %parallel_loop3A_153, %get3A_71 : vector<16xf32>
        %parallel_loop3A_155 = arith.index_cast %parallel_loop3A_133 : i32 to index
        %parallel_loop3A_156 = arith.constant 16 : index
        %parallel_loop3A_157 = tpu.vector_load %arg13[%parallel_loop3A_155, %parallel_loop3A_156] {strides = array<i32>} : memref<40x64xf32, #tpu.memory_space<vmem>>, vector<16xf32>,
        %parallel_loop3A_158 = arith.addf %parallel_loop3A_139, %parallel_loop3A_157 : vector<16xf32>
        %parallel_loop3A_159 = arith.constant 2.000000e-01 : f32
        %parallel_loop3A_160 = vector.broadcast %parallel_loop3A_159 : f32 to vector<16xf32>
        %parallel_loop3A_161 = arith.mulf %parallel_loop3A_160, %parallel_loop3A_158 : vector<16xf32>
        %parallel_loop3A_162 = arith.maximumf %parallel_loop3A_158, %parallel_loop3A_161 : vector<16xf32>
        %parallel_loop3A_163 = arith.mulf %parallel_loop3A_162, %get3A_73 : vector<16xf32>
        %parallel_loop3A_164 = arith.index_cast %parallel_loop3A_133 : i32 to index
        %parallel_loop3A_165 = arith.constant 32 : index
        %parallel_loop3A_166 = tpu.vector_load %arg13[%parallel_loop3A_164, %parallel_loop3A_165] {strides = array<i32>} : memref<40x64xf32, #tpu.memory_space<vmem>>, vector<16xf32>,
        %parallel_loop3A_167 = arith.addf %parallel_loop3A_142, %parallel_loop3A_166 : vector<16xf32>
        %parallel_loop3A_168 = arith.constant 2.000000e-01 : f32
        %parallel_loop3A_169 = vector.broadcast %parallel_loop3A_168 : f32 to vector<16xf32>
        %parallel_loop3A_170 = arith.mulf %parallel_loop3A_169, %parallel_loop3A_167 : vector<16xf32>
        %parallel_loop3A_171 = arith.maximumf %parallel_loop3A_167, %parallel_loop3A_170 : vector<16xf32>
        %parallel_loop3A_172 = arith.mulf %parallel_loop3A_171, %get3A_75 : vector<16xf32>
        %parallel_loop3A_173 = arith.index_cast %parallel_loop3A_133 : i32 to index
        %parallel_loop3A_174 = arith.constant 48 : index
        %parallel_loop3A_175 = tpu.vector_load %arg13[%parallel_loop3A_173, %parallel_loop3A_174] {strides = array<i32>} : memref<40x64xf32, #tpu.memory_space<vmem>>, vector<16xf32>,
        %parallel_loop3A_176 = arith.addf %parallel_loop3A_145, %parallel_loop3A_175 : vector<16xf32>
        %parallel_loop3A_177 = arith.constant 2.000000e-01 : f32
        %parallel_loop3A_178 = vector.broadcast %parallel_loop3A_177 : f32 to vector<16xf32>
        %parallel_loop3A_179 = arith.mulf %parallel_loop3A_178, %parallel_loop3A_176 : vector<16xf32>
        %parallel_loop3A_180 = arith.maximumf %parallel_loop3A_176, %parallel_loop3A_179 : vector<16xf32>
        %parallel_loop3A_181 = arith.mulf %parallel_loop3A_180, %get3A_77 : vector<16xf32>
        %parallel_loop3A_182 = arith.addf %parallel_loop3A_154, %parallel_loop3A_163 : vector<16xf32>
        %parallel_loop3A_183 = arith.addf %parallel_loop3A_182, %parallel_loop3A_172 : vector<16xf32>
        %parallel_loop3A_184 = arith.addf %parallel_loop3A_183, %parallel_loop3A_181 : vector<16xf32>
        %parallel_loop3A_185 = arith.constant true
        %parallel_loop3A_186 = vector.broadcast %parallel_loop3A_185 : i1 to vector<16xi1>
        %parallel_loop3A_187 = tpu.scan <sum>, %parallel_loop3A_184 masked %parallel_loop3A_186 : vector<16xf32>, vector<16xi1> -> vector<16xf32>
        %parallel_loop3A_188 = vector.extract %parallel_loop3A_187[15] : f32 from vector<16xf32>
        %parallel_loop3A_189 = vector.broadcast %parallel_loop3A_188 : f32 to vector<16xf32>
        %parallel_loop3A_190 = math.exp %parallel_loop3A_189 : vector<16xf32>
        %parallel_loop3A_191 = arith.mulf %parallel_loop3A_136, %parallel_loop3A_190 : vector<16xf32>
        %parallel_loop3A_192 = arith.index_cast %parallel_loop3A_133 : i32 to index
        %parallel_loop3A_193 = arith.constant 0 : index
        %parallel_loop3A_194 = tpu.vector_load %arg16[%parallel_loop3A_192, %parallel_loop3A_193] {strides = array<i32>} : memref<40x80xf32, #tpu.memory_space<vmem>>, vector<16xf32>,
        tpu.vector_store %arg16[%parallel_loop3A_192, %parallel_loop3A_193], %parallel_loop3A_191 {strides = array<i32>} : memref<40x80xf32, #tpu.memory_space<vmem>>, vector<16xf32>,
        %parallel_loop3A_195 = arith.mulf %parallel_loop3A_139, %parallel_loop3A_190 : vector<16xf32>
        %parallel_loop3A_196 = arith.index_cast %parallel_loop3A_133 : i32 to index
        %parallel_loop3A_197 = arith.constant 16 : index
        %parallel_loop3A_198 = tpu.vector_load %arg16[%parallel_loop3A_196, %parallel_loop3A_197] {strides = array<i32>} : memref<40x80xf32, #tpu.memory_space<vmem>>, vector<16xf32>,
        tpu.vector_store %arg16[%parallel_loop3A_196, %parallel_loop3A_197], %parallel_loop3A_195 {strides = array<i32>} : memref<40x80xf32, #tpu.memory_space<vmem>>, vector<16xf32>,
        %parallel_loop3A_199 = arith.mulf %parallel_loop3A_142, %parallel_loop3A_190 : vector<16xf32>
        %parallel_loop3A_200 = arith.index_cast %parallel_loop3A_133 : i32 to index
        %parallel_loop3A_201 = arith.constant 32 : index
        %parallel_loop3A_202 = tpu.vector_load %arg16[%parallel_loop3A_200, %parallel_loop3A_201] {strides = array<i32>} : memref<40x80xf32, #tpu.memory_space<vmem>>, vector<16xf32>,
        tpu.vector_store %arg16[%parallel_loop3A_200, %parallel_loop3A_201], %parallel_loop3A_199 {strides = array<i32>} : memref<40x80xf32, #tpu.memory_space<vmem>>, vector<16xf32>,
        %parallel_loop3A_203 = arith.mulf %parallel_loop3A_145, %parallel_loop3A_190 : vector<16xf32>
        %parallel_loop3A_204 = arith.index_cast %parallel_loop3A_133 : i32 to index
        %parallel_loop3A_205 = arith.constant 48 : index
        %parallel_loop3A_206 = tpu.vector_load %arg16[%parallel_loop3A_204, %parallel_loop3A_205] {strides = array<i32>} : memref<40x80xf32, #tpu.memory_space<vmem>>, vector<16xf32>,
        tpu.vector_store %arg16[%parallel_loop3A_204, %parallel_loop3A_205], %parallel_loop3A_203 {strides = array<i32>} : memref<40x80xf32, #tpu.memory_space<vmem>>, vector<16xf32>,
        %parallel_loop3A_207 = arith.constant 0 : i32
        %parallel_loop3A_208 = vector.broadcast %parallel_loop3A_207 : i32 to vector<16xi32>
        %parallel_loop3A_209 = arith.cmpi eq, %iota3A, %parallel_loop3A_208 : vector<16xi32>
        %parallel_loop3A_210 = arith.select %parallel_loop3A_209, %parallel_loop3A_190, %broadcast_in_dim3A_1 : vector<16xi1>, vector<16xf32>
        %parallel_loop3A_211 = arith.index_cast %parallel_loop3A_133 : i32 to index
        %parallel_loop3A_212 = arith.constant 64 : index
        %parallel_loop3A_213 = tpu.vector_load %arg16[%parallel_loop3A_211, %parallel_loop3A_212] {strides = array<i32>} : memref<40x80xf32, #tpu.memory_space<vmem>>, vector<16xf32>,
        tpu.vector_store %arg16[%parallel_loop3A_211, %parallel_loop3A_212], %parallel_loop3A_210 {strides = array<i32>} : memref<40x80xf32, #tpu.memory_space<vmem>>, vector<16xf32>,
      } {sc.loop_unroll_factor = 4 : i64, sc.parallel_access}
      "tpu.region"() ({
        %run_scoped3A_133 = tpu.sem_alloc : memref<!tpu.dma_semaphore, #tpu.memory_space<semaphore_mem>>
        %dma_start3A_134 = arith.constant 0 : i32
        %dma_start3A_135 = arith.constant 0 : i32
        %dma_start3A_136 = tpu.memref_slice %arg7[%dma_start3A_134, %dma_start3A_135] : memref<10000x80xf32, #tpu.memory_space<vmem_shared>> -> memref<10000x80xf32, #tpu.memory_space<vmem_shared>>
        tpu.enqueue_indirect_dma source(%arg16 : memref<40x80xf32, #tpu.memory_space<vmem>>) target(%dma_start3A_136 : memref<10000x80xf32, #tpu.memory_space<vmem_shared>>) offsets(%arg9 : memref<40xi32, #tpu.memory_space<vmem>>) semaphore(%run_scoped3A_133 : memref<!tpu.dma_semaphore, #tpu.memory_space<semaphore_mem>>) {add = true}
        %dma_wait3A_137 = arith.constant 0 : i32
        %dma_wait3A_138 = arith.constant 0 : i32
        %dma_wait3A_139 = tpu.memref_slice %arg7[%dma_wait3A_137, %dma_wait3A_138] : memref<10000x80xf32, #tpu.memory_space<vmem_shared>> -> memref<10000x80xf32, #tpu.memory_space<vmem_shared>>
        tpu.wait_indirect_dma semaphore(%run_scoped3A_133 : memref<!tpu.dma_semaphore, #tpu.memory_space<semaphore_mem>>) src(%arg16 : memref<40x80xf32, #tpu.memory_space<vmem>>) dst(%dma_wait3A_139 : memref<10000x80xf32, #tpu.memory_space<vmem_shared>>)
        tpu.yield
      }) : () -> ()
      %mul3A_113 = arith.constant 2 : i32
      %mul3A_114 = arith.muli %mul3A_113, %scan3A_99 : i32
      %add3A_115 = arith.constant 1 : i32
      %add3A_116 = arith.addi %mul3A_114, %add3A_115 : i32
      %add3A_117 = arith.constant 1 : i32
      %add3A_118 = arith.addi %add3A_116, %add3A_117 : i32
      %lt3A_119 = arith.constant 250 : i32
      %lt3A_120 = arith.cmpi slt, %add3A_118, %lt3A_119 : i32
      %convert_element_type3A_121 = arith.extui %lt3A_120 : i1 to i32
      %cond3A_122 = arith.constant 0 : i32
      %cond3A_123 = arith.cmpi ne, %convert_element_type3A_121, %cond3A_122 : i32
      scf.if %cond3A_123 {
        %add3A_133 = arith.constant 1 : i32
        %add3A_134 = arith.addi %add3A_116, %add3A_133 : i32
        %mul3A_135 = arith.constant 10000 : i32
        %mul3A_136 = arith.muli %add3A, %mul3A_135 : i32
        %mul3A_137 = arith.constant 40 : i32
        %mul3A_138 = arith.muli %add3A_134, %mul3A_137 : i32
        %add3A_139 = arith.addi %mul3A_136, %mul3A_138 : i32
        %run_scoped3A_140 = arith.constant 0 : i32
        "tpu.region"() ({
          %run_scoped3A_148 = tpu.sem_alloc : memref<!tpu.dma_semaphore, #tpu.memory_space<semaphore_mem>>
          %dma_start3A_149 = tpu.memref_slice %arg4[%run_scoped3A_140, %add3A_139] : memref<2x320000xi32, #tpu.memory_space<hbm>> -> memref<1x40xi32, #tpu.memory_space<hbm>>
          %dma_start3A_150 = tpu.memref_squeeze %dma_start3A_149 : memref<1x40xi32, #tpu.memory_space<hbm>> -> memref<40xi32, #tpu.memory_space<hbm>>
          %dma_start3A_151 = tpu.memref_slice %arg4[%run_scoped3A_140, %add3A_139] : memref<2x320000xi32, #tpu.memory_space<hbm>> -> memref<1x40xi32, #tpu.memory_space<hbm>>
          %dma_start3A_152 = tpu.memref_squeeze %dma_start3A_151 : memref<1x40xi32, #tpu.memory_space<hbm>> -> memref<40xi32, #tpu.memory_space<hbm>>
          tpu.enqueue_dma source(%dma_start3A_152 : memref<40xi32, #tpu.memory_space<hbm>>) target(%arg8 : memref<40xi32, #tpu.memory_space<vmem>>) target_semaphore(%run_scoped3A_148 : memref<!tpu.dma_semaphore, #tpu.memory_space<semaphore_mem>>)
          %dma_wait3A_153 = tpu.memref_slice %arg4[%run_scoped3A_140, %add3A_139] : memref<2x320000xi32, #tpu.memory_space<hbm>> -> memref<1x40xi32, #tpu.memory_space<hbm>>
          %dma_wait3A_154 = tpu.memref_squeeze %dma_wait3A_153 : memref<1x40xi32, #tpu.memory_space<hbm>> -> memref<40xi32, #tpu.memory_space<hbm>>
          %dma_wait3A_155 = tpu.memref_slice %arg4[%run_scoped3A_140, %add3A_139] : memref<2x320000xi32, #tpu.memory_space<hbm>> -> memref<1x40xi32, #tpu.memory_space<hbm>>
          %dma_wait3A_156 = tpu.memref_squeeze %dma_wait3A_155 : memref<1x40xi32, #tpu.memory_space<hbm>> -> memref<40xi32, #tpu.memory_space<hbm>>
          tpu.wait_dma2 semaphore(%run_scoped3A_148 : memref<!tpu.dma_semaphore, #tpu.memory_space<semaphore_mem>>) src(%dma_wait3A_156 : memref<40xi32, #tpu.memory_space<hbm>>) dst(%arg8 : memref<40xi32, #tpu.memory_space<vmem>>)
          tpu.yield
        }) : () -> ()
        %run_scoped3A_141 = arith.constant 1 : i32
        "tpu.region"() ({
          %run_scoped3A_148 = tpu.sem_alloc : memref<!tpu.dma_semaphore, #tpu.memory_space<semaphore_mem>>
          %dma_start3A_149 = tpu.memref_slice %arg4[%run_scoped3A_141, %add3A_139] : memref<2x320000xi32, #tpu.memory_space<hbm>> -> memref<1x40xi32, #tpu.memory_space<hbm>>
          %dma_start3A_150 = tpu.memref_squeeze %dma_start3A_149 : memref<1x40xi32, #tpu.memory_space<hbm>> -> memref<40xi32, #tpu.memory_space<hbm>>
          %dma_start3A_151 = tpu.memref_slice %arg4[%run_scoped3A_141, %add3A_139] : memref<2x320000xi32, #tpu.memory_space<hbm>> -> memref<1x40xi32, #tpu.memory_space<hbm>>
          %dma_start3A_152 = tpu.memref_squeeze %dma_start3A_151 : memref<1x40xi32, #tpu.memory_space<hbm>> -> memref<40xi32, #tpu.memory_space<hbm>>
          tpu.enqueue_dma source(%dma_start3A_152 : memref<40xi32, #tpu.memory_space<hbm>>) target(%arg9 : memref<40xi32, #tpu.memory_space<vmem>>) target_semaphore(%run_scoped3A_148 : memref<!tpu.dma_semaphore, #tpu.memory_space<semaphore_mem>>)
          %dma_wait3A_153 = tpu.memref_slice %arg4[%run_scoped3A_141, %add3A_139] : memref<2x320000xi32, #tpu.memory_space<hbm>> -> memref<1x40xi32, #tpu.memory_space<hbm>>
          %dma_wait3A_154 = tpu.memref_squeeze %dma_wait3A_153 : memref<1x40xi32, #tpu.memory_space<hbm>> -> memref<40xi32, #tpu.memory_space<hbm>>
          %dma_wait3A_155 = tpu.memref_slice %arg4[%run_scoped3A_141, %add3A_139] : memref<2x320000xi32, #tpu.memory_space<hbm>> -> memref<1x40xi32, #tpu.memory_space<hbm>>
          %dma_wait3A_156 = tpu.memref_squeeze %dma_wait3A_155 : memref<1x40xi32, #tpu.memory_space<hbm>> -> memref<40xi32, #tpu.memory_space<hbm>>
          tpu.wait_dma2 semaphore(%run_scoped3A_148 : memref<!tpu.dma_semaphore, #tpu.memory_space<semaphore_mem>>) src(%dma_wait3A_156 : memref<40xi32, #tpu.memory_space<hbm>>) dst(%arg9 : memref<40xi32, #tpu.memory_space<vmem>>)
          tpu.yield
        }) : () -> ()
        %dma_start3A_142 = arith.constant 0 : i32
        %dma_start3A_143 = arith.constant 0 : i32
        %dma_start3A_144 = tpu.memref_slice %arg2[%dma_start3A_142, %dma_start3A_143] : memref<10000x64xf32, #tpu.memory_space<hbm>> -> memref<10000x64xf32, #tpu.memory_space<hbm>>
        tpu.enqueue_indirect_dma source(%dma_start3A_144 : memref<10000x64xf32, #tpu.memory_space<hbm>>) target(%arg12 : memref<40x64xf32, #tpu.memory_space<vmem>>) offsets(%arg8 : memref<40xi32, #tpu.memory_space<vmem>>) semaphore(%arg18 : memref<!tpu.dma_semaphore, #tpu.memory_space<semaphore_mem>>)
        %dma_start3A_145 = arith.constant 0 : i32
        %dma_start3A_146 = arith.constant 0 : i32
        %dma_start3A_147 = tpu.memref_slice %arg3[%dma_start3A_145, %dma_start3A_146] : memref<10000x64xf32, #tpu.memory_space<hbm>> -> memref<10000x64xf32, #tpu.memory_space<hbm>>
        tpu.enqueue_indirect_dma source(%dma_start3A_147 : memref<10000x64xf32, #tpu.memory_space<hbm>>) target(%arg13 : memref<40x64xf32, #tpu.memory_space<vmem>>) offsets(%arg9 : memref<40xi32, #tpu.memory_space<vmem>>) semaphore(%arg19 : memref<!tpu.dma_semaphore, #tpu.memory_space<semaphore_mem>>)
      } else {
      }
      %dma_wait3A_124 = arith.constant 0 : i32
      %dma_wait3A_125 = arith.constant 0 : i32
      %dma_wait3A_126 = tpu.memref_slice %arg2[%dma_wait3A_124, %dma_wait3A_125] : memref<10000x64xf32, #tpu.memory_space<hbm>> -> memref<10000x64xf32, #tpu.memory_space<hbm>>
      tpu.wait_indirect_dma semaphore(%arg20 : memref<!tpu.dma_semaphore, #tpu.memory_space<semaphore_mem>>) src(%dma_wait3A_126 : memref<10000x64xf32, #tpu.memory_space<hbm>>) dst(%arg14 : memref<40x64xf32, #tpu.memory_space<vmem>>)
      %dma_wait3A_127 = arith.constant 0 : i32
      %dma_wait3A_128 = arith.constant 0 : i32
      %dma_wait3A_129 = tpu.memref_slice %arg3[%dma_wait3A_127, %dma_wait3A_128] : memref<10000x64xf32, #tpu.memory_space<hbm>> -> memref<10000x64xf32, #tpu.memory_space<hbm>>
      tpu.wait_indirect_dma semaphore(%arg21 : memref<!tpu.dma_semaphore, #tpu.memory_space<semaphore_mem>>) src(%dma_wait3A_129 : memref<10000x64xf32, #tpu.memory_space<hbm>>) dst(%arg15 : memref<40x64xf32, #tpu.memory_space<vmem>>)
      %parallel_loop3A_130 = arith.constant 0 : i32
      %parallel_loop3A_131 = arith.constant 40 : i32
      %parallel_loop3A_132 = arith.constant 1 : i32
      scf.for %parallel_loop3A_133 = %parallel_loop3A_130 to %parallel_loop3A_131 step %parallel_loop3A_132  : i32 {
        %parallel_loop3A_134 = arith.index_cast %parallel_loop3A_133 : i32 to index
        %parallel_loop3A_135 = arith.constant 0 : index
        %parallel_loop3A_136 = tpu.vector_load %arg14[%parallel_loop3A_134, %parallel_loop3A_135] {strides = array<i32>} : memref<40x64xf32, #tpu.memory_space<vmem>>, vector<16xf32>,
        %parallel_loop3A_137 = arith.index_cast %parallel_loop3A_133 : i32 to index
        %parallel_loop3A_138 = arith.constant 16 : index
        %parallel_loop3A_139 = tpu.vector_load %arg14[%parallel_loop3A_137, %parallel_loop3A_138] {strides = array<i32>} : memref<40x64xf32, #tpu.memory_space<vmem>>, vector<16xf32>,
        %parallel_loop3A_140 = arith.index_cast %parallel_loop3A_133 : i32 to index
        %parallel_loop3A_141 = arith.constant 32 : index
        %parallel_loop3A_142 = tpu.vector_load %arg14[%parallel_loop3A_140, %parallel_loop3A_141] {strides = array<i32>} : memref<40x64xf32, #tpu.memory_space<vmem>>, vector<16xf32>,
        %parallel_loop3A_143 = arith.index_cast %parallel_loop3A_133 : i32 to index
        %parallel_loop3A_144 = arith.constant 48 : index
        %parallel_loop3A_145 = tpu.vector_load %arg14[%parallel_loop3A_143, %parallel_loop3A_144] {strides = array<i32>} : memref<40x64xf32, #tpu.memory_space<vmem>>, vector<16xf32>,
        %parallel_loop3A_146 = arith.index_cast %parallel_loop3A_133 : i32 to index
        %parallel_loop3A_147 = arith.constant 0 : index
        %parallel_loop3A_148 = tpu.vector_load %arg15[%parallel_loop3A_146, %parallel_loop3A_147] {strides = array<i32>} : memref<40x64xf32, #tpu.memory_space<vmem>>, vector<16xf32>,
        %parallel_loop3A_149 = arith.addf %parallel_loop3A_136, %parallel_loop3A_148 : vector<16xf32>
        %parallel_loop3A_150 = arith.constant 2.000000e-01 : f32
        %parallel_loop3A_151 = vector.broadcast %parallel_loop3A_150 : f32 to vector<16xf32>
        %parallel_loop3A_152 = arith.mulf %parallel_loop3A_151, %parallel_loop3A_149 : vector<16xf32>
        %parallel_loop3A_153 = arith.maximumf %parallel_loop3A_149, %parallel_loop3A_152 : vector<16xf32>
        %parallel_loop3A_154 = arith.mulf %parallel_loop3A_153, %get3A_71 : vector<16xf32>
        %parallel_loop3A_155 = arith.index_cast %parallel_loop3A_133 : i32 to index
        %parallel_loop3A_156 = arith.constant 16 : index
        %parallel_loop3A_157 = tpu.vector_load %arg15[%parallel_loop3A_155, %parallel_loop3A_156] {strides = array<i32>} : memref<40x64xf32, #tpu.memory_space<vmem>>, vector<16xf32>,
        %parallel_loop3A_158 = arith.addf %parallel_loop3A_139, %parallel_loop3A_157 : vector<16xf32>
        %parallel_loop3A_159 = arith.constant 2.000000e-01 : f32
        %parallel_loop3A_160 = vector.broadcast %parallel_loop3A_159 : f32 to vector<16xf32>
        %parallel_loop3A_161 = arith.mulf %parallel_loop3A_160, %parallel_loop3A_158 : vector<16xf32>
        %parallel_loop3A_162 = arith.maximumf %parallel_loop3A_158, %parallel_loop3A_161 : vector<16xf32>
        %parallel_loop3A_163 = arith.mulf %parallel_loop3A_162, %get3A_73 : vector<16xf32>
        %parallel_loop3A_164 = arith.index_cast %parallel_loop3A_133 : i32 to index
        %parallel_loop3A_165 = arith.constant 32 : index
        %parallel_loop3A_166 = tpu.vector_load %arg15[%parallel_loop3A_164, %parallel_loop3A_165] {strides = array<i32>} : memref<40x64xf32, #tpu.memory_space<vmem>>, vector<16xf32>,
        %parallel_loop3A_167 = arith.addf %parallel_loop3A_142, %parallel_loop3A_166 : vector<16xf32>
        %parallel_loop3A_168 = arith.constant 2.000000e-01 : f32
        %parallel_loop3A_169 = vector.broadcast %parallel_loop3A_168 : f32 to vector<16xf32>
        %parallel_loop3A_170 = arith.mulf %parallel_loop3A_169, %parallel_loop3A_167 : vector<16xf32>
        %parallel_loop3A_171 = arith.maximumf %parallel_loop3A_167, %parallel_loop3A_170 : vector<16xf32>
        %parallel_loop3A_172 = arith.mulf %parallel_loop3A_171, %get3A_75 : vector<16xf32>
        %parallel_loop3A_173 = arith.index_cast %parallel_loop3A_133 : i32 to index
        %parallel_loop3A_174 = arith.constant 48 : index
        %parallel_loop3A_175 = tpu.vector_load %arg15[%parallel_loop3A_173, %parallel_loop3A_174] {strides = array<i32>} : memref<40x64xf32, #tpu.memory_space<vmem>>, vector<16xf32>,
        %parallel_loop3A_176 = arith.addf %parallel_loop3A_145, %parallel_loop3A_175 : vector<16xf32>
        %parallel_loop3A_177 = arith.constant 2.000000e-01 : f32
        %parallel_loop3A_178 = vector.broadcast %parallel_loop3A_177 : f32 to vector<16xf32>
        %parallel_loop3A_179 = arith.mulf %parallel_loop3A_178, %parallel_loop3A_176 : vector<16xf32>
        %parallel_loop3A_180 = arith.maximumf %parallel_loop3A_176, %parallel_loop3A_179 : vector<16xf32>
        %parallel_loop3A_181 = arith.mulf %parallel_loop3A_180, %get3A_77 : vector<16xf32>
        %parallel_loop3A_182 = arith.addf %parallel_loop3A_154, %parallel_loop3A_163 : vector<16xf32>
        %parallel_loop3A_183 = arith.addf %parallel_loop3A_182, %parallel_loop3A_172 : vector<16xf32>
        %parallel_loop3A_184 = arith.addf %parallel_loop3A_183, %parallel_loop3A_181 : vector<16xf32>
        %parallel_loop3A_185 = arith.constant true
        %parallel_loop3A_186 = vector.broadcast %parallel_loop3A_185 : i1 to vector<16xi1>
        %parallel_loop3A_187 = tpu.scan <sum>, %parallel_loop3A_184 masked %parallel_loop3A_186 : vector<16xf32>, vector<16xi1> -> vector<16xf32>
        %parallel_loop3A_188 = vector.extract %parallel_loop3A_187[15] : f32 from vector<16xf32>
        %parallel_loop3A_189 = vector.broadcast %parallel_loop3A_188 : f32 to vector<16xf32>
        %parallel_loop3A_190 = math.exp %parallel_loop3A_189 : vector<16xf32>
        %parallel_loop3A_191 = arith.mulf %parallel_loop3A_136, %parallel_loop3A_190 : vector<16xf32>
        %parallel_loop3A_192 = arith.index_cast %parallel_loop3A_133 : i32 to index
        %parallel_loop3A_193 = arith.constant 0 : index
        %parallel_loop3A_194 = tpu.vector_load %arg16[%parallel_loop3A_192, %parallel_loop3A_193] {strides = array<i32>} : memref<40x80xf32, #tpu.memory_space<vmem>>, vector<16xf32>,
        tpu.vector_store %arg16[%parallel_loop3A_192, %parallel_loop3A_193], %parallel_loop3A_191 {strides = array<i32>} : memref<40x80xf32, #tpu.memory_space<vmem>>, vector<16xf32>,
        %parallel_loop3A_195 = arith.mulf %parallel_loop3A_139, %parallel_loop3A_190 : vector<16xf32>
        %parallel_loop3A_196 = arith.index_cast %parallel_loop3A_133 : i32 to index
        %parallel_loop3A_197 = arith.constant 16 : index
        %parallel_loop3A_198 = tpu.vector_load %arg16[%parallel_loop3A_196, %parallel_loop3A_197] {strides = array<i32>} : memref<40x80xf32, #tpu.memory_space<vmem>>, vector<16xf32>,
        tpu.vector_store %arg16[%parallel_loop3A_196, %parallel_loop3A_197], %parallel_loop3A_195 {strides = array<i32>} : memref<40x80xf32, #tpu.memory_space<vmem>>, vector<16xf32>,
        %parallel_loop3A_199 = arith.mulf %parallel_loop3A_142, %parallel_loop3A_190 : vector<16xf32>
        %parallel_loop3A_200 = arith.index_cast %parallel_loop3A_133 : i32 to index
        %parallel_loop3A_201 = arith.constant 32 : index
        %parallel_loop3A_202 = tpu.vector_load %arg16[%parallel_loop3A_200, %parallel_loop3A_201] {strides = array<i32>} : memref<40x80xf32, #tpu.memory_space<vmem>>, vector<16xf32>,
        tpu.vector_store %arg16[%parallel_loop3A_200, %parallel_loop3A_201], %parallel_loop3A_199 {strides = array<i32>} : memref<40x80xf32, #tpu.memory_space<vmem>>, vector<16xf32>,
        %parallel_loop3A_203 = arith.mulf %parallel_loop3A_145, %parallel_loop3A_190 : vector<16xf32>
        %parallel_loop3A_204 = arith.index_cast %parallel_loop3A_133 : i32 to index
        %parallel_loop3A_205 = arith.constant 48 : index
        %parallel_loop3A_206 = tpu.vector_load %arg16[%parallel_loop3A_204, %parallel_loop3A_205] {strides = array<i32>} : memref<40x80xf32, #tpu.memory_space<vmem>>, vector<16xf32>,
        tpu.vector_store %arg16[%parallel_loop3A_204, %parallel_loop3A_205], %parallel_loop3A_203 {strides = array<i32>} : memref<40x80xf32, #tpu.memory_space<vmem>>, vector<16xf32>,
        %parallel_loop3A_207 = arith.constant 0 : i32
        %parallel_loop3A_208 = vector.broadcast %parallel_loop3A_207 : i32 to vector<16xi32>
        %parallel_loop3A_209 = arith.cmpi eq, %iota3A, %parallel_loop3A_208 : vector<16xi32>
        %parallel_loop3A_210 = arith.select %parallel_loop3A_209, %parallel_loop3A_190, %broadcast_in_dim3A_1 : vector<16xi1>, vector<16xf32>
        %parallel_loop3A_211 = arith.index_cast %parallel_loop3A_133 : i32 to index
        %parallel_loop3A_212 = arith.constant 64 : index
        %parallel_loop3A_213 = tpu.vector_load %arg16[%parallel_loop3A_211, %parallel_loop3A_212] {strides = array<i32>} : memref<40x80xf32, #tpu.memory_space<vmem>>, vector<16xf32>,
        tpu.vector_store %arg16[%parallel_loop3A_211, %parallel_loop3A_212], %parallel_loop3A_210 {strides = array<i32>} : memref<40x80xf32, #tpu.memory_space<vmem>>, vector<16xf32>,
      } {sc.loop_unroll_factor = 4 : i64, sc.parallel_access}
      "tpu.region"() ({
        %run_scoped3A_133 = tpu.sem_alloc : memref<!tpu.dma_semaphore, #tpu.memory_space<semaphore_mem>>
        %dma_start3A_134 = arith.constant 0 : i32
        %dma_start3A_135 = arith.constant 0 : i32
        %dma_start3A_136 = tpu.memref_slice %arg7[%dma_start3A_134, %dma_start3A_135] : memref<10000x80xf32, #tpu.memory_space<vmem_shared>> -> memref<10000x80xf32, #tpu.memory_space<vmem_shared>>
        tpu.enqueue_indirect_dma source(%arg16 : memref<40x80xf32, #tpu.memory_space<vmem>>) target(%dma_start3A_136 : memref<10000x80xf32, #tpu.memory_space<vmem_shared>>) offsets(%arg11 : memref<40xi32, #tpu.memory_space<vmem>>) semaphore(%run_scoped3A_133 : memref<!tpu.dma_semaphore, #tpu.memory_space<semaphore_mem>>) {add = true}
        %dma_wait3A_137 = arith.constant 0 : i32
        %dma_wait3A_138 = arith.constant 0 : i32
        %dma_wait3A_139 = tpu.memref_slice %arg7[%dma_wait3A_137, %dma_wait3A_138] : memref<10000x80xf32, #tpu.memory_space<vmem_shared>> -> memref<10000x80xf32, #tpu.memory_space<vmem_shared>>
        tpu.wait_indirect_dma semaphore(%run_scoped3A_133 : memref<!tpu.dma_semaphore, #tpu.memory_space<semaphore_mem>>) src(%arg16 : memref<40x80xf32, #tpu.memory_space<vmem>>) dst(%dma_wait3A_139 : memref<10000x80xf32, #tpu.memory_space<vmem_shared>>)
        tpu.yield
      }) : () -> ()
    }
    %scan3A_93 = arith.constant 125 : i32
    %barrier3A_94 = arith.constant 0 : index
    tpu.barrier barrier_id(%barrier3A_94)
    %mul3A_95 = arith.constant 625 : i32
    %mul3A_96 = arith.muli %arg1, %mul3A_95 : i32
    %mul3A_97 = arith.constant 625 : i32
    %mul3A_98 = arith.muli %arg1, %mul3A_97 : i32
    "tpu.region"() ({
      %run_scoped3A_99 = tpu.sem_alloc : memref<!tpu.dma_semaphore, #tpu.memory_space<semaphore_mem>>
      %dma_start3A_100 = arith.constant 0 : i32
      %dma_start3A_101 = tpu.memref_slice %arg6[%arg0, %mul3A_98, %dma_start3A_100] : memref<2x10000x80xf32, #tpu.memory_space<hbm>> -> memref<1x625x80xf32, #tpu.memory_space<hbm>>
      %dma_start3A_102 = tpu.memref_squeeze %dma_start3A_101 : memref<1x625x80xf32, #tpu.memory_space<hbm>> -> memref<625x80xf32, #tpu.memory_space<hbm>>
      %dma_start3A_103 = arith.constant 0 : i32
      %dma_start3A_104 = tpu.memref_slice %arg7[%mul3A_96, %dma_start3A_103] : memref<10000x80xf32, #tpu.memory_space<vmem_shared>> -> memref<625x80xf32, #tpu.memory_space<vmem_shared>>
      tpu.enqueue_dma source(%dma_start3A_104 : memref<625x80xf32, #tpu.memory_space<vmem_shared>>) target(%dma_start3A_102 : memref<625x80xf32, #tpu.memory_space<hbm>>) target_semaphore(%run_scoped3A_99 : memref<!tpu.dma_semaphore, #tpu.memory_space<semaphore_mem>>)
      %dma_wait3A = arith.constant 0 : i32
      %dma_wait3A_105 = tpu.memref_slice %arg6[%arg0, %mul3A_98, %dma_wait3A] : memref<2x10000x80xf32, #tpu.memory_space<hbm>> -> memref<1x625x80xf32, #tpu.memory_space<hbm>>
      %dma_wait3A_106 = tpu.memref_squeeze %dma_wait3A_105 : memref<1x625x80xf32, #tpu.memory_space<hbm>> -> memref<625x80xf32, #tpu.memory_space<hbm>>
      %dma_wait3A_107 = arith.constant 0 : i32
      %dma_wait3A_108 = tpu.memref_slice %arg7[%mul3A_96, %dma_wait3A_107] : memref<10000x80xf32, #tpu.memory_space<vmem_shared>> -> memref<625x80xf32, #tpu.memory_space<vmem_shared>>
      tpu.wait_dma2 semaphore(%run_scoped3A_99 : memref<!tpu.dma_semaphore, #tpu.memory_space<semaphore_mem>>) src(%dma_wait3A_108 : memref<625x80xf32, #tpu.memory_space<vmem_shared>>) dst(%dma_wait3A_106 : memref<625x80xf32, #tpu.memory_space<hbm>>)
      tpu.yield
    }) : () -> ()
    return
  }
}

module attributes {stable_mosaic.version = 14 : i64} {
  func.func @_mm2_body(%arg0: i32, %arg1: memref<400x128xf32, #tpu.memory_space<vmem>>, %arg2: memref<128x128xf32, #tpu.memory_space<vmem>>, %arg3: memref<128x128xf32, #tpu.memory_space<vmem>>, %arg4: memref<400x128xf32, #tpu.memory_space<vmem>>, %arg5: memref<400x128xf32, #tpu.memory_space<vmem>>) attributes {dimension_semantics = [#tpu.dimension_semantics<arbitrary>], iteration_bounds = array<i64: 25>, scalar_prefetch = 0 : i64, scratch_operands = 0 : i64, tpu.core_type = #tpu.core_type<tc>, window_params = [{transform_indices = @transform_0, window_bounds = array<i64: 400, 128>}, {pipeline_mode = #tpu.pipeline_mode<synchronous>, transform_indices = @transform_1, window_bounds = array<i64: 128, 128>}, {pipeline_mode = #tpu.pipeline_mode<synchronous>, transform_indices = @transform_2, window_bounds = array<i64: 128, 128>}, {transform_indices = @transform_3, window_bounds = array<i64: 400, 128>}, {transform_indices = @transform_4, window_bounds = array<i64: 400, 128>}]} {
    %get3A = arith.constant 0 : index
    %get3A_0 = arith.constant 0 : index
    %get3A_1 = vector.load %arg1[%get3A, %get3A_0] : memref<400x128xf32, #tpu.memory_space<vmem>>, vector<400x128xf32>
    %get3A_2 = arith.constant 0 : index
    %get3A_3 = arith.constant 0 : index
    %get3A_4 = vector.load %arg2[%get3A_2, %get3A_3] : memref<128x128xf32, #tpu.memory_space<vmem>>, vector<128x128xf32>
    %dot_general3A = arith.constant dense<0.000000e+00> : vector<400x128xf32>
    %dot_general3A_5 = tpu.matmul %get3A_1, %get3A_4, %dot_general3A {dimension_numbers = #tpu.dot_dimension_numbers<[1], [0], [0], [1], [0, 0, 1, 1], [], []>, transpose_lhs_hint = false} : vector<400x128xf32>, vector<128x128xf32>, vector<400x128xf32> -> vector<400x128xf32>
    %swap3A = arith.constant 0 : index
    %swap3A_6 = arith.constant 0 : index
    %swap3A_7 = vector.load %arg4[%swap3A, %swap3A_6] : memref<400x128xf32, #tpu.memory_space<vmem>>, vector<400x128xf32>
    tpu.vector_store %arg4[%swap3A, %swap3A_6], %dot_general3A_5 {strides = array<i32>} : memref<400x128xf32, #tpu.memory_space<vmem>>, vector<400x128xf32>,
    %get3A_8 = arith.constant 0 : index
    %get3A_9 = arith.constant 0 : index
    %get3A_10 = vector.load %arg3[%get3A_8, %get3A_9] : memref<128x128xf32, #tpu.memory_space<vmem>>, vector<128x128xf32>
    %dot_general3A_11 = arith.constant dense<0.000000e+00> : vector<400x128xf32>
    %dot_general3A_12 = tpu.matmul %get3A_1, %get3A_10, %dot_general3A_11 {dimension_numbers = #tpu.dot_dimension_numbers<[1], [0], [0], [1], [0, 0, 1, 1], [], []>, transpose_lhs_hint = false} : vector<400x128xf32>, vector<128x128xf32>, vector<400x128xf32> -> vector<400x128xf32>
    %swap3A_13 = arith.constant 0 : index
    %swap3A_14 = arith.constant 0 : index
    %swap3A_15 = vector.load %arg5[%swap3A_13, %swap3A_14] : memref<400x128xf32, #tpu.memory_space<vmem>>, vector<400x128xf32>
    tpu.vector_store %arg5[%swap3A_13, %swap3A_14], %dot_general3A_12 {strides = array<i32>} : memref<400x128xf32, #tpu.memory_space<vmem>>, vector<400x128xf32>,
    return
  }
  func.func @transform_0(%arg0: i32) -> (i32, i32) {
    %c0_i32 = arith.constant 0 : i32
    %c0_i32_0 = arith.constant 0 : i32
    return %arg0, %c0_i32 : i32, i32
  }
  func.func @transform_1(%arg0: i32) -> (i32, i32) {
    %c0_i32 = arith.constant 0 : i32
    %c0_i32_0 = arith.constant 0 : i32
    %c0_i32_1 = arith.constant 0 : i32
    return %c0_i32, %c0_i32_0 : i32, i32
  }
  func.func @transform_2(%arg0: i32) -> (i32, i32) {
    %c0_i32 = arith.constant 0 : i32
    %c0_i32_0 = arith.constant 0 : i32
    %c0_i32_1 = arith.constant 0 : i32
    return %c0_i32, %c0_i32_0 : i32, i32
  }
  func.func @transform_3(%arg0: i32) -> (i32, i32) {
    %c0_i32 = arith.constant 0 : i32
    %c0_i32_0 = arith.constant 0 : i32
    return %arg0, %c0_i32 : i32, i32
  }
  func.func @transform_4(%arg0: i32) -> (i32, i32) {
    %c0_i32 = arith.constant 0 : i32
    %c0_i32_0 = arith.constant 0 : i32
    return %arg0, %c0_i32 : i32, i32
  }
}

module attributes {stable_mosaic.version = 14 : i64} {
  func.func @_mid_body(%arg0: i32, %arg1: memref<400x144xf32, #tpu.memory_space<vmem>>, %arg2: memref<400x144xf32, #tpu.memory_space<vmem>>, %arg3: memref<8x128xf32, #tpu.memory_space<vmem>>, %arg4: memref<8x128xf32, #tpu.memory_space<vmem>>, %arg5: memref<128x64xf32, #tpu.memory_space<vmem>>, %arg6: memref<128x64xf32, #tpu.memory_space<vmem>>, %arg7: memref<400x64xf32, #tpu.memory_space<vmem>>, %arg8: memref<400x64xf32, #tpu.memory_space<vmem>>) attributes {dimension_semantics = [#tpu.dimension_semantics<arbitrary>], iteration_bounds = array<i64: 25>, scalar_prefetch = 0 : i64, scratch_operands = 0 : i64, tpu.core_type = #tpu.core_type<tc>, window_params = [{transform_indices = @transform_0, window_bounds = array<i64: 400, 144>}, {transform_indices = @transform_1, window_bounds = array<i64: 400, 144>}, {pipeline_mode = #tpu.pipeline_mode<synchronous>, transform_indices = @transform_2, window_bounds = array<i64: 8, 128>}, {pipeline_mode = #tpu.pipeline_mode<synchronous>, transform_indices = @transform_3, window_bounds = array<i64: 8, 128>}, {pipeline_mode = #tpu.pipeline_mode<synchronous>, transform_indices = @transform_4, window_bounds = array<i64: 128, 64>}, {pipeline_mode = #tpu.pipeline_mode<synchronous>, transform_indices = @transform_5, window_bounds = array<i64: 128, 64>}, {transform_indices = @transform_6, window_bounds = array<i64: 400, 64>}, {transform_indices = @transform_7, window_bounds = array<i64: 400, 64>}]} {
    %get3A = arith.constant 0 : index
    %get3A_0 = arith.constant 0 : index
    %get3A_1 = vector.load %arg1[%get3A, %get3A_0] : memref<400x144xf32, #tpu.memory_space<vmem>>, vector<400x144xf32>
    %get3A_2 = arith.constant 0 : index
    %get3A_3 = arith.constant 0 : index
    %get3A_4 = vector.load %arg2[%get3A_2, %get3A_3] : memref<400x144xf32, #tpu.memory_space<vmem>>, vector<400x144xf32>
    %add3A = arith.addf %get3A_1, %get3A_4 : vector<400x144xf32>
    %slice3A = vector.extract_strided_slice %add3A {offsets = [0, 0], sizes = [400, 128], strides = [1, 1]} : vector<400x144xf32> to vector<400x128xf32>
    %slice3A_5 = vector.extract_strided_slice %add3A {offsets = [0, 128], sizes = [400, 8], strides = [1, 1]} : vector<400x144xf32> to vector<400x8xf32>
    %add3A_6 = arith.constant 1.000000e-16 : f32
    %add3A_7 = vector.broadcast %add3A_6 : f32 to vector<400x8xf32>
    %add3A_8 = arith.addf %slice3A_5, %add3A_7 : vector<400x8xf32>
    %div3A = arith.constant 1.000000e+00 : f32
    %div3A_9 = vector.broadcast %div3A : f32 to vector<400x8xf32>
    %div3A_10 = arith.divf %div3A_9, %add3A_8 : vector<400x8xf32>
    %get3A_11 = arith.constant 0 : index
    %get3A_12 = arith.constant 0 : index
    %get3A_13 = vector.load %arg3[%get3A_11, %get3A_12] : memref<8x128xf32, #tpu.memory_space<vmem>>, vector<8x128xf32>
    %dot_general3A = arith.constant dense<0.000000e+00> : vector<400x128xf32>
    %dot_general3A_14 = tpu.matmul %div3A_10, %get3A_13, %dot_general3A {dimension_numbers = #tpu.dot_dimension_numbers<[1], [0], [0], [1], [0, 0, 1, 1], [], []>, transpose_lhs_hint = false} : vector<400x8xf32>, vector<8x128xf32>, vector<400x128xf32> -> vector<400x128xf32>
    %mul3A = arith.mulf %slice3A, %dot_general3A_14 : vector<400x128xf32>
    %get3A_15 = arith.constant 0 : index
    %get3A_16 = arith.constant 0 : index
    %get3A_17 = vector.load %arg4[%get3A_15, %get3A_16] : memref<8x128xf32, #tpu.memory_space<vmem>>, vector<8x128xf32>
    %slice3A_18 = vector.extract_strided_slice %get3A_17 {offsets = [0, 0], sizes = [1, 128], strides = [1, 1]} : vector<8x128xf32> to vector<1x128xf32>
    %add3A_19 = vector.broadcast %slice3A_18 : vector<1x128xf32> to vector<400x128xf32>
    %add3A_20 = arith.addf %mul3A, %add3A_19 : vector<400x128xf32>
    %gt3A = arith.constant 0.000000e+00 : f32
    %gt3A_21 = vector.broadcast %gt3A : f32 to vector<400x128xf32>
    %gt3A_22 = arith.cmpf ogt, %add3A_20, %gt3A_21 : vector<400x128xf32>
    %exp3A = math.exp %add3A_20 : vector<400x128xf32>
    %sub3A = arith.constant 1.000000e+00 : f32
    %sub3A_23 = vector.broadcast %sub3A : f32 to vector<400x128xf32>
    %sub3A_24 = arith.subf %exp3A, %sub3A_23 : vector<400x128xf32>
    %select_n3A = arith.select %gt3A_22, %add3A_20, %sub3A_24 : vector<400x128xi1>, vector<400x128xf32>
    %get3A_25 = arith.constant 0 : index
    %get3A_26 = arith.constant 0 : index
    %get3A_27 = vector.load %arg5[%get3A_25, %get3A_26] : memref<128x64xf32, #tpu.memory_space<vmem>>, vector<128x64xf32>
    %dot_general3A_28 = arith.constant dense<0.000000e+00> : vector<400x64xf32>
    %dot_general3A_29 = tpu.matmul %select_n3A, %get3A_27, %dot_general3A_28 {dimension_numbers = #tpu.dot_dimension_numbers<[1], [0], [0], [1], [0, 0, 1, 1], [], []>, transpose_lhs_hint = false} : vector<400x128xf32>, vector<128x64xf32>, vector<400x64xf32> -> vector<400x64xf32>
    %swap3A = arith.constant 0 : index
    %swap3A_30 = arith.constant 0 : index
    %swap3A_31 = vector.load %arg7[%swap3A, %swap3A_30] : memref<400x64xf32, #tpu.memory_space<vmem>>, vector<400x64xf32>
    tpu.vector_store %arg7[%swap3A, %swap3A_30], %dot_general3A_29 {strides = array<i32>} : memref<400x64xf32, #tpu.memory_space<vmem>>, vector<400x64xf32>,
    %get3A_32 = arith.constant 0 : index
    %get3A_33 = arith.constant 0 : index
    %get3A_34 = vector.load %arg6[%get3A_32, %get3A_33] : memref<128x64xf32, #tpu.memory_space<vmem>>, vector<128x64xf32>
    %dot_general3A_35 = arith.constant dense<0.000000e+00> : vector<400x64xf32>
    %dot_general3A_36 = tpu.matmul %select_n3A, %get3A_34, %dot_general3A_35 {dimension_numbers = #tpu.dot_dimension_numbers<[1], [0], [0], [1], [0, 0, 1, 1], [], []>, transpose_lhs_hint = false} : vector<400x128xf32>, vector<128x64xf32>, vector<400x64xf32> -> vector<400x64xf32>
    %swap3A_37 = arith.constant 0 : index
    %swap3A_38 = arith.constant 0 : index
    %swap3A_39 = vector.load %arg8[%swap3A_37, %swap3A_38] : memref<400x64xf32, #tpu.memory_space<vmem>>, vector<400x64xf32>
    tpu.vector_store %arg8[%swap3A_37, %swap3A_38], %dot_general3A_36 {strides = array<i32>} : memref<400x64xf32, #tpu.memory_space<vmem>>, vector<400x64xf32>,
    return
  }
  func.func @transform_0(%arg0: i32) -> (i32, i32) {
    %c0_i32 = arith.constant 0 : i32
    %c0_i32_0 = arith.constant 0 : i32
    return %arg0, %c0_i32 : i32, i32
  }
  func.func @transform_1(%arg0: i32) -> (i32, i32) {
    %c0_i32 = arith.constant 0 : i32
    %c0_i32_0 = arith.constant 0 : i32
    return %arg0, %c0_i32 : i32, i32
  }
  func.func @transform_2(%arg0: i32) -> (i32, i32) {
    %c0_i32 = arith.constant 0 : i32
    %c0_i32_0 = arith.constant 0 : i32
    %c0_i32_1 = arith.constant 0 : i32
    return %c0_i32, %c0_i32_0 : i32, i32
  }
  func.func @transform_3(%arg0: i32) -> (i32, i32) {
    %c0_i32 = arith.constant 0 : i32
    %c0_i32_0 = arith.constant 0 : i32
    %c0_i32_1 = arith.constant 0 : i32
    return %c0_i32, %c0_i32_0 : i32, i32
  }
  func.func @transform_4(%arg0: i32) -> (i32, i32) {
    %c0_i32 = arith.constant 0 : i32
    %c0_i32_0 = arith.constant 0 : i32
    %c0_i32_1 = arith.constant 0 : i32
    return %c0_i32, %c0_i32_0 : i32, i32
  }
  func.func @transform_5(%arg0: i32) -> (i32, i32) {
    %c0_i32 = arith.constant 0 : i32
    %c0_i32_0 = arith.constant 0 : i32
    %c0_i32_1 = arith.constant 0 : i32
    return %c0_i32, %c0_i32_0 : i32, i32
  }
  func.func @transform_6(%arg0: i32) -> (i32, i32) {
    %c0_i32 = arith.constant 0 : i32
    %c0_i32_0 = arith.constant 0 : i32
    return %arg0, %c0_i32 : i32, i32
  }
  func.func @transform_7(%arg0: i32) -> (i32, i32) {
    %c0_i32 = arith.constant 0 : i32
    %c0_i32_0 = arith.constant 0 : i32
    return %arg0, %c0_i32 : i32, i32
  }
}

module attributes {stable_mosaic.version = 14 : i64} {
  func.func @_fin_body(%arg0: i32, %arg1: memref<400x80xf32, #tpu.memory_space<vmem>>, %arg2: memref<400x80xf32, #tpu.memory_space<vmem>>, %arg3: memref<8x64xf32, #tpu.memory_space<vmem>>, %arg4: memref<400x64xf32, #tpu.memory_space<vmem>>) attributes {dimension_semantics = [#tpu.dimension_semantics<arbitrary>], iteration_bounds = array<i64: 25>, scalar_prefetch = 0 : i64, scratch_operands = 0 : i64, tpu.core_type = #tpu.core_type<tc>, window_params = [{transform_indices = @transform_0, window_bounds = array<i64: 400, 80>}, {transform_indices = @transform_1, window_bounds = array<i64: 400, 80>}, {pipeline_mode = #tpu.pipeline_mode<synchronous>, transform_indices = @transform_2, window_bounds = array<i64: 8, 64>}, {transform_indices = @transform_3, window_bounds = array<i64: 400, 64>}]} {
    %get3A = arith.constant 0 : index
    %get3A_0 = arith.constant 0 : index
    %get3A_1 = vector.load %arg1[%get3A, %get3A_0] : memref<400x80xf32, #tpu.memory_space<vmem>>, vector<400x80xf32>
    %get3A_2 = arith.constant 0 : index
    %get3A_3 = arith.constant 0 : index
    %get3A_4 = vector.load %arg2[%get3A_2, %get3A_3] : memref<400x80xf32, #tpu.memory_space<vmem>>, vector<400x80xf32>
    %add3A = arith.addf %get3A_1, %get3A_4 : vector<400x80xf32>
    %slice3A = vector.extract_strided_slice %add3A {offsets = [0, 0], sizes = [400, 64], strides = [1, 1]} : vector<400x80xf32> to vector<400x64xf32>
    %slice3A_5 = vector.extract_strided_slice %add3A {offsets = [0, 64], sizes = [400, 1], strides = [1, 1]} : vector<400x80xf32> to vector<400x1xf32>
    %add3A_6 = arith.constant 1.000000e-16 : f32
    %add3A_7 = vector.broadcast %add3A_6 : f32 to vector<400x1xf32>
    %add3A_8 = arith.addf %slice3A_5, %add3A_7 : vector<400x1xf32>
    %div3A = arith.constant 1.000000e+00 : f32
    %div3A_9 = vector.broadcast %div3A : f32 to vector<400x1xf32>
    %div3A_10 = arith.divf %div3A_9, %add3A_8 : vector<400x1xf32>
    %mul3A = vector.broadcast %div3A_10 : vector<400x1xf32> to vector<400x64xf32>
    %mul3A_11 = arith.mulf %slice3A, %mul3A : vector<400x64xf32>
    %get3A_12 = arith.constant 0 : index
    %get3A_13 = arith.constant 0 : index
    %get3A_14 = vector.load %arg3[%get3A_12, %get3A_13] : memref<8x64xf32, #tpu.memory_space<vmem>>, vector<8x64xf32>
    %slice3A_15 = vector.extract_strided_slice %get3A_14 {offsets = [0, 0], sizes = [1, 64], strides = [1, 1]} : vector<8x64xf32> to vector<1x64xf32>
    %add3A_16 = vector.broadcast %slice3A_15 : vector<1x64xf32> to vector<400x64xf32>
    %add3A_17 = arith.addf %mul3A_11, %add3A_16 : vector<400x64xf32>
    %swap3A = arith.constant 0 : index
    %swap3A_18 = arith.constant 0 : index
    %swap3A_19 = vector.load %arg4[%swap3A, %swap3A_18] : memref<400x64xf32, #tpu.memory_space<vmem>>, vector<400x64xf32>
    tpu.vector_store %arg4[%swap3A, %swap3A_18], %add3A_17 {strides = array<i32>} : memref<400x64xf32, #tpu.memory_space<vmem>>, vector<400x64xf32>,
    return
  }
  func.func @transform_0(%arg0: i32) -> (i32, i32) {
    %c0_i32 = arith.constant 0 : i32
    %c0_i32_0 = arith.constant 0 : i32
    return %arg0, %c0_i32 : i32, i32
  }
  func.func @transform_1(%arg0: i32) -> (i32, i32) {
    %c0_i32 = arith.constant 0 : i32
    %c0_i32_0 = arith.constant 0 : i32
    return %arg0, %c0_i32 : i32, i32
  }
  func.func @transform_2(%arg0: i32) -> (i32, i32) {
    %c0_i32 = arith.constant 0 : i32
    %c0_i32_0 = arith.constant 0 : i32
    %c0_i32_1 = arith.constant 0 : i32
    return %c0_i32, %c0_i32_0 : i32, i32
  }
  func.func @transform_3(%arg0: i32) -> (i32, i32) {
    %c0_i32 = arith.constant 0 : i32
    %c0_i32_0 = arith.constant 0 : i32
    return %arg0, %c0_i32 : i32, i32
  }
}

</mosaic_0001>

<sc_bundles>
// kernel: kernel.10.cloned.1.call-start
scs
__scs_entry_jumppad:
0x0: {  	(pc) =	sbr.rel $0x88, $3  }
0x1: {  	(tag) =	ssettag $0x0;
	lr =	simm.s32 $0x1  }
0x2: {  	[smem:$0x3F97] =	sst lr;
	_ =	strace $0xD0000000  }
0x3: {  	_ = 	snop  }
0x4: {  	_ = 	snop  }
0x5: {  	_ = 	snop  }
0x6: {  	_ = 	snop  }
0x7: {  	_ = 	snop  }
__scs_overlays_trampoline_lowered:
0x8: {  	[smem:$0x3FA6] =	sst s0  }
0x9: {  	[smem:$0x3FA7] =	sst s1  }
0xa: {  	[smem:$0x3FA8] =	sst s2  }
0xb: {  	[smem:$0x3FA9] =	sst s3  }
0xc: {  	[smem:$0x3FAA] =	sst s4  }
0xd: {  	[smem:$0x3FAB] =	sst s5  }
0xe: {  	[smem:$0x3FAC] =	sst s6  }
0xf: {  	[smem:$0x3FAD] =	sst s7  }
0x10: {  	[smem:$0x3FAE] =	sst s8  }
0x11: {  	[smem:$0x3FAF] =	sst s9;
	s0 =	simm.s32 @!p0 $0x0  }
0x12: {  	s1 =	sld [smem:$0x3F95];
	s0 =	simm.s32 @p0 $0x1  }
0x13: {  	[smem:$0x3FB0] =	sst s0;
	s0 =	simm.s32 @!p1 $0x0  }
0x14: {  	s2 =	sld [smem:$0x3F94];
	s0 =	simm.s32 @p1 $0x1  }
0x15: {  	[smem:$0x3FB1] =	sst s0;
	s0 =	simm.s32 @!p2 $0x0  }
0x16: {  	s3 =	sld [smem:$0x3FDB];
	s0 =	simm.s32 @p2 $0x1  }
0x17: {  	s4 =	simm.s32 $0x1BF5;
	[smem:$0x3FB3] =	sst s0  }
0x18: {  	s0 =	sld [smem:$0x3F96];
	_ =	swait.ge [sflag:s4], $0x0  }
0x19: {  	s7 =	sld [smem:$0x3F97]  }
0x1a: {  	s8 =	sadd.s32 $0xFFFFE003, lr  }
0x1b: {  	s9 =	sadd.s32 $0xFFFFFEF7, lr;
	s5 =	simm.s32 $0xFFFFFFFF;
	p2 =	slt.u32 s8, $0xFFFFF086  }
0x1c: {  	p1 =	slt.u32 s9, $0xF7A;
	s5 =	simm.s32 @!p2 $0x0  }
0x1d: {  	s5 =	simm.s32 @p1 $0x1;
	p0 =	seq.s32 s7, s2  }
0x1e: {  	s7 =	smul.u32 @!p0 $0xF7A, s2;
	p2 =	seq.s32 @!p0 s5, $0x0  }
0x1f: {  	s9 =	smul.u32 $0xF7A, s1;
	s8 =	simm.s32 @!p0 $0x1BF5;
	p2 =	por !p2, p0  }
0x20: {  	[sflag:s8] =	ssyncset.s32 @!p0 $0xFFFFF086;
	s6 =	sadd.s32 @!p0 s3, s7;
	s7 =	simm.s32 @!p0 $0x108  }
0x21: {  	s3 =	sadd.s32 s3, s9;
	s6 =	sadd.s32 @!p0 $0x88, s6;
	s7 =	simm.s32 @p2 $0x1082  }
0x22: {  	[simem:s7], [sflag:s8] =	dma.local @!p0 [hbm:s6], $0xF7A  }
0x23: {  	s9 =	sor.u32 $0xD0000000, s2;
	s6 =	simm.s32 $0x108;
	_ =	swait.ge @!p0 [sflag:s8], $0x0  }
0x24: {  	s3 =	sadd.s32 $0x88, s3;
	s6 =	simm.s32 @!p1 $0x1082;
	[sflag:s4] =	ssyncset.s32 $0xFFFFF086  }
0x25: {  	[simem:s6], [sflag:s4] =	dma.local [hbm:s3], $0xF7A  }
0x26: {  	[smem:$0x3F97] =	sst s1;
	(tag) =	ssettag s2;
	_ =	strace s9  }
0x27: {  	s1 =	sld [smem:$0x3FA7]  }
0x28: {  	s2 =	sld [smem:$0x3FA8]  }
0x29: {  	s4 =	sld [smem:$0x3FAA]  }
0x2a: {  	p0 =	seq.s32 s5, $0x0;
	s5 =	sld [smem:$0x3FAB]  }
0x2b: {  	s6 =	sld [smem:$0x3FAC]  }
0x2c: {  	s7 =	sld [smem:$0x3FAD]  }
0x2d: {  	s3 =	simm.s32 $0x108;
	s8 =	sld [smem:$0x3FAE]  }
0x2e: {  	s3 =	simm.s32 @!p0 $0x1082;
	s9 =	sld [smem:$0x3FAF]  }
0x2f: {  	lr =	sadd.s32 s0, s3;
	s0 =	sld [smem:$0x3FA6]  }
0x30: {  	s3 =	sld [smem:$0x3FA9]  }
0x31: {  	[smem:$0x3FB2] =	sst s10  }
0x32: {  	s10 =	sld [smem:$0x3FB0];
	_ =	sdelay $0x3  }
0x33: {  	p0 =	seq.s32 s10, $0x1;
	s10 =	sld [smem:$0x3FB2];
	_ =	sdelay $0x3  }
0x34: {  	[smem:$0x3FB2] =	sst s10  }
0x35: {  	s10 =	sld [smem:$0x3FB1];
	_ =	sdelay $0x3  }
0x36: {  	p1 =	seq.s32 s10, $0x1;
	s10 =	sld [smem:$0x3FB2];
	_ =	sdelay $0x3  }
0x37: {  	[smem:$0x3FB2] =	sst s10  }
0x38: {  	s10 =	sld [smem:$0x3FB3]  }
0x39: {  	_ = 	snop;
	(pc) =	sbr.ind lr, $3  }
0x3a: {  	_ = 	snop  }
0x3b: {  	_ = 	snop  }
0x3c: {  	p2 =	seq.s32 s10, $0x1;
	s10 =	sld [smem:$0x3FB2]  }
0x3d: {  	_ =	shalt  }
0x3e: {  	_ =	shalt  }
0x3f: {  	_ =	shalt  }
0x40: {  	_ =	shalt  }
0x41: {  	_ =	shalt  }
0x42: {  	_ =	shalt  }
0x43: {  	_ =	shalt  }
0x44: {  	_ =	shalt  }
0x45: {  	_ =	shalt  }
0x46: {  	_ =	shalt  }
0x47: {  	_ =	shalt  }
0x48: {  	_ =	shalt  }
0x49: {  	_ =	shalt  }
0x4a: {  	_ =	shalt  }
0x4b: {  	_ =	shalt  }
0x4c: {  	_ =	shalt  }
0x4d: {  	_ =	shalt  }
0x4e: {  	_ =	shalt  }
0x4f: {  	_ =	shalt  }
0x50: {  	_ =	shalt  }
0x51: {  	_ =	shalt  }
0x52: {  	_ =	shalt  }
0x53: {  	_ =	shalt  }
0x54: {  	_ =	shalt  }
0x55: {  	_ =	shalt  }
0x56: {  	_ =	shalt  }
0x57: {  	_ =	shalt  }
0x58: {  	_ =	shalt  }
0x59: {  	_ =	shalt  }
0x5a: {  	_ =	shalt  }
0x5b: {  	_ =	shalt  }
0x5c: {  	_ =	shalt  }
0x5d: {  	_ =	shalt  }
0x5e: {  	_ =	shalt  }
0x5f: {  	_ =	shalt  }
0x60: {  	_ =	shalt  }
0x61: {  	_ =	shalt  }
0x62: {  	_ =	shalt  }
0x63: {  	_ =	shalt  }
0x64: {  	_ =	shalt  }
0x65: {  	_ =	shalt  }
0x66: {  	_ =	shalt  }
0x67: {  	_ =	shalt  }
0x68: {  	_ =	shalt  }
0x69: {  	_ =	shalt  }
0x6a: {  	_ =	shalt  }
0x6b: {  	_ =	shalt  }
0x6c: {  	_ =	shalt  }
0x6d: {  	_ =	shalt  }
0x6e: {  	_ =	shalt  }
0x6f: {  	_ =	shalt  }
0x70: {  	_ =	shalt  }
0x71: {  	_ =	shalt  }
0x72: {  	_ =	shalt  }
0x73: {  	_ =	shalt  }
0x74: {  	_ =	shalt  }
0x75: {  	_ =	shalt  }
0x76: {  	_ =	shalt  }
0x77: {  	_ =	shalt  }
0x78: {  	_ =	shalt  }
0x79: {  	_ =	shalt  }
0x7a: {  	_ =	shalt  }
0x7b: {  	_ =	shalt  }
0x7c: {  	_ =	shalt  }
0x7d: {  	_ =	shalt  }
0x7e: {  	_ =	shalt  }
0x7f: {  	_ =	shalt  }
0x80: {  	_ =	shalt  }
0x81: {  	_ =	shalt  }
0x82: {  	_ =	shalt  }
0x83: {  	_ =	shalt  }
0x84: {  	_ =	shalt  }
0x85: {  	_ =	shalt  }
0x86: {  	_ =	shalt  }
0x87: {  	_ =	shalt  }
.Lfunc_end0:
.L_simem_size_0:
called_computation.1_lowered:
.L_overlay_start_0:
0x88: {  	s2 =	sld [smem:$0x3FD9]  }
0x89: {  	s3 =	sld [smem:$0x3FFE];
	_ =	sdelay $0x1  }
0x8a: {  	s1 =	srdreg.scid  }
0x8b: {  	s0 =	sand.u32 $0x1, s1  }
0x8c: {  	s17 =	sshll.u32 s0, $0xA;
	s2 =	sadd.s32 s3, s2  }
0x8d: {  	s2 =	sadd.s32 s2, s17  }
0x8e: {  	[smem:$0x3FBE] =	sst s2  }
0x8f: {  	_ = 	snop  }
0x90: {  	s2 =	sld [smem:$0x3FC1]  }
0x91: {  	s18 =	sld [smem:$0x3FD0];
	(tm) =	ssettm $0x1  }
0x92: {  	s4 =	sld [smem:$0x3FFB];
	_ =	sdelay $0x3  }
0x93: {  	_ =	strace s4  }
0x94: {  	s4 =	sld [smem:$0x3FFC];
	_ =	sdelay $0x3  }
0x95: {  	_ =	strace s4  }
0x96: {  	s4 =	sld [smem:$0x3FFD];
	_ =	sdelay $0x3  }
0x97: {  	_ =	strace s4  }
0x98: {  	_ =	strace $0x8FFFFFFF  }
0x99: {  	s19 =	sld [smem:$0x3FDB];
	_ =	sdelay $0x1  }
0x9a: {  	s5 =	simm.s32 $_scs_section_size  }
0x9b: {  	s6 =	simm.s32 $_size__tile_overlayer_lowered;
	s7 =	simm.s32 $_tile_overlayer_lowered  }
0x9c: {  	s22 =	simm.s32 $0x1BFF;
	s21 =	sshll.u32 s7, $0x1;
	s4 =	sadd.s32 s5, s19  }
0x9d: {  	s8 =	simm.s32 $0x0;
	s20 =	sshll.u32 s6, $0x1;
	s6 =	sadd.s32 s21, s4  }
0x9e: {  	[timem:s8], [sflag:s22] =	dma.local [hbm:s6], s20  }
0x9f: {  	_ =	swait.ge [sflag:s22], s20  }
0xa0: {  	s5 =	ssub.s32 $0x0, s20;
	[sflag:s22] =	ssyncset.done $0x0  }
0xa1: {  	[sflag:s22] =	ssyncadd.s32 s5;
	_ =	sdelay $0x1  }
0xa2: {  	s23 =	simm.s32 $0x1B8B  }
0xa3: {  	_ =	swait.ge [sflag:s23], $0x1  }
0xa4: {  	[sflag:s23] =	ssyncset.done $0x0  }
0xa5: {  	s25 =	simm.s32 $0x1B8E;
	s24 =	sld [smem:$0x3FFE];
	[sflag:s23] =	ssyncadd.s32 $0xFFFFFFFF  }
0xa6: {  	s26 =	simm.s32 $execute0_lowered;
	[smem:$0x3FD2] =	sst s25  }
0xa7: {  	s6 =	sshll.u32 s26, $0x1;
	_ =	strace $0x80000049;
	[dreg:$0x1] =	wrdreg $0xFFFFFFFF  }
0xa8: {  	s28 =	simm.s32 $_size_execute0_lowered;
	s4 =	sadd.s32 s4, s6;
	[dreg:$0x0] =	wrdreg $0x0  }
0xa9: {  	s6 =	sshll.u32 s28, $0x1;
	[dreg:$0x2] =	wrdreg s4  }
0xaa: {  	[dreg:$0x3] =	wrdreg s6  }
0xab: {  	[dreg:$0x4] =	wrdreg $0xC0  }
0xac: {  	_ =	task [dreg:s8], $0x5FFFF  }
0xad: {  	[dreg:$0x1] =	wrdreg $0xFFFFFFFF  }
0xae: {  	[dreg:$0x0] =	wrdreg $0x60  }
0xaf: {  	[dreg:$0x2] =	wrdreg s24  }
0xb0: {  	[dreg:$0x3] =	wrdreg s18  }
0xb1: {  	[dreg:$0x4] =	wrdreg s2  }
0xb2: {  	[dreg:$0x5] =	wrdreg $0x0  }
0xb3: {  	[dreg:$0x6] =	wrdreg $0x9  }
0xb4: {  	_ =	task.clear_ibuf [dreg:s8], $0x7FFFF;
	_ =	strace $0x90000049  }
0xb5: {  	s29 =	simm.s32 $0x9;
	_ =	strace $0x8000004B  }
0xb6: {  	_ =	swait.ge [sflag:s29], $0x1  }
0xb7: {  	[sflag:s29] =	ssyncadd.s32 $0xFFFFFFFF  }
0xb8: {  	_ =	strace $0x9000004B  }
0xb9: {  	_ =	sfence  }
0xba: {  	s30 =	sld [smem:$0x0];
	_ =	sdelay $0x2  }
0xbb: {  	s31 =	sshll.u32 s1, $0xD;
	s1 =	sshrl.u32 s1, $0x2  }
0xbc: {  	s3 =	sand.u32 $0x4000, s31;
	s1 =	sadd.s32 s1, s30  }
0xbd: {  	s0 =	sor.u32 s3, s0;
	s1 =	sshll.u32 s1, $0x11  }
0xbe: {  	s0 =	sor.u32 s1, s0  }
0xbf: {  	s0 =	sadd.s32 $0x8F2B, s0  }
0xc0: {  	[sflag:s0] =	ssyncadd.remote.s32 $0x1  }
0xc1: {  	_ =	sfence.sel $0xFFFF  }
0xc2: {  	[dreg:$0x0] =	wrdreg $0xFFFFFFFF;
	(pc) =	sbr.abs _section_cstart, $3  }
0xc3: {  	[dreg:$0x1] =	wrdreg $0xFFFFFFFF  }
0xc4: {  	_ =	task.clear_ibuf [dreg:s8], $0x2FFFF;
	_ =	strace $0x9FFFFFFF  }
0xc5: {  	(tm) =	ssettm $0x7FFFFFFF  }
tec
execute0_lowered:
.L_overlay_start_1:
0x0: {  	(tag) =	ssettag $0x1  }
0x1: {  	s0 =	rddreg [dreg:$0x0]  }
0x2: {  	s1 =	rddreg [dreg:$0x1]  }
0x3: {  	s4 =	rddreg [dreg:$0x3];
	s11 =	stileid.u32  }
0x4: {  	s2 =	srdreg.scid;
	s9 =	smul.u32 $0x30D40, s11  }
0x5: {  	s5 =	simm.s32 $0x0;
	s31 =	simm.s32 $0xEBF0;
	s2 =	sand.u32 $0x1, s2  }
0x6: {  	s3 =	smul.u32 $0xC350, s11;
	[smem:$0x7FF] =	sst s5;
	s9 =	sshrl.u32 s9, $0x2  }
0x7: {  	s6 =	sadd.s32 $0x15C00, s0;
	s7 =	smul.u32 $0xC3500, s2;
	s9 =	sadd.s32 s9, s4  }
0x8: {  	_ =	strace $0x8000004A;
	s10 =	ssub.s32 $0x2, s2;
	s13 =	sadd.s32 $0xC80, s9  }
0x9: {  	s2 =	sshll.u32 s2, $0x4;
	s14 =	sadd.s32 $0x1900, s9;
	[dreg:$0x5] =	wrdreg s13  }
0xa: {  	s12 =	sshrl.u32 s10, $0x1;
	s15 =	sadd.s32 $0x2580, s9;
	[dreg:$0x6] =	wrdreg s14  }
0xb: {  	s2 =	sor.u32 s11, s2;
	s16 =	sadd.s32 $0x3200, s9;
	[dreg:$0x7] =	wrdreg s15  }
0xc: {  	s11 =	simm.s32 $0xD7F0;
	s17 =	sadd.s32 $0x3E80, s9;
	[dreg:$0x8] =	wrdreg s16  }
0xd: {  	s8 =	sadd.s32 s3, s7;
	s18 =	sadd.s32 $0x4B00, s9;
	[dreg:$0x9] =	wrdreg s17  }
0xe: {  	s7 =	sadd.s32 $0x2200, s0;
	s19 =	sadd.s32 $0x5780, s9;
	[dreg:$0xa] =	wrdreg s18  }
0xf: {  	s10 =	ssub.s32 s10, s12;
	s20 =	sadd.s32 $0x6400, s9;
	[dreg:$0xb] =	wrdreg s19  }
0x10: {  	s2 =	smul.u32 $0x2710, s2;
	s21 =	sadd.s32 $0x7080, s9;
	[dreg:$0xc] =	wrdreg s20  }
0x11: {  	s12 =	simm.s32 $0xE1F0;
	s22 =	sadd.s32 $0x7D00, s9;
	[dreg:$0xd] =	wrdreg s21  }
0x12: {  	s8 =	sshrl.u32 s8, $0x3;
	s23 =	sadd.s32 $0x8980, s9;
	[dreg:$0xe] =	wrdreg s22  }
0x13: {  	s24 =	sadd.s32 $0x9600, s9;
	s25 =	sadd.s32 $0xA280, s9;
	[dreg:$0xf] =	wrdreg s23  }
0x14: {  	s26 =	sadd.s32 $0xAF00, s9;
	s9 =	sadd.s32 $0xBB80, s9;
	[dreg:$0x10] =	wrdreg s24  }
0x15: {  	s29 =	smax.u32 s10, $0x1;
	s10 =	simm.s32 $0xC3C8;
	[dreg:$0x11] =	wrdreg s25  }
0x16: {  	s0 =	sadd.s32 s8, s0;
	s8 =	sadd.s32 s3, s4;
	[dreg:$0x12] =	wrdreg s26  }
0x17: {  	s28 =	sshrl.u32 s2, $0x3;
	[dreg:$0x13] =	wrdreg s9;
	s25 =	sadd.s32 $0x28, s2  }
0x18: {  	s26 =	sadd.s32 $0x50, s2;
	[dreg:$0x15] =	wrdreg s29;
	s2 =	simm.s32 $0xC378  }
0x19: {  	s3 =	simm.s32 $0x28;
	s9 =	simm.s32 $0xC3A0;
	s13 =	simm.s32 $0x1  }
0x1a: {  	s14 =	simm.s32 $0x2;
	s15 =	simm.s32 $0x3;
	s16 =	simm.s32 $0x4  }
0x1b: {  	s17 =	simm.s32 $0x0;
	s24 =	sadd.s32 s1, s28;
	s0 =	sadd.s32 $0x29600, s0  }
0x1c: {  	v0 =	vimm.f32 $0.0e+00;
	vm0 =	vmmov $0x1;
	[dreg:$0x14] =	wrdreg s0;
	s30 =	sadd.s32 $0x9C40, s24;
	s0 =	simm.s32 $0x5  }
.LBB2_1:
0x1d: {  	s18 =	smul.u32 $0xCD, s5;
	_ =	sdelay $0x1  }
0x1e: {  	s18 =	sshrl.u32 s18, $0xA  }
0x1f: {  	s19 =	sand.u32 $0x3F, s18  }
0x20: {  	s18 =	simm.s32 $0x1;
	s20 =	smul.u32 $0x5, s19  }
0x21: {  	s21 =	smul.u32 $0xCD, s18  }
0x22: {  	s23 =	smul.u32 $0x140, s19;
	s20 =	ssub.s32 $0x0, s20  }
0x23: {  	s19 =	simm.s32 $0x2;
	s28 =	sand.u32 $0xFF, s20  }
0x24: {  	s22 =	sshrl.u32 s21, $0xA;
	s20 =	sshrl.u32 s23, $0x2;
	s21 =	sshll.u32 s28, $0x4  }
.LBB2_2:
0x25: {  	s23 =	smul.u32 $0xCD, s19;
	s22 =	sand.u32 $0x3F, s22  }
0x26: {  	s20 =	sadd.s32 s21, s20;
	p0 =	sne.s32 s19, $0xC7;
	s21 =	smul.u32 $0x5, s22  }
.Ltmp0:
0x27: {  	[tilespmem:s20+$0xEBF0] =	vst v0;
	(pc) =	sbr.rel @p0 .LBB2_2-.Ltmp0, $4  }
0x28: {  	s20 =	smul.u32 $0x140, s22;
	s22 =	smov.u32 s19  }
0x29: {  	s19 =	sadd.s32 $0x1, s19;
	s18 =	ssub.s32 s18, s21  }
0x2a: {  	s21 =	sand.u32 $0xFF, s18;
	s18 =	smov.u32 s22  }
0x2b: {  	s20 =	sshrl.u32 s20, $0x2;
	s22 =	sshrl.u32 s23, $0xA;
	s21 =	sshll.u32 s21, $0x4  }
0x2c: {  	s19 =	sand.u32 $0x3F, s22  }
0x2d: {  	s22 =	smul.u32 $0x5, s19;
	_ =	sdelay $0x1  }
0x2e: {  	s19 =	smul.u32 $0x140, s19;
	s18 =	ssub.s32 s18, s22  }
0x2f: {  	s18 =	sand.u32 $0xFF, s18  }
0x30: {  	s20 =	sadd.s32 s21, s20;
	s19 =	sshrl.u32 s19, $0x2;
	s18 =	sshll.u32 s18, $0x4  }
0x31: {  	[tilespmem:s20+$0xEBF0] =	vst v0;
	s18 =	sadd.s32 s18, s19  }
0x32: {  	[tilespmem:s18+$0xEBF0] =	vst v0  }
0x33: {  	[spmem:s8] =	stream.linear.scatter [tilespmem:s31], [sflag:$0x5], $0xC80, $0x38;
	[tilespmem:$0xF8B0] =	vst v63  }
0x34: {  	_ =	swait.ge [sflag:s0], $0xC80  }
0x35: {  	[sflag:s0] =	ssyncset.done $0x0  }
0x36: {  	s20 =	rddreg [dreg:$0x5];
	[sflag:s0] =	ssyncadd.s32 $0xFFFFF380  }
0x37: {  	[spmem:s20] =	stream.linear.scatter [tilespmem:s31], [sflag:$0x5], $0xC80, $0x38;
	[tilespmem:$0xF8B0] =	vst v63  }
0x38: {  	_ =	swait.ge [sflag:s0], $0xC80  }
0x39: {  	[sflag:s0] =	ssyncset.done $0x0  }
0x3a: {  	s21 =	rddreg [dreg:$0x6];
	[sflag:s0] =	ssyncadd.s32 $0xFFFFF380  }
0x3b: {  	[spmem:s21] =	stream.linear.scatter [tilespmem:s31], [sflag:$0x5], $0xC80, $0x38;
	[tilespmem:$0xF8B0] =	vst v63  }
0x3c: {  	_ =	swait.ge [sflag:s0], $0xC80  }
0x3d: {  	[sflag:s0] =	ssyncset.done $0x0  }
0x3e: {  	s22 =	rddreg [dreg:$0x7];
	[sflag:s0] =	ssyncadd.s32 $0xFFFFF380  }
0x3f: {  	[spmem:s22] =	stream.linear.scatter [tilespmem:s31], [sflag:$0x5], $0xC80, $0x38;
	[tilespmem:$0xF8B0] =	vst v63  }
0x40: {  	_ =	swait.ge [sflag:s0], $0xC80  }
0x41: {  	[sflag:s0] =	ssyncset.done $0x0  }
0x42: {  	s23 =	rddreg [dreg:$0x8];
	[sflag:s0] =	ssyncadd.s32 $0xFFFFF380  }
0x43: {  	[spmem:s23] =	stream.linear.scatter [tilespmem:s31], [sflag:$0x5], $0xC80, $0x38;
	[tilespmem:$0xF8B0] =	vst v63  }
0x44: {  	_ =	swait.ge [sflag:s0], $0xC80  }
0x45: {  	[sflag:s0] =	ssyncset.done $0x0  }
0x46: {  	s28 =	rddreg [dreg:$0x9];
	[sflag:s0] =	ssyncadd.s32 $0xFFFFF380  }
0x47: {  	[spmem:s28] =	stream.linear.scatter [tilespmem:s31], [sflag:$0x5], $0xC80, $0x38;
	[tilespmem:$0xF8B0] =	vst v63  }
0x48: {  	_ =	swait.ge [sflag:s0], $0xC80  }
0x49: {  	[sflag:s0] =	ssyncset.done $0x0  }
0x4a: {  	s29 =	rddreg [dreg:$0xa];
	[sflag:s0] =	ssyncadd.s32 $0xFFFFF380  }
0x4b: {  	[spmem:s29] =	stream.linear.scatter [tilespmem:s31], [sflag:$0x5], $0xC80, $0x38;
	[tilespmem:$0xF8B0] =	vst v63  }
0x4c: {  	_ =	swait.ge [sflag:s0], $0xC80  }
0x4d: {  	[sflag:s0] =	ssyncset.done $0x0  }
0x4e: {  	s19 =	rddreg [dreg:$0xb];
	[sflag:s0] =	ssyncadd.s32 $0xFFFFF380  }
0x4f: {  	[spmem:s19] =	stream.linear.scatter [tilespmem:s31], [sflag:$0x5], $0xC80, $0x38;
	[tilespmem:$0xF8B0] =	vst v63  }
0x50: {  	_ =	swait.ge [sflag:s0], $0xC80  }
0x51: {  	[sflag:s0] =	ssyncset.done $0x0  }
0x52: {  	s20 =	rddreg [dreg:$0xc];
	[sflag:s0] =	ssyncadd.s32 $0xFFFFF380  }
0x53: {  	[spmem:s20] =	stream.linear.scatter [tilespmem:s31], [sflag:$0x5], $0xC80, $0x38;
	[tilespmem:$0xF8B0] =	vst v63  }
0x54: {  	_ =	swait.ge [sflag:s0], $0xC80  }
0x55: {  	[sflag:s0] =	ssyncset.done $0x0  }
0x56: {  	s21 =	rddreg [dreg:$0xd];
	[sflag:s0] =	ssyncadd.s32 $0xFFFFF380  }
0x57: {  	[spmem:s21] =	stream.linear.scatter [tilespmem:s31], [sflag:$0x5], $0xC80, $0x38;
	[tilespmem:$0xF8B0] =	vst v63  }
0x58: {  	_ =	swait.ge [sflag:s0], $0xC80  }
0x59: {  	[sflag:s0] =	ssyncset.done $0x0  }
0x5a: {  	s22 =	rddreg [dreg:$0xe];
	[sflag:s0] =	ssyncadd.s32 $0xFFFFF380  }
0x5b: {  	[spmem:s22] =	stream.linear.scatter [tilespmem:s31], [sflag:$0x5], $0xC80, $0x38;
	[tilespmem:$0xF8B0] =	vst v63  }
0x5c: {  	_ =	swait.ge [sflag:s0], $0xC80  }
0x5d: {  	[sflag:s0] =	ssyncset.done $0x0  }
0x5e: {  	s23 =	rddreg [dreg:$0xf];
	[sflag:s0] =	ssyncadd.s32 $0xFFFFF380  }
0x5f: {  	[spmem:s23] =	stream.linear.scatter [tilespmem:s31], [sflag:$0x5], $0xC80, $0x38;
	[tilespmem:$0xF8B0] =	vst v63  }
0x60: {  	_ =	swait.ge [sflag:s0], $0xC80  }
0x61: {  	[sflag:s0] =	ssyncset.done $0x0  }
0x62: {  	s28 =	rddreg [dreg:$0x10];
	[sflag:s0] =	ssyncadd.s32 $0xFFFFF380  }
0x63: {  	[spmem:s28] =	stream.linear.scatter [tilespmem:s31], [sflag:$0x5], $0xC80, $0x38;
	[tilespmem:$0xF8B0] =	vst v63  }
0x64: {  	_ =	swait.ge [sflag:s0], $0xC80  }
0x65: {  	[sflag:s0] =	ssyncset.done $0x0  }
0x66: {  	s29 =	rddreg [dreg:$0x11];
	[sflag:s0] =	ssyncadd.s32 $0xFFFFF380  }
0x67: {  	[spmem:s29] =	stream.linear.scatter [tilespmem:s31], [sflag:$0x5], $0xC80, $0x38;
	[tilespmem:$0xF8B0] =	vst v63  }
0x68: {  	_ =	swait.ge [sflag:s0], $0xC80  }
0x69: {  	[sflag:s0] =	ssyncset.done $0x0  }
0x6a: {  	s19 =	rddreg [dreg:$0x12];
	[sflag:s0] =	ssyncadd.s32 $0xFFFFF380  }
0x6b: {  	[spmem:s19] =	stream.linear.scatter [tilespmem:s31], [sflag:$0x5], $0xC80, $0x38;
	[tilespmem:$0xF8B0] =	vst v63  }
0x6c: {  	_ =	swait.ge [sflag:s0], $0xC80  }
0x6d: {  	[sflag:s0] =	ssyncset.done $0x0  }
0x6e: {  	s20 =	rddreg [dreg:$0x13];
	[sflag:s0] =	ssyncadd.s32 $0xFFFFF380  }
0x6f: {  	[spmem:s20] =	stream.linear.scatter [tilespmem:s31], [sflag:$0x5], $0x7D0, $0x38;
	[tilespmem:$0xF8B0] =	vst v63  }
0x70: {  	_ =	swait.ge [sflag:s0], $0x7D0  }
0x71: {  	[sflag:s0] =	ssyncset.done $0x0  }
0x72: {  	[sflag:s0] =	ssyncadd.s32 $0xFFFFF830  }
0x73: {  	s18 =	simm.s32 $0x0;
	s22 =	simm.s32 $0xF870;
	s21 =	rddreg [dreg:$0x2]  }
0x74: {  	[tilespmem:s22], [sflag:$0x5] =	stream.linear.gather [hbm4b:s21+s18], $0x40, $0x38;
	[tilespmem:$0xF8B0] =	vst v63  }
0x75: {  	_ =	swait.ge [sflag:s0], $0x40  }
0x76: {  	[sflag:s0] =	ssyncset.done $0x0  }
0x77: {  	[sflag:s0] =	ssyncadd.s32 $0xFFFFFFC0  }
0x78: {  	[bflag:$0x0] =	sbarrier.arrive $0xFFFF  }
0x79: {  	v1 =	vld [tilespmem:$0xF870]  }
0x7a: {  	v2 =	vld [tilespmem:$0xF880]  }
0x7b: {  	s23 =	simm.s32 $0xC350;
	v3 =	vld [tilespmem:$0xF890]  }
0x7c: {  	v4 =	vld [tilespmem:$0xF8A0];
	[tilespmem:s23], [sflag:$0x5] =	stream.linear.gather [hbm4b:s24+s18], $0x28, $0x38  }
0x7d: {  	_ =	swait.ge [sflag:s0], $0x28  }
0x7e: {  	[sflag:s0] =	ssyncset.done $0x0  }
0x7f: {  	[sflag:s0] =	ssyncadd.s32 $0xFFFFFFD8  }
0x80: {  	[tilespmem:s2], [sflag:$0x5] =	stream.linear.gather [hbm4b:s30+s18], $0x28, $0x38;
	[tilespmem:$0xF8B0] =	vst v63  }
0x81: {  	_ =	swait.ge [sflag:s0], $0x28  }
0x82: {  	[sflag:s0] =	ssyncset.done $0x0  }
0x83: {  	s28 =	simm.s32 $0xC3F0;
	[sflag:s0] =	ssyncadd.s32 $0xFFFFFFD8  }
0x84: {  	[tilespmem:s28], [sflag:$0x1] =	stream.indirect.gather [hbm4b:s6+s3], $0x40, s23, s3, $0xb8;
	[tilespmem:$0xF8B0] =	vst v63  }
0x85: {  	s29 =	simm.s32 $0xCDF0  }
0x86: {  	[tilespmem:s29], [sflag:$0x2] =	stream.indirect.gather [hbm4b:s7+s3], $0x40, s2, s3, $0xb8;
	[tilespmem:$0xF8B0] =	vst v63  }
.LBB2_4:
0x87: {  	s19 =	smul.u32 $0x50, s18;
	_ =	sdelay $0x1  }
0x88: {  	s20 =	sadd.s32 s19, s25  }
0x89: {  	s20 =	sshrl.u32 s20, $0x3  }
0x8a: {  	s20 =	sadd.s32 s1, s20  }
0x8b: {  	[tilespmem:s9], [sflag:$0x5] =	stream.linear.gather [hbm4b:s20+s5], $0x28, $0x38;
	[tilespmem:$0xF8B0] =	vst v63  }
0x8c: {  	_ =	swait.ge [sflag:s0], $0x28  }
0x8d: {  	[sflag:s0] =	ssyncset.done $0x0  }
0x8e: {  	s20 =	sadd.s32 $0x9C40, s20;
	[sflag:s0] =	ssyncadd.s32 $0xFFFFFFD8  }
0x8f: {  	[tilespmem:s10], [sflag:$0x5] =	stream.linear.gather [hbm4b:s20+s5], $0x28, $0x38;
	[tilespmem:$0xF8B0] =	vst v63  }
0x90: {  	_ =	swait.ge [sflag:s0], $0x28  }
0x91: {  	[sflag:s0] =	ssyncset.done $0x0  }
0x92: {  	[sflag:s0] =	ssyncadd.s32 $0xFFFFFFD8  }
0x93: {  	[tilespmem:s11], [sflag:$0x3] =	stream.indirect.gather [hbm4b:s6+s3], $0x40, s9, s3, $0xb8;
	[tilespmem:$0xF8B0] =	vst v63  }
0x94: {  	_ = 	snop  }
0x95: {  	[tilespmem:s12], [sflag:$0x4] =	stream.indirect.gather [hbm4b:s7+s3], $0x40, s10, s3, $0xb8;
	[tilespmem:$0xF8B0] =	vst v63  }
0x96: {  	_ =	swait.ge [sflag:s13], $0xA00  }
0x97: {  	[sflag:s13] =	ssyncset.done $0x0  }
0x98: {  	[sflag:s13] =	ssyncadd.s32 $0xFFFFF600  }
0x99: {  	_ =	swait.ge [sflag:s14], $0xA00  }
0x9a: {  	[sflag:s14] =	ssyncset.done $0x0  }
0x9b: {  	s21 =	simm.s32 $0xC470;
	[sflag:s14] =	ssyncadd.s32 $0xFFFFF600  }
0x9c: {  	v13 =	vld [tilespmem:s21+$0x70]  }
0x9d: {  	v29 =	vld [tilespmem:s21+$0x40]  }
0x9e: {  	s23 =	simm.s32 $0xCE70;
	v24 =	vld [tilespmem:s21+$0x50]  }
0x9f: {  	v6 =	vld [tilespmem:s23+$0x40]  }
0xa0: {  	v7 =	vld [tilespmem:s23+$0x50]  }
0xa1: {  	v28 =	vld [tilespmem:s21+$0x60]  }
0xa2: {  	v8 =	vld [tilespmem:s23+$0x60]  }
0xa3: {  	v9 =	vld [tilespmem:s23+$0x70]  }
0xa4: {  	v23 =	vld [tilespmem:s21+$0xFFFFFF90]  }
0xa5: {  	v10 =	vld [tilespmem:s23+$0xFFFFFF80]  }
0xa6: {  	v11 =	vld [tilespmem:s23+$0xFFFFFF90]  }
0xa7: {  	v5 =	vld [tilespmem:s21+$0xFFFFFFC0]  }
0xa8: {  	v15 =	vld [tilespmem:s23+$0xFFFFFFC0]  }
0xa9: {  	v18 =	vld [tilespmem:s23+$0xFFFFFFD0];
	v12 =	vadd.f32 v6, v29;
	v14 =	vadd.f32 v7, v24  }
0xaa: {  	v20 =	vld [tilespmem:s21+$0x10]  }
0xab: {  	v35 =	vld [tilespmem:s21+$0xFFFFFF80];
	v8 =	vadd.f32 v8, v28;
	v16 =	vmul.f32 $2.000000030e-01, v12;
	v17 =	vmul.f32 $2.000000030e-01, v14  }
0xac: {  	v19 =	vld [tilespmem:s23+$0x10];
	v9 =	vadd.f32 v9, v13  }
0xad: {  	v34 =	vld [tilespmem:s21+$0xFFFFFFA0];
	v12 =	vmax.f32 v12, v16;
	v14 =	vmax.f32 v14, v17;
	v16 =	vmul.f32 $2.000000030e-01, v8  }
0xae: {  	v6 =	vld [tilespmem:s21+$0xFFFFFFD0];
	v12 =	vmul.f32 v12, v1;
	v14 =	vmul.f32 v14, v2  }
0xaf: {  	v7 =	vld [tilespmem:s21+$0x0];
	v8 =	vmax.f32 v8, v16;
	v16 =	vmul.f32 $2.000000030e-01, v9  }
0xb0: {  	v10 =	vadd.f32 v10, v35;
	v17 =	vld [tilespmem:s23+$0x0];
	v8 =	vmul.f32 v8, v3;
	v12 =	vadd.f32 v14, v12  }
0xb1: {  	v30 =	vld [tilespmem:s21+$0xFFFFFFE0];
	v11 =	vadd.f32 v11, v23;
	v9 =	vmax.f32 v9, v16  }
0xb2: {  	v25 =	vld [tilespmem:s21+$0x20];
	v22 =	vmul.f32 $2.000000030e-01, v10;
	v9 =	vmul.f32 v9, v4;
	v8 =	vadd.f32 v8, v12  }
0xb3: {  	v15 =	vadd.f32 v15, v5;
	v14 =	vmul.f32 $2.000000030e-01, v11;
	v12 =	vld [tilespmem:s23+$0xFFFFFFA0]  }
0xb4: {  	v38 =	vld [tilespmem:s21+$0xFFFFFFB0];
	v10 =	vmax.f32 v10, v22;
	v16 =	vadd.f32 v18, v6;
	v8 =	vadd.f32 v9, v8  }
0xb5: {  	v11 =	vmax.f32 v11, v14;
	v14 =	vmul.f32 $2.000000030e-01, v15;
	v17 =	vadd.f32 v17, v7;
	v9 =	vld [tilespmem:s23+$0xFFFFFFE0]  }
0xb6: {  	v21 =	vld [tilespmem:s23+$0xFFFFFFB0];
	v10 =	vmul.f32 v10, v1;
	v18 =	vmul.f32 $2.000000030e-01, v16;
	(xrf2) =	vadd.scan.msk.f32 $0xffff, v8;
	v8 =	vadd.f32 v19, v20  }
0xb7: {  	v42 =	vld [tilespmem:s21+$0xFFFFFFF0];
	v11 =	vmul.f32 v11, v2;
	v14 =	vmax.f32 v15, v14;
	v15 =	vmul.f32 $2.000000030e-01, v17  }
0xb8: {  	v16 =	vmax.f32 v16, v18;
	v19 =	vld [tilespmem:s23+$0x20];
	v12 =	vadd.f32 v12, v34;
	v18 =	vmul.f32 $2.000000030e-01, v8  }
0xb9: {  	v36 =	vld [tilespmem:s21+$0x30];
	v14 =	vmul.f32 v14, v1;
	v15 =	vmax.f32 v17, v15;
	v16 =	vmul.f32 v16, v2  }
0xba: {  	v22 =	vld [tilespmem:s23+$0x30];
	v9 =	vadd.f32 v9, v30;
	v8 =	vmax.f32 v8, v18;
	v18 =	vmul.f32 $2.000000030e-01, v12  }
0xbb: {  	v10 =	vadd.f32 v11, v10;
	v17 =	vld [tilespmem:s23+$0xFFFFFFF0];
	v15 =	vmul.f32 v15, v1;
	v16 =	vadd.f32 v16, v14  }
0xbc: {  	v14 =	vmul.f32 v8, v2;
	v8 =	vmax.f32 v12, v18;
	v12 =	vmul.f32 $2.000000030e-01, v9  }
0xbd: {  	v11 =	vadd.f32 v21, v38;
	s23 =	simm.s32 $0xCF70;
	v18 =	vadd.f32 v19, v25;
	v19 =	vmul.f32 v8, v3  }
0xbe: {  	v26 =	vld [tilespmem:s23+$0x40];
	v15 =	vadd.f32 v14, v15;
	v12 =	vmax.f32 v9, v12  }
0xbf: {  	s22 =	simm.s32 $0xC570;
	v27 =	vld [tilespmem:s23+$0x50];
	v14 =	vmul.f32 $2.000000030e-01, v18;
	v10 =	vadd.f32 v19, v10;
	v19 =	vmul.f32 $2.000000030e-01, v11  }
0xc0: {  	v22 =	vadd.f32 v22, v36;
	v17 =	vadd.f32 v17, v42;
	v8 =	vld [tilespmem:s22+$0x40];
	v12 =	vmul.f32 v12, v3;
	v21, _, _ =	vpop (xrf2)  }
0xc1: {  	v9 =	vld [tilespmem:s22+$0x50];
	v18 =	vmax.f32 v18, v14;
	v21 =	vmul.f32 $1.442695020e+00, v21;
	v11 =	vmax.f32 v11, v19  }
0xc2: {  	v14 =	vld [tilespmem:s22+$0x60];
	v19 =	vmul.f32 $2.000000030e-01, v17;
	v12 =	vadd.f32 v12, v16;
	v16 =	vmul.f32 v18, v3  }
0xc3: {  	v18 =	vld [tilespmem:s23+$0x60];
	v11 =	vmul.f32 v11, v4;
	v21 =	vbroadcast v21, $0xF  }
0xc4: {  	v17 =	vmax.f32 v17, v19;
	v19 =	vmul.f32 $2.000000030e-01, v22;
	v15 =	vadd.f32 v16, v15  }
0xc5: {  	v31 =	vld [tilespmem:s22+$0x70];
	v10 =	vadd.f32 v11, v10;
	v11 =	vmul.f32 v17, v4;
	v17 =	vadd.f32 v26, v8  }
0xc6: {  	v32 =	vld [tilespmem:s23+$0x70];
	v16 =	vmax.f32 v22, v19;
	v19 =	vadd.f32 v27, v9;
	(erf) = vpow2.f32 v21  }
0xc7: {  	v41 =	vld [tilespmem:s22+$0xFFFFFF80];
	v11 =	vadd.f32 v11, v12;
	v12 =	vmul.f32 v16, v4  }
0xc8: {  	v21 =	vld [tilespmem:s22+$0xFFFFFF90];
	(xrf2) =	vadd.scan.msk.f32 $0xffff, v10;
	v10 =	vmul.f32 $2.000000030e-01, v17;
	v18 =	vadd.f32 v18, v14;
	v16 =	vmul.f32 $2.000000030e-01, v19  }
0xc9: {  	v22 =	vld [tilespmem:s23+$0xFFFFFF80];
	v12 =	vadd.f32 v12, v15  }
0xca: {  	v27 =	vld [tilespmem:s23+$0xFFFFFF90];
	(xrf2) =	vadd.scan.msk.f32 $0xffff, v11;
	v11 =	vmax.f32 v17, v10;
	v17 =	vmul.f32 $2.000000030e-01, v18;
	v16 =	vmax.f32 v19, v16  }
0xcb: {  	v26 =	vld [tilespmem:s22+$0x0];
	v15 =	vadd.f32 v32, v31;
	v19 =	vmul.f32 v11, v1;
	v16 =	vmul.f32 v16, v2  }
0xcc: {  	v10 =	vld [tilespmem:s22+$0xFFFFFFC0];
	(xrf2) =	vadd.scan.msk.f32 $0xffff, v12;
	v12 =	vmax.f32 v18, v17  }
0xcd: {  	v17 =	vmul.f32 $2.000000030e-01, v15;
	v18 =	vld [tilespmem:s23+$0xFFFFFFC0];
	v12 =	vmul.f32 v12, v3;
	v16 =	vadd.f32 v16, v19  }
0xce: {  	v11 =	vld [tilespmem:s22+$0xFFFFFFD0];
	v22 =	vadd.f32 v22, v41  }
0xcf: {  	v15 =	vmax.f32 v15, v17;
	v17 =	vadd.f32 v27, v21;
	v27 =	vld [tilespmem:s23+$0x0];
	v16 =	vadd.f32 v12, v16;
	v32 =	vpop (erf)  }
0xd0: {  	v19 =	vld [tilespmem:s23+$0xFFFFFFD0];
	v15 =	vmul.f32 v15, v4;
	v0 =	vmul.f32 v32, v13  }
0xd1: {  	v33 =	vld [tilespmem:s23+$0x10];
	v52 =	vmul.f32 $2.000000030e-01, v22  }
0xd2: {  	v12 =	vld [tilespmem:s22+$0x10];
	v18 =	vadd.f32 v18, v10;
	v15 =	vadd.f32 v15, v16;
	[tilespmem:$0x1FFE0] =	vst v0  }
0xd3: {  	v43 =	vmul.f32 $2.000000030e-01, v17;
	v22 =	vmax.f32 v22, v52;
	v16, _, _ =	vpop (xrf2);
	v39 =	vld [tilespmem:s22+$0xFFFFFFA0]  }
0xd4: {  	v22 =	vmul.f32 v22, v1;
	v44 =	vmul.f32 $2.000000030e-01, v18;
	v27 =	vadd.f32 v27, v26;
	v46 =	vld [tilespmem:s23+$0xFFFFFFE0];
	v37, _, _ =	vpop (xrf2);
	(xrf2) =	vadd.scan.msk.f32 $0xffff, v15  }
0xd5: {  	v48 =	vld [tilespmem:s23+$0xFFFFFFB0];
	v16 =	vmul.f32 $1.442695020e+00, v16;
	v15 =	vmax.f32 v17, v43;
	v17 =	vadd.f32 v19, v11  }
0xd6: {  	v0 =	vmul.f32 v32, v28;
	v50 =	vld [tilespmem:s23+$0x20];
	v60 =	vmul.f32 $2.000000030e-01, v27  }
0xd7: {  	v18 =	vmax.f32 v18, v44;
	v58 =	vbroadcast v16, $0xF;
	v16 =	vld [tilespmem:s23+$0xFFFFFFA0];
	v45 =	vmul.f32 $2.000000030e-01, v17  }
0xd8: {  	v33 =	vadd.f32 v33, v12;
	v44 =	vld [tilespmem:s22+$0xFFFFFFB0];
	v13 =	vmul.f32 $1.442695020e+00, v37;
	v19, _, _ =	vpop (xrf2);
	v59 =	vmul.f32 v15, v2  }
0xd9: {  	v15 =	vld [tilespmem:s22+$0xFFFFFFE0];
	v18 =	vmul.f32 v18, v1;
	v19 =	vmul.f32 $1.442695020e+00, v19;
	v17 =	vmax.f32 v17, v45  }
0xda: {  	v47 =	vbroadcast v13, $0xF;
	v13 =	vld [tilespmem:s22+$0x20];
	v17 =	vmul.f32 v17, v2  }
0xdb: {  	v49 =	vmul.f32 $2.000000030e-01, v33;
	v51 =	vbroadcast v19, $0xF;
	v19 =	vld [tilespmem:s22+$0xFFFFFFF0]  }
0xdc: {  	v27 =	vmax.f32 v27, v60;
	v16 =	vadd.f32 v16, v39;
	v45 =	vadd.f32 v17, v18;
	v18 =	vld [tilespmem:s23+$0xFFFFFFF0]  }
0xdd: {  	v27 =	vmul.f32 v27, v1;
	v33 =	vmax.f32 v33, v49;
	v48 =	vadd.f32 v48, v44  }
0xde: {  	s20 =	simm.s32 $0xD070;
	v53 =	vld [tilespmem:s23+$0x30];
	v22 =	vadd.f32 v59, v22;
	v33 =	vmul.f32 v33, v2;
	v17 =	vmul.f32 $2.000000030e-01, v16;
	v61, _, _ =	vpop (xrf2)  }
0xdf: {  	v60 =	vld [tilespmem:s20+$0x50];
	v46 =	vadd.f32 v46, v15;
	v55 =	vmul.f32 $2.000000030e-01, v48;
	v49 =	vmul.f32 $1.442695020e+00, v61  }
0xe0: {  	v33 =	vadd.f32 v33, v27;
	v50 =	vadd.f32 v50, v13;
	v17 =	vmax.f32 v16, v17;
	v16 =	vld [tilespmem:s22+$0x30];
	s22 =	simm.s32 $0xC670  }
0xe1: {  	v62 =	vmul.f32 $2.000000030e-01, v46;
	v63 =	vadd.f32 v18, v19;
	v18 =	vld [tilespmem:s22+$0x50];
	v49 =	vbroadcast v49, $0xF  }
0xe2: {  	v59 =	vld [tilespmem:s20+$0x40];
	v48 =	vmax.f32 v48, v55;
	v57 =	vmul.f32 $2.000000030e-01, v50;
	v54 =	vmul.f32 v17, v3  }
0xe3: {  	v46 =	vmax.f32 v46, v62;
	v48 =	vmul.f32 v48, v4;
	v62 =	vld [tilespmem:s20+$0x60];
	(erf) = vpow2.f32 v49  }
0xe4: {  	v46 =	vmul.f32 v46, v3;
	v17 =	vld [tilespmem:s22+$0x40];
	v22 =	vadd.f32 v54, v22;
	(erf) = vpow2.f32 v58  }
0xe5: {  	v37 =	vld [tilespmem:s22+$0x70];
	v49 =	vmax.f32 v50, v57;
	v58 =	vmul.f32 $2.000000030e-01, v63;
	v53 =	vadd.f32 v53, v16  }
0xe6: {  	v48 =	vadd.f32 v48, v22;
	v22 =	vld [tilespmem:s22+$0x60];
	v49 =	vmul.f32 v49, v3;
	v28 =	vadd.f32 v60, v18  }
0xe7: {  	(erf) = vpow2.f32 v47;
	v43 =	vmax.f32 v63, v58;
	v61 =	vmul.f32 $2.000000030e-01, v53;
	v63 =	vld [tilespmem:s20+$0x70]  }
0xe8: {  	v45 =	vadd.f32 v46, v45;
	v43 =	vmul.f32 v43, v4;
	v56 =	vmul.f32 $2.000000030e-01, v28  }
0xe9: {  	v27 =	vld [tilespmem:s22+$0xFFFFFF90];
	(xrf2) =	vadd.scan.msk.f32 $0xffff, v48;
	v46 =	vmax.f32 v53, v61;
	v53 =	vmul.f32 v32, v24;
	v24 =	vadd.f32 v59, v17  }
0xea: {  	v48 =	vmul.f32 v32, v29;
	v29 =	vld [tilespmem:s20+$0xFFFFFF90];
	v49 =	vadd.f32 v49, v33;
	[tilespmem:$0x1FFF0] =	vst v0;
	v43 =	vadd.f32 v43, v45  }
0xeb: {  	v57 =	vld [tilespmem:s20+$0xFFFFFFD0];
	v50 =	vadd.f32 v62, v22;
	v28 =	vmax.f32 v28, v56;
	v61 =	vmul.f32 $2.000000030e-01, v24  }
0xec: {  	v52 =	vld [tilespmem:s20+$0x0];
	v46 =	vmul.f32 v46, v4;
	v28 =	vmul.f32 v28, v2;
	(xrf2) =	vadd.scan.msk.f32 $0xffff, v43;
	v47 =	vadd.f32 v63, v37;
	v33 =	vpop (erf)  }
0xed: {  	v63 =	vmul.f32 $2.000000030e-01, v50;
	v62 =	vmax.f32 v24, v61;
	v43 =	vmul.f32 v33, v31;
	v60 =	vpop (erf);
	v31 =	vld [tilespmem:s22+$0xFFFFFFD0]  }
0xee: {  	v45 =	vnsel vm0, $0x0, v32;
	v32 =	vld [tilespmem:s22+$0xFFFFFFC0];
	v58 =	vmul.f32 v60, v34;
	v34 =	vmul.f32 v62, v1  }
0xef: {  	v46 =	vadd.f32 v46, v49;
	v24 =	vld [tilespmem:s22+$0x10];
	v59 =	vmul.f32 v60, v38;
	v38 =	vmax.f32 v50, v63  }
0xf0: {  	v49 =	vmul.f32 v60, v35;
	v35 =	vld [tilespmem:s20+$0xFFFFFFC0];
	v38 =	vmul.f32 v38, v3;
	v28 =	vadd.f32 v28, v34  }
0xf1: {  	v29 =	vadd.f32 v29, v27;
	v40 =	vmul.f32 $2.000000030e-01, v47;
	v54 =	vmul.f32 v60, v23;
	v23 =	vld [tilespmem:s22+$0x0]  }
0xf2: {  	v55 =	vnsel vm0, $0x0, v60;
	v60 =	vld [tilespmem:s20+$0x10];
	v28 =	vadd.f32 v38, v28;
	v38 =	vadd.f32 v57, v31  }
0xf3: {  	(erf) = vpow2.f32 v51;
	v61 =	vld [tilespmem:s20+$0xFFFFFF80]  }
0xf4: {  	v62 =	vmul.f32 $2.000000030e-01, v29;
	v63 =	vmax.f32 v47, v40;
	v34 =	vld [tilespmem:s22+$0xFFFFFFA0];
	v51 =	vmul.f32 $2.000000030e-01, v38  }
0xf5: {  	s21 =	simm.s32 $0xEC90;
	v56, _, _ =	vpop (xrf2);
	v63 =	vmul.f32 v63, v4;
	v47 =	vadd.f32 v35, v32;
	v35 =	vld [tilespmem:s22+$0xFFFFFF80]  }
0xf6: {  	s23 =	simm.s32 $0xEDD0;
	v62 =	vmax.f32 v29, v62;
	v52 =	vadd.f32 v52, v23;
	v40, _, _ =	vpop (xrf2);
	v38 =	vmax.f32 v38, v51;
	v51 =	vld [tilespmem:$0x1FFE0];
	[tilespmem:s21+$0x90] =	vst v45  }
0xf7: {  	v60 =	vadd.f32 v60, v24;
	v57 =	vmul.f32 $2.000000030e-01, v47;
	v50 =	vmul.f32 $1.442695020e+00, v40;
	v40 =	vld [tilespmem:s20+$0xFFFFFFA0];
	[tilespmem:s23+$0x80] =	vst v43  }
0xf8: {  	v56 =	vmul.f32 $1.442695020e+00, v56;
	(xrf2) =	vadd.scan.msk.f32 $0xffff, v46;
	v46 =	vadd.f32 v63, v28;
	v28 =	vld [tilespmem:s22+$0xFFFFFFE0];
	[tilespmem:s21+$0xFFFFFF60] =	vst v49  }
0xf9: {  	v0 =	vmul.f32 $2.000000030e-01, v52;
	v63 =	vmul.f32 $2.000000030e-01, v60;
	[tilespmem:s21+$0xFFFFFF70] =	vst v54;
	v47 =	vmax.f32 v47, v57;
	v57 =	vld [tilespmem:s20+$0xFFFFFFE0]  }
0xfa: {  	v62 =	vmul.f32 v62, v2;
	[tilespmem:s21+$0xFFFFFF80] =	vst v58;
	(xrf2) =	vadd.scan.msk.f32 $0xffff, v46;
	v61 =	vadd.f32 v61, v35  }
0xfb: {  	v29 =	vld [tilespmem:s22+$0x20];
	[tilespmem:s21+$0xFFFFFF90] =	vst v59;
	v0 =	vmax.f32 v52, v0;
	v60 =	vmax.f32 v60, v63;
	v38 =	vmul.f32 v38, v2  }
0xfc: {  	[tilespmem:s21+$0x50] =	vst v48;
	v52 =	vld [tilespmem:s20+$0x20];
	v47 =	vmul.f32 v47, v1;
	v63 =	vmul.f32 $2.000000030e-01, v61;
	v40 =	vadd.f32 v40, v34  }
0xfd: {  	v43 =	vld [tilespmem:s22+$0xFFFFFFB0];
	[tilespmem:s21+$0x60] =	vst v53;
	v0 =	vmul.f32 v0, v1;
	v60 =	vmul.f32 v60, v2  }
0xfe: {  	v49 =	vld [tilespmem:s20+$0xFFFFFFB0];
	[tilespmem:s21+$0x80] =	vst v51;
	v45 =	vmax.f32 v61, v63;
	v57 =	vadd.f32 v57, v28;
	v61 =	vmul.f32 $2.000000030e-01, v40  }
0xff: {  	v0 =	vadd.f32 v60, v0;
	v63 =	vadd.f32 v38, v47;
	v60 =	vld [tilespmem:$0x1FFF0];
	v45 =	vmul.f32 v45, v1  }
0x100: {  	v38 =	vld [tilespmem:s22+$0xFFFFFFF0];
	v47 =	vbroadcast v56, $0xF;
	v54 =	vmul.f32 $2.000000030e-01, v57;
	v40 =	vmax.f32 v40, v61  }
0x101: {  	v46 =	vpop (erf);
	v56 =	vld [tilespmem:s20+$0xFFFFFFF0];
	v61 =	vadd.f32 v52, v29;
	v52 =	vadd.f32 v62, v45;
	v58 =	vmul.f32 v40, v3  }
0x102: {  	v48 =	vbroadcast v50, $0xF;
	v51 =	vnsel vm0, $0x0, v46;
	v59, _, _ =	vpop (xrf2);
	v40 =	vld [tilespmem:s22+$0x30];
	v54 =	vmax.f32 v57, v54  }
0x103: {  	v59 =	vmul.f32 $1.442695020e+00, v59;
	v62 =	vmul.f32 $2.000000030e-01, v61;
	v45 =	vpop (erf);
	v52 =	vadd.f32 v58, v52;
	v58 =	vld [tilespmem:s20+$0x30]  }
0x104: {  	v53 =	vadd.f32 v49, v43;
	v50, _, _ =	vpop (xrf2);
	v54 =	vmul.f32 v54, v3;
	[tilespmem:s21+$0x70] =	vst v60;
	v60 =	vnsel vm0, $0x0, v45  }
0x105: {  	v49 =	vbroadcast v59, $0xF;
	v59 =	vmul.f32 $1.442695020e+00, v50;
	v57 =	vmax.f32 v61, v62  }
0x106: {  	[tilespmem:s21+$0xFFFFFFA0] =	vst v55;
	v50 =	vadd.f32 v54, v63;
	v61 =	vmul.f32 $2.000000030e-01, v53;
	v54 =	vadd.f32 v56, v38  }
0x107: {  	[tilespmem:s21+$0xFFFFFFF0] =	vst v51;
	v62 =	vnsel vm0, $0x0, v33;
	v57 =	vmul.f32 v57, v3;
	v59 =	vbroadcast v59, $0xF  }
0x108: {  	[tilespmem:s21+$0x40] =	vst v60;
	v63 =	vmax.f32 v53, v61;
	v55 =	vmul.f32 $2.000000030e-01, v54;
	v53 =	vadd.f32 v58, v40  }
0x109: {  	s28 =	simm.s32 $0x8;
	s29 =	simm.s32 $0xC770;
	s22 =	simm.s32 $0xEDD0;
	[tilespmem:s23+$0x90] =	vst v62;
	v56 =	vmul.f32 v63, v4;
	v51 =	vadd.f32 v57, v0;
	(erf) = vpow2.f32 v59  }
.LBB2_5:
0x10a: {  	v0 =	vld [tilespmem:s29+$0x70];
	v54 =	vmax.f32 v54, v55;
	v55 =	vmul.f32 $2.000000030e-01, v53;
	(erf) = vpow2.f32 v47  }
0x10b: {  	v47 =	vld [tilespmem:s29+$0x40];
	v52 =	vadd.f32 v56, v52;
	v54 =	vmul.f32 v54, v4;
	(erf) = vpow2.f32 v48  }
0x10c: {  	s20 =	sadd.s32 $0x100, s20;
	v48 =	vld [tilespmem:s29+$0x50];
	v53 =	vmax.f32 v53, v55;
	(erf) = vpow2.f32 v49;
	v49 =	vmul.f32 v46, v5;
	v5 =	vmovc v10;
	v10 =	vmovc v32  }
0x10d: {  	v32 =	vld [tilespmem:s20+$0x40];
	v50 =	vadd.f32 v54, v50;
	v53 =	vmul.f32 v53, v4;
	(xrf2) =	vadd.scan.msk.f32 $0xffff, v52;
	v52 =	vmul.f32 v46, v6  }
0x10e: {  	s28 =	sadd.s32 $0x4, s28;
	v30 =	vmul.f32 v46, v30;
	v42 =	vmul.f32 v46, v42;
	v6 =	vmovc v11;
	v11 =	vmov v31;
	v54 =	vld [tilespmem:s20+$0x50];
	[tilespmem:s21+$0xFFFFFFB0] =	vst v49  }
0x10f: {  	v20 =	vmul.f32 v45, v20;
	p0 =	slt.u32 s28, $0x24;
	v46 =	vmul.f32 v45, v7;
	v49 =	vld [tilespmem:s29+$0x60];
	v31 =	vadd.f32 v53, v51;
	[tilespmem:s21+$0xFFFFFFC0] =	vst v52  }
0x110: {  	v25 =	vmul.f32 v45, v25;
	v7 =	vmovc v26;
	v51 =	vld [tilespmem:s20+$0x60];
	(xrf2) =	vadd.scan.msk.f32 $0xffff, v50;
	[tilespmem:s21+$0xFFFFFFD0] =	vst v30;
	v30 =	vmul.f32 v45, v36  }
0x111: {  	v36 =	vmul.f32 v33, v8;
	v50 =	vmul.f32 v33, v9;
	v8 =	vmovc v17;
	v17 =	vmov v47;
	v26 =	vld [tilespmem:s20+$0x70];
	[tilespmem:s21+$0xFFFFFFE0] =	vst v42  }
0x112: {  	v52 =	vmul.f32 v33, v14;
	v9 =	vmov v18;
	v18 =	vmov v48;
	v42 =	vld [tilespmem:s29+$0xFFFFFF90];
	v33 =	vpop (erf);
	[tilespmem:s21+$0x0] =	vst v46  }
0x113: {  	v14 =	vadd.f32 v32, v17;
	v53 =	vld [tilespmem:s20+$0xFFFFFF80];
	v47 =	vadd.f32 v54, v18;
	v37 =	vmul.f32 v33, v37;
	(xrf2) =	vadd.scan.msk.f32 $0xffff, v31;
	v48 =	vpop (erf)  }
0x114: {  	s23 =	sadd.s32 $0x140, s23;
	v54 =	vld [tilespmem:s20+$0xFFFFFF90];
	v41 =	vmul.f32 v48, v41;
	v21 =	vmul.f32 v48, v21;
	v55 =	vnsel vm0, $0x0, v48;
	v46 =	vpop (erf);
	[tilespmem:s21+$0x10] =	vst v20  }
0x115: {  	v20 =	vmul.f32 $2.000000030e-01, v14;
	v32 =	vld [tilespmem:s29+$0xFFFFFFC0];
	v56 =	vmul.f32 $2.000000030e-01, v47;
	v51 =	vadd.f32 v51, v49;
	[tilespmem:s23+$0x80] =	vst v37;
	v45 =	vpop (erf)  }
0x116: {  	v57 =	vmul.f32 v48, v39;
	v39 =	vmul.f32 v48, v44;
	v31 =	vld [tilespmem:s29+$0xFFFFFFD0];
	v26 =	vadd.f32 v26, v0;
	[tilespmem:s22+$0xFFFFFF60] =	vst v41  }
0x117: {  	v58 =	vmax.f32 v14, v20;
	v41 =	vld [tilespmem:s20+$0xFFFFFFC0];
	v20 =	vmax.f32 v47, v56;
	v44 =	vmul.f32 $2.000000030e-01, v51;
	v47, _, _ =	vpop (xrf2);
	[tilespmem:s22+$0xFFFFFF70] =	vst v21  }
0x118: {  	v58 =	vmul.f32 v58, v1;
	v56 =	vnsel vm0, $0x0, v46;
	v37 =	vmovc v0;
	v48 =	vld [tilespmem:s20+$0xFFFFFFD0];
	v20 =	vmul.f32 v20, v2;
	[tilespmem:s22+$0xFFFFFF80] =	vst v57  }
0x119: {  	v14 =	vmovc v22;
	v0 =	vadd.f32 v54, v42;
	v54 =	vld [tilespmem:s29+$0x0];
	v44 =	vmax.f32 v51, v44;
	v51 =	vmul.f32 $2.000000030e-01, v26;
	[tilespmem:s22+$0xFFFFFF90] =	vst v39  }
0x11a: {  	v47 =	vmul.f32 $1.442695020e+00, v47;
	v39 =	vld [tilespmem:s29+$0x10];
	v59 =	vmul.f32 v44, v3;
	v20 =	vadd.f32 v20, v58;
	v21, _, _ =	vpop (xrf2);
	[tilespmem:s21+$0x20] =	vst v25  }
0x11b: {  	v22 =	vmovc v49;
	v25 =	vmul.f32 $2.000000030e-01, v0;
	v57 =	vld [tilespmem:s20+$0x0];
	v26 =	vmax.f32 v26, v51;
	v51 =	vmul.f32 $1.442695020e+00, v21;
	[tilespmem:s21+$0x30] =	vst v30;
	v21 =	vmovc v27;
	s21 =	smov.u32 s22;
	s22 =	smov.u32 s23  }
0x11c: {  	v30 =	vadd.f32 v41, v32;
	v41 =	vld [tilespmem:s20+$0x10];
	v58 =	vmul.f32 v26, v4;
	v20 =	vadd.f32 v59, v20;
	[tilespmem:s21+$0x50] =	vst v36  }
0x11d: {  	v47 =	vbroadcast v47, $0xF;
	v36 =	vld [tilespmem:s29+$0xFFFFFF80];
	v0 =	vmax.f32 v0, v25;
	v25 =	vadd.f32 v48, v31;
	v44, _, _ =	vpop (xrf2);
	[tilespmem:s21+$0x60] =	vst v50  }
0x11e: {  	v27 =	vmovc v42;
	v50 =	vld [tilespmem:s29+$0xFFFFFFA0];
	v0 =	vmul.f32 v0, v2;
	v48 =	vmul.f32 $2.000000030e-01, v30;
	v58 =	vadd.f32 v58, v20;
	[tilespmem:s21+$0x70] =	vst v52  }
0x11f: {  	v44 =	vmul.f32 $1.442695020e+00, v44;
	v52 =	vnsel vm0, $0x0, v45;
	v26 =	vmovc v23;
	v23 =	vmovc v54;
	v42 =	vld [tilespmem:s20+$0xFFFFFFA0];
	v49 =	vmul.f32 $2.000000030e-01, v25;
	[tilespmem:s21+$0xFFFFFFA0] =	vst v55  }
0x120: {  	v54 =	vld [tilespmem:s29+$0xFFFFFFE0];
	v30 =	vmax.f32 v30, v48;
	v55 =	vadd.f32 v57, v23;
	(xrf2) =	vadd.scan.msk.f32 $0xffff, v58;
	v48 =	vbroadcast v51, $0xF;
	v20 =	vmovc v12  }
0x121: {  	v30 =	vmul.f32 v30, v1;
	v49 =	vmax.f32 v25, v49;
	v25 =	vld [tilespmem:s20+$0xFFFFFFE0];
	v51 =	vadd.f32 v41, v39;
	[tilespmem:s21+$0xFFFFFFF0] =	vst v56  }
0x122: {  	v12 =	vmovc v24;
	v53 =	vadd.f32 v53, v36;
	v56 =	vmul.f32 v49, v2;
	v57 =	vld [tilespmem:s29+$0x20];
	v58 =	vmul.f32 $2.000000030e-01, v55;
	[tilespmem:s21+$0x40] =	vst v52  }
0x123: {  	v24 =	vmovc v39;
	v41 =	vmovc v35;
	v49 =	vbroadcast v44, $0xF;
	v44 =	vnsel vm0, $0x0, v33;
	v52 =	vmul.f32 $2.000000030e-01, v51;
	v59 =	vld [tilespmem:s20+$0x20]  }
0x124: {  	v35 =	vmovc v36;
	v60 =	vld [tilespmem:s29+$0xFFFFFFB0];
	v61 =	vmul.f32 $2.000000030e-01, v53;
	v42 =	vadd.f32 v42, v50;
	v58 =	vmax.f32 v55, v58;
	[tilespmem:s23+$0x90] =	vst v44  }
0x125: {  	v39 =	vmovc v34;
	v55 =	vadd.f32 v56, v30;
	v36 =	vld [tilespmem:s20+$0xFFFFFFB0];
	v44 =	vmul.f32 v58, v1;
	v51 =	vmax.f32 v51, v52  }
0x126: {  	v34 =	vmovc v50;
	v30 =	vmovc v15;
	v52 =	vmax.f32 v53, v61;
	v53 =	vmul.f32 $2.000000030e-01, v42;
	v56 =	vld [tilespmem:s29+$0xFFFFFFF0];
	v58 =	vadd.f32 v25, v54  }
0x127: {  	v15 =	vmovc v28;
	v28 =	vmovc v54;
	v51 =	vmul.f32 v51, v2;
	v25 =	vmov v13;
	v50 =	vmul.f32 v52, v1;
	v61 =	vld [tilespmem:s20+$0xFFFFFFF0]  }
0x128: {  	v13 =	vmovc v29;
	v29 =	vmovc v57;
	v42 =	vmax.f32 v42, v53;
	v52 =	vmul.f32 $2.000000030e-01, v58;
	v62 =	vld [tilespmem:s29+$0x30];
	v53 =	vadd.f32 v59, v57  }
0x129: {  	v51 =	vadd.f32 v51, v44;
	v54 =	vmul.f32 v42, v3;
	v0 =	vadd.f32 v0, v50;
	v57 =	vld [tilespmem:s20+$0x30];
	v44 =	vmovc v43  }
0x12a: {  	v59 =	vadd.f32 v36, v60;
	v36 =	vmax.f32 v58, v52;
	v50 =	vmul.f32 $2.000000030e-01, v53;
	v43, _, _ =	vpop (xrf2)  }
.Ltmp1:
0x12b: {  	v52 =	vadd.f32 v54, v0;
	v0 =	vmul.f32 v36, v3;
	v63 =	vmul.f32 $1.442695020e+00, v43;
	v43 =	vmovc v60;
	v42 =	vmovc v19;
	(pc) =	sbr.rel @p0 .LBB2_5-.Ltmp1, $4  }
0x12c: {  	v19 =	vmovc v38;
	v38 =	vmovc v56;
	v58 =	vmul.f32 $2.000000030e-01, v59;
	v54 =	vadd.f32 v61, v56;
	v53 =	vmax.f32 v53, v50  }
0x12d: {  	v50 =	vadd.f32 v0, v55;
	v0 =	vmul.f32 v53, v3;
	v60 =	vbroadcast v63, $0xF;
	v36 =	vmovc v16;
	v16 =	vmovc v40  }
0x12e: {  	v40 =	vmovc v62;
	v56 =	vmax.f32 v59, v58;
	v55 =	vmul.f32 $2.000000030e-01, v54;
	v53 =	vadd.f32 v57, v62  }
0x12f: {  	s29 =	sadd.s32 $0x100, s29;
	v56 =	vmul.f32 v56, v4;
	v51 =	vadd.f32 v0, v51;
	(erf) = vpow2.f32 v60  }
0x130: {  	_ = 	snop  }
0x131: {  	(erf) = vpow2.f32 v47;
	v0 =	vadd.f32 v56, v52  }
0x132: {  	v5 =	vmul.f32 v46, v5  }
0x133: {  	(xrf2) =	vadd.scan.msk.f32 $0xffff, v0  }
0x134: {  	[tilespmem:s21+$0xFFFFFFB0] =	vst v5;
	v5 =	vmul.f32 v46, v30  }
0x135: {  	v0 =	vmul.f32 v46, v6;
	v6 =	vmul.f32 v46, v42;
	_ =	sdelay $0x1  }
0x136: {  	[tilespmem:s21+$0xFFFFFFD0] =	vst v5  }
0x137: {  	v20 =	vmul.f32 v45, v20;
	v5 =	vmax.f32 v54, v55;
	[tilespmem:s21+$0xFFFFFFC0] =	vst v0;
	v0 =	vmul.f32 v45, v7  }
0x138: {  	v7 =	vmul.f32 $2.000000030e-01, v53;
	[tilespmem:s21+$0xFFFFFFE0] =	vst v6;
	v5 =	vmul.f32 v5, v4;
	v6 =	vpop (erf)  }
0x139: {  	[tilespmem:s21+$0x0] =	vst v0;
	v0 =	vmul.f32 v6, v37;
	v30 =	vpop (erf);
	(erf) = vpow2.f32 v48  }
0x13a: {  	s20 =	sadd.s32 $0x140, s23;
	[tilespmem:s21+$0x10] =	vst v20;
	v7 =	vmax.f32 v53, v7;
	(erf) = vpow2.f32 v49;
	v20 =	vmul.f32 v30, v21  }
0x13b: {  	v5 =	vadd.f32 v5, v50;
	[tilespmem:s20+$0x80] =	vst v0;
	v0 =	vmul.f32 v7, v4;
	v7 =	vmul.f32 v30, v39  }
0x13c: {  	v8 =	vmul.f32 v33, v8;
	[tilespmem:s22+$0xFFFFFF70] =	vst v20;
	v20 =	vmul.f32 v45, v25;
	v25, _, _ =	vpop (xrf2)  }
0x13d: {  	(xrf2) =	vadd.scan.msk.f32 $0xffff, v5;
	v5 =	vmul.f32 v45, v36;
	[tilespmem:s22+$0xFFFFFF80] =	vst v7;
	v7 =	vmul.f32 $1.442695020e+00, v25  }
0x13e: {  	[tilespmem:s22+$0x50] =	vst v8;
	v48 =	vmul.f32 v30, v41;
	v0 =	vadd.f32 v0, v51  }
0x13f: {  	v21 =	vmul.f32 v30, v44;
	[tilespmem:s21+$0x30] =	vst v5;
	v5 =	vbroadcast v7, $0xF  }
0x140: {  	[tilespmem:s22+$0xFFFFFF60] =	vst v48;
	(xrf2) =	vadd.scan.msk.f32 $0xffff, v0;
	v0 =	vmul.f32 v33, v9;
	v7 =	vmul.f32 v33, v14  }
0x141: {  	[tilespmem:s22+$0xFFFFFF90] =	vst v21  }
0x142: {  	[tilespmem:s22+$0x60] =	vst v0  }
0x143: {  	v0 =	vnsel vm0, $0x0, v30;
	(erf) = vpow2.f32 v5;
	[tilespmem:s22+$0x70] =	vst v7;
	v5 =	vpop (erf)  }
0x144: {  	[tilespmem:s22+$0xFFFFFFA0] =	vst v0;
	v7 =	vpop (erf);
	v8 =	vnsel vm0, $0x0, v5  }
0x145: {  	v0 =	vnsel vm0, $0x0, v7;
	[tilespmem:s22+$0xFFFFFFF0] =	vst v8  }
0x146: {  	v8 =	vmul.f32 v5, v10;
	[tilespmem:s22+$0x40] =	vst v0;
	v0 =	vnsel vm0, $0x0, v6  }
0x147: {  	[tilespmem:s20+$0x90] =	vst v0;
	v0 =	vmul.f32 v5, v11  }
0x148: {  	[tilespmem:s22+$0xFFFFFFB0] =	vst v8;
	v8 =	vmul.f32 v5, v15;
	v5 =	vmul.f32 v5, v19  }
0x149: {  	[tilespmem:s21+$0x20] =	vst v20;
	v9, _, _ =	vpop (xrf2)  }
0x14a: {  	v9 =	vmul.f32 $1.442695020e+00, v9;
	v10, _, _ =	vpop (xrf2);
	[tilespmem:s22+$0xFFFFFFC0] =	vst v0  }
0x14b: {  	v0 =	vmul.f32 $1.442695020e+00, v10;
	v10 =	vmul.f32 v7, v26;
	[tilespmem:s22+$0xFFFFFFD0] =	vst v8  }
0x14c: {  	v8 =	vbroadcast v9, $0xF;
	v9 =	vmul.f32 v7, v12;
	[tilespmem:s22+$0xFFFFFFE0] =	vst v5;
	v5 =	vpop (erf)  }
0x14d: {  	v0 =	vbroadcast v0, $0xF;
	[tilespmem:s22+$0x0] =	vst v10;
	v10 =	vmul.f32 v5, v35  }
0x14e: {  	(erf) = vpow2.f32 v8;
	[tilespmem:s22+$0x10] =	vst v9;
	v8 =	vmul.f32 v5, v27  }
0x14f: {  	v9 =	vmul.f32 v5, v43;
	(erf) = vpow2.f32 v0;
	[tilespmem:s20+$0xFFFFFF60] =	vst v10  }
0x150: {  	v0 =	vmul.f32 v5, v34;
	[tilespmem:s20+$0xFFFFFF70] =	vst v8  }
0x151: {  	[tilespmem:s20+$0xFFFFFF90] =	vst v9  }
0x152: {  	v5 =	vnsel vm0, $0x0, v5;
	[tilespmem:s20+$0xFFFFFF80] =	vst v0;
	v0 =	vmul.f32 v7, v16  }
0x153: {  	v8 =	vmul.f32 v7, v13;
	[tilespmem:s20+$0xFFFFFFA0] =	vst v5  }
0x154: {  	v7 =	vmul.f32 v6, v17;
	[tilespmem:s22+$0x30] =	vst v0;
	v0 =	vmul.f32 v6, v22  }
0x155: {  	[tilespmem:s22+$0x20] =	vst v8;
	v8 =	vmul.f32 v6, v18  }
0x156: {  	[tilespmem:s20+$0x50] =	vst v7  }
0x157: {  	[tilespmem:s20+$0x60] =	vst v8;
	v6 =	vpop (erf)  }
0x158: {  	[tilespmem:s20+$0x70] =	vst v0;
	v7 =	vnsel vm0, $0x0, v6;
	v0 =	vpop (erf)  }
0x159: {  	[tilespmem:s20+$0xFFFFFFF0] =	vst v7;
	v7 =	vmul.f32 v6, v32;
	v5 =	vnsel vm0, $0x0, v0  }
0x15a: {  	[tilespmem:s20+$0x40] =	vst v5;
	v5 =	vmul.f32 v6, v31  }
0x15b: {  	[tilespmem:s20+$0xFFFFFFB0] =	vst v7;
	v7 =	vmul.f32 v6, v28  }
0x15c: {  	v6 =	vmul.f32 v6, v38;
	[tilespmem:s20+$0xFFFFFFC0] =	vst v5  }
0x15d: {  	v5 =	vmul.f32 v0, v23;
	[tilespmem:s20+$0xFFFFFFD0] =	vst v7  }
0x15e: {  	v7 =	vmul.f32 v0, v24;
	[tilespmem:s20+$0xFFFFFFE0] =	vst v6  }
0x15f: {  	v6 =	vmul.f32 v0, v29;
	[tilespmem:s20+$0x0] =	vst v5  }
0x160: {  	v0 =	vmul.f32 v0, v40;
	[tilespmem:s20+$0x10] =	vst v7  }
0x161: {  	p0 =	seq.s32 s18, $0x7C;
	[tilespmem:s20+$0x20] =	vst v6  }
0x162: {  	s19 =	sadd.s32 @!p0 s19, s26;
	[tilespmem:s20+$0x30] =	vst v0  }
0x163: {  	[spmem:s4] =	stream.indirect.scatter.add.f32 [tilespmem:s31], [sflag:$0x5], $0x50, s2, s3, $0xb8;
	[tilespmem:$0xF8B0] =	vst v63  }
0x164: {  	s19 =	sshrl.u32 @!p0 s19, $0x3;
	_ =	swait.ge [sflag:s0], $0xC80  }
0x165: {  	s19 =	sadd.s32 @!p0 s1, s19;
	s21 =	simm.s32 @!p0 $0xC350;
	[sflag:s0] =	ssyncset.done $0x0  }
0x166: {  	s22 =	simm.s32 @!p0 $0x5;
	s20 =	simm.s32 @!p0 $0x0;
	[sflag:s0] =	ssyncadd.s32 $0xFFFFF380  }
0x167: {  	[tilespmem:s21], [sflag:$0x5] =	stream.linear.gather @!p0 [hbm4b:s19+s20], $0x28, $0x38;
	[tilespmem:$0xF8B0] =	vst v63  }
0x168: {  	_ =	swait.ge @!p0 [sflag:s22], $0x28  }
0x169: {  	[sflag:s22] =	ssyncset.done @!p0 $0x0  }
0x16a: {  	s23 =	simm.s32 @!p0 $0xC378;
	s19 =	sadd.s32 @!p0 $0x9C40, s19;
	[sflag:s22] =	ssyncadd.s32 @!p0 $0xFFFFFFD8  }
0x16b: {  	[tilespmem:s23], [sflag:$0x5] =	stream.linear.gather @!p0 [hbm4b:s19+s20], $0x28, $0x38;
	[tilespmem:$0xF8B0] =	vst v63  }
0x16c: {  	_ =	swait.ge @!p0 [sflag:s22], $0x28  }
0x16d: {  	[sflag:s22] =	ssyncset.done @!p0 $0x0  }
0x16e: {  	s19 =	simm.s32 @!p0 $0x28;
	s20 =	simm.s32 @!p0 $0xC3F0;
	[sflag:s22] =	ssyncadd.s32 @!p0 $0xFFFFFFD8  }
0x16f: {  	[tilespmem:s20], [sflag:$0x1] =	stream.indirect.gather @!p0 [hbm4b:s6+s19], $0x40, s21, s19, $0xb8;
	[tilespmem:$0xF8B0] =	vst v63  }
0x170: {  	s20 =	simm.s32 @!p0 $0xCDF0  }
0x171: {  	[tilespmem:s20], [sflag:$0x2] =	stream.indirect.gather @!p0 [hbm4b:s7+s19], $0x40, s23, s19, $0xb8;
	[tilespmem:$0xF8B0] =	vst v63  }
0x172: {  	_ =	swait.ge [sflag:s15], $0xA00  }
0x173: {  	[sflag:s15] =	ssyncset.done $0x0  }
0x174: {  	[sflag:s15] =	ssyncadd.s32 $0xFFFFF600  }
0x175: {  	_ =	swait.ge [sflag:s16], $0xA00  }
0x176: {  	[sflag:s16] =	ssyncset.done $0x0  }
0x177: {  	s19 =	simm.s32 $0xD870;
	[sflag:s16] =	ssyncadd.s32 $0xFFFFF600  }
0x178: {  	v13 =	vld [tilespmem:s19+$0x70]  }
0x179: {  	v29 =	vld [tilespmem:s19+$0x40]  }
0x17a: {  	s21 =	simm.s32 $0xE270;
	v24 =	vld [tilespmem:s19+$0x50]  }
0x17b: {  	v0 =	vld [tilespmem:s21+$0x40]  }
0x17c: {  	v6 =	vld [tilespmem:s21+$0x50]  }
0x17d: {  	v28 =	vld [tilespmem:s19+$0x60]  }
0x17e: {  	v7 =	vld [tilespmem:s21+$0x60]  }
0x17f: {  	v8 =	vld [tilespmem:s21+$0x70]  }
0x180: {  	v23 =	vld [tilespmem:s19+$0xFFFFFF90]  }
0x181: {  	v9 =	vld [tilespmem:s21+$0xFFFFFF80]  }
0x182: {  	v10 =	vld [tilespmem:s21+$0xFFFFFF90]  }
0x183: {  	v5 =	vld [tilespmem:s19+$0xFFFFFFC0]  }
0x184: {  	v12 =	vld [tilespmem:s21+$0xFFFFFFC0]  }
0x185: {  	v17 =	vld [tilespmem:s21+$0xFFFFFFD0];
	v0 =	vadd.f32 v0, v29;
	v11 =	vadd.f32 v6, v24  }
0x186: {  	v20 =	vld [tilespmem:s19+$0x10]  }
0x187: {  	v35 =	vld [tilespmem:s19+$0xFFFFFF80];
	v16 =	vadd.f32 v7, v28;
	v14 =	vmul.f32 $2.000000030e-01, v0;
	v15 =	vmul.f32 $2.000000030e-01, v11  }
0x188: {  	v38 =	vld [tilespmem:s19+$0xFFFFFFB0];
	v8 =	vadd.f32 v8, v13  }
0x189: {  	v19 =	vld [tilespmem:s21+$0xFFFFFFB0];
	v0 =	vmax.f32 v0, v14;
	v11 =	vmax.f32 v11, v15;
	v14 =	vmul.f32 $2.000000030e-01, v16  }
0x18a: {  	v6 =	vld [tilespmem:s19+$0xFFFFFFD0];
	v0 =	vmul.f32 v0, v1;
	v11 =	vmul.f32 v11, v2  }
0x18b: {  	v7 =	vld [tilespmem:s19+$0x0];
	v14 =	vmax.f32 v16, v14;
	v16 =	vmul.f32 $2.000000030e-01, v8  }
0x18c: {  	v15 =	vld [tilespmem:s21+$0x0];
	v14 =	vmul.f32 v14, v3;
	v0 =	vadd.f32 v11, v0  }
0x18d: {  	v18 =	vld [tilespmem:s21+$0x10];
	v10 =	vadd.f32 v10, v23;
	v8 =	vmax.f32 v8, v16  }
0x18e: {  	v34 =	vld [tilespmem:s19+$0xFFFFFFA0];
	v9 =	vadd.f32 v9, v35;
	v8 =	vmul.f32 v8, v4;
	v0 =	vadd.f32 v14, v0  }
0x18f: {  	v12 =	vadd.f32 v12, v5;
	v19 =	vadd.f32 v19, v38;
	v11 =	vld [tilespmem:s21+$0xFFFFFFA0];
	v14 =	vmul.f32 $2.000000030e-01, v10  }
0x190: {  	v30 =	vld [tilespmem:s19+$0xFFFFFFE0];
	v21 =	vmul.f32 $2.000000030e-01, v9;
	v16 =	vadd.f32 v17, v6;
	v0 =	vadd.f32 v8, v0  }
0x191: {  	v25 =	vld [tilespmem:s19+$0x20];
	v15 =	vadd.f32 v15, v7;
	v10 =	vmax.f32 v10, v14;
	v14 =	vmul.f32 $2.000000030e-01, v12  }
0x192: {  	v9 =	vmax.f32 v9, v21;
	v17 =	vmul.f32 $2.000000030e-01, v16;
	v8 =	vld [tilespmem:s21+$0xFFFFFFE0];
	(xrf2) =	vadd.scan.msk.f32 $0xffff, v0;
	v0 =	vadd.f32 v18, v20  }
0x193: {  	v10 =	vmul.f32 v10, v2;
	v18 =	vld [tilespmem:s21+$0x20];
	v12 =	vmax.f32 v12, v14;
	v14 =	vmul.f32 $2.000000030e-01, v15  }
0x194: {  	v42 =	vld [tilespmem:s19+$0xFFFFFFF0];
	v16 =	vmax.f32 v16, v17;
	v11 =	vadd.f32 v11, v34;
	v17 =	vmul.f32 $2.000000030e-01, v0  }
0x195: {  	v12 =	vmul.f32 v12, v1;
	v14 =	vmax.f32 v15, v14;
	v15 =	vmul.f32 v16, v2;
	v16 =	vld [tilespmem:s21+$0xFFFFFFF0]  }
0x196: {  	v36 =	vld [tilespmem:s19+$0x30];
	v14 =	vmul.f32 v14, v1;
	v0 =	vmax.f32 v0, v17;
	v17 =	vmul.f32 $2.000000030e-01, v11  }
0x197: {  	v21 =	vadd.f32 v8, v30;
	v8 =	vmul.f32 v9, v1;
	v12 =	vadd.f32 v15, v12;
	v15 =	vld [tilespmem:s21+$0x30]  }
0x198: {  	s23 =	simm.s32 $0xE370;
	v0 =	vmul.f32 v0, v2;
	v9 =	vmax.f32 v11, v17;
	v17 =	vadd.f32 v18, v25  }
0x199: {  	v22 =	vld [tilespmem:s23+$0x40];
	v10 =	vadd.f32 v10, v8;
	v11 =	vmul.f32 $2.000000030e-01, v21;
	v18 =	vmul.f32 v9, v3  }
0x19a: {  	s22 =	simm.s32 $0xD970;
	v26 =	vld [tilespmem:s23+$0x50];
	v0 =	vadd.f32 v0, v14;
	v16 =	vadd.f32 v16, v42;
	v14 =	vmul.f32 $2.000000030e-01, v17  }
0x19b: {  	v8 =	vld [tilespmem:s22+$0x40];
	v11 =	vmax.f32 v21, v11;
	v10 =	vadd.f32 v18, v10;
	v18 =	vmul.f32 $2.000000030e-01, v19  }
0x19c: {  	v9 =	vld [tilespmem:s22+$0x50];
	v11 =	vmul.f32 v11, v3;
	v15 =	vadd.f32 v15, v36;
	v21, _, _ =	vpop (xrf2);
	v17 =	vmax.f32 v17, v14  }
0x19d: {  	v14 =	vld [tilespmem:s22+$0x60];
	v21 =	vmul.f32 $1.442695020e+00, v21;
	v18 =	vmax.f32 v19, v18;
	v19 =	vmul.f32 $2.000000030e-01, v16  }
0x19e: {  	v11 =	vadd.f32 v11, v12;
	v12 =	vmul.f32 v17, v3;
	v17 =	vmul.f32 v18, v4;
	v18 =	vld [tilespmem:s23+$0x60]  }
0x19f: {  	v31 =	vld [tilespmem:s22+$0x70];
	v16 =	vmax.f32 v16, v19;
	v19 =	vmul.f32 $2.000000030e-01, v15  }
0x1a0: {  	v27 =	vld [tilespmem:s23+$0x70];
	v21 =	vbroadcast v21, $0xF;
	v0 =	vadd.f32 v12, v0;
	v12 =	vmul.f32 v16, v4  }
0x1a1: {  	v10 =	vadd.f32 v17, v10;
	v16 =	vadd.f32 v22, v8;
	v15 =	vmax.f32 v15, v19  }
0x1a2: {  	v17 =	vadd.f32 v26, v9;
	v11 =	vadd.f32 v12, v11;
	v12 =	vmul.f32 v15, v4  }
0x1a3: {  	(xrf2) =	vadd.scan.msk.f32 $0xffff, v10;
	v10 =	vmul.f32 $2.000000030e-01, v16;
	v18 =	vadd.f32 v18, v14  }
0x1a4: {  	(erf) = vpow2.f32 v21;
	v15 =	vmul.f32 $2.000000030e-01, v17;
	v0 =	vadd.f32 v12, v0  }
0x1a5: {  	(xrf2) =	vadd.scan.msk.f32 $0xffff, v11;
	v12 =	vadd.f32 v27, v31;
	v11 =	vmax.f32 v16, v10;
	v16 =	vmul.f32 $2.000000030e-01, v18  }
0x1a6: {  	v41 =	vld [tilespmem:s22+$0xFFFFFF80];
	v15 =	vmax.f32 v17, v15;
	v17 =	vmul.f32 v11, v1  }
0x1a7: {  	v22 =	vld [tilespmem:s23+$0xFFFFFF90];
	v15 =	vmul.f32 v15, v2;
	(xrf2) =	vadd.scan.msk.f32 $0xffff, v0;
	v0 =	vmax.f32 v18, v16;
	v16 =	vmul.f32 $2.000000030e-01, v12  }
0x1a8: {  	v26 =	vld [tilespmem:s22+$0x0]  }
0x1a9: {  	v21 =	vld [tilespmem:s22+$0xFFFFFF90];
	v15 =	vadd.f32 v15, v17;
	v0 =	vmul.f32 v0, v3;
	v12 =	vmax.f32 v12, v16  }
0x1aa: {  	v19 =	vld [tilespmem:s23+$0xFFFFFF80];
	v16 =	vmul.f32 v12, v4  }
0x1ab: {  	v10 =	vld [tilespmem:s22+$0xFFFFFFC0];
	v0 =	vadd.f32 v0, v15  }
0x1ac: {  	v11 =	vld [tilespmem:s22+$0xFFFFFFD0]  }
0x1ad: {  	v17 =	vld [tilespmem:s23+$0xFFFFFFD0];
	v32 =	vpop (erf);
	v0 =	vadd.f32 v16, v0  }
0x1ae: {  	v18 =	vld [tilespmem:s23+$0xFFFFFFC0];
	v16, _, _ =	vpop (xrf2)  }
0x1af: {  	v27 =	vld [tilespmem:s23+$0x10];
	v15 =	vadd.f32 v22, v21;
	v50, _, _ =	vpop (xrf2);
	(xrf2) =	vadd.scan.msk.f32 $0xffff, v0;
	v0 =	vmul.f32 v32, v13  }
0x1b0: {  	v56 =	vadd.f32 v19, v41;
	v12 =	vld [tilespmem:s22+$0x10]  }
0x1b1: {  	v22 =	vld [tilespmem:s23+$0x0];
	v51 =	vmul.f32 $2.000000030e-01, v15;
	v16 =	vmul.f32 $1.442695020e+00, v16;
	[tilespmem:$0x1FFC0] =	vst v0  }
0x1b2: {  	v60 =	vmul.f32 $2.000000030e-01, v56;
	v17 =	vadd.f32 v17, v11;
	v39 =	vld [tilespmem:s22+$0xFFFFFFA0]  }
0x1b3: {  	v15 =	vmax.f32 v15, v51;
	v13 =	vadd.f32 v18, v10;
	v18 =	vbroadcast v16, $0xF;
	v16 =	vld [tilespmem:s23+$0xFFFFFFA0]  }
0x1b4: {  	v46 =	vmax.f32 v56, v60;
	v37 =	vmul.f32 v15, v2;
	v15 =	vld [tilespmem:s22+$0xFFFFFFE0]  }
0x1b5: {  	v46 =	vmul.f32 v46, v1;
	v54 =	vmul.f32 $2.000000030e-01, v17;
	v55 =	vld [tilespmem:s23+$0xFFFFFFE0]  }
0x1b6: {  	v22 =	vadd.f32 v22, v26;
	v27 =	vadd.f32 v27, v12;
	v52, _, _ =	vpop (xrf2);
	v0 =	vmul.f32 $1.442695020e+00, v50;
	v44 =	vld [tilespmem:s22+$0xFFFFFFB0]  }
0x1b7: {  	v17 =	vmax.f32 v17, v54;
	v53 =	vmul.f32 $2.000000030e-01, v13;
	v33 =	vmul.f32 $1.442695020e+00, v52;
	v57 =	vld [tilespmem:s23+$0xFFFFFFB0]  }
0x1b8: {  	v17 =	vmul.f32 v17, v2;
	v19 =	vmul.f32 $2.000000030e-01, v22;
	v59 =	vld [tilespmem:s23+$0x20]  }
0x1b9: {  	v58 =	vmul.f32 $2.000000030e-01, v27;
	v46 =	vadd.f32 v37, v46;
	v43 =	vmax.f32 v13, v53;
	v13 =	vld [tilespmem:s22+$0x20]  }
0x1ba: {  	v50 =	vmul.f32 v32, v29;
	v0 =	vbroadcast v0, $0xF;
	v22 =	vmax.f32 v22, v19;
	v19 =	vld [tilespmem:s22+$0xFFFFFFF0]  }
0x1bb: {  	v33 =	vbroadcast v33, $0xF;
	v51 =	vmul.f32 v22, v1;
	v22 =	vmax.f32 v27, v58;
	v27 =	vld [tilespmem:s23+$0xFFFFFFF0];
	v61, _, _ =	vpop (xrf2)  }
0x1bc: {  	v43 =	vmul.f32 v43, v1;
	v16 =	vadd.f32 v16, v39;
	v48 =	vmul.f32 $1.442695020e+00, v61  }
0x1bd: {  	s29 =	simm.s32 $0xDA70;
	v63 =	vld [tilespmem:s23+$0x30];
	v60 =	vmul.f32 v22, v2;
	v45 =	vadd.f32 v55, v15;
	v47 =	vadd.f32 v57, v44  }
0x1be: {  	s19 =	simm.s32 $0xE470;
	v37 =	vld [tilespmem:s29+$0x70];
	v43 =	vadd.f32 v17, v43;
	v17 =	vmul.f32 $2.000000030e-01, v16;
	v48 =	vbroadcast v48, $0xF  }
0x1bf: {  	v53 =	vld [tilespmem:s19+$0x40];
	v49 =	vadd.f32 v59, v13;
	v62 =	vmul.f32 $2.000000030e-01, v45;
	v57 =	vmul.f32 $2.000000030e-01, v47  }
0x1c0: {  	v27 =	vadd.f32 v27, v19;
	v17 =	vmax.f32 v16, v17;
	v16 =	vld [tilespmem:s22+$0x30];
	(erf) = vpow2.f32 v48  }
0x1c1: {  	v22 =	vld [tilespmem:s29+$0x60];
	v58 =	vmul.f32 $2.000000030e-01, v49;
	v45 =	vmax.f32 v45, v62;
	(erf) = vpow2.f32 v18  }
0x1c2: {  	v61 =	vld [tilespmem:s19+$0x50];
	v47 =	vmax.f32 v47, v57;
	v59 =	vmul.f32 $2.000000030e-01, v27;
	v40 =	vmul.f32 v17, v3  }
0x1c3: {  	v17 =	vld [tilespmem:s29+$0x40];
	v47 =	vmul.f32 v47, v4;
	v45 =	vmul.f32 v45, v3  }
0x1c4: {  	v27 =	vmax.f32 v27, v59;
	v46 =	vadd.f32 v40, v46;
	v48 =	vmax.f32 v49, v58;
	v18 =	vld [tilespmem:s29+$0x50]  }
0x1c5: {  	v27 =	vmul.f32 v27, v4;
	v49 =	vmul.f32 v32, v24;
	v52 =	vadd.f32 v63, v16;
	v63 =	vld [tilespmem:s19+$0x60]  }
0x1c6: {  	v43 =	vadd.f32 v45, v43;
	v24 =	vmul.f32 v32, v28;
	(erf) = vpow2.f32 v0;
	v0 =	vld [tilespmem:s19+$0x70]  }
0x1c7: {  	v29 =	vld [tilespmem:s19+$0xFFFFFF90];
	v57 =	vadd.f32 v60, v51;
	v46 =	vadd.f32 v47, v46;
	v62 =	vmul.f32 $2.000000030e-01, v52  }
0x1c8: {  	v48 =	vmul.f32 v48, v3;
	v58 =	vadd.f32 v27, v43;
	v27 =	vld [tilespmem:s29+$0xFFFFFF90];
	[tilespmem:$0x1FFD0] =	vst v24;
	v24 =	vadd.f32 v53, v17  }
0x1c9: {  	v43 =	vnsel vm0, $0x0, v32;
	(erf) = vpow2.f32 v33;
	v32 =	vld [tilespmem:s29+$0xFFFFFFC0];
	v45 =	vmax.f32 v52, v62;
	v33 =	vpop (erf)  }
0x1ca: {  	v56 =	vld [tilespmem:s19+$0xFFFFFFD0];
	v28 =	vadd.f32 v61, v18;
	v61 =	vmul.f32 $2.000000030e-01, v24;
	v47 =	vadd.f32 v63, v22;
	v60 =	vpop (erf)  }
0x1cb: {  	(xrf2) =	vadd.scan.msk.f32 $0xffff, v46;
	v45 =	vmul.f32 v45, v4;
	v0 =	vadd.f32 v0, v37;
	v53 =	vmul.f32 v60, v35;
	v35 =	vld [tilespmem:s19+$0xFFFFFFC0]  }
0x1cc: {  	v59 =	vadd.f32 v48, v57;
	v46 =	vld [tilespmem:s19+$0x0];
	(xrf2) =	vadd.scan.msk.f32 $0xffff, v58;
	v55 =	vmul.f32 $2.000000030e-01, v28;
	v63 =	vmul.f32 $2.000000030e-01, v47  }
0x1cd: {  	v62 =	vmax.f32 v24, v61;
	v40 =	vmul.f32 $2.000000030e-01, v0;
	v54 =	vmul.f32 v60, v23;
	v23 =	vld [tilespmem:s29+$0x0]  }
0x1ce: {  	v24 =	vld [tilespmem:s29+$0x10];
	v48 =	vmul.f32 v33, v31;
	v28 =	vmax.f32 v28, v55;
	v57 =	vmul.f32 v60, v34  }
0x1cf: {  	v45 =	vadd.f32 v45, v59;
	v31 =	vld [tilespmem:s29+$0xFFFFFFD0];
	v34 =	vmul.f32 v62, v1;
	v28 =	vmul.f32 v28, v2  }
0x1d0: {  	v59 =	vld [tilespmem:s19+$0x10];
	v58 =	vmul.f32 v60, v38;
	v38 =	vmax.f32 v47, v63;
	v51 =	vadd.f32 v35, v32  }
0x1d1: {  	v55 =	vnsel vm0, $0x0, v60;
	v60 =	vld [tilespmem:s19+$0xFFFFFF80];
	v38 =	vmul.f32 v38, v3;
	v28 =	vadd.f32 v28, v34  }
0x1d2: {  	v0 =	vmax.f32 v0, v40;
	v63 =	vld [tilespmem:s19+$0xFFFFFFA0];
	v46 =	vadd.f32 v46, v23;
	v40 =	vmul.f32 $2.000000030e-01, v51  }
0x1d3: {  	v29 =	vadd.f32 v29, v27;
	v0 =	vmul.f32 v0, v4;
	v28 =	vadd.f32 v38, v28;
	v35 =	vld [tilespmem:s29+$0xFFFFFF80]  }
0x1d4: {  	v34 =	vld [tilespmem:s29+$0xFFFFFFA0];
	v38 =	vadd.f32 v56, v31;
	v47 =	vmax.f32 v51, v40;
	v51 =	vmul.f32 $2.000000030e-01, v46  }
0x1d5: {  	s20 =	simm.s32 $0xEC90;
	v52, _, _ =	vpop (xrf2);
	v59 =	vadd.f32 v59, v24;
	v0 =	vadd.f32 v0, v28  }
0x1d6: {  	s22 =	simm.s32 $0xEDD0;
	v62, _, _ =	vpop (xrf2);
	(xrf2) =	vadd.scan.msk.f32 $0xffff, v45;
	v45 =	vmul.f32 $2.000000030e-01, v38;
	v40 =	vmax.f32 v46, v51;
	v51 =	vld [tilespmem:$0x1FFC0];
	[tilespmem:s20+$0x90] =	vst v43  }
0x1d7: {  	v61 =	vmul.f32 $2.000000030e-01, v29;
	v56 =	vmul.f32 $1.442695020e+00, v62;
	v62 =	vld [tilespmem:s19+$0xFFFFFFE0];
	(xrf2) =	vadd.scan.msk.f32 $0xffff, v0;
	[tilespmem:s22+$0x80] =	vst v48  }
0x1d8: {  	v28 =	vld [tilespmem:s29+$0xFFFFFFE0];
	v0 =	vmax.f32 v38, v45;
	v45 =	vmul.f32 $2.000000030e-01, v59;
	v38 =	vadd.f32 v60, v35;
	[tilespmem:s20+$0xFFFFFF60] =	vst v53  }
0x1d9: {  	v61 =	vmax.f32 v29, v61;
	v29 =	vld [tilespmem:s29+$0x20];
	v52 =	vmul.f32 $1.442695020e+00, v52;
	v63 =	vadd.f32 v63, v34;
	[tilespmem:s20+$0xFFFFFF70] =	vst v54  }
0x1da: {  	v60 =	vmul.f32 v61, v2;
	v61 =	vld [tilespmem:s19+$0x20];
	v45 =	vmax.f32 v59, v45;
	[tilespmem:s20+$0xFFFFFF80] =	vst v57;
	v59 =	vmul.f32 $2.000000030e-01, v38  }
0x1db: {  	v0 =	vmul.f32 v0, v2;
	v47 =	vmul.f32 v47, v1;
	v43 =	vld [tilespmem:s29+$0xFFFFFFB0];
	[tilespmem:s20+$0xFFFFFF90] =	vst v58  }
0x1dc: {  	v48 =	vmul.f32 $2.000000030e-01, v63;
	v53 =	vld [tilespmem:s19+$0xFFFFFFB0];
	v45 =	vmul.f32 v45, v2;
	[tilespmem:s20+$0x50] =	vst v50;
	v38 =	vmax.f32 v38, v59  }
0x1dd: {  	[tilespmem:s20+$0x60] =	vst v49;
	v40 =	vmul.f32 v40, v1;
	v59 =	vadd.f32 v62, v28;
	v62 =	vmul.f32 v38, v1  }
0x1de: {  	v57 =	vld [tilespmem:s19+$0xFFFFFFF0];
	v0 =	vadd.f32 v0, v47;
	v47 =	vbroadcast v52, $0xF;
	v48 =	vmax.f32 v63, v48;
	[tilespmem:s20+$0x80] =	vst v51  }
0x1df: {  	v61 =	vadd.f32 v61, v29;
	v52 =	vadd.f32 v60, v62;
	v60 =	vmul.f32 v48, v3;
	v49 =	vld [tilespmem:$0x1FFD0]  }
0x1e0: {  	v46 =	vpop (erf);
	v58 =	vadd.f32 v45, v40;
	v38 =	vld [tilespmem:s29+$0xFFFFFFF0];
	v54 =	vmul.f32 $2.000000030e-01, v59  }
0x1e1: {  	v40 =	vld [tilespmem:s29+$0x30];
	v51 =	vnsel vm0, $0x0, v46;
	v53 =	vadd.f32 v53, v43;
	v63 =	vmul.f32 $2.000000030e-01, v61;
	v62, _, _ =	vpop (xrf2)  }
0x1e2: {  	v48 =	vbroadcast v56, $0xF;
	v56 =	vld [tilespmem:s19+$0x30];
	v54 =	vmax.f32 v59, v54;
	v50 =	vmul.f32 $1.442695020e+00, v62  }
0x1e3: {  	[tilespmem:s20+$0xFFFFFFF0] =	vst v51;
	v51 =	vnsel vm0, $0x0, v33;
	v52 =	vadd.f32 v60, v52;
	v54 =	vmul.f32 v54, v3;
	v60, _, _ =	vpop (xrf2)  }
0x1e4: {  	v59 =	vmax.f32 v61, v63;
	[tilespmem:s20+$0x70] =	vst v49;
	v49 =	vbroadcast v50, $0xF;
	v60 =	vmul.f32 $1.442695020e+00, v60  }
0x1e5: {  	v45 =	vpop (erf);
	v50 =	vadd.f32 v54, v0;
	v0 =	vmul.f32 $2.000000030e-01, v53;
	v54 =	vadd.f32 v57, v38  }
0x1e6: {  	[tilespmem:s20+$0xFFFFFFA0] =	vst v55;
	v61 =	vnsel vm0, $0x0, v45;
	v62 =	vmul.f32 v59, v3;
	v63 =	vbroadcast v60, $0xF  }
0x1e7: {  	[tilespmem:s22+$0x90] =	vst v51;
	v0 =	vmax.f32 v53, v0;
	v55 =	vmul.f32 $2.000000030e-01, v54;
	v53 =	vadd.f32 v56, v40  }
0x1e8: {  	s28 =	simm.s32 $0xDB70;
	s21 =	simm.s32 $0xEDD0;
	s23 =	simm.s32 $0x8;
	[tilespmem:s20+$0x40] =	vst v61;
	v51 =	vadd.f32 v62, v58;
	v56 =	vmul.f32 v0, v4;
	(erf) = vpow2.f32 v63  }
.LBB2_7:
0x1e9: {  	v0 =	vld [tilespmem:s28+$0x70];
	v54 =	vmax.f32 v54, v55;
	v55 =	vmul.f32 $2.000000030e-01, v53;
	(erf) = vpow2.f32 v47  }
0x1ea: {  	v47 =	vld [tilespmem:s28+$0x40];
	v52 =	vadd.f32 v56, v52;
	v54 =	vmul.f32 v54, v4;
	(erf) = vpow2.f32 v48  }
0x1eb: {  	s19 =	sadd.s32 $0x100, s19;
	v48 =	vld [tilespmem:s28+$0x50];
	v53 =	vmax.f32 v53, v55;
	(erf) = vpow2.f32 v49;
	v49 =	vmul.f32 v46, v5;
	v5 =	vmovc v10;
	v10 =	vmovc v32  }
0x1ec: {  	v32 =	vld [tilespmem:s19+$0x40];
	v50 =	vadd.f32 v54, v50;
	v53 =	vmul.f32 v53, v4;
	(xrf2) =	vadd.scan.msk.f32 $0xffff, v52;
	v52 =	vmul.f32 v46, v6  }
0x1ed: {  	s23 =	sadd.s32 $0x4, s23;
	v30 =	vmul.f32 v46, v30;
	v42 =	vmul.f32 v46, v42;
	v6 =	vmovc v11;
	v11 =	vmov v31;
	v54 =	vld [tilespmem:s19+$0x50];
	[tilespmem:s20+$0xFFFFFFB0] =	vst v49  }
0x1ee: {  	v20 =	vmul.f32 v45, v20;
	p0 =	slt.u32 s23, $0x24;
	v46 =	vmul.f32 v45, v7;
	v49 =	vld [tilespmem:s28+$0x60];
	v31 =	vadd.f32 v53, v51;
	[tilespmem:s20+$0xFFFFFFC0] =	vst v52  }
0x1ef: {  	v25 =	vmul.f32 v45, v25;
	v7 =	vmovc v26;
	v51 =	vld [tilespmem:s19+$0x60];
	(xrf2) =	vadd.scan.msk.f32 $0xffff, v50;
	[tilespmem:s20+$0xFFFFFFD0] =	vst v30;
	v30 =	vmul.f32 v45, v36  }
0x1f0: {  	v36 =	vmul.f32 v33, v8;
	v50 =	vmul.f32 v33, v9;
	v8 =	vmovc v17;
	v17 =	vmov v47;
	v26 =	vld [tilespmem:s19+$0x70];
	[tilespmem:s20+$0xFFFFFFE0] =	vst v42  }
0x1f1: {  	v52 =	vmul.f32 v33, v14;
	v9 =	vmov v18;
	v18 =	vmov v48;
	v42 =	vld [tilespmem:s28+$0xFFFFFF90];
	v33 =	vpop (erf);
	[tilespmem:s20+$0x0] =	vst v46  }
0x1f2: {  	v14 =	vadd.f32 v32, v17;
	v53 =	vld [tilespmem:s19+$0xFFFFFF80];
	v47 =	vadd.f32 v54, v18;
	v37 =	vmul.f32 v33, v37;
	(xrf2) =	vadd.scan.msk.f32 $0xffff, v31;
	v48 =	vpop (erf)  }
0x1f3: {  	s22 =	sadd.s32 $0x140, s22;
	v54 =	vld [tilespmem:s19+$0xFFFFFF90];
	v41 =	vmul.f32 v48, v41;
	v21 =	vmul.f32 v48, v21;
	v55 =	vnsel vm0, $0x0, v48;
	v46 =	vpop (erf);
	[tilespmem:s20+$0x10] =	vst v20  }
0x1f4: {  	v20 =	vmul.f32 $2.000000030e-01, v14;
	v32 =	vld [tilespmem:s28+$0xFFFFFFC0];
	v56 =	vmul.f32 $2.000000030e-01, v47;
	v51 =	vadd.f32 v51, v49;
	[tilespmem:s22+$0x80] =	vst v37;
	v45 =	vpop (erf)  }
0x1f5: {  	v57 =	vmul.f32 v48, v39;
	v39 =	vmul.f32 v48, v44;
	v31 =	vld [tilespmem:s28+$0xFFFFFFD0];
	v26 =	vadd.f32 v26, v0;
	[tilespmem:s21+$0xFFFFFF60] =	vst v41  }
0x1f6: {  	v58 =	vmax.f32 v14, v20;
	v41 =	vld [tilespmem:s19+$0xFFFFFFC0];
	v20 =	vmax.f32 v47, v56;
	v44 =	vmul.f32 $2.000000030e-01, v51;
	v47, _, _ =	vpop (xrf2);
	[tilespmem:s21+$0xFFFFFF70] =	vst v21  }
0x1f7: {  	v58 =	vmul.f32 v58, v1;
	v56 =	vnsel vm0, $0x0, v46;
	v37 =	vmovc v0;
	v48 =	vld [tilespmem:s19+$0xFFFFFFD0];
	v20 =	vmul.f32 v20, v2;
	[tilespmem:s21+$0xFFFFFF80] =	vst v57  }
0x1f8: {  	v14 =	vmovc v22;
	v0 =	vadd.f32 v54, v42;
	v54 =	vld [tilespmem:s28+$0x0];
	v44 =	vmax.f32 v51, v44;
	v51 =	vmul.f32 $2.000000030e-01, v26;
	[tilespmem:s21+$0xFFFFFF90] =	vst v39  }
0x1f9: {  	v47 =	vmul.f32 $1.442695020e+00, v47;
	v39 =	vld [tilespmem:s28+$0x10];
	v59 =	vmul.f32 v44, v3;
	v20 =	vadd.f32 v20, v58;
	v21, _, _ =	vpop (xrf2);
	[tilespmem:s20+$0x20] =	vst v25  }
0x1fa: {  	v22 =	vmovc v49;
	v25 =	vmul.f32 $2.000000030e-01, v0;
	v57 =	vld [tilespmem:s19+$0x0];
	v26 =	vmax.f32 v26, v51;
	v51 =	vmul.f32 $1.442695020e+00, v21;
	[tilespmem:s20+$0x30] =	vst v30;
	v21 =	vmovc v27;
	s20 =	smov.u32 s21;
	s21 =	smov.u32 s22  }
0x1fb: {  	v30 =	vadd.f32 v41, v32;
	v41 =	vld [tilespmem:s19+$0x10];
	v58 =	vmul.f32 v26, v4;
	v20 =	vadd.f32 v59, v20;
	[tilespmem:s20+$0x50] =	vst v36  }
0x1fc: {  	v47 =	vbroadcast v47, $0xF;
	v36 =	vld [tilespmem:s28+$0xFFFFFF80];
	v0 =	vmax.f32 v0, v25;
	v25 =	vadd.f32 v48, v31;
	v44, _, _ =	vpop (xrf2);
	[tilespmem:s20+$0x60] =	vst v50  }
0x1fd: {  	v27 =	vmovc v42;
	v50 =	vld [tilespmem:s28+$0xFFFFFFA0];
	v0 =	vmul.f32 v0, v2;
	v48 =	vmul.f32 $2.000000030e-01, v30;
	v58 =	vadd.f32 v58, v20;
	[tilespmem:s20+$0x70] =	vst v52  }
0x1fe: {  	v44 =	vmul.f32 $1.442695020e+00, v44;
	v52 =	vnsel vm0, $0x0, v45;
	v26 =	vmovc v23;
	v23 =	vmovc v54;
	v42 =	vld [tilespmem:s19+$0xFFFFFFA0];
	v49 =	vmul.f32 $2.000000030e-01, v25;
	[tilespmem:s20+$0xFFFFFFA0] =	vst v55  }
0x1ff: {  	v54 =	vld [tilespmem:s28+$0xFFFFFFE0];
	v30 =	vmax.f32 v30, v48;
	v55 =	vadd.f32 v57, v23;
	(xrf2) =	vadd.scan.msk.f32 $0xffff, v58;
	v48 =	vbroadcast v51, $0xF;
	v20 =	vmovc v12  }
0x200: {  	v30 =	vmul.f32 v30, v1;
	v49 =	vmax.f32 v25, v49;
	v25 =	vld [tilespmem:s19+$0xFFFFFFE0];
	v51 =	vadd.f32 v41, v39;
	[tilespmem:s20+$0xFFFFFFF0] =	vst v56  }
0x201: {  	v12 =	vmovc v24;
	v53 =	vadd.f32 v53, v36;
	v56 =	vmul.f32 v49, v2;
	v57 =	vld [tilespmem:s28+$0x20];
	v58 =	vmul.f32 $2.000000030e-01, v55;
	[tilespmem:s20+$0x40] =	vst v52  }
0x202: {  	v24 =	vmovc v39;
	v41 =	vmovc v35;
	v49 =	vbroadcast v44, $0xF;
	v44 =	vnsel vm0, $0x0, v33;
	v52 =	vmul.f32 $2.000000030e-01, v51;
	v59 =	vld [tilespmem:s19+$0x20]  }
0x203: {  	v35 =	vmovc v36;
	v60 =	vld [tilespmem:s28+$0xFFFFFFB0];
	v61 =	vmul.f32 $2.000000030e-01, v53;
	v42 =	vadd.f32 v42, v50;
	v58 =	vmax.f32 v55, v58;
	[tilespmem:s22+$0x90] =	vst v44  }
0x204: {  	v39 =	vmovc v34;
	v55 =	vadd.f32 v56, v30;
	v36 =	vld [tilespmem:s19+$0xFFFFFFB0];
	v44 =	vmul.f32 v58, v1;
	v51 =	vmax.f32 v51, v52  }
0x205: {  	v34 =	vmovc v50;
	v30 =	vmovc v15;
	v52 =	vmax.f32 v53, v61;
	v53 =	vmul.f32 $2.000000030e-01, v42;
	v56 =	vld [tilespmem:s28+$0xFFFFFFF0];
	v58 =	vadd.f32 v25, v54  }
0x206: {  	v15 =	vmovc v28;
	v28 =	vmovc v54;
	v51 =	vmul.f32 v51, v2;
	v25 =	vmov v13;
	v50 =	vmul.f32 v52, v1;
	v61 =	vld [tilespmem:s19+$0xFFFFFFF0]  }
0x207: {  	v13 =	vmovc v29;
	v29 =	vmovc v57;
	v42 =	vmax.f32 v42, v53;
	v52 =	vmul.f32 $2.000000030e-01, v58;
	v62 =	vld [tilespmem:s28+$0x30];
	v53 =	vadd.f32 v59, v57  }
0x208: {  	v51 =	vadd.f32 v51, v44;
	v54 =	vmul.f32 v42, v3;
	v0 =	vadd.f32 v0, v50;
	v57 =	vld [tilespmem:s19+$0x30];
	v44 =	vmovc v43  }
0x209: {  	v59 =	vadd.f32 v36, v60;
	v36 =	vmax.f32 v58, v52;
	v50 =	vmul.f32 $2.000000030e-01, v53;
	v43, _, _ =	vpop (xrf2)  }
.Ltmp2:
0x20a: {  	v52 =	vadd.f32 v54, v0;
	v0 =	vmul.f32 v36, v3;
	v63 =	vmul.f32 $1.442695020e+00, v43;
	v43 =	vmovc v60;
	v42 =	vmovc v19;
	(pc) =	sbr.rel @p0 .LBB2_7-.Ltmp2, $4  }
0x20b: {  	v19 =	vmovc v38;
	v38 =	vmovc v56;
	v58 =	vmul.f32 $2.000000030e-01, v59;
	v54 =	vadd.f32 v61, v56;
	v53 =	vmax.f32 v53, v50  }
0x20c: {  	v50 =	vadd.f32 v0, v55;
	v0 =	vmul.f32 v53, v3;
	v60 =	vbroadcast v63, $0xF;
	v36 =	vmovc v16;
	v16 =	vmovc v40  }
0x20d: {  	v40 =	vmovc v62;
	v56 =	vmax.f32 v59, v58;
	v55 =	vmul.f32 $2.000000030e-01, v54;
	v53 =	vadd.f32 v57, v62  }
0x20e: {  	s28 =	sadd.s32 $0x100, s28;
	v56 =	vmul.f32 v56, v4;
	v51 =	vadd.f32 v0, v51;
	(erf) = vpow2.f32 v60  }
0x20f: {  	_ = 	snop  }
0x210: {  	(erf) = vpow2.f32 v47;
	v5 =	vmul.f32 v46, v5;
	v0 =	vadd.f32 v56, v52;
	_ =	sdelay $0x1  }
0x211: {  	v20 =	vmul.f32 v45, v20;
	[tilespmem:s20+$0xFFFFFFB0] =	vst v5;
	v5 =	vmul.f32 v46, v30;
	(xrf2) =	vadd.scan.msk.f32 $0xffff, v0  }
0x212: {  	v0 =	vmul.f32 v46, v6;
	v6 =	vmul.f32 v46, v42  }
0x213: {  	[tilespmem:s20+$0x10] =	vst v20  }
0x214: {  	[tilespmem:s20+$0xFFFFFFD0] =	vst v5  }
0x215: {  	v8 =	vmul.f32 v33, v8;
	v5 =	vmax.f32 v54, v55;
	[tilespmem:s20+$0xFFFFFFC0] =	vst v0;
	v0 =	vmul.f32 v45, v7  }
0x216: {  	v7 =	vmul.f32 $2.000000030e-01, v53;
	[tilespmem:s20+$0xFFFFFFE0] =	vst v6;
	v5 =	vmul.f32 v5, v4;
	v6 =	vpop (erf)  }
0x217: {  	[tilespmem:s20+$0x0] =	vst v0;
	(erf) = vpow2.f32 v48;
	v0 =	vmul.f32 v6, v37  }
0x218: {  	s19 =	sadd.s32 $0x140, s22;
	[tilespmem:s21+$0x50] =	vst v8;
	v7 =	vmax.f32 v53, v7;
	v42 =	vpop (erf);
	(erf) = vpow2.f32 v49;
	v49 =	vmul.f32 v45, v25  }
0x219: {  	v63 =	vmul.f32 v6, v18;
	[tilespmem:s19+$0x80] =	vst v0;
	v0 =	vmul.f32 v7, v4  }
0x21a: {  	v5 =	vadd.f32 v5, v50;
	v7 =	vmul.f32 v42, v39;
	[tilespmem:s20+$0x20] =	vst v49  }
0x21b: {  	v46 =	vmul.f32 v42, v41;
	[tilespmem:s19+$0x60] =	vst v63;
	v0 =	vadd.f32 v0, v51;
	v50, _, _ =	vpop (xrf2)  }
0x21c: {  	[tilespmem:s21+$0xFFFFFF80] =	vst v7;
	(xrf2) =	vadd.scan.msk.f32 $0xffff, v5;
	v5 =	vmul.f32 v45, v36;
	v7 =	vmul.f32 $1.442695020e+00, v50  }
0x21d: {  	v47 =	vmul.f32 v42, v21;
	[tilespmem:s21+$0xFFFFFF60] =	vst v46;
	(xrf2) =	vadd.scan.msk.f32 $0xffff, v0  }
0x21e: {  	v48 =	vmul.f32 v42, v44;
	[tilespmem:s20+$0x30] =	vst v5;
	v5 =	vbroadcast v7, $0xF  }
0x21f: {  	[tilespmem:s21+$0xFFFFFF70] =	vst v47;
	v0 =	vmul.f32 v33, v9;
	v7 =	vmul.f32 v33, v14  }
0x220: {  	[tilespmem:s21+$0xFFFFFF90] =	vst v48  }
0x221: {  	[tilespmem:s21+$0x60] =	vst v0  }
0x222: {  	v0 =	vnsel vm0, $0x0, v42;
	(erf) = vpow2.f32 v5;
	[tilespmem:s21+$0x70] =	vst v7;
	v5 =	vpop (erf)  }
0x223: {  	[tilespmem:s21+$0xFFFFFFA0] =	vst v0;
	v7 =	vpop (erf);
	v51 =	vnsel vm0, $0x0, v5  }
0x224: {  	v0 =	vnsel vm0, $0x0, v7;
	[tilespmem:s21+$0xFFFFFFF0] =	vst v51  }
0x225: {  	v52 =	vmul.f32 v5, v10;
	[tilespmem:s21+$0x40] =	vst v0;
	v0 =	vnsel vm0, $0x0, v6  }
0x226: {  	v54 =	vmul.f32 v5, v15;
	v53, _, _ =	vpop (xrf2);
	[tilespmem:s19+$0x90] =	vst v0;
	v0 =	vmul.f32 v5, v11  }
0x227: {  	[tilespmem:s21+$0xFFFFFFB0] =	vst v52;
	v9 =	vmul.f32 $1.442695020e+00, v53;
	v5 =	vmul.f32 v5, v19;
	v55, _, _ =	vpop (xrf2)  }
0x228: {  	v56 =	vmul.f32 v7, v26;
	[tilespmem:s21+$0xFFFFFFC0] =	vst v0;
	v0 =	vmul.f32 $1.442695020e+00, v55  }
0x229: {  	[tilespmem:s21+$0xFFFFFFD0] =	vst v54;
	v57 =	vbroadcast v9, $0xF  }
0x22a: {  	v58 =	vmul.f32 v7, v12;
	[tilespmem:s21+$0x0] =	vst v56;
	v0 =	vbroadcast v0, $0xF  }
0x22b: {  	v62 =	vmul.f32 v7, v13;
	[tilespmem:s21+$0xFFFFFFE0] =	vst v5;
	v5 =	vpop (erf);
	(erf) = vpow2.f32 v57  }
0x22c: {  	[tilespmem:s21+$0x10] =	vst v58;
	v59 =	vmul.f32 v5, v35;
	(erf) = vpow2.f32 v0  }
0x22d: {  	[tilespmem:s21+$0x20] =	vst v62;
	v0 =	vmul.f32 v5, v34  }
0x22e: {  	v60 =	vmul.f32 v5, v27;
	[tilespmem:s19+$0xFFFFFF60] =	vst v59  }
0x22f: {  	[tilespmem:s19+$0xFFFFFF80] =	vst v0;
	v0 =	vmul.f32 v7, v16  }
0x230: {  	v61 =	vmul.f32 v5, v43;
	[tilespmem:s19+$0xFFFFFF70] =	vst v60  }
0x231: {  	[tilespmem:s21+$0x30] =	vst v0;
	v0 =	vmul.f32 v6, v22  }
0x232: {  	v5 =	vnsel vm0, $0x0, v5;
	[tilespmem:s19+$0xFFFFFF90] =	vst v61;
	v7 =	vmul.f32 v6, v17  }
0x233: {  	[tilespmem:s19+$0xFFFFFFA0] =	vst v5  }
0x234: {  	[tilespmem:s19+$0x50] =	vst v7;
	v6 =	vpop (erf)  }
0x235: {  	[tilespmem:s19+$0x70] =	vst v0;
	v7 =	vnsel vm0, $0x0, v6;
	v0 =	vpop (erf)  }
0x236: {  	[tilespmem:s19+$0xFFFFFFF0] =	vst v7;
	v7 =	vmul.f32 v6, v32;
	v5 =	vnsel vm0, $0x0, v0  }
0x237: {  	[tilespmem:s19+$0x40] =	vst v5;
	v5 =	vmul.f32 v6, v31  }
0x238: {  	[tilespmem:s19+$0xFFFFFFB0] =	vst v7;
	v7 =	vmul.f32 v6, v28  }
0x239: {  	v6 =	vmul.f32 v6, v38;
	[tilespmem:s19+$0xFFFFFFC0] =	vst v5  }
0x23a: {  	v5 =	vmul.f32 v0, v23;
	[tilespmem:s19+$0xFFFFFFD0] =	vst v7  }
0x23b: {  	v7 =	vmul.f32 v0, v24;
	[tilespmem:s19+$0xFFFFFFE0] =	vst v6  }
0x23c: {  	v6 =	vmul.f32 v0, v29;
	[tilespmem:s19+$0x0] =	vst v5  }
0x23d: {  	s18 =	sadd.s32 $0x1, s18;
	v0 =	vmul.f32 v0, v40;
	[tilespmem:s19+$0x10] =	vst v7  }
0x23e: {  	p0 =	sne.s32 s18, $0x7D;
	[tilespmem:s19+$0x20] =	vst v6  }
.Ltmp3:
0x23f: {  	[tilespmem:s19+$0x30] =	vst v0;
	(pc) =	sbr.rel @p0 .LBB2_4-.Ltmp3, $4  }
0x240: {  	[spmem:s4] =	stream.indirect.scatter.add.f32 [tilespmem:s31], [sflag:$0x5], $0x50, s10, s3, $0xb8;
	[tilespmem:$0xF8B0] =	vst v63  }
0x241: {  	_ =	swait.ge [sflag:s0], $0xC80  }
0x242: {  	[sflag:s0] =	ssyncset.done $0x0  }
0x243: {  	[sflag:s0] =	ssyncadd.s32 $0xFFFFF380  }
0x244: {  	s18 =	stileid.u32  }
0x245: {  	[bflag:$0x0] =	sbarrier.arrive $0xFFFF;
	s18 =	sshll.u32 s18, $0x6  }
0x246: {  	s19 =	sshrl.u32 s8, $0x3;
	s20 =	rddreg [dreg:$0x14];
	s18 =	sor.u32 $0x1C05, s18  }
0x247: {  	[hbm:s20], [sflag:s18] =	dma.local [spmem:s19], $0x186A  }
0x248: {  	_ =	swait.ge [sflag:s0], $0x186A  }
0x249: {  	s17 =	sadd.s32 $0x1, s17;
	s29 =	rddreg [dreg:$0x15]  }
0x24a: {  	p0 =	sne.s32 s17, s29  }
.Ltmp4:
0x24b: {  	_ = 	snop;
	(pc) =	sbr.rel @p0 .LBB2_1-.Ltmp4, $3  }
0x24c: {  	_ =	sdelay $0x1  }
0x24d: {  	[sflag:s0] =	ssyncset.done $0x0  }
0x24e: {  	v0 =	vimm.f32 $0.0e+00;
	[sflag:s0] =	ssyncadd.s32 $0xFFFFE796  }
0x24f: {  	_ =	sfence.sel $0x180000  }
0x250: {  	[bflag:$0x0] =	sbarrier.arrive $0xFFFF  }
0x251: {  	_ =	strace $0x9000004A  }
0x252: {  	s0 =	stileid.u32;
	[bflag:$0x2] =	sbarrier.arrive $0xFFFF  }
0x253: {  	p0 =	sne.s32 s0, $0x0;
	s0 =	rddreg [dreg:$0x4]  }
0x254: {  	s0 =	sadd.s32 @!p0 $0x100000, s0  }
0x255: {  	[sflag:s0] =	ssyncadd.tile.s32 @!p0 $0x1;
	_ =	shalt  }
.Lfunc_end2:
_tile_overlayer_lowered:
.L_overlay_start_2:
0x256: {  	(tag) =	ssettag $0x2  }
0x257: {  	s0 =	rddreg [dreg:$0x0];
	s2 =	stileid.u32  }
0x258: {  	s1 =	rddreg [dreg:$0x1];
	p0 =	sne.s32 s2, $0x0  }
0x259: {  	s3 =	rddreg [dreg:$0x2];
	[bflag:$0x3] =	sbarrier.arrive $0xFFFF;
	s2 =	simm.s32 @!p0 $0x1C05  }
0x25a: {  	[timem:s3], [sflag:s2] =	dma.local @!p0 [hbm:s0], s1  }
0x25b: {  	s0 =	simm.s32 @!p0 $0x5  }
0x25c: {  	_ =	swait.ge @!p0 [sflag:s0], s1  }
0x25d: {  	s1 =	ssub.s32 @!p0 $0x0, s1;
	[sflag:s0] =	ssyncset.done @!p0 $0x0  }
0x25e: {  	[sflag:s0] =	ssyncadd.s32 @!p0 s1  }
0x25f: {  	[bflag:$0x3] =	sbarrier.arrive $0xFFFF  }
0x260: {  	_ =	shalt  }

// kernel: kernel.7.cloned.1.call-start
scs
__scs_entry_jumppad:
0x0: {  	(pc) =	sbr.rel $0x88, $3  }
0x1: {  	(tag) =	ssettag $0x0;
	lr =	simm.s32 $0x1  }
0x2: {  	[smem:$0x3F97] =	sst lr;
	_ =	strace $0xD0000000  }
0x3: {  	_ = 	snop  }
0x4: {  	_ = 	snop  }
0x5: {  	_ = 	snop  }
0x6: {  	_ = 	snop  }
0x7: {  	_ = 	snop  }
__scs_overlays_trampoline_lowered:
0x8: {  	[smem:$0x3FA6] =	sst s0  }
0x9: {  	[smem:$0x3FA7] =	sst s1  }
0xa: {  	[smem:$0x3FA8] =	sst s2  }
0xb: {  	[smem:$0x3FA9] =	sst s3  }
0xc: {  	[smem:$0x3FAA] =	sst s4  }
0xd: {  	[smem:$0x3FAB] =	sst s5  }
0xe: {  	[smem:$0x3FAC] =	sst s6  }
0xf: {  	[smem:$0x3FAD] =	sst s7  }
0x10: {  	[smem:$0x3FAE] =	sst s8  }
0x11: {  	[smem:$0x3FAF] =	sst s9;
	s0 =	simm.s32 @!p0 $0x0  }
0x12: {  	s1 =	sld [smem:$0x3F95];
	s0 =	simm.s32 @p0 $0x1  }
0x13: {  	[smem:$0x3FB0] =	sst s0;
	s0 =	simm.s32 @!p1 $0x0  }
0x14: {  	s2 =	sld [smem:$0x3F94];
	s0 =	simm.s32 @p1 $0x1  }
0x15: {  	[smem:$0x3FB1] =	sst s0;
	s0 =	simm.s32 @!p2 $0x0  }
0x16: {  	s3 =	sld [smem:$0x3FDB];
	s0 =	simm.s32 @p2 $0x1  }
0x17: {  	s4 =	simm.s32 $0x1BF5;
	[smem:$0x3FB3] =	sst s0  }
0x18: {  	s0 =	sld [smem:$0x3F96];
	_ =	swait.ge [sflag:s4], $0x0  }
0x19: {  	s7 =	sld [smem:$0x3F97]  }
0x1a: {  	s8 =	sadd.s32 $0xFFFFE003, lr  }
0x1b: {  	s9 =	sadd.s32 $0xFFFFFEF7, lr;
	s5 =	simm.s32 $0xFFFFFFFF;
	p2 =	slt.u32 s8, $0xFFFFF086  }
0x1c: {  	p1 =	slt.u32 s9, $0xF7A;
	s5 =	simm.s32 @!p2 $0x0  }
0x1d: {  	s5 =	simm.s32 @p1 $0x1;
	p0 =	seq.s32 s7, s2  }
0x1e: {  	s7 =	smul.u32 @!p0 $0xF7A, s2;
	p2 =	seq.s32 @!p0 s5, $0x0  }
0x1f: {  	s9 =	smul.u32 $0xF7A, s1;
	s8 =	simm.s32 @!p0 $0x1BF5;
	p2 =	por !p2, p0  }
0x20: {  	[sflag:s8] =	ssyncset.s32 @!p0 $0xFFFFF086;
	s6 =	sadd.s32 @!p0 s3, s7;
	s7 =	simm.s32 @!p0 $0x108  }
0x21: {  	s3 =	sadd.s32 s3, s9;
	s6 =	sadd.s32 @!p0 $0x88, s6;
	s7 =	simm.s32 @p2 $0x1082  }
0x22: {  	[simem:s7], [sflag:s8] =	dma.local @!p0 [hbm:s6], $0xF7A  }
0x23: {  	s9 =	sor.u32 $0xD0000000, s2;
	s6 =	simm.s32 $0x108;
	_ =	swait.ge @!p0 [sflag:s8], $0x0  }
0x24: {  	s3 =	sadd.s32 $0x88, s3;
	s6 =	simm.s32 @!p1 $0x1082;
	[sflag:s4] =	ssyncset.s32 $0xFFFFF086  }
0x25: {  	[simem:s6], [sflag:s4] =	dma.local [hbm:s3], $0xF7A  }
0x26: {  	[smem:$0x3F97] =	sst s1;
	(tag) =	ssettag s2;
	_ =	strace s9  }
0x27: {  	s1 =	sld [smem:$0x3FA7]  }
0x28: {  	s2 =	sld [smem:$0x3FA8]  }
0x29: {  	s4 =	sld [smem:$0x3FAA]  }
0x2a: {  	p0 =	seq.s32 s5, $0x0;
	s5 =	sld [smem:$0x3FAB]  }
0x2b: {  	s6 =	sld [smem:$0x3FAC]  }
0x2c: {  	s7 =	sld [smem:$0x3FAD]  }
0x2d: {  	s3 =	simm.s32 $0x108;
	s8 =	sld [smem:$0x3FAE]  }
0x2e: {  	s3 =	simm.s32 @!p0 $0x1082;
	s9 =	sld [smem:$0x3FAF]  }
0x2f: {  	lr =	sadd.s32 s0, s3;
	s0 =	sld [smem:$0x3FA6]  }
0x30: {  	s3 =	sld [smem:$0x3FA9]  }
0x31: {  	[smem:$0x3FB2] =	sst s10  }
0x32: {  	s10 =	sld [smem:$0x3FB0];
	_ =	sdelay $0x3  }
0x33: {  	p0 =	seq.s32 s10, $0x1;
	s10 =	sld [smem:$0x3FB2];
	_ =	sdelay $0x3  }
0x34: {  	[smem:$0x3FB2] =	sst s10  }
0x35: {  	s10 =	sld [smem:$0x3FB1];
	_ =	sdelay $0x3  }
0x36: {  	p1 =	seq.s32 s10, $0x1;
	s10 =	sld [smem:$0x3FB2];
	_ =	sdelay $0x3  }
0x37: {  	[smem:$0x3FB2] =	sst s10  }
0x38: {  	s10 =	sld [smem:$0x3FB3]  }
0x39: {  	_ = 	snop;
	(pc) =	sbr.ind lr, $3  }
0x3a: {  	_ = 	snop  }
0x3b: {  	_ = 	snop  }
0x3c: {  	p2 =	seq.s32 s10, $0x1;
	s10 =	sld [smem:$0x3FB2]  }
0x3d: {  	_ =	shalt  }
0x3e: {  	_ =	shalt  }
0x3f: {  	_ =	shalt  }
0x40: {  	_ =	shalt  }
0x41: {  	_ =	shalt  }
0x42: {  	_ =	shalt  }
0x43: {  	_ =	shalt  }
0x44: {  	_ =	shalt  }
0x45: {  	_ =	shalt  }
0x46: {  	_ =	shalt  }
0x47: {  	_ =	shalt  }
0x48: {  	_ =	shalt  }
0x49: {  	_ =	shalt  }
0x4a: {  	_ =	shalt  }
0x4b: {  	_ =	shalt  }
0x4c: {  	_ =	shalt  }
0x4d: {  	_ =	shalt  }
0x4e: {  	_ =	shalt  }
0x4f: {  	_ =	shalt  }
0x50: {  	_ =	shalt  }
0x51: {  	_ =	shalt  }
0x52: {  	_ =	shalt  }
0x53: {  	_ =	shalt  }
0x54: {  	_ =	shalt  }
0x55: {  	_ =	shalt  }
0x56: {  	_ =	shalt  }
0x57: {  	_ =	shalt  }
0x58: {  	_ =	shalt  }
0x59: {  	_ =	shalt  }
0x5a: {  	_ =	shalt  }
0x5b: {  	_ =	shalt  }
0x5c: {  	_ =	shalt  }
0x5d: {  	_ =	shalt  }
0x5e: {  	_ =	shalt  }
0x5f: {  	_ =	shalt  }
0x60: {  	_ =	shalt  }
0x61: {  	_ =	shalt  }
0x62: {  	_ =	shalt  }
0x63: {  	_ =	shalt  }
0x64: {  	_ =	shalt  }
0x65: {  	_ =	shalt  }
0x66: {  	_ =	shalt  }
0x67: {  	_ =	shalt  }
0x68: {  	_ =	shalt  }
0x69: {  	_ =	shalt  }
0x6a: {  	_ =	shalt  }
0x6b: {  	_ =	shalt  }
0x6c: {  	_ =	shalt  }
0x6d: {  	_ =	shalt  }
0x6e: {  	_ =	shalt  }
0x6f: {  	_ =	shalt  }
0x70: {  	_ =	shalt  }
0x71: {  	_ =	shalt  }
0x72: {  	_ =	shalt  }
0x73: {  	_ =	shalt  }
0x74: {  	_ =	shalt  }
0x75: {  	_ =	shalt  }
0x76: {  	_ =	shalt  }
0x77: {  	_ =	shalt  }
0x78: {  	_ =	shalt  }
0x79: {  	_ =	shalt  }
0x7a: {  	_ =	shalt  }
0x7b: {  	_ =	shalt  }
0x7c: {  	_ =	shalt  }
0x7d: {  	_ =	shalt  }
0x7e: {  	_ =	shalt  }
0x7f: {  	_ =	shalt  }
0x80: {  	_ =	shalt  }
0x81: {  	_ =	shalt  }
0x82: {  	_ =	shalt  }
0x83: {  	_ =	shalt  }
0x84: {  	_ =	shalt  }
0x85: {  	_ =	shalt  }
0x86: {  	_ =	shalt  }
0x87: {  	_ =	shalt  }
.Lfunc_end0:
.L_simem_size_0:
called_computation_lowered:
.L_overlay_start_0:
0x88: {  	s2 =	sld [smem:$0x3FD9]  }
0x89: {  	s3 =	sld [smem:$0x3FFE];
	_ =	sdelay $0x1  }
0x8a: {  	s1 =	srdreg.scid  }
0x8b: {  	s0 =	sand.u32 $0x1, s1  }
0x8c: {  	s17 =	sshll.u32 s0, $0xA;
	s2 =	sadd.s32 s3, s2  }
0x8d: {  	s2 =	sadd.s32 s2, s17  }
0x8e: {  	[smem:$0x3FBE] =	sst s2  }
0x8f: {  	_ = 	snop  }
0x90: {  	s2 =	sld [smem:$0x3FD0];
	(tm) =	ssettm $0x1  }
0x91: {  	s18 =	sld [smem:$0x3FFB];
	_ =	sdelay $0x3  }
0x92: {  	_ =	strace s18  }
0x93: {  	s3 =	sld [smem:$0x3FFC];
	_ =	sdelay $0x3  }
0x94: {  	_ =	strace s3  }
0x95: {  	s3 =	sld [smem:$0x3FFD];
	_ =	sdelay $0x3  }
0x96: {  	_ =	strace s3  }
0x97: {  	_ =	strace $0x8FFFFFFF  }
0x98: {  	s19 =	sld [smem:$0x3FDB];
	_ =	sdelay $0x1  }
0x99: {  	s4 =	simm.s32 $_scs_section_size  }
0x9a: {  	s5 =	simm.s32 $_size__tile_overlayer_lowered;
	s6 =	simm.s32 $_tile_overlayer_lowered  }
0x9b: {  	s22 =	simm.s32 $0x1BFF;
	s21 =	sshll.u32 s6, $0x1;
	s3 =	sadd.s32 s4, s19  }
0x9c: {  	s7 =	simm.s32 $0x0;
	s20 =	sshll.u32 s5, $0x1;
	s5 =	sadd.s32 s21, s3  }
0x9d: {  	[timem:s7], [sflag:s22] =	dma.local [hbm:s5], s20  }
0x9e: {  	_ =	swait.ge [sflag:s22], s20  }
0x9f: {  	s4 =	ssub.s32 $0x0, s20;
	[sflag:s22] =	ssyncset.done $0x0  }
0xa0: {  	[sflag:s22] =	ssyncadd.s32 s4;
	_ =	sdelay $0x1  }
0xa1: {  	s23 =	simm.s32 $0x1B8B  }
0xa2: {  	_ =	swait.ge [sflag:s23], $0x1  }
0xa3: {  	[sflag:s23] =	ssyncset.done $0x0  }
0xa4: {  	s25 =	simm.s32 $0x1B8E;
	s24 =	sld [smem:$0x3FFE];
	[sflag:s23] =	ssyncadd.s32 $0xFFFFFFFF  }
0xa5: {  	s26 =	simm.s32 $execute0_lowered;
	[smem:$0x3FD2] =	sst s25  }
0xa6: {  	s5 =	sshll.u32 s26, $0x1;
	_ =	strace $0x80000046;
	[dreg:$0x1] =	wrdreg $0xFFFFFFFF  }
0xa7: {  	s28 =	simm.s32 $_size_execute0_lowered;
	s3 =	sadd.s32 s3, s5;
	[dreg:$0x0] =	wrdreg $0x0  }
0xa8: {  	s5 =	sshll.u32 s28, $0x1;
	[dreg:$0x2] =	wrdreg s3  }
0xa9: {  	[dreg:$0x3] =	wrdreg s5  }
0xaa: {  	[dreg:$0x4] =	wrdreg $0xC0  }
0xab: {  	_ =	task [dreg:s7], $0x5FFFF  }
0xac: {  	[dreg:$0x1] =	wrdreg $0xFFFFFFFF  }
0xad: {  	[dreg:$0x0] =	wrdreg $0x60  }
0xae: {  	[dreg:$0x2] =	wrdreg s24  }
0xaf: {  	[dreg:$0x3] =	wrdreg s2  }
0xb0: {  	[dreg:$0x4] =	wrdreg $0x0  }
0xb1: {  	[dreg:$0x5] =	wrdreg $0x9  }
0xb2: {  	_ =	task.clear_ibuf [dreg:s7], $0x6FFFF;
	_ =	strace $0x90000046  }
0xb3: {  	s29 =	simm.s32 $0x9;
	_ =	strace $0x80000048  }
0xb4: {  	_ =	swait.ge [sflag:s29], $0x1  }
0xb5: {  	[sflag:s29] =	ssyncadd.s32 $0xFFFFFFFF  }
0xb6: {  	_ =	strace $0x90000048  }
0xb7: {  	_ =	sfence  }
0xb8: {  	s30 =	sld [smem:$0x0];
	_ =	sdelay $0x2  }
0xb9: {  	s31 =	sshll.u32 s1, $0xD;
	s1 =	sshrl.u32 s1, $0x2  }
0xba: {  	s3 =	sand.u32 $0x4000, s31;
	s1 =	sadd.s32 s1, s30  }
0xbb: {  	s0 =	sor.u32 s3, s0;
	s1 =	sshll.u32 s1, $0x11  }
0xbc: {  	s0 =	sor.u32 s1, s0  }
0xbd: {  	s0 =	sadd.s32 $0x8F2B, s0  }
0xbe: {  	[sflag:s0] =	ssyncadd.remote.s32 $0x1  }
0xbf: {  	_ =	sfence.sel $0xFFFF  }
0xc0: {  	[dreg:$0x0] =	wrdreg $0xFFFFFFFF;
	(pc) =	sbr.abs _section_cstart, $3  }
0xc1: {  	[dreg:$0x1] =	wrdreg $0xFFFFFFFF  }
0xc2: {  	_ =	task.clear_ibuf [dreg:s7], $0x2FFFF;
	_ =	strace $0x9FFFFFFF  }
0xc3: {  	(tm) =	ssettm $0x7FFFFFFF  }
tec
execute0_lowered:
.L_overlay_start_1:
0x0: {  	(tag) =	ssettag $0x1  }
0x1: {  	s0 =	rddreg [dreg:$0x0]  }
0x2: {  	s2 =	rddreg [dreg:$0x1]  }
0x3: {  	s3 =	rddreg [dreg:$0x2];
	s11 =	stileid.u32  }
0x4: {  	s1 =	srdreg.scid;
	s4 =	simm.s32 $0x0;
	s9 =	smul.u32 $0x57E40, s11  }
0x5: {  	s31 =	simm.s32 $0x1B030;
	s1 =	sand.u32 $0x1, s1;
	s7 =	smul.u32 $0x15F90, s11  }
0x6: {  	[smem:$0x7FF] =	sst s4;
	s5 =	sadd.s32 $0x2400, s0;
	s9 =	sshrl.u32 s9, $0x2  }
0x7: {  	s6 =	sadd.s32 $0x29600, s0;
	s10 =	sadd.s32 $0x2200, s0;
	s9 =	sadd.s32 s9, s3  }
0x8: {  	_ =	strace $0x80000047;
	[dreg:$0x4] =	wrdreg s10;
	s13 =	sadd.s32 $0x1680, s9  }
0x9: {  	s8 =	smul.u32 $0x15F900, s1;
	s14 =	sadd.s32 $0x2D00, s9;
	[dreg:$0x5] =	wrdreg s13  }
0xa: {  	s28 =	ssub.s32 $0x2, s1;
	s15 =	sadd.s32 $0x4380, s9;
	[dreg:$0x6] =	wrdreg s14  }
0xb: {  	s1 =	sshll.u32 s1, $0x4;
	s16 =	sadd.s32 $0x5A00, s9;
	[dreg:$0x7] =	wrdreg s15  }
0xc: {  	s12 =	sshrl.u32 s28, $0x1;
	s17 =	sadd.s32 $0x7080, s9;
	[dreg:$0x8] =	wrdreg s16  }
0xd: {  	s1 =	sor.u32 s11, s1;
	s18 =	sadd.s32 $0x8700, s9;
	[dreg:$0x9] =	wrdreg s17  }
0xe: {  	s11 =	simm.s32 $0x18830;
	s19 =	sadd.s32 $0x9D80, s9;
	[dreg:$0xa] =	wrdreg s18  }
0xf: {  	s8 =	sadd.s32 s7, s8;
	s20 =	sadd.s32 $0xB400, s9;
	[dreg:$0xb] =	wrdreg s19  }
0x10: {  	s10 =	ssub.s32 s28, s12;
	s21 =	sadd.s32 $0xCA80, s9;
	[dreg:$0xc] =	wrdreg s20  }
0x11: {  	s1 =	smul.u32 $0x2710, s1;
	s22 =	sadd.s32 $0xE100, s9;
	[dreg:$0xd] =	wrdreg s21  }
0x12: {  	s12 =	simm.s32 $0x19C30;
	s23 =	sadd.s32 $0xF780, s9;
	[dreg:$0xe] =	wrdreg s22  }
0x13: {  	s8 =	sshrl.u32 s8, $0x3;
	s24 =	sadd.s32 $0x10E00, s9;
	[dreg:$0xf] =	wrdreg s23  }
0x14: {  	s25 =	sadd.s32 $0x12480, s9;
	s26 =	sadd.s32 $0x13B00, s9;
	[dreg:$0x10] =	wrdreg s24  }
0x15: {  	s9 =	sadd.s32 $0x15180, s9;
	s29 =	smax.u32 s10, $0x1;
	[dreg:$0x11] =	wrdreg s25  }
0x16: {  	s10 =	simm.s32 $0x16008;
	s0 =	sadd.s32 s8, s0;
	[dreg:$0x12] =	wrdreg s26  }
0x17: {  	s8 =	sadd.s32 s7, s3;
	s28 =	sshrl.u32 s1, $0x3;
	[dreg:$0x13] =	wrdreg s9  }
0x18: {  	s25 =	sadd.s32 $0x28, s1;
	s26 =	sadd.s32 $0x50, s1;
	s7 =	simm.s32 $0x15FB8  }
0x19: {  	s1 =	simm.s32 $0x28;
	s9 =	simm.s32 $0x15FE0;
	s13 =	simm.s32 $0x1  }
0x1a: {  	s14 =	simm.s32 $0x2;
	s15 =	simm.s32 $0x3;
	s16 =	simm.s32 $0x4  }
0x1b: {  	v0 =	vimm.f32 $0.0e+00;
	vm0 =	vmmov $0x1;
	s17 =	simm.s32 $0x0;
	s24 =	sadd.s32 s2, s28;
	s0 =	sadd.s32 $0x50800, s0  }
0x1c: {  	vm1 =	vcmask $0x310;
	vm2 =	vcmask $0x710;
	vm3 =	vcmask $0xB10;
	[dreg:$0x14] =	wrdreg s0;
	s30 =	sadd.s32 $0x9C40, s24;
	s0 =	simm.s32 $0x5  }
.LBB2_1:
0x1d: {  	s18 =	smul.u32 $0xE38F, s4;
	_ =	sdelay $0x1  }
0x1e: {  	s19 =	sshrl.u32 s18, $0x13  }
0x1f: {  	s20 =	simm.s32 $0x0;
	s18 =	simm.s32 $0x1;
	s21 =	smul.u32 $0x9, s19  }
.LBB2_2:
0x20: {  	s22 =	smul.u32 $0xE38F, s18  }
0x21: {  	s23 =	smov.u32 s18;
	s19 =	smul.u32 $0x240, s19;
	p0 =	sne.s32 s18, $0x167  }
.Ltmp0:
0x22: {  	s20 =	ssub.s32 s20, s21;
	(pc) =	sbr.rel @p0 .LBB2_2-.Ltmp0, $4  }
0x23: {  	s18 =	sadd.s32 $0x1, s18;
	s20 =	sand.u32 $0xFFFF, s20  }
0x24: {  	s21 =	sshrl.u32 s19, $0x2;
	s28 =	sshll.u32 s20, $0x4;
	s20 =	smov.u32 s23  }
0x25: {  	s19 =	sshrl.u32 s22, $0x13;
	s22 =	sadd.s32 s28, s21  }
0x26: {  	s21 =	smul.u32 $0x9, s19;
	[tilespmem:s22+$0x1B030] =	vst v0  }
0x27: {  	_ = 	snop  }
0x28: {  	s19 =	smul.u32 $0x240, s19;
	s18 =	ssub.s32 s20, s21  }
0x29: {  	s18 =	sand.u32 $0xFFFF, s18  }
0x2a: {  	s19 =	sshrl.u32 s19, $0x2;
	s18 =	sshll.u32 s18, $0x4  }
0x2b: {  	s18 =	sadd.s32 s18, s19  }
0x2c: {  	[tilespmem:s18+$0x1B030] =	vst v0  }
0x2d: {  	[spmem:s8] =	stream.linear.scatter [tilespmem:s31], [sflag:$0x5], $0x1680, $0x38;
	[tilespmem:$0x1C730] =	vst v63  }
0x2e: {  	_ =	swait.ge [sflag:s0], $0x1680  }
0x2f: {  	[sflag:s0] =	ssyncset.done $0x0  }
0x30: {  	s23 =	rddreg [dreg:$0x5];
	[sflag:s0] =	ssyncadd.s32 $0xFFFFE980  }
0x31: {  	[spmem:s23] =	stream.linear.scatter [tilespmem:s31], [sflag:$0x5], $0x1680, $0x38;
	[tilespmem:$0x1C730] =	vst v63  }
0x32: {  	_ =	swait.ge [sflag:s0], $0x1680  }
0x33: {  	[sflag:s0] =	ssyncset.done $0x0  }
0x34: {  	s28 =	rddreg [dreg:$0x6];
	[sflag:s0] =	ssyncadd.s32 $0xFFFFE980  }
0x35: {  	[spmem:s28] =	stream.linear.scatter [tilespmem:s31], [sflag:$0x5], $0x1680, $0x38;
	[tilespmem:$0x1C730] =	vst v63  }
0x36: {  	_ =	swait.ge [sflag:s0], $0x1680  }
0x37: {  	[sflag:s0] =	ssyncset.done $0x0  }
0x38: {  	s19 =	rddreg [dreg:$0x7];
	[sflag:s0] =	ssyncadd.s32 $0xFFFFE980  }
0x39: {  	[spmem:s19] =	stream.linear.scatter [tilespmem:s31], [sflag:$0x5], $0x1680, $0x38;
	[tilespmem:$0x1C730] =	vst v63  }
0x3a: {  	_ =	swait.ge [sflag:s0], $0x1680  }
0x3b: {  	[sflag:s0] =	ssyncset.done $0x0  }
0x3c: {  	s20 =	rddreg [dreg:$0x8];
	[sflag:s0] =	ssyncadd.s32 $0xFFFFE980  }
0x3d: {  	[spmem:s20] =	stream.linear.scatter [tilespmem:s31], [sflag:$0x5], $0x1680, $0x38;
	[tilespmem:$0x1C730] =	vst v63  }
0x3e: {  	_ =	swait.ge [sflag:s0], $0x1680  }
0x3f: {  	[sflag:s0] =	ssyncset.done $0x0  }
0x40: {  	s21 =	rddreg [dreg:$0x9];
	[sflag:s0] =	ssyncadd.s32 $0xFFFFE980  }
0x41: {  	[spmem:s21] =	stream.linear.scatter [tilespmem:s31], [sflag:$0x5], $0x1680, $0x38;
	[tilespmem:$0x1C730] =	vst v63  }
0x42: {  	_ =	swait.ge [sflag:s0], $0x1680  }
0x43: {  	[sflag:s0] =	ssyncset.done $0x0  }
0x44: {  	s22 =	rddreg [dreg:$0xa];
	[sflag:s0] =	ssyncadd.s32 $0xFFFFE980  }
0x45: {  	[spmem:s22] =	stream.linear.scatter [tilespmem:s31], [sflag:$0x5], $0x1680, $0x38;
	[tilespmem:$0x1C730] =	vst v63  }
0x46: {  	_ =	swait.ge [sflag:s0], $0x1680  }
0x47: {  	[sflag:s0] =	ssyncset.done $0x0  }
0x48: {  	s23 =	rddreg [dreg:$0xb];
	[sflag:s0] =	ssyncadd.s32 $0xFFFFE980  }
0x49: {  	[spmem:s23] =	stream.linear.scatter [tilespmem:s31], [sflag:$0x5], $0x1680, $0x38;
	[tilespmem:$0x1C730] =	vst v63  }
0x4a: {  	_ =	swait.ge [sflag:s0], $0x1680  }
0x4b: {  	[sflag:s0] =	ssyncset.done $0x0  }
0x4c: {  	s28 =	rddreg [dreg:$0xc];
	[sflag:s0] =	ssyncadd.s32 $0xFFFFE980  }
0x4d: {  	[spmem:s28] =	stream.linear.scatter [tilespmem:s31], [sflag:$0x5], $0x1680, $0x38;
	[tilespmem:$0x1C730] =	vst v63  }
0x4e: {  	_ =	swait.ge [sflag:s0], $0x1680  }
0x4f: {  	[sflag:s0] =	ssyncset.done $0x0  }
0x50: {  	s19 =	rddreg [dreg:$0xd];
	[sflag:s0] =	ssyncadd.s32 $0xFFFFE980  }
0x51: {  	[spmem:s19] =	stream.linear.scatter [tilespmem:s31], [sflag:$0x5], $0x1680, $0x38;
	[tilespmem:$0x1C730] =	vst v63  }
0x52: {  	_ =	swait.ge [sflag:s0], $0x1680  }
0x53: {  	[sflag:s0] =	ssyncset.done $0x0  }
0x54: {  	s20 =	rddreg [dreg:$0xe];
	[sflag:s0] =	ssyncadd.s32 $0xFFFFE980  }
0x55: {  	[spmem:s20] =	stream.linear.scatter [tilespmem:s31], [sflag:$0x5], $0x1680, $0x38;
	[tilespmem:$0x1C730] =	vst v63  }
0x56: {  	_ =	swait.ge [sflag:s0], $0x1680  }
0x57: {  	[sflag:s0] =	ssyncset.done $0x0  }
0x58: {  	s21 =	rddreg [dreg:$0xf];
	[sflag:s0] =	ssyncadd.s32 $0xFFFFE980  }
0x59: {  	[spmem:s21] =	stream.linear.scatter [tilespmem:s31], [sflag:$0x5], $0x1680, $0x38;
	[tilespmem:$0x1C730] =	vst v63  }
0x5a: {  	_ =	swait.ge [sflag:s0], $0x1680  }
0x5b: {  	[sflag:s0] =	ssyncset.done $0x0  }
0x5c: {  	s22 =	rddreg [dreg:$0x10];
	[sflag:s0] =	ssyncadd.s32 $0xFFFFE980  }
0x5d: {  	[spmem:s22] =	stream.linear.scatter [tilespmem:s31], [sflag:$0x5], $0x1680, $0x38;
	[tilespmem:$0x1C730] =	vst v63  }
0x5e: {  	_ =	swait.ge [sflag:s0], $0x1680  }
0x5f: {  	[sflag:s0] =	ssyncset.done $0x0  }
0x60: {  	s23 =	rddreg [dreg:$0x11];
	[sflag:s0] =	ssyncadd.s32 $0xFFFFE980  }
0x61: {  	[spmem:s23] =	stream.linear.scatter [tilespmem:s31], [sflag:$0x5], $0x1680, $0x38;
	[tilespmem:$0x1C730] =	vst v63  }
0x62: {  	_ =	swait.ge [sflag:s0], $0x1680  }
0x63: {  	[sflag:s0] =	ssyncset.done $0x0  }
0x64: {  	s28 =	rddreg [dreg:$0x12];
	[sflag:s0] =	ssyncadd.s32 $0xFFFFE980  }
0x65: {  	[spmem:s28] =	stream.linear.scatter [tilespmem:s31], [sflag:$0x5], $0x1680, $0x38;
	[tilespmem:$0x1C730] =	vst v63  }
0x66: {  	_ =	swait.ge [sflag:s0], $0x1680  }
0x67: {  	[sflag:s0] =	ssyncset.done $0x0  }
0x68: {  	s19 =	rddreg [dreg:$0x13];
	[sflag:s0] =	ssyncadd.s32 $0xFFFFE980  }
0x69: {  	[spmem:s19] =	stream.linear.scatter [tilespmem:s31], [sflag:$0x5], $0xE10, $0x38;
	[tilespmem:$0x1C730] =	vst v63  }
0x6a: {  	_ =	swait.ge [sflag:s0], $0xE10  }
0x6b: {  	s18 =	simm.s32 $0x0;
	[sflag:s0] =	ssyncset.done $0x0  }
0x6c: {  	s21 =	simm.s32 $0x1C6B0;
	s20 =	rddreg [dreg:$0x4];
	[sflag:s0] =	ssyncadd.s32 $0xFFFFF1F0  }
0x6d: {  	[tilespmem:s21], [sflag:$0x5] =	stream.linear.gather [hbm4b:s20+s18], $0x80, $0x38;
	[tilespmem:$0x1C730] =	vst v63  }
0x6e: {  	_ =	swait.ge [sflag:s0], $0x80  }
0x6f: {  	[sflag:s0] =	ssyncset.done $0x0  }
0x70: {  	[sflag:s0] =	ssyncadd.s32 $0xFFFFFF80  }
0x71: {  	[bflag:$0x0] =	sbarrier.arrive $0xFFFF  }
0x72: {  	v56 =	vld [tilespmem:$0x1C6B0]  }
0x73: {  	v57 =	vld [tilespmem:$0x1C6C0]  }
0x74: {  	v58 =	vld [tilespmem:$0x1C6D0]  }
0x75: {  	v59 =	vld [tilespmem:$0x1C6E0]  }
0x76: {  	v61 =	vld [tilespmem:$0x1C6F0]  }
0x77: {  	v62 =	vld [tilespmem:$0x1C700]  }
0x78: {  	s22 =	simm.s32 $0x15F90;
	v3 =	vld [tilespmem:$0x1C710]  }
0x79: {  	v4 =	vld [tilespmem:$0x1C720];
	[tilespmem:s22], [sflag:$0x5] =	stream.linear.gather [hbm4b:s24+s18], $0x28, $0x38  }
0x7a: {  	_ =	swait.ge [sflag:s0], $0x28  }
0x7b: {  	[sflag:s0] =	ssyncset.done $0x0  }
0x7c: {  	[sflag:s0] =	ssyncadd.s32 $0xFFFFFFD8  }
0x7d: {  	[tilespmem:s7], [sflag:$0x5] =	stream.linear.gather [hbm4b:s30+s18], $0x28, $0x38;
	[tilespmem:$0x1C730] =	vst v63  }
0x7e: {  	_ =	swait.ge [sflag:s0], $0x28  }
0x7f: {  	[sflag:s0] =	ssyncset.done $0x0  }
0x80: {  	s23 =	simm.s32 $0x16030;
	[tilespmem:$0x1FFE0] =	vst v56;
	[sflag:s0] =	ssyncadd.s32 $0xFFFFFFD8  }
0x81: {  	[tilespmem:s23], [sflag:$0x1] =	stream.indirect.gather [hbm4b:s5+s1], $0x80, s22, s1, $0xb8;
	[tilespmem:$0x1C730] =	vst v63  }
0x82: {  	s28 =	simm.s32 $0x17430;
	[tilespmem:$0x1FFF0] =	vst v57  }
0x83: {  	[tilespmem:s28], [sflag:$0x2] =	stream.indirect.gather [hbm4b:s6+s1], $0x80, s7, s1, $0xb8;
	[tilespmem:$0x1C730] =	vst v63  }
.LBB2_4:
0x84: {  	s19 =	smul.u32 $0x50, s18;
	_ =	sdelay $0x1  }
0x85: {  	s20 =	sadd.s32 s19, s25  }
0x86: {  	s20 =	sshrl.u32 s20, $0x3  }
0x87: {  	s20 =	sadd.s32 s2, s20  }
0x88: {  	[tilespmem:s9], [sflag:$0x5] =	stream.linear.gather [hbm4b:s20+s4], $0x28, $0x38;
	[tilespmem:$0x1C730] =	vst v63  }
0x89: {  	_ =	swait.ge [sflag:s0], $0x28  }
0x8a: {  	[sflag:s0] =	ssyncset.done $0x0  }
0x8b: {  	s20 =	sadd.s32 $0x9C40, s20;
	[sflag:s0] =	ssyncadd.s32 $0xFFFFFFD8  }
0x8c: {  	[tilespmem:s10], [sflag:$0x5] =	stream.linear.gather [hbm4b:s20+s4], $0x28, $0x38;
	[tilespmem:$0x1C730] =	vst v63  }
0x8d: {  	_ =	swait.ge [sflag:s0], $0x28  }
0x8e: {  	[sflag:s0] =	ssyncset.done $0x0  }
0x8f: {  	[sflag:s0] =	ssyncadd.s32 $0xFFFFFFD8  }
0x90: {  	[tilespmem:s11], [sflag:$0x3] =	stream.indirect.gather [hbm4b:s5+s1], $0x80, s9, s1, $0xb8;
	[tilespmem:$0x1C730] =	vst v63  }
0x91: {  	_ = 	snop  }
0x92: {  	[tilespmem:s12], [sflag:$0x4] =	stream.indirect.gather [hbm4b:s6+s1], $0x80, s10, s1, $0xb8;
	[tilespmem:$0x1C730] =	vst v63  }
0x93: {  	_ =	swait.ge [sflag:s13], $0x1400  }
0x94: {  	[sflag:s13] =	ssyncset.done $0x0  }
0x95: {  	[sflag:s13] =	ssyncadd.s32 $0xFFFFEC00  }
0x96: {  	_ =	swait.ge [sflag:s14], $0x1400  }
0x97: {  	[sflag:s14] =	ssyncset.done $0x0  }
0x98: {  	s21 =	simm.s32 $0x16130;
	[sflag:s14] =	ssyncadd.s32 $0xFFFFEC00  }
0x99: {  	v9 =	vld [tilespmem:s21+$0xC0]  }
0x9a: {  	v11 =	vld [tilespmem:s21+$0xD0]  }
0x9b: {  	s20 =	simm.s32 $0x17530;
	v10 =	vld [tilespmem:s21+$0xE0]  }
0x9c: {  	v13 =	vld [tilespmem:s20+$0xC0]  }
0x9d: {  	v14 =	vld [tilespmem:s20+$0xD0]  }
0x9e: {  	v37 =	vld [tilespmem:s21+$0xA0]  }
0x9f: {  	v34 =	vld [tilespmem:s21+$0xB0]  }
0xa0: {  	v15 =	vld [tilespmem:s20+$0xA0]  }
0xa1: {  	v16 =	vld [tilespmem:s20+$0xB0]  }
0xa2: {  	v40 =	vld [tilespmem:s21+$0x80]  }
0xa3: {  	v38 =	vld [tilespmem:s21+$0x90]  }
0xa4: {  	v17 =	vld [tilespmem:s20+$0x80]  }
0xa5: {  	v18 =	vld [tilespmem:s20+$0x90]  }
0xa6: {  	v12 =	vld [tilespmem:s21+$0xF0]  }
0xa7: {  	v19 =	vld [tilespmem:s20+$0xE0]  }
0xa8: {  	v20 =	vld [tilespmem:s20+$0xF0]  }
0xa9: {  	v35 =	vld [tilespmem:s21+$0xFFFFFF10]  }
0xaa: {  	v21 =	vld [tilespmem:s20+$0xFFFFFF00]  }
0xab: {  	v22 =	vld [tilespmem:s20+$0xFFFFFF10]  }
0xac: {  	v36 =	vld [tilespmem:s21+$0xFFFFFF80]  }
0xad: {  	v28 =	vld [tilespmem:s20+$0xFFFFFF80];
	v13 =	vadd.f32 v13, v9;
	v14 =	vadd.f32 v14, v11  }
0xae: {  	v29 =	vld [tilespmem:s20+$0xFFFFFF90];
	v15 =	vadd.f32 v15, v37;
	v23 =	vadd.f32 v16, v34  }
0xaf: {  	v31 =	vld [tilespmem:s20+$0x0];
	v25 =	vadd.f32 v17, v40;
	v26 =	vadd.f32 v18, v38  }
0xb0: {  	v42 =	vld [tilespmem:s21+$0xFFFFFF00];
	v19 =	vadd.f32 v19, v10;
	v16 =	vmul.f32 $2.000000030e-01, v13;
	v24 =	vmul.f32 $2.000000030e-01, v14  }
0xb1: {  	v32 =	vld [tilespmem:s20+$0xFFFFFFB0];
	v20 =	vadd.f32 v20, v12;
	v17 =	vmul.f32 $2.000000030e-01, v15;
	v27 =	vmul.f32 $2.000000030e-01, v23  }
0xb2: {  	v39 =	vld [tilespmem:s20+$0x20];
	v30 =	vmul.f32 $2.000000030e-01, v26;
	v13 =	vmax.f32 v13, v16;
	v14 =	vmax.f32 v14, v24  }
0xb3: {  	v53 =	vld [tilespmem:s20+$0x30];
	v24 =	vmul.f32 $2.000000030e-01, v25;
	v23 =	vmax.f32 v23, v27;
	v27 =	vmul.f32 $2.000000030e-01, v20  }
0xb4: {  	v18 =	vld [tilespmem:s21+$0xFFFFFF90];
	v15 =	vmax.f32 v15, v17;
	v13 =	vmul.f32 v13, v61;
	v14 =	vmul.f32 v14, v62  }
0xb5: {  	v16 =	vld [tilespmem:s21+$0x0];
	v15 =	vmul.f32 v15, v58;
	v24 =	vmax.f32 v25, v24;
	v25 =	vmax.f32 v26, v30  }
0xb6: {  	v17 =	vld [tilespmem:s21+$0x10];
	v13 =	vadd.f32 v14, v13;
	v14 =	vmul.f32 v23, v59;
	v23 =	vmul.f32 $2.000000030e-01, v19  }
0xb7: {  	v22 =	vadd.f32 v22, v35;
	v30 =	vld [tilespmem:s20+$0x10];
	v26 =	vmul.f32 v24, v56;
	v25 =	vmul.f32 v25, v57  }
0xb8: {  	v24 =	vld [tilespmem:s21+$0xFFFFFF20];
	v14 =	vadd.f32 v14, v15;
	v15 =	vmax.f32 v19, v23;
	v19 =	vmax.f32 v20, v27  }
0xb9: {  	(xrf2) =	vadd.scan.msk.f32 $0xffff, v13;
	v13 =	vadd.f32 v25, v26;
	v25 =	vld [tilespmem:s21+$0xFFFFFF30];
	v15 =	vmul.f32 v15, v3;
	v19 =	vmul.f32 v19, v4  }
0xba: {  	v20 =	vmul.f32 $2.000000030e-01, v22;
	v23 =	vadd.f32 v28, v36;
	v27 =	vld [tilespmem:s21+$0xFFFFFFA0];
	v28 =	vadd.f32 v31, v16;
	(xrf2) =	vadd.scan.msk.f32 $0xffff, v14  }
0xbb: {  	v26 =	vld [tilespmem:s21+$0xFFFFFFB0];
	(xrf2) =	vadd.scan.msk.f32 $0xffff, v13;
	v13 =	vadd.f32 v19, v15;
	v19 =	vadd.f32 v29, v18  }
0xbc: {  	v31 =	vadd.f32 v21, v42;
	v14 =	vld [tilespmem:s20+$0xFFFFFF20];
	v20 =	vmax.f32 v22, v20;
	v22 =	vmul.f32 $2.000000030e-01, v23  }
0xbd: {  	v15 =	vld [tilespmem:s20+$0xFFFFFF30];
	v29 =	vadd.f32 v30, v17;
	(xrf2) =	vadd.scan.msk.f32 $0xffff, v13;
	v13 =	vmul.f32 $2.000000030e-01, v19  }
0xbe: {  	v21 =	vmul.f32 $2.000000030e-01, v28;
	v33 =	vmul.f32 $2.000000030e-01, v31;
	v30 =	vld [tilespmem:s20+$0xFFFFFFA0];
	v22 =	vmax.f32 v23, v22  }
0xbf: {  	v23 =	vld [tilespmem:s21+$0x20];
	v13 =	vmax.f32 v19, v13;
	v19 =	vmul.f32 v22, v56;
	v22 =	vmul.f32 $2.000000030e-01, v29  }
0xc0: {  	v28 =	vmax.f32 v28, v21;
	v21 =	vld [tilespmem:s21+$0x30]  }
0xc1: {  	v20 =	vmul.f32 v20, v57;
	v31 =	vmax.f32 v31, v33;
	v22 =	vmax.f32 v29, v22  }
0xc2: {  	v28 =	vmul.f32 v28, v56;
	v48 =	vadd.f32 v32, v26;
	v22 =	vmul.f32 v22, v57  }
0xc3: {  	v63 =	vld [tilespmem:s20+$0xFFFFFF50];
	v14 =	vadd.f32 v14, v24;
	v13 =	vmul.f32 v13, v57;
	v15 =	vadd.f32 v15, v25  }
0xc4: {  	v49 =	vld [tilespmem:s20+$0xFFFFFF60];
	v43 =	vmul.f32 v31, v56;
	v45 =	vadd.f32 v30, v27;
	v39 =	vadd.f32 v39, v23;
	v29, _, _ =	vpop (xrf2)  }
0xc5: {  	v51 =	vld [tilespmem:s20+$0xFFFFFF70];
	v44 =	vmul.f32 $2.000000030e-01, v14;
	v50 =	vadd.f32 v53, v21;
	v13 =	vadd.f32 v13, v19;
	v41, _, _ =	vpop (xrf2)  }
0xc6: {  	v30 =	vld [tilespmem:s21+$0xFFFFFF50];
	v19 =	vmul.f32 $2.000000030e-01, v15;
	v54 =	vmul.f32 $2.000000030e-01, v45;
	v46 =	vadd.f32 v22, v28;
	v22, _, _ =	vpop (xrf2)  }
0xc7: {  	v52 =	vld [tilespmem:s20+$0xFFFFFFD0];
	v14 =	vmax.f32 v14, v44;
	v55 =	vmul.f32 $1.442695020e+00, v29;
	v22 =	vmul.f32 $1.442695020e+00, v22  }
0xc8: {  	v31 =	vld [tilespmem:s21+$0xFFFFFF40];
	v44 =	vmax.f32 v45, v54;
	v54 =	vmul.f32 $2.000000030e-01, v39;
	v14 =	vmul.f32 v14, v58;
	v47, _, _ =	vpop (xrf2)  }
0xc9: {  	v15 =	vmax.f32 v15, v19;
	v19 =	vbroadcast v22, $0xF;
	v22 =	vmul.f32 $1.442695020e+00, v47;
	v47 =	vld [tilespmem:s20+$0xFFFFFF40]  }
0xca: {  	v33 =	vld [tilespmem:s21+$0xFFFFFFD0];
	v43 =	vadd.f32 v20, v43;
	v20 =	vmul.f32 $1.442695020e+00, v41;
	v60 =	vbroadcast v55, $0xF  }
0xcb: {  	v29 =	vld [tilespmem:s21+$0xFFFFFF70];
	v55 =	vmul.f32 $2.000000030e-01, v50;
	v15 =	vmul.f32 v15, v59;
	v41 =	vadd.f32 v63, v30  }
0xcc: {  	(xrf2) =	vadd.scan.msk.f32 $0xffff, v43;
	v28 =	vld [tilespmem:s21+$0xFFFFFF60];
	v44 =	vmul.f32 v44, v58;
	v39 =	vmax.f32 v39, v54;
	v20 =	vbroadcast v20, $0xF  }
0xcd: {  	v32 =	vld [tilespmem:s21+$0xFFFFFFC0];
	(xrf2) =	vadd.scan.msk.f32 $0xffff, v13;
	v43 =	vmax.f32 v50, v55;
	(erf) = vpow2.f32 v19;
	v19 =	vbroadcast v22, $0xF  }
0xce: {  	(xrf2) =	vadd.scan.msk.f32 $0xffff, v46;
	v46 =	vld [tilespmem:s20+$0xFFFFFFF0];
	(erf) = vpow2.f32 v20;
	v20 =	vmul.f32 $2.000000030e-01, v48;
	v47 =	vadd.f32 v47, v31  }
0xcf: {  	v39 =	vmul.f32 v39, v58;
	v15 =	vadd.f32 v15, v14;
	v22 =	vld [tilespmem:s21+$0xFFFFFFE0];
	(erf) = vpow2.f32 v60  }
0xd0: {  	(erf) = vpow2.f32 v19;
	v19 =	vmax.f32 v48, v20;
	v20 =	vld [tilespmem:s21+$0xFFFFFFF0];
	v60 =	vmul.f32 $2.000000030e-01, v47  }
0xd1: {  	v51 =	vadd.f32 v51, v29;
	v43 =	vmul.f32 v43, v59;
	v48 =	vadd.f32 v49, v28;
	v49 =	vld [tilespmem:s20+$0xFFFFFFC0]  }
0xd2: {  	v50 =	vmul.f32 v19, v59;
	v19 =	vmul.f32 $2.000000030e-01, v41;
	v13 =	vmax.f32 v47, v60;
	v47 =	vld [tilespmem:s20+$0xFFFFFFE0]  }
0xd3: {  	v14 =	vld [tilespmem:s21+$0x60];
	v39 =	vadd.f32 v43, v39;
	v63 =	vmul.f32 $2.000000030e-01, v48  }
0xd4: {  	(xrf2) =	vadd.scan.msk.f32 $0xffff, v15;
	v15 =	vld [tilespmem:s21+$0x70];
	v19 =	vmax.f32 v41, v19;
	v44 =	vadd.f32 v50, v44;
	v60 =	vmul.f32 $2.000000030e-01, v51  }
0xd5: {  	v50 =	vld [tilespmem:s20+$0x40];
	v45 =	vmax.f32 v48, v63;
	v63 =	vmul.f32 v19, v62;
	v53 =	vmul.f32 v13, v61  }
0xd6: {  	v19 =	vld [tilespmem:s21+$0x40];
	v49 =	vadd.f32 v49, v32;
	v45 =	vmul.f32 v45, v3;
	v46 =	vadd.f32 v46, v20  }
0xd7: {  	v43 =	vld [tilespmem:s20+$0x50];
	v55, _, _ =	vpop (xrf2);
	v41 =	vmax.f32 v51, v60;
	v51 =	vadd.f32 v52, v33;
	v47 =	vadd.f32 v47, v22  }
0xd8: {  	(xrf2) =	vadd.scan.msk.f32 $0xffff, v44;
	v44 =	vmul.f32 $1.442695020e+00, v55;
	v60 =	vmul.f32 $2.000000030e-01, v49;
	v48 =	vadd.f32 v63, v53;
	v53 =	vld [tilespmem:s20+$0x60]  }
0xd9: {  	v13 =	vld [tilespmem:s21+$0x50];
	v54 =	vmul.f32 $2.000000030e-01, v51;
	v63 =	vmul.f32 $2.000000030e-01, v47  }
0xda: {  	v52 =	vld [tilespmem:s20+$0x70];
	v41 =	vmul.f32 v41, v4;
	v49 =	vmax.f32 v49, v60;
	v60 =	vmul.f32 $2.000000030e-01, v46  }
0xdb: {  	v44 =	vbroadcast v44, $0xF;
	v50 =	vadd.f32 v50, v19;
	v51 =	vmax.f32 v51, v54  }
0xdc: {  	v49 =	vmul.f32 v49, v61;
	v51 =	vmul.f32 v51, v62;
	v46 =	vmax.f32 v46, v60  }
0xdd: {  	v46 =	vmul.f32 v46, v4;
	v53 =	vadd.f32 v53, v14;
	v47 =	vmax.f32 v47, v63;
	v63, _, _ =	vpop (xrf2)  }
0xde: {  	v43 =	vadd.f32 v43, v13;
	v47 =	vmul.f32 v47, v3;
	(xrf2) =	vadd.scan.msk.f32 $0xffff, v39;
	v54 =	vmul.f32 $1.442695020e+00, v63  }
0xdf: {  	v60, _, _ =	vpop (xrf2);
	v63 =	vmul.f32 $2.000000030e-01, v50;
	(xrf2) =	vadd.scan.msk.f32 $0xffff, v48;
	v48 =	vadd.f32 v52, v15;
	v52 =	vmul.f32 $2.000000030e-01, v53  }
0xe0: {  	v41 =	vadd.f32 v41, v45;
	v39 =	vmul.f32 $1.442695020e+00, v60;
	v60 =	vmul.f32 $2.000000030e-01, v43  }
0xe1: {  	v50 =	vmax.f32 v50, v63;
	v54 =	vbroadcast v54, $0xF;
	v52 =	vmax.f32 v53, v52  }
0xe2: {  	v53 =	vpop (erf);
	(erf) = vpow2.f32 v44;
	v43 =	vmax.f32 v43, v60;
	v60 =	vmul.f32 $2.000000030e-01, v48  }
0xe3: {  	v50 =	vmul.f32 v50, v61;
	v39 =	vbroadcast v39, $0xF;
	v63, _, _ =	vpop (xrf2)  }
0xe4: {  	v40 =	vmul.f32 v53, v40;
	(xrf2) =	vadd.scan.msk.f32 $0xffff, v41;
	v45 =	vmul.f32 $1.442695020e+00, v63;
	v63 =	vadd.f32 v51, v49  }
0xe5: {  	v38 =	vmul.f32 v53, v38;
	v43 =	vmul.f32 v43, v62  }
0xe6: {  	(erf) = vpow2.f32 v54;
	v49 =	vmul.f32 v52, v3;
	v55 =	vmax.f32 v48, v60;
	v60, _, _ =	vpop (xrf2);
	(xrf2) =	vadd.scan.msk.f32 $0xffff, v63  }
0xe7: {  	v51 =	vpop (erf);
	(erf) = vpow2.f32 v39;
	v45 =	vbroadcast v45, $0xF  }
0xe8: {  	v46 =	vadd.f32 v46, v47;
	v44 =	vmul.f32 v55, v4;
	v41 =	vpop (erf);
	v48 =	vmul.f32 $1.442695020e+00, v60  }
0xe9: {  	v43 =	vadd.f32 v43, v50;
	v63 =	vnsel vm0, $0x0, v53;
	v60, _, _ =	vpop (xrf2);
	(erf) = vpow2.f32 v45  }
0xea: {  	v63 =	vsel vm1, v63, v51;
	v52 =	vmul.f32 $1.442695020e+00, v60;
	v48 =	vbroadcast v48, $0xF;
	v60, _, _ =	vpop (xrf2);
	(xrf2) =	vadd.scan.msk.f32 $0xffff, v46  }
0xeb: {  	v39 =	vpop (erf);
	v54 =	vsel vm2, v63, v41;
	v63 =	vmul.f32 $1.442695020e+00, v60;
	(xrf2) =	vadd.scan.msk.f32 $0xffff, v43;
	v43 =	vmul.f32 v51, v34  }
0xec: {  	s21 =	simm.s32 $0x1B150;
	v45 =	vsel vm3, v54, v39;
	v55 =	vpop (erf);
	v52 =	vbroadcast v52, $0xF;
	(erf) = vpow2.f32 v48  }
0xed: {  	v44 =	vadd.f32 v44, v49;
	[tilespmem:s21+$0x110] =	vst v45;
	v60 =	vmul.f32 v55, v42;
	v45 =	vmul.f32 v55, v35  }
0xee: {  	[tilespmem:s21+$0x90] =	vst v40;
	v50 =	vbroadcast v63, $0xF;
	(erf) = vpow2.f32 v52;
	v53, _, _ =	vpop (xrf2)  }
0xef: {  	[tilespmem:s21+$0xA0] =	vst v38;
	(xrf2) =	vadd.scan.msk.f32 $0xffff, v44;
	v42 =	vpop (erf);
	v52 =	vmul.f32 v51, v37;
	v54 =	vmul.f32 $1.442695020e+00, v53  }
0xf0: {  	v37 =	vnsel vm0, $0x0, v55;
	[tilespmem:s21+$0xFFFFFEE0] =	vst v60;
	v38 =	vmul.f32 v42, v36;
	(erf) = vpow2.f32 v50;
	v63, _, _ =	vpop (xrf2)  }
0xf1: {  	s23 =	simm.s32 $0x0;
	s28 =	simm.s32 $0x16330;
	s22 =	simm.s32 $0x1B150;
	v34 =	vnsel vm0, $0x0, v42;
	v36 =	vpop (erf);
	[tilespmem:s21+$0xB0] =	vst v52;
	v44 =	vbroadcast v54, $0xF;
	v35 =	vmul.f32 $1.442695020e+00, v63  }
.LBB2_5:
0xf2: {  	_ = 	snop  }
0xf3: {  	v40 =	vld [tilespmem:s28+$0xC0]  }
0xf4: {  	v0 =	vmul.f32 v42, v18;
	v46 =	vld [tilespmem:s28+$0xE0];
	s20 =	sadd.s32 $0x200, s20  }
0xf5: {  	v1 =	vbroadcast v35, $0xF;
	v63 =	vld [tilespmem:s20+$0xC0];
	v55 =	vpop (erf);
	(erf) = vpow2.f32 v44  }
0xf6: {  	v17 =	vmul.f32 v36, v17;
	[tilespmem:s21+$0xFFFFFF70] =	vst v38;
	v48 =	vld [tilespmem:s20+$0xD0];
	v24 =	vmul.f32 v55, v24;
	v60, _, _ =	vpop (xrf2)  }
0xf7: {  	v35 =	vld [tilespmem:s28+$0xB0];
	[tilespmem:s21+$0xFFFFFF80] =	vst v0;
	v25 =	vmul.f32 v55, v25;
	v18 =	vpop (erf);
	(erf) = vpow2.f32 v1  }
0xf8: {  	v54 =	vnsel vm0, $0x0, v36;
	[tilespmem:s21+$0x10] =	vst v17;
	v44 =	vld [tilespmem:s28+$0xD0];
	v1 =	vmul.f32 v36, v16;
	v38 =	vmul.f32 $1.442695020e+00, v60;
	v47 =	vpop (erf)  }
0xf9: {  	v37 =	vsel vm1, v37, v55;
	v36 =	vld [tilespmem:s28+$0x90];
	v0 =	vmul.f32 v18, v26;
	v52, _, _ =	vpop (xrf2);
	[tilespmem:s21+$0xFFFFFF00] =	vst v24;
	v24 =	vmul.f32 v18, v27  }
0xfa: {  	v55 =	vld [tilespmem:s20+$0xE0];
	v27 =	vsel vm1, v34, v18;
	[tilespmem:s21+$0xFFFFFF10] =	vst v25;
	v18 =	vpop (erf);
	v17 =	vmul.f32 v47, v23;
	v25 =	vbroadcast v38, $0xF  }
0xfb: {  	v34 =	vld [tilespmem:s28+$0xA0];
	v31 =	vmul.f32 v18, v31;
	v16, _, _ =	vpop (xrf2);
	[tilespmem:s21+$0xFFFFFF90] =	vst v24;
	v24 =	vmul.f32 $1.442695020e+00, v52  }
0xfc: {  	v26 =	vsel vm1, v54, v47;
	[tilespmem:s21+$0x0] =	vst v1;
	v16 =	vmul.f32 $1.442695020e+00, v16;
	(erf) = vpow2.f32 v25;
	v25 =	vld [tilespmem:s20+$0xA0]  }
0xfd: {  	v60 =	vld [tilespmem:s20+$0xF0];
	v53 =	vsel vm2, v37, v18;
	v18 =	vmul.f32 v18, v30;
	[tilespmem:s21+$0x20] =	vst v17;
	v24 =	vbroadcast v24, $0xF  }
0xfe: {  	v54 =	vld [tilespmem:s20+$0xB0];
	v21 =	vmul.f32 v47, v21;
	[tilespmem:s21+$0xFFFFFF20] =	vst v31;
	v31 =	vadd.f32 v48, v44;
	v16 =	vbroadcast v16, $0xF;
	v23 =	vpop (erf)  }
0xff: {  	v37 =	vld [tilespmem:s28+$0x80];
	[tilespmem:s21+$0xFFFFFF30] =	vst v18;
	(erf) = vpow2.f32 v24;
	v18 =	vmul.f32 v23, v28;
	v24 =	vsel vm3, v53, v23  }
0x100: {  	v17 =	vmul.f32 v41, v11;
	v28 =	vld [tilespmem:s20+$0x80];
	v23 =	vmul.f32 v23, v29;
	[tilespmem:s21+$0xFFFFFF60] =	vst v24  }
0x101: {  	v51 =	vmul.f32 $2.000000030e-01, v31;
	v29 =	vpop (erf);
	(erf) = vpow2.f32 v16;
	v16 =	vld [tilespmem:s28+$0xF0];
	v25 =	vadd.f32 v25, v34;
	[tilespmem:s21+$0xFFFFFF40] =	vst v18  }
0x102: {  	v24 =	vld [tilespmem:s20+$0x90];
	v18 =	vmul.f32 v41, v9;
	v9 =	vmov v40;
	[tilespmem:s21+$0xFFFFFF50] =	vst v23;
	v23 =	vmul.f32 v29, v32  }
0x103: {  	[tilespmem:s21+$0x30] =	vst v21;
	v30 =	vmul.f32 v29, v33;
	v27 =	vsel vm2, v27, v29;
	v29 =	vadd.f32 v63, v9  }
0x104: {  	v63 =	vadd.f32 v54, v35;
	v52 =	vmul.f32 $2.000000030e-01, v25;
	[tilespmem:s21+$0xFFFFFFB0] =	vst v23;
	v23 =	vmul.f32 v39, v10  }
0x105: {  	[tilespmem:s21+$0xFFFFFEF0] =	vst v45;
	v50 =	vld [tilespmem:s20+$0x10];
	v39 =	vmul.f32 v39, v12;
	v10 =	vmov v46;
	v12 =	vmul.f32 $2.000000030e-01, v29  }
0x106: {  	[tilespmem:s21+$0xFFFFFFA0] =	vst v0;
	v38 =	vld [tilespmem:s28+$0xFFFFFF10];
	v41 =	vpop (erf);
	v28 =	vadd.f32 v28, v37;
	v53 =	vmul.f32 $2.000000030e-01, v63;
	v32 =	vadd.f32 v55, v10  }
0x107: {  	[tilespmem:s21+$0xFFFFFFC0] =	vst v30;
	v30 =	vld [tilespmem:s20+$0xFFFFFF00];
	v33 =	vadd.f32 v60, v16;
	v24 =	vadd.f32 v24, v36;
	v22 =	vmul.f32 v41, v22  }
0x108: {  	[tilespmem:s21+$0xC0] =	vst v43;
	v21 =	vld [tilespmem:s20+$0xFFFFFF10];
	v20 =	vmul.f32 v41, v20;
	v0 =	vmax.f32 v29, v12;
	v29 =	vmax.f32 v31, v51  }
0x109: {  	[tilespmem:s21+$0xE0] =	vst v17;
	v40 =	vld [tilespmem:s28+$0xFFFFFF80];
	v27 =	vsel vm3, v27, v41;
	v31 =	vmul.f32 v0, v61;
	v29 =	vmul.f32 v29, v62  }
0x10a: {  	[tilespmem:s21+$0xD0] =	vst v18;
	v49 =	vld [tilespmem:s20+$0xFFFFFF80];
	v54 =	vmul.f32 $2.000000030e-01, v28;
	v17 =	vmax.f32 v63, v53;
	v63 =	vmul.f32 $2.000000030e-01, v33;
	v42 =	vpop (erf)  }
0x10b: {  	v18 =	vld [tilespmem:s28+$0xFFFFFF90];
	[tilespmem:s21+$0xF0] =	vst v23;
	v55 =	vmul.f32 $2.000000030e-01, v24;
	v12 =	vmovc v16;
	v16 =	vmax.f32 v25, v52;
	v25 =	vadd.f32 v29, v31  }
0x10c: {  	v23 =	vld [tilespmem:s20+$0xFFFFFF90];
	[tilespmem:s21+$0xFFFFFFF0] =	vst v27;
	v60 =	vsel vm2, v26, v42;
	v29 =	vmul.f32 v16, v58;
	v31 =	vmul.f32 v17, v59  }
0x10d: {  	v11 =	vmovc v44;
	v44 =	vld [tilespmem:s28+$0xFFFFFF00];
	v26 =	vmul.f32 $2.000000030e-01, v32;
	v24 =	vmax.f32 v24, v55;
	(xrf2) =	vadd.scan.msk.f32 $0xffff, v25;
	v25 =	vmax.f32 v28, v54  }
0x10e: {  	[tilespmem:s21+$0xFFFFFFD0] =	vst v22;
	v16 =	vld [tilespmem:s28+$0x0];
	v24 =	vmul.f32 v24, v57;
	v28 =	vadd.f32 v31, v29;
	v25 =	vmul.f32 v25, v56  }
0x10f: {  	v21 =	vadd.f32 v21, v38;
	[tilespmem:s21+$0xFFFFFFE0] =	vst v20;
	v49 =	vadd.f32 v49, v40;
	v29 =	vld [tilespmem:s20+$0x0]  }
0x110: {  	v43 =	vpop (erf);
	v17 =	vld [tilespmem:s28+$0x10];
	v26 =	vmax.f32 v32, v26;
	(xrf2) =	vadd.scan.msk.f32 $0xffff, v28;
	v28 =	vmax.f32 v33, v63;
	v51 =	vadd.f32 v24, v25  }
0x111: {  	v53 =	vsel vm3, v60, v43;
	v60 =	vld [tilespmem:s20+$0xFFFFFFA0];
	v26 =	vmul.f32 v26, v3;
	v27 =	vmul.f32 v28, v4  }
0x112: {  	v20 =	vadd.f32 v30, v44;
	v19 =	vmul.f32 v42, v19;
	v31 =	vmul.f32 $2.000000030e-01, v21;
	v24 =	vld [tilespmem:s28+$0xFFFFFF20];
	(xrf2) =	vadd.scan.msk.f32 $0xffff, v51  }
0x113: {  	v23 =	vadd.f32 v23, v18;
	v22 =	vmul.f32 $2.000000030e-01, v49;
	v28 =	vld [tilespmem:s20+$0xFFFFFF20];
	v26 =	vadd.f32 v27, v26  }
0x114: {  	v54 =	vmul.f32 $2.000000030e-01, v20;
	v21 =	vmax.f32 v21, v31;
	v25 =	vld [tilespmem:s28+$0xFFFFFF30];
	v29 =	vadd.f32 v29, v16  }
0x115: {  	v31 =	vmul.f32 $2.000000030e-01, v23;
	v32 =	vmul.f32 v21, v57;
	v21 =	vld [tilespmem:s20+$0xFFFFFF30];
	(xrf2) =	vadd.scan.msk.f32 $0xffff, v26  }
0x116: {  	v22 =	vmax.f32 v49, v22;
	v20 =	vmax.f32 v20, v54;
	v27 =	vld [tilespmem:s28+$0xFFFFFFA0];
	v30 =	vmul.f32 $2.000000030e-01, v29  }
0x117: {  	v52 =	vadd.f32 v50, v17;
	v22 =	vmul.f32 v22, v56;
	v23 =	vmax.f32 v23, v31;
	v26 =	vld [tilespmem:s28+$0xFFFFFFB0]  }
0x118: {  	v55 =	vmul.f32 v23, v57;
	v28 =	vadd.f32 v28, v24;
	v23 =	vmax.f32 v29, v30;
	v29 =	vld [tilespmem:s20+$0xFFFFFFB0]  }
0x119: {  	[tilespmem:s21+$0x80] =	vst v53;
	v20 =	vmul.f32 v20, v56;
	v31 =	vmul.f32 $2.000000030e-01, v52;
	v51 =	vld [tilespmem:s20+$0xFFFFFF40]  }
0x11a: {  	[tilespmem:s21+$0x100] =	vst v39;
	v22 =	vadd.f32 v55, v22;
	v55 =	vld [tilespmem:s20+$0x20];
	v63 =	vadd.f32 v21, v25;
	v39, _, _ =	vpop (xrf2);
	v53 =	vmul.f32 $2.000000030e-01, v28  }
0x11b: {  	v20 =	vadd.f32 v32, v20;
	v31 =	vmax.f32 v52, v31;
	v30 =	vmul.f32 v23, v56;
	v23 =	vld [tilespmem:s28+$0x20];
	v52, _, _ =	vpop (xrf2)  }
0x11c: {  	v31 =	vmul.f32 v31, v57;
	v21 =	vld [tilespmem:s28+$0x30];
	v54 =	vmul.f32 $2.000000030e-01, v63;
	v45 =	vmax.f32 v28, v53;
	v28, _, _ =	vpop (xrf2)  }
0x11d: {  	v57 =	vld [tilespmem:s20+$0x30];
	v56 =	vadd.f32 v60, v27;
	v60 =	vadd.f32 v29, v26;
	v29 =	vmul.f32 $1.442695020e+00, v28  }
0x11e: {  	v32 =	vld [tilespmem:s28+$0xFFFFFFC0];
	[tilespmem:s21+$0x40] =	vst v19;
	v39 =	vmul.f32 $1.442695020e+00, v39;
	v41 =	vmul.f32 $1.442695020e+00, v52  }
0x11f: {  	v49 =	vadd.f32 v31, v30;
	v31 =	vld [tilespmem:s28+$0xFFFFFF40];
	v19 =	vmul.f32 $2.000000030e-01, v56;
	(xrf2) =	vadd.scan.msk.f32 $0xffff, v20;
	v50, _, _ =	vpop (xrf2);
	v20 =	vbroadcast v29, $0xF  }
0x120: {  	v48 =	vadd.f32 v55, v23;
	v41 =	vbroadcast v41, $0xF;
	v55 =	vld [tilespmem:s20+$0xFFFFFFC0];
	v50 =	vmul.f32 $1.442695020e+00, v50  }
0x121: {  	v33 =	vmax.f32 v63, v54;
	v39 =	vbroadcast v39, $0xF;
	v28 =	vld [tilespmem:s28+$0xFFFFFF60];
	(erf) = vpow2.f32 v20  }
0x122: {  	v47 =	vadd.f32 v57, v21;
	v29 =	vld [tilespmem:s28+$0xFFFFFF70];
	v63 =	vbroadcast v50, $0xF;
	(erf) = vpow2.f32 v41  }
0x123: {  	v19 =	vmax.f32 v56, v19;
	v56 =	vmul.f32 $2.000000030e-01, v60;
	v41 =	vld [tilespmem:s20+$0xFFFFFF60];
	(erf) = vpow2.f32 v39  }
0x124: {  	v52 =	vmul.f32 $2.000000030e-01, v48;
	v51 =	vadd.f32 v51, v31;
	v39 =	vld [tilespmem:s20+$0xFFFFFF70];
	(erf) = vpow2.f32 v63  }
0x125: {  	v30 =	vld [tilespmem:s28+$0xFFFFFF50];
	v53 =	vmul.f32 v45, v58;
	(xrf2) =	vadd.scan.msk.f32 $0xffff, v22;
	v57 =	vmax.f32 v60, v56;
	v60 =	vmul.f32 $2.000000030e-01, v47  }
0x126: {  	v54 =	vmul.f32 v19, v58;
	v22 =	vld [tilespmem:s28+$0xFFFFFFE0];
	(xrf2) =	vadd.scan.msk.f32 $0xffff, v49;
	v48 =	vmax.f32 v48, v52;
	v0 =	vmul.f32 $2.000000030e-01, v51  }
0x127: {  	v5 =	vmovc v58;
	v20 =	vld [tilespmem:s20+$0xFFFFFF50];
	v50 =	vmul.f32 v33, v59;
	v19 =	vmax.f32 v47, v60;
	v47 =	vmul.f32 v57, v59  }
0x128: {  	v6 =	vmovc v59;
	v33 =	vld [tilespmem:s28+$0xFFFFFFD0];
	v48 =	vmul.f32 v48, v58;
	v55 =	vadd.f32 v55, v32;
	v41 =	vadd.f32 v41, v28  }
0x129: {  	v7 =	vmovc v61;
	v51 =	vmax.f32 v51, v0;
	v58 =	vmul.f32 v19, v59;
	v59 =	vld [tilespmem:s20+$0xFFFFFFE0];
	v39 =	vadd.f32 v39, v29  }
0x12a: {  	v57 =	vld [tilespmem:s20+$0xFFFFFFD0];
	v51 =	vmul.f32 v51, v61;
	v50 =	vadd.f32 v50, v53;
	v56 =	vmul.f32 $2.000000030e-01, v41;
	v46 =	vpop (erf)  }
0x12b: {  	v47 =	vadd.f32 v47, v54;
	v52 =	vmul.f32 $2.000000030e-01, v39;
	v60 =	vnsel vm0, $0x0, v46;
	v45 =	vpop (erf)  }
0x12c: {  	v63 =	vadd.f32 v20, v30;
	v56 =	vmax.f32 v41, v56;
	v60 =	vsel vm1, v60, v45;
	v41 =	vpop (erf)  }
0x12d: {  	v48 =	vadd.f32 v58, v48;
	v52 =	vmax.f32 v39, v52;
	v60 =	vsel vm2, v60, v41;
	v39 =	vpop (erf)  }
0x12e: {  	s21 =	sadd.s32 $0x240, s21;
	v61 =	vld [tilespmem:s20+$0xFFFFFFF0];
	v49, _, _ =	vpop (xrf2);
	v59 =	vadd.f32 v59, v22;
	v1 =	vmul.f32 $2.000000030e-01, v63;
	v60 =	vsel vm3, v60, v39  }
0x12f: {  	v20 =	vld [tilespmem:s28+$0xFFFFFFF0];
	v53 =	vadd.f32 v57, v33;
	v0, _, _ =	vpop (xrf2);
	(xrf2) =	vadd.scan.msk.f32 $0xffff, v50;
	[tilespmem:s21+$0x110] =	vst v60;
	v60 =	vmul.f32 $2.000000030e-01, v55  }
0x130: {  	v50, _, _ =	vpop (xrf2);
	v58 =	vmul.f32 $2.000000030e-01, v59;
	(xrf2) =	vadd.scan.msk.f32 $0xffff, v47;
	v47 =	vmul.f32 $1.442695020e+00, v49;
	v19 =	vmax.f32 v63, v1;
	v63 =	vld [tilespmem:s28+$0x50]  }
0x131: {  	v0 =	vmul.f32 $1.442695020e+00, v0;
	v1 =	vmul.f32 $2.000000030e-01, v53;
	v55 =	vmax.f32 v55, v60;
	v60 =	vld [tilespmem:s20+$0x50]  }
0x132: {  	v8 =	vmov v62;
	v50 =	vmul.f32 $1.442695020e+00, v50;
	v62 =	vmul.f32 v19, v62  }
0x133: {  	v2 =	vld [tilespmem:s20+$0x40];
	v47 =	vbroadcast v47, $0xF;
	v0 =	vbroadcast v0, $0xF;
	v1 =	vmax.f32 v53, v1  }
0x134: {  	v54 =	vld [tilespmem:s28+$0x70];
	v61 =	vadd.f32 v61, v20;
	v1 =	vmul.f32 v1, v8;
	v55 =	vmul.f32 v55, v7  }
0x135: {  	v19 =	vld [tilespmem:s28+$0x40];
	v56 =	vmul.f32 v56, v3;
	v52 =	vmul.f32 v52, v4  }
0x136: {  	v57 =	vld [tilespmem:s28+$0x60];
	v53 =	vmul.f32 $2.000000030e-01, v61;
	v1 =	vadd.f32 v1, v55;
	v55 =	vadd.f32 v60, v63  }
0x137: {  	v37 =	vmul.f32 v46, v37;
	v51 =	vadd.f32 v62, v51;
	v62 =	vld [tilespmem:s20+$0x60];
	v52 =	vadd.f32 v52, v56  }
0x138: {  	v56 =	vmax.f32 v59, v58;
	v58 =	vld [tilespmem:s20+$0x70];
	v53 =	vmax.f32 v61, v53;
	v60 =	vmul.f32 $2.000000030e-01, v55  }
0x139: {  	(xrf2) =	vadd.scan.msk.f32 $0xffff, v48;
	v49 =	vmul.f32 v56, v3;
	v53 =	vmul.f32 v53, v4  }
0x13a: {  	v36 =	vmul.f32 v46, v36;
	(erf) = vpow2.f32 v47;
	v2 =	vadd.f32 v2, v19  }
0x13b: {  	v50 =	vbroadcast v50, $0xF;
	(erf) = vpow2.f32 v0;
	(xrf2) =	vadd.scan.msk.f32 $0xffff, v51;
	v48 =	vadd.f32 v53, v49  }
0x13c: {  	v49 =	vmul.f32 $2.000000030e-01, v2;
	v53 =	vadd.f32 v62, v57;
	v51 =	vmax.f32 v55, v60;
	v60, _, _ =	vpop (xrf2)  }
0x13d: {  	v58 =	vadd.f32 v58, v54;
	v56 =	vmul.f32 $1.442695020e+00, v60;
	v60 =	vmul.f32 v51, v8  }
0x13e: {  	v0 =	vmul.f32 v42, v13;
	v2 =	vmax.f32 v2, v49;
	v49 =	vmul.f32 $2.000000030e-01, v53;
	(xrf2) =	vadd.scan.msk.f32 $0xffff, v52  }
0x13f: {  	v2 =	vmul.f32 v2, v7;
	v55 =	vmul.f32 $2.000000030e-01, v58  }
0x140: {  	(erf) = vpow2.f32 v50;
	[tilespmem:s22+$0x50] =	vst v0;
	v0 =	vmul.f32 v43, v15  }
0x141: {  	v49 =	vmax.f32 v53, v49;
	v53 =	vmax.f32 v58, v55;
	v2 =	vadd.f32 v60, v2;
	v60, _, _ =	vpop (xrf2);
	(xrf2) =	vadd.scan.msk.f32 $0xffff, v1  }
0x142: {  	v49 =	vmul.f32 v49, v3;
	v53 =	vmul.f32 v53, v4  }
0x143: {  	v13 =	vmov v63;
	v52 =	vbroadcast v56, $0xF;
	v51 =	vmul.f32 $1.442695020e+00, v60;
	v63, _, _ =	vpop (xrf2)  }
0x144: {  	v47 =	vadd.f32 v53, v49;
	v53 =	vmul.f32 v43, v14;
	v42 =	vmul.f32 $1.442695020e+00, v63  }
0x145: {  	(erf) = vpow2.f32 v52;
	v55, _, _ =	vpop (xrf2);
	v1 =	vbroadcast v51, $0xF  }
0x146: {  	s23 =	sadd.s32 $0x4, s23;
	[tilespmem:s22+$0x70] =	vst v0;
	v0 =	vpop (erf);
	(xrf2) =	vadd.scan.msk.f32 $0xffff, v48;
	v43 =	vmul.f32 $1.442695020e+00, v55;
	v42 =	vbroadcast v42, $0xF  }
0x147: {  	p0 =	slt.u32 s23, $0x24;
	[tilespmem:s21+$0x90] =	vst v37;
	v59 =	vmovc v6;
	(xrf2) =	vadd.scan.msk.f32 $0xffff, v2;
	v2 =	vmul.f32 v45, v34;
	v63 =	vmul.f32 v0, v44  }
.Ltmp1:
0x148: {  	[tilespmem:s21+$0xA0] =	vst v36;
	v61 =	vmov v7;
	(erf) = vpow2.f32 v1;
	v1 =	vbroadcast v43, $0xF;
	v60, _, _ =	vpop (xrf2);
	(pc) =	sbr.rel @p0 .LBB2_5-.Ltmp1, $4  }
0x149: {  	v15 =	vmovc v54;
	v62 =	vmovc v8;
	v37 =	vnsel vm0, $0x0, v0;
	[tilespmem:s22+$0x60] =	vst v53;
	v43 =	vmul.f32 v45, v35;
	v34 =	vmul.f32 $1.442695020e+00, v60  }
0x14a: {  	v58 =	vmov v5;
	[tilespmem:s21+$0xB0] =	vst v2;
	v45 =	vmul.f32 v0, v38;
	(erf) = vpow2.f32 v42;
	v42 =	vpop (erf)  }
0x14b: {  	v56 =	vld [tilespmem:$0x1FFE0];
	v14 =	vmov v57;
	[tilespmem:s21+$0xFFFFFEE0] =	vst v63;
	(erf) = vpow2.f32 v1;
	v44 =	vbroadcast v34, $0xF;
	v0, _, _ =	vpop (xrf2)  }
0x14c: {  	s28 =	sadd.s32 $0x200, s28;
	v57 =	vld [tilespmem:$0x1FFF0];
	s22 =	smov.u32 s21;
	(xrf2) =	vadd.scan.msk.f32 $0xffff, v47;
	v34 =	vnsel vm0, $0x0, v42;
	v38 =	vmul.f32 v42, v40;
	v36 =	vpop (erf);
	v35 =	vmul.f32 $1.442695020e+00, v0  }
0x14d: {  	v0 =	vmul.f32 v42, v18;
	_ =	sdelay $0x1  }
0x14e: {  	(erf) = vpow2.f32 v44;
	v1 =	vpop (erf);
	v18 =	vbroadcast v35, $0xF  }
0x14f: {  	[tilespmem:s21+$0xFFFFFEF0] =	vst v45;
	v2 =	vmul.f32 v1, v24  }
0x150: {  	[tilespmem:s21+$0xFFFFFF80] =	vst v0;
	v0 =	vpop (erf)  }
0x151: {  	v17 =	vmul.f32 v36, v17;
	[tilespmem:s21+$0xFFFFFF00] =	vst v2;
	v2 =	vmul.f32 v0, v27  }
0x152: {  	[tilespmem:s21+$0xC0] =	vst v43;
	v24 =	vmul.f32 v1, v25;
	(erf) = vpow2.f32 v18;
	v18, _, _ =	vpop (xrf2)  }
0x153: {  	[tilespmem:s21+$0xFFFFFF90] =	vst v2;
	v2 =	vmul.f32 v36, v16;
	v16 =	vmul.f32 $1.442695020e+00, v18  }
0x154: {  	[tilespmem:s21+$0xFFFFFF10] =	vst v24  }
0x155: {  	v24 =	vmul.f32 v0, v26;
	v25 =	vpop (erf);
	[tilespmem:s21+$0x0] =	vst v2;
	v2 =	vbroadcast v16, $0xF  }
0x156: {  	[tilespmem:s21+$0x10] =	vst v17;
	v18 =	vpop (erf)  }
0x157: {  	v1 =	vsel vm1, v37, v1;
	[tilespmem:s21+$0xFFFFFFA0] =	vst v24;
	v24 =	vmul.f32 v18, v31;
	v17 =	vpop (erf)  }
0x158: {  	[tilespmem:s21+$0xFFFFFF70] =	vst v38;
	v26 =	vmul.f32 v18, v30;
	v1 =	vsel vm2, v1, v18;
	v18 =	vmul.f32 v17, v28;
	v16, _, _ =	vpop (xrf2)  }
0x159: {  	[tilespmem:s21+$0xFFFFFF20] =	vst v24;
	(erf) = vpow2.f32 v2;
	v16 =	vmul.f32 $1.442695020e+00, v16;
	v2, _, _ =	vpop (xrf2)  }
0x15a: {  	[tilespmem:s21+$0xFFFFFF30] =	vst v26;
	v1 =	vsel vm3, v1, v17;
	v2 =	vmul.f32 $1.442695020e+00, v2  }
0x15b: {  	v17 =	vmul.f32 v17, v29;
	[tilespmem:s21+$0xFFFFFF60] =	vst v1;
	v1 =	vbroadcast v16, $0xF  }
0x15c: {  	[tilespmem:s21+$0xFFFFFF40] =	vst v18;
	v16 =	vmul.f32 v25, v23;
	v18 =	vpop (erf);
	v2 =	vbroadcast v2, $0xF  }
0x15d: {  	[tilespmem:s21+$0xFFFFFF50] =	vst v17;
	v17 =	vmul.f32 v18, v32;
	(erf) = vpow2.f32 v1  }
0x15e: {  	v1 =	vmul.f32 v18, v33;
	[tilespmem:s21+$0x20] =	vst v16;
	(erf) = vpow2.f32 v2  }
0x15f: {  	v16 =	vmul.f32 v25, v21;
	[tilespmem:s21+$0xFFFFFFB0] =	vst v17  }
0x160: {  	[tilespmem:s21+$0xFFFFFFC0] =	vst v1;
	v1 =	vmul.f32 v41, v9;
	v2 =	vmul.f32 v41, v11  }
0x161: {  	[tilespmem:s21+$0x30] =	vst v16  }
0x162: {  	v9 =	vmul.f32 v39, v10;
	[tilespmem:s21+$0xD0] =	vst v1  }
0x163: {  	v0 =	vsel vm1, v34, v0;
	v1 =	vmul.f32 v39, v12;
	[tilespmem:s21+$0xE0] =	vst v2  }
0x164: {  	v0 =	vsel vm2, v0, v18;
	[tilespmem:s21+$0xF0] =	vst v9;
	v2 =	vpop (erf)  }
0x165: {  	v9 =	vnsel vm0, $0x0, v36;
	[tilespmem:s21+$0x100] =	vst v1;
	v0 =	vsel vm3, v0, v2;
	v1 =	vmul.f32 v2, v22  }
0x166: {  	v9 =	vsel vm1, v9, v25;
	[tilespmem:s21+$0xFFFFFFF0] =	vst v0;
	v0 =	vmul.f32 v2, v20;
	v10 =	vpop (erf)  }
0x167: {  	[tilespmem:s21+$0xFFFFFFD0] =	vst v1;
	v9 =	vsel vm2, v9, v10;
	v2 =	vpop (erf)  }
0x168: {  	[tilespmem:s21+$0xFFFFFFE0] =	vst v0;
	v1 =	vmul.f32 v10, v19;
	v0 =	vsel vm3, v9, v2  }
0x169: {  	[tilespmem:s21+$0x80] =	vst v0;
	v0 =	vmul.f32 v10, v13  }
0x16a: {  	[tilespmem:s21+$0x40] =	vst v1;
	v1 =	vmul.f32 v2, v14  }
0x16b: {  	[tilespmem:s22+$0x50] =	vst v0;
	v0 =	vmul.f32 v2, v15  }
0x16c: {  	p0 =	seq.s32 s18, $0x7C;
	[tilespmem:s22+$0x60] =	vst v1  }
0x16d: {  	s19 =	sadd.s32 @!p0 s19, s26;
	[tilespmem:s22+$0x70] =	vst v0  }
0x16e: {  	[spmem:s3] =	stream.indirect.scatter.add.f32 [tilespmem:s31], [sflag:$0x5], $0x90, s7, s1, $0xb8;
	[tilespmem:$0x1C730] =	vst v63  }
0x16f: {  	s19 =	sshrl.u32 @!p0 s19, $0x3;
	_ =	swait.ge [sflag:s0], $0x1680  }
0x170: {  	s20 =	simm.s32 @!p0 $0x0;
	s19 =	sadd.s32 @!p0 s2, s19;
	[sflag:s0] =	ssyncset.done $0x0  }
0x171: {  	s21 =	simm.s32 @!p0 $0x15F90;
	s22 =	simm.s32 @!p0 $0x5;
	[sflag:s0] =	ssyncadd.s32 $0xFFFFE980  }
0x172: {  	[tilespmem:s21], [sflag:$0x5] =	stream.linear.gather @!p0 [hbm4b:s19+s20], $0x28, $0x38;
	[tilespmem:$0x1C730] =	vst v63  }
0x173: {  	_ =	swait.ge @!p0 [sflag:s22], $0x28  }
0x174: {  	[sflag:s22] =	ssyncset.done @!p0 $0x0  }
0x175: {  	s23 =	simm.s32 @!p0 $0x15FB8;
	s19 =	sadd.s32 @!p0 $0x9C40, s19;
	[sflag:s22] =	ssyncadd.s32 @!p0 $0xFFFFFFD8  }
0x176: {  	[tilespmem:s23], [sflag:$0x5] =	stream.linear.gather @!p0 [hbm4b:s19+s20], $0x28, $0x38;
	[tilespmem:$0x1C730] =	vst v63  }
0x177: {  	_ =	swait.ge @!p0 [sflag:s22], $0x28  }
0x178: {  	[sflag:s22] =	ssyncset.done @!p0 $0x0  }
0x179: {  	s19 =	simm.s32 @!p0 $0x28;
	s20 =	simm.s32 @!p0 $0x16030;
	[sflag:s22] =	ssyncadd.s32 @!p0 $0xFFFFFFD8  }
0x17a: {  	[tilespmem:s20], [sflag:$0x1] =	stream.indirect.gather @!p0 [hbm4b:s5+s19], $0x80, s21, s19, $0xb8;
	[tilespmem:$0x1C730] =	vst v63  }
0x17b: {  	s20 =	simm.s32 @!p0 $0x17430  }
0x17c: {  	[tilespmem:s20], [sflag:$0x2] =	stream.indirect.gather @!p0 [hbm4b:s6+s19], $0x80, s23, s19, $0xb8;
	[tilespmem:$0x1C730] =	vst v63  }
0x17d: {  	_ =	swait.ge [sflag:s15], $0x1400  }
0x17e: {  	[sflag:s15] =	ssyncset.done $0x0  }
0x17f: {  	[sflag:s15] =	ssyncadd.s32 $0xFFFFEC00  }
0x180: {  	_ =	swait.ge [sflag:s16], $0x1400  }
0x181: {  	[sflag:s16] =	ssyncset.done $0x0  }
0x182: {  	s28 =	simm.s32 $0x18930;
	[sflag:s16] =	ssyncadd.s32 $0xFFFFEC00  }
0x183: {  	v9 =	vld [tilespmem:s28+$0xC0]  }
0x184: {  	s19 =	simm.s32 $0x19D30;
	v11 =	vld [tilespmem:s28+$0xD0]  }
0x185: {  	v0 =	vld [tilespmem:s19+$0xC0]  }
0x186: {  	v1 =	vld [tilespmem:s19+$0xD0]  }
0x187: {  	v37 =	vld [tilespmem:s28+$0xA0]  }
0x188: {  	v34 =	vld [tilespmem:s28+$0xB0]  }
0x189: {  	v2 =	vld [tilespmem:s19+$0xA0]  }
0x18a: {  	v13 =	vld [tilespmem:s19+$0xB0]  }
0x18b: {  	v40 =	vld [tilespmem:s28+$0x80]  }
0x18c: {  	v38 =	vld [tilespmem:s28+$0x90]  }
0x18d: {  	v14 =	vld [tilespmem:s19+$0x80]  }
0x18e: {  	v15 =	vld [tilespmem:s19+$0x90]  }
0x18f: {  	v10 =	vld [tilespmem:s28+$0xE0]  }
0x190: {  	v12 =	vld [tilespmem:s28+$0xF0];
	v0 =	vadd.f32 v0, v9  }
0x191: {  	v16 =	vld [tilespmem:s19+$0xE0];
	v1 =	vadd.f32 v1, v11;
	v2 =	vadd.f32 v2, v37  }
0x192: {  	v17 =	vld [tilespmem:s19+$0xF0];
	v13 =	vadd.f32 v13, v34;
	v14 =	vadd.f32 v14, v40  }
0x193: {  	v35 =	vld [tilespmem:s28+$0xFFFFFF10];
	v15 =	vadd.f32 v15, v38;
	v21 =	vmul.f32 $2.000000030e-01, v0;
	v22 =	vmul.f32 $2.000000030e-01, v1  }
0x194: {  	v19 =	vld [tilespmem:s19+$0xFFFFFF00];
	v23 =	vmul.f32 $2.000000030e-01, v2;
	v24 =	vmul.f32 $2.000000030e-01, v13  }
0x195: {  	v20 =	vld [tilespmem:s19+$0xFFFFFF10];
	v25 =	vmul.f32 $2.000000030e-01, v14;
	v27 =	vmul.f32 $2.000000030e-01, v15  }
0x196: {  	v36 =	vld [tilespmem:s28+$0xFFFFFF80];
	v0 =	vmax.f32 v0, v21;
	v1 =	vmax.f32 v1, v22;
	v22 =	vadd.f32 v16, v10  }
0x197: {  	v18 =	vld [tilespmem:s28+$0xFFFFFF90];
	v2 =	vmax.f32 v2, v23;
	v23 =	vadd.f32 v17, v12;
	v13 =	vmax.f32 v13, v24  }
0x198: {  	v28 =	vld [tilespmem:s19+$0x0];
	v14 =	vmax.f32 v14, v25;
	v0 =	vmul.f32 v0, v61;
	v1 =	vmul.f32 v1, v62  }
0x199: {  	v21 =	vld [tilespmem:s19+$0xFFFFFF80];
	v15 =	vmax.f32 v15, v27;
	v2 =	vmul.f32 v2, v58;
	v14 =	vmul.f32 v14, v56  }
0x19a: {  	v16 =	vld [tilespmem:s28+$0x0];
	v0 =	vadd.f32 v1, v0;
	v1 =	vmul.f32 v13, v59;
	v13 =	vmul.f32 $2.000000030e-01, v22  }
0x19b: {  	v26 =	vld [tilespmem:s19+$0xFFFFFF90];
	v20 =	vadd.f32 v20, v35;
	v15 =	vmul.f32 v15, v57;
	v24 =	vmul.f32 $2.000000030e-01, v23  }
0x19c: {  	v29 =	vld [tilespmem:s19+$0x10];
	v1 =	vadd.f32 v1, v2;
	v2 =	vmax.f32 v22, v13  }
0x19d: {  	v42 =	vld [tilespmem:s28+$0xFFFFFF00];
	v13 =	vmax.f32 v23, v24;
	(xrf2) =	vadd.scan.msk.f32 $0xffff, v0;
	v0 =	vadd.f32 v15, v14;
	v14 =	vmul.f32 $2.000000030e-01, v20  }
0x19e: {  	v17 =	vld [tilespmem:s28+$0x10];
	v15 =	vadd.f32 v21, v36;
	v2 =	vmul.f32 v2, v3;
	v13 =	vmul.f32 v13, v4  }
0x19f: {  	v49 =	vld [tilespmem:s19+$0xFFFFFFB0];
	v21 =	vadd.f32 v28, v16;
	(xrf2) =	vadd.scan.msk.f32 $0xffff, v1  }
0x1a0: {  	v39 =	vld [tilespmem:s19+$0x30];
	v14 =	vmax.f32 v20, v14;
	v20 =	vmul.f32 $2.000000030e-01, v15;
	(xrf2) =	vadd.scan.msk.f32 $0xffff, v0;
	v0 =	vadd.f32 v13, v2  }
0x1a1: {  	v25 =	vld [tilespmem:s28+$0xFFFFFF30];
	v13 =	vadd.f32 v26, v18  }
0x1a2: {  	v19 =	vadd.f32 v19, v42;
	v27 =	vld [tilespmem:s28+$0xFFFFFFA0];
	v15 =	vmax.f32 v15, v20;
	v20 =	vmul.f32 $2.000000030e-01, v21;
	(xrf2) =	vadd.scan.msk.f32 $0xffff, v0  }
0x1a3: {  	v22 =	vadd.f32 v29, v17;
	v28 =	vld [tilespmem:s19+$0xFFFFFFA0];
	v0 =	vmul.f32 $2.000000030e-01, v13  }
0x1a4: {  	v29 =	vmul.f32 $2.000000030e-01, v19;
	v2 =	vld [tilespmem:s19+$0xFFFFFF30];
	v20 =	vmax.f32 v21, v20  }
0x1a5: {  	v31 =	vld [tilespmem:s28+$0xFFFFFF40];
	v0 =	vmax.f32 v13, v0;
	v13 =	vmul.f32 v15, v56;
	v15 =	vmul.f32 $2.000000030e-01, v22  }
0x1a6: {  	v30 =	vld [tilespmem:s28+$0xFFFFFF50];
	v20 =	vmul.f32 v20, v56  }
0x1a7: {  	v55 =	vld [tilespmem:s19+$0xFFFFFF40];
	v15 =	vmax.f32 v22, v15  }
0x1a8: {  	v24 =	vld [tilespmem:s28+$0xFFFFFF20];
	v19 =	vmax.f32 v19, v29;
	v52 =	vadd.f32 v28, v27;
	v50, _, _ =	vpop (xrf2);
	v15 =	vmul.f32 v15, v57  }
0x1a9: {  	v26 =	vld [tilespmem:s28+$0xFFFFFFB0];
	v14 =	vmul.f32 v14, v57;
	v0 =	vmul.f32 v0, v57;
	v2 =	vadd.f32 v2, v25;
	v29, _, _ =	vpop (xrf2)  }
0x1aa: {  	v1 =	vld [tilespmem:s19+$0xFFFFFF20];
	v19 =	vmul.f32 v19, v56;
	v53 =	vmul.f32 $2.000000030e-01, v52;
	v15 =	vadd.f32 v15, v20;
	v20, _, _ =	vpop (xrf2)  }
0x1ab: {  	v21 =	vld [tilespmem:s28+$0x30];
	v0 =	vadd.f32 v0, v13;
	v13 =	vmul.f32 $2.000000030e-01, v2;
	v20 =	vmul.f32 $1.442695020e+00, v20  }
0x1ac: {  	v46 =	vld [tilespmem:s19+$0xFFFFFF50];
	v14 =	vadd.f32 v14, v19;
	v33 =	vmul.f32 $1.442695020e+00, v50;
	v19 =	vmul.f32 $1.442695020e+00, v29;
	v54, _, _ =	vpop (xrf2)  }
0x1ad: {  	v48 =	vld [tilespmem:s19+$0xFFFFFF60];
	v2 =	vmax.f32 v2, v13;
	v13 =	vbroadcast v20, $0xF;
	v20 =	vmul.f32 $1.442695020e+00, v54  }
0x1ae: {  	v23 =	vld [tilespmem:s28+$0x20];
	v60 =	vadd.f32 v49, v26;
	v63 =	vbroadcast v33, $0xF;
	v19 =	vbroadcast v19, $0xF  }
0x1af: {  	v1 =	vadd.f32 v1, v24;
	v22 =	vld [tilespmem:s19+$0x20];
	(erf) = vpow2.f32 v13;
	v13 =	vbroadcast v20, $0xF  }
0x1b0: {  	v32 =	vld [tilespmem:s28+$0xFFFFFFC0];
	v39 =	vadd.f32 v39, v21;
	(erf) = vpow2.f32 v19;
	v19 =	vmul.f32 $2.000000030e-01, v60  }
0x1b1: {  	v28 =	vld [tilespmem:s28+$0xFFFFFF60];
	v20 =	vmax.f32 v52, v53;
	v53 =	vadd.f32 v55, v31;
	(erf) = vpow2.f32 v63  }
0x1b2: {  	v49 =	vld [tilespmem:s19+$0xFFFFFF70];
	(erf) = vpow2.f32 v13;
	v13 =	vmax.f32 v60, v19;
	v19 =	vmul.f32 $2.000000030e-01, v39  }
0x1b3: {  	v51 =	vmul.f32 $2.000000030e-01, v1;
	v29 =	vld [tilespmem:s28+$0xFFFFFF70]  }
0x1b4: {  	(xrf2) =	vadd.scan.msk.f32 $0xffff, v14;
	v47 =	vadd.f32 v22, v23;
	v22 =	vld [tilespmem:s28+$0xFFFFFFE0];
	v14 =	vmax.f32 v39, v19;
	v19 =	vmul.f32 $2.000000030e-01, v53  }
0x1b5: {  	v1 =	vmax.f32 v1, v51;
	v54 =	vadd.f32 v46, v30;
	v46 =	vld [tilespmem:s19+$0xFFFFFFC0]  }
0x1b6: {  	v52 =	vmul.f32 $2.000000030e-01, v47;
	v55 =	vadd.f32 v48, v28;
	v19 =	vmax.f32 v53, v19;
	v53 =	vld [tilespmem:s19+$0xFFFFFFE0]  }
0x1b7: {  	v1 =	vmul.f32 v1, v58;
	v33 =	vld [tilespmem:s28+$0xFFFFFFD0];
	v2 =	vmul.f32 v2, v59;
	(xrf2) =	vadd.scan.msk.f32 $0xffff, v0  }
0x1b8: {  	v45 =	vmul.f32 v20, v58;
	v41 =	vmax.f32 v47, v52;
	v63 =	vld [tilespmem:s19+$0xFFFFFFD0];
	v52 =	vmul.f32 $2.000000030e-01, v55  }
0x1b9: {  	v51 =	vld [tilespmem:s19+$0x50];
	v1 =	vadd.f32 v2, v1;
	v47 =	vmul.f32 v13, v59;
	v13 =	vmul.f32 $2.000000030e-01, v54  }
0x1ba: {  	v20 =	vld [tilespmem:s28+$0xFFFFFFF0];
	v60 =	vadd.f32 v49, v29;
	v0 =	vmul.f32 v41, v58;
	v46 =	vadd.f32 v46, v32  }
0x1bb: {  	v39 =	vmax.f32 v55, v52;
	v13 =	vmax.f32 v54, v13;
	v54 =	vld [tilespmem:s19+$0xFFFFFFF0];
	v43 =	vadd.f32 v53, v22  }
0x1bc: {  	(xrf2) =	vadd.scan.msk.f32 $0xffff, v15;
	v15 =	vmul.f32 v14, v59;
	v14 =	vmul.f32 $2.000000030e-01, v60;
	v45 =	vadd.f32 v47, v45;
	v47 =	vld [tilespmem:s19+$0x40]  }
0x1bd: {  	v55 =	vmul.f32 v13, v62;
	v13 =	vld [tilespmem:s28+$0x50];
	v48 =	vadd.f32 v63, v33;
	v63 =	vmul.f32 $2.000000030e-01, v43  }
0x1be: {  	(xrf2) =	vadd.scan.msk.f32 $0xffff, v1;
	v2 =	vmul.f32 v39, v3;
	v50 =	vmul.f32 v19, v61;
	v19 =	vld [tilespmem:s28+$0x40];
	v14 =	vmax.f32 v60, v14  }
0x1bf: {  	v60 =	vmul.f32 $2.000000030e-01, v46;
	v0 =	vadd.f32 v15, v0;
	v39 =	vmul.f32 v14, v4;
	v14 =	vld [tilespmem:s28+$0x60]  }
0x1c0: {  	v52, _, _ =	vpop (xrf2);
	(xrf2) =	vadd.scan.msk.f32 $0xffff, v45;
	v1 =	vmul.f32 $2.000000030e-01, v48;
	v41 =	vadd.f32 v55, v50;
	v50 =	vld [tilespmem:s19+$0x60];
	v44 =	vadd.f32 v54, v20  }
0x1c1: {  	v49 =	vld [tilespmem:s19+$0x70];
	v45 =	vmul.f32 $1.442695020e+00, v52;
	v46 =	vmax.f32 v46, v60;
	v43 =	vmax.f32 v43, v63;
	v63, _, _ =	vpop (xrf2);
	(xrf2) =	vadd.scan.msk.f32 $0xffff, v0  }
0x1c2: {  	v15 =	vld [tilespmem:s28+$0x70];
	v46 =	vmul.f32 v46, v61;
	v1 =	vmax.f32 v48, v1;
	v60 =	vmul.f32 $2.000000030e-01, v44  }
0x1c3: {  	v2 =	vadd.f32 v39, v2;
	v39 =	vbroadcast v45, $0xF;
	v1 =	vmul.f32 v1, v62  }
0x1c4: {  	v51 =	vadd.f32 v51, v13;
	v44 =	vmax.f32 v44, v60;
	v60 =	vmul.f32 $1.442695020e+00, v63  }
0x1c5: {  	v47 =	vadd.f32 v47, v19;
	(erf) = vpow2.f32 v39;
	v50 =	vadd.f32 v50, v14  }
0x1c6: {  	v55 =	vmul.f32 $2.000000030e-01, v51;
	v1 =	vadd.f32 v1, v46;
	v44 =	vmul.f32 v44, v4  }
0x1c7: {  	v43 =	vmul.f32 v43, v3;
	v0, _, _ =	vpop (xrf2);
	(xrf2) =	vadd.scan.msk.f32 $0xffff, v41;
	v41 =	vadd.f32 v49, v15;
	v49 =	vmul.f32 $2.000000030e-01, v50  }
0x1c8: {  	v45 =	vmax.f32 v51, v55;
	v63 =	vmul.f32 $2.000000030e-01, v47;
	v48 =	vbroadcast v60, $0xF;
	v60, _, _ =	vpop (xrf2);
	(xrf2) =	vadd.scan.msk.f32 $0xffff, v2  }
0x1c9: {  	v45 =	vmul.f32 v45, v62;
	v0 =	vmul.f32 $1.442695020e+00, v0;
	v49 =	vmax.f32 v50, v49;
	v2 =	vpop (erf)  }
0x1ca: {  	v47 =	vmax.f32 v47, v63;
	v63 =	vmul.f32 $2.000000030e-01, v41;
	v46 =	vmul.f32 v49, v3;
	v55, _, _ =	vpop (xrf2)  }
0x1cb: {  	v0 =	vbroadcast v0, $0xF;
	v51 =	vmul.f32 $1.442695020e+00, v60;
	v60, _, _ =	vpop (xrf2)  }
0x1cc: {  	v54 =	vmax.f32 v41, v63;
	v49 =	vpop (erf);
	(erf) = vpow2.f32 v48;
	v63 =	vmul.f32 $1.442695020e+00, v60  }
0x1cd: {  	(xrf2) =	vadd.scan.msk.f32 $0xffff, v1;
	v1 =	vnsel vm0, $0x0, v2;
	v50 =	vbroadcast v51, $0xF;
	v51 =	vmul.f32 $1.442695020e+00, v55  }
0x1ce: {  	v47 =	vmul.f32 v47, v61;
	v1 =	vsel vm1, v1, v49;
	v41 =	vpop (erf);
	v60 =	vbroadcast v63, $0xF  }
0x1cf: {  	(erf) = vpow2.f32 v0;
	v0 =	vsel vm2, v1, v41;
	v39 =	vpop (erf);
	v1 =	vbroadcast v51, $0xF  }
0x1d0: {  	s20 =	simm.s32 $0x1B150;
	v43 =	vadd.f32 v44, v43;
	v0 =	vsel vm3, v0, v39;
	(erf) = vpow2.f32 v50  }
0x1d1: {  	v48 =	vmul.f32 v54, v4;
	[tilespmem:s20+$0x110] =	vst v0;
	v0 =	vadd.f32 v45, v47;
	(erf) = vpow2.f32 v1;
	v63, _, _ =	vpop (xrf2)  }
0x1d2: {  	v40 =	vmul.f32 v2, v40;
	(erf) = vpow2.f32 v60;
	(xrf2) =	vadd.scan.msk.f32 $0xffff, v43;
	v60, _, _ =	vpop (xrf2)  }
0x1d3: {  	v1 =	vmul.f32 v2, v38;
	(xrf2) =	vadd.scan.msk.f32 $0xffff, v0;
	v0 =	vmul.f32 $1.442695020e+00, v60  }
0x1d4: {  	v55 =	vmul.f32 v49, v37;
	[tilespmem:s20+$0x90] =	vst v40;
	v53 =	vmul.f32 $1.442695020e+00, v63;
	v63 =	vpop (erf)  }
0x1d5: {  	v2 =	vadd.f32 v48, v46;
	[tilespmem:s20+$0xA0] =	vst v1;
	v43 =	vmul.f32 v49, v34;
	v1 =	vmul.f32 v63, v42  }
0x1d6: {  	[tilespmem:s20+$0xB0] =	vst v55;
	v42 =	vpop (erf);
	v45 =	vmul.f32 v63, v35;
	v54 =	vbroadcast v53, $0xF  }
0x1d7: {  	v37 =	vnsel vm0, $0x0, v63;
	(xrf2) =	vadd.scan.msk.f32 $0xffff, v2;
	v38 =	vmul.f32 v42, v36;
	v44 =	vbroadcast v0, $0xF;
	v0, _, _ =	vpop (xrf2)  }
0x1d8: {  	s22 =	simm.s32 $0x0;
	s21 =	simm.s32 $0x1B150;
	s23 =	simm.s32 $0x18B30;
	v34 =	vnsel vm0, $0x0, v42;
	v36 =	vpop (erf);
	[tilespmem:s20+$0xFFFFFEE0] =	vst v1;
	(erf) = vpow2.f32 v54;
	v35 =	vmul.f32 $1.442695020e+00, v0  }
.LBB2_7:
0x1d9: {  	_ =	sdelay $0x1  }
0x1da: {  	v0 =	vld [tilespmem:s23+$0xC0];
	v54 =	vmul.f32 v42, v18  }
0x1db: {  	[tilespmem:s20+$0xFFFFFEF0] =	vst v45;
	v40 =	vld [tilespmem:s23+$0xD0];
	v50 =	vmul.f32 v36, v16;
	v35 =	vbroadcast v35, $0xF;
	v18 =	vpop (erf)  }
0x1dc: {  	v60 =	vld [tilespmem:s23+$0xE0];
	s19 =	sadd.s32 $0x200, s19;
	[tilespmem:s20+$0xFFFFFF70] =	vst v38;
	(erf) = vpow2.f32 v44;
	v24 =	vmul.f32 v18, v24;
	v55, _, _ =	vpop (xrf2)  }
0x1dd: {  	v63 =	vld [tilespmem:s19+$0xC0];
	[tilespmem:s20+$0x0] =	vst v50;
	v37 =	vsel vm1, v37, v18;
	v18 =	vmul.f32 v18, v25;
	v1 =	vpop (erf);
	(erf) = vpow2.f32 v35  }
0x1de: {  	v49 =	vld [tilespmem:s19+$0xD0];
	v46 =	vmul.f32 $1.442695020e+00, v55;
	v48 =	vpop (erf);
	[tilespmem:s20+$0xFFFFFF00] =	vst v24;
	v24 =	vmul.f32 v1, v27  }
0x1df: {  	v51 =	vld [tilespmem:s19+$0xF0];
	v25, _, _ =	vpop (xrf2);
	v27 =	vsel vm1, v34, v1;
	[tilespmem:s20+$0xFFFFFF10] =	vst v18;
	v1 =	vmul.f32 v1, v26;
	v21 =	vmul.f32 v48, v21  }
0x1e0: {  	v35 =	vld [tilespmem:s23+$0xB0];
	v18 =	vbroadcast v46, $0xF;
	v16, _, _ =	vpop (xrf2);
	[tilespmem:s20+$0xFFFFFF90] =	vst v24;
	v24 =	vmul.f32 $1.442695020e+00, v25  }
0x1e1: {  	v34 =	vld [tilespmem:s23+$0xA0];
	[tilespmem:s20+$0xFFFFFFA0] =	vst v1;
	v1 =	vmul.f32 v36, v17;
	v17 =	vpop (erf);
	v16 =	vmul.f32 $1.442695020e+00, v16  }
0x1e2: {  	v2 =	vnsel vm0, $0x0, v36;
	v36 =	vld [tilespmem:s23+$0x90];
	[tilespmem:s20+$0x30] =	vst v21;
	(erf) = vpow2.f32 v18;
	v25 =	vmul.f32 v17, v31  }
0x1e3: {  	v18 =	vld [tilespmem:s19+$0xA0];
	v26 =	vsel vm2, v37, v17;
	v17 =	vmul.f32 v17, v30;
	v24 =	vbroadcast v24, $0xF;
	[tilespmem:s20+$0x10] =	vst v1  }
0x1e4: {  	v52 =	vmul.f32 v39, v12;
	v31 =	vld [tilespmem:s19+$0xB0];
	v1 =	vmul.f32 v48, v23;
	[tilespmem:s20+$0xFFFFFF20] =	vst v25  }
0x1e5: {  	v2 =	vsel vm1, v2, v48;
	v37 =	vld [tilespmem:s23+$0x80];
	v16 =	vbroadcast v16, $0xF;
	[tilespmem:s20+$0xFFFFFF30] =	vst v17;
	v23 =	vpop (erf);
	(erf) = vpow2.f32 v24  }
0x1e6: {  	v25 =	vld [tilespmem:s19+$0x80];
	[tilespmem:s20+$0x20] =	vst v1;
	v1 =	vmul.f32 v41, v11;
	v17 =	vmul.f32 v23, v28;
	v24 =	vsel vm3, v26, v23  }
0x1e7: {  	v23 =	vmul.f32 v23, v29;
	v26 =	vpop (erf);
	(erf) = vpow2.f32 v16;
	v28 =	vadd.f32 v49, v40;
	v29 =	vld [tilespmem:s19+$0xE0];
	[tilespmem:s20+$0xFFFFFF60] =	vst v24  }
0x1e8: {  	v24 =	vld [tilespmem:s19+$0x90];
	v16 =	vmul.f32 v26, v32;
	v30 =	vadd.f32 v18, v34;
	[tilespmem:s20+$0xFFFFFF40] =	vst v17;
	v17 =	vmul.f32 v41, v9  }
0x1e9: {  	v49 =	vld [tilespmem:s19+$0x10];
	v31 =	vadd.f32 v31, v35;
	v9 =	vmovc v0;
	[tilespmem:s20+$0xFFFFFF50] =	vst v23;
	v23 =	vmul.f32 v26, v33;
	v18 =	vmul.f32 $2.000000030e-01, v28  }
0x1ea: {  	v0 =	vld [tilespmem:s23+$0xF0];
	v26 =	vsel vm2, v27, v26;
	v27 =	vadd.f32 v63, v9;
	[tilespmem:s20+$0xFFFFFFB0] =	vst v16;
	v16 =	vmul.f32 v39, v10  }
0x1eb: {  	[tilespmem:s20+$0xFFFFFF80] =	vst v54;
	v38 =	vld [tilespmem:s23+$0xFFFFFF10];
	v54 =	vmul.f32 $2.000000030e-01, v30;
	v55 =	vmul.f32 $2.000000030e-01, v31;
	v18 =	vmax.f32 v28, v18  }
0x1ec: {  	v10 =	vmovc v60;
	v25 =	vadd.f32 v25, v37;
	v21 =	vld [tilespmem:s19+$0xFFFFFF10];
	v12 =	vmul.f32 $2.000000030e-01, v27;
	v28 =	vmul.f32 v18, v62  }
0x1ed: {  	[tilespmem:s20+$0xE0] =	vst v1;
	v44 =	vld [tilespmem:s23+$0xFFFFFF00];
	v29 =	vadd.f32 v29, v10;
	v1 =	vmax.f32 v30, v54;
	v24 =	vadd.f32 v24, v36  }
0x1ee: {  	[tilespmem:s20+$0xFFFFFFC0] =	vst v23;
	v23 =	vld [tilespmem:s19+$0xFFFFFF00];
	v60 =	vmul.f32 $2.000000030e-01, v25;
	v1 =	vmul.f32 v1, v58;
	v47 =	vmax.f32 v27, v12  }
0x1ef: {  	v11 =	vmovc v40;
	[tilespmem:s20+$0xD0] =	vst v17;
	v40 =	vld [tilespmem:s23+$0xFFFFFF80];
	v17 =	vmax.f32 v31, v55;
	v27 =	vmul.f32 v47, v61;
	v63 =	vmul.f32 $2.000000030e-01, v24  }
0x1f0: {  	v18 =	vld [tilespmem:s23+$0xFFFFFF90];
	v30 =	vmul.f32 v17, v59;
	v32 =	vadd.f32 v51, v0;
	v31 =	vmul.f32 $2.000000030e-01, v29  }
0x1f1: {  	v25 =	vmax.f32 v25, v60;
	v12 =	vmovc v0;
	v0 =	vld [tilespmem:s19+$0xFFFFFF80];
	v27 =	vadd.f32 v28, v27;
	v24 =	vmax.f32 v24, v63  }
0x1f2: {  	v53 =	vpop (erf);
	[tilespmem:s20+$0xF0] =	vst v16;
	v1 =	vadd.f32 v30, v1;
	v25 =	vmul.f32 v25, v56;
	v28 =	vld [tilespmem:s19+$0xFFFFFF90];
	v24 =	vmul.f32 v24, v57  }
0x1f3: {  	v16 =	vld [tilespmem:s23+$0x0];
	v20 =	vmul.f32 v53, v20;
	v21 =	vadd.f32 v21, v38;
	v48 =	vmul.f32 $2.000000030e-01, v32;
	(xrf2) =	vadd.scan.msk.f32 $0xffff, v27  }
0x1f4: {  	v17 =	vld [tilespmem:s23+$0x10];
	(xrf2) =	vadd.scan.msk.f32 $0xffff, v1;
	v1 =	vmul.f32 v53, v22;
	v22 =	vmax.f32 v29, v31;
	v31 =	vadd.f32 v24, v25  }
0x1f5: {  	v26 =	vsel vm3, v26, v53;
	v30 =	vmul.f32 $2.000000030e-01, v21;
	[tilespmem:s20+$0xFFFFFFE0] =	vst v20;
	v27 =	vld [tilespmem:s19+$0x0]  }
0x1f6: {  	v20 =	vadd.f32 v23, v44;
	v29 =	vmax.f32 v32, v48;
	v24 =	vld [tilespmem:s23+$0xFFFFFF20];
	v0 =	vadd.f32 v0, v40;
	(xrf2) =	vadd.scan.msk.f32 $0xffff, v31  }
0x1f7: {  	v42 =	vpop (erf);
	[tilespmem:s20+$0xFFFFFFF0] =	vst v26;
	v22 =	vmul.f32 v22, v3;
	v26 =	vadd.f32 v28, v18;
	v28 =	vmul.f32 v29, v4;
	v29 =	vld [tilespmem:s19+$0xFFFFFF20]  }
0x1f8: {  	v2 =	vsel vm2, v2, v42;
	[tilespmem:s20+$0xFFFFFFD0] =	vst v1;
	v1 =	vmax.f32 v21, v30;
	v21 =	vmul.f32 $2.000000030e-01, v0  }
0x1f9: {  	v51 =	vmul.f32 $2.000000030e-01, v20;
	v25 =	vld [tilespmem:s23+$0xFFFFFF30];
	v30 =	vmul.f32 $2.000000030e-01, v26;
	v22 =	vadd.f32 v28, v22  }
0x1fa: {  	[tilespmem:s20+$0xC0] =	vst v43;
	v43 =	vpop (erf);
	v31 =	vadd.f32 v27, v16;
	v28 =	vld [tilespmem:s19+$0xFFFFFF30];
	v0 =	vmax.f32 v0, v21;
	v21 =	vadd.f32 v49, v17  }
0x1fb: {  	v2 =	vsel vm3, v2, v43;
	v20 =	vmax.f32 v20, v51;
	v23 =	vmax.f32 v26, v30;
	(xrf2) =	vadd.scan.msk.f32 $0xffff, v22;
	v26 =	vld [tilespmem:s23+$0xFFFFFFB0]  }
0x1fc: {  	[tilespmem:s20+$0x80] =	vst v2;
	v30 =	vmul.f32 $2.000000030e-01, v31;
	v22 =	vmul.f32 $2.000000030e-01, v21;
	v2 =	vadd.f32 v29, v24;
	v29 =	vld [tilespmem:s19+$0xFFFFFFB0]  }
0x1fd: {  	v20 =	vmul.f32 v20, v56;
	v1 =	vmul.f32 v1, v57;
	v53 =	vld [tilespmem:s19+$0xFFFFFFA0]  }
0x1fe: {  	[tilespmem:s20+$0x100] =	vst v52;
	v27 =	vld [tilespmem:s23+$0xFFFFFFA0];
	v52 =	vmul.f32 v23, v57;
	v23 =	vmax.f32 v31, v30;
	v50, _, _ =	vpop (xrf2);
	v21 =	vmax.f32 v21, v22  }
0x1ff: {  	v30 =	vmul.f32 v23, v56;
	v54 =	vmul.f32 v21, v57;
	v55, _, _ =	vpop (xrf2)  }
0x200: {  	v19 =	vmul.f32 v42, v19;
	v60 =	vld [tilespmem:s19+$0x20];
	v1 =	vadd.f32 v1, v20;
	v22 =	vadd.f32 v28, v25;
	v28, _, _ =	vpop (xrf2)  }
0x201: {  	v48 =	vld [tilespmem:s19+$0xFFFFFF40];
	v63 =	vadd.f32 v54, v30;
	v54 =	vadd.f32 v29, v26;
	v29 =	vmul.f32 $1.442695020e+00, v28  }
0x202: {  	v49 =	vld [tilespmem:s19+$0xFFFFFF70];
	v0 =	vmul.f32 v0, v56;
	v31 =	vmul.f32 $2.000000030e-01, v2  }
0x203: {  	v23 =	vld [tilespmem:s23+$0x20];
	v20 =	vadd.f32 v53, v27;
	v32 =	vmul.f32 $1.442695020e+00, v50;
	(xrf2) =	vadd.scan.msk.f32 $0xffff, v1;
	v1 =	vbroadcast v29, $0xF  }
0x204: {  	v53 =	vld [tilespmem:s19+$0x30];
	v57 =	vmul.f32 $2.000000030e-01, v22;
	v33 =	vmul.f32 $1.442695020e+00, v55  }
0x205: {  	v21 =	vld [tilespmem:s23+$0x30];
	[tilespmem:s20+$0x40] =	vst v19;
	v19 =	vmul.f32 $2.000000030e-01, v20;
	v55, _, _ =	vpop (xrf2);
	(erf) = vpow2.f32 v1  }
0x206: {  	v0 =	vadd.f32 v52, v0;
	v56 =	vld [tilespmem:s19+$0xFFFFFF60];
	v33 =	vbroadcast v33, $0xF;
	v47 =	vmul.f32 $1.442695020e+00, v55  }
0x207: {  	v2 =	vmax.f32 v2, v31;
	v31 =	vld [tilespmem:s23+$0xFFFFFF40];
	v32 =	vbroadcast v32, $0xF;
	v22 =	vmax.f32 v22, v57  }
0x208: {  	v30 =	vld [tilespmem:s23+$0xFFFFFF50];
	v19 =	vmax.f32 v20, v19;
	(erf) = vpow2.f32 v33;
	v20 =	vbroadcast v47, $0xF  }
0x209: {  	v28 =	vld [tilespmem:s23+$0xFFFFFF60];
	v45 =	vadd.f32 v60, v23;
	v57 =	vmul.f32 $2.000000030e-01, v54;
	(erf) = vpow2.f32 v32  }
0x20a: {  	v51 =	vmul.f32 v22, v59;
	v1 =	vld [tilespmem:s19+$0xFFFFFF50];
	(erf) = vpow2.f32 v20  }
0x20b: {  	v22 =	vld [tilespmem:s23+$0xFFFFFFE0];
	v41 =	vadd.f32 v53, v21;
	v50 =	vmul.f32 $2.000000030e-01, v45;
	(xrf2) =	vadd.scan.msk.f32 $0xffff, v0;
	v0 =	vmul.f32 v2, v58  }
0x20c: {  	v29 =	vld [tilespmem:s23+$0xFFFFFF70];
	v2 =	vmax.f32 v54, v57;
	v60 =	vadd.f32 v48, v31;
	v48 =	vmul.f32 v19, v58  }
0x20d: {  	v53 =	vld [tilespmem:s19+$0xFFFFFFC0];
	v2 =	vmul.f32 v2, v59;
	v20 =	vmul.f32 $2.000000030e-01, v41  }
0x20e: {  	(xrf2) =	vadd.scan.msk.f32 $0xffff, v63;
	v45 =	vmax.f32 v45, v50;
	v63 =	vmul.f32 $2.000000030e-01, v60;
	v32 =	vld [tilespmem:s23+$0xFFFFFFC0];
	v47 =	vadd.f32 v56, v28;
	v46 =	vpop (erf)  }
0x20f: {  	v55 =	vld [tilespmem:s19+$0xFFFFFFD0];
	v1 =	vadd.f32 v1, v30;
	v19 =	vmax.f32 v41, v20;
	v41 =	vnsel vm0, $0x0, v46  }
0x210: {  	v33 =	vld [tilespmem:s23+$0xFFFFFFD0];
	v0 =	vadd.f32 v51, v0;
	v54 =	vmul.f32 v45, v58;
	v39 =	vmax.f32 v60, v63  }
0x211: {  	v49 =	vadd.f32 v49, v29;
	v60 =	vmul.f32 $2.000000030e-01, v47;
	v20 =	vld [tilespmem:s23+$0xFFFFFFF0];
	v52 =	vmul.f32 $2.000000030e-01, v1;
	v45 =	vpop (erf)  }
0x212: {  	v58 =	vmul.f32 v39, v61;
	v56 =	vmul.f32 v19, v59;
	v59 =	vld [tilespmem:s19+$0xFFFFFFF0];
	v57 =	vsel vm1, v41, v45;
	v41 =	vpop (erf)  }
0x213: {  	v53 =	vadd.f32 v53, v32;
	v1 =	vmax.f32 v1, v52;
	v52 =	vld [tilespmem:s19+$0xFFFFFFE0];
	v57 =	vsel vm2, v57, v41;
	v39 =	vpop (erf)  }
0x214: {  	s20 =	sadd.s32 $0x240, s20;
	v2 =	vadd.f32 v2, v48;
	v19 =	vmul.f32 $2.000000030e-01, v49;
	v57 =	vsel vm3, v57, v39  }
0x215: {  	v63 =	vld [tilespmem:s19+$0x40];
	v47 =	vmax.f32 v47, v60;
	v51 =	vadd.f32 v55, v33;
	[tilespmem:s20+$0x110] =	vst v57;
	v57 =	vmul.f32 $2.000000030e-01, v53  }
0x216: {  	v60 =	vld [tilespmem:s23+$0x50];
	v47 =	vmul.f32 v47, v3;
	v49 =	vmax.f32 v49, v19;
	v54 =	vadd.f32 v56, v54  }
0x217: {  	v50, _, _ =	vpop (xrf2);
	v1 =	vmul.f32 v1, v62;
	v59 =	vadd.f32 v59, v20;
	v53 =	vmax.f32 v53, v57;
	v57 =	vld [tilespmem:s19+$0x50]  }
0x218: {  	v19 =	vld [tilespmem:s23+$0x40];
	v61, _, _ =	vpop (xrf2);
	(xrf2) =	vadd.scan.msk.f32 $0xffff, v0;
	v49 =	vmul.f32 v49, v4;
	v62 =	vmul.f32 $2.000000030e-01, v51;
	v52 =	vadd.f32 v52, v22  }
0x219: {  	v0, _, _ =	vpop (xrf2);
	(xrf2) =	vadd.scan.msk.f32 $0xffff, v2;
	v2 =	vmul.f32 $1.442695020e+00, v50;
	v1 =	vadd.f32 v1, v58;
	v58 =	vmul.f32 $2.000000030e-01, v59  }
0x21a: {  	v51 =	vmax.f32 v51, v62;
	v47 =	vadd.f32 v49, v47;
	v56 =	vmul.f32 $2.000000030e-01, v52  }
0x21b: {  	v55 =	vld [tilespmem:s23+$0x60];
	v49 =	vmul.f32 v51, v8;
	v51 =	vmax.f32 v59, v58;
	v53 =	vmul.f32 v53, v7  }
0x21c: {  	v62 =	vld [tilespmem:s19+$0x60];
	v51 =	vmul.f32 v51, v4;
	v56 =	vmax.f32 v52, v56;
	v57 =	vadd.f32 v57, v60  }
0x21d: {  	v50 =	vmul.f32 v56, v3;
	v49 =	vadd.f32 v49, v53;
	v53 =	vadd.f32 v63, v19  }
0x21e: {  	v42 =	vmul.f32 v42, v13;
	v48 =	vld [tilespmem:s23+$0x70];
	v63 =	vmul.f32 $2.000000030e-01, v57  }
0x21f: {  	v0 =	vmul.f32 $1.442695020e+00, v0;
	v52 =	vld [tilespmem:s19+$0x70];
	v50 =	vadd.f32 v51, v50;
	v51 =	vmul.f32 $2.000000030e-01, v53  }
0x220: {  	(xrf2) =	vadd.scan.msk.f32 $0xffff, v54;
	v2 =	vbroadcast v2, $0xF;
	v56 =	vmul.f32 $1.442695020e+00, v61  }
0x221: {  	v0 =	vbroadcast v0, $0xF;
	(xrf2) =	vadd.scan.msk.f32 $0xffff, v1;
	v54 =	vadd.f32 v62, v55;
	v51 =	vmax.f32 v53, v51  }
0x222: {  	v56 =	vbroadcast v56, $0xF;
	v1 =	vmul.f32 v51, v7;
	v51 =	vmax.f32 v57, v63;
	v63, _, _ =	vpop (xrf2)  }
0x223: {  	(erf) = vpow2.f32 v2;
	v63 =	vmul.f32 $1.442695020e+00, v63  }
0x224: {  	v52 =	vadd.f32 v52, v48;
	(erf) = vpow2.f32 v56;
	v53 =	vmul.f32 $2.000000030e-01, v54  }
0x225: {  	v37 =	vmul.f32 v46, v37;
	(erf) = vpow2.f32 v0;
	(xrf2) =	vadd.scan.msk.f32 $0xffff, v47  }
0x226: {  	v57 =	vmul.f32 $2.000000030e-01, v52;
	v53 =	vmax.f32 v54, v53;
	v51 =	vmul.f32 v51, v8  }
0x227: {  	v53 =	vmul.f32 v53, v3;
	v47 =	vbroadcast v63, $0xF;
	v63, _, _ =	vpop (xrf2);
	(xrf2) =	vadd.scan.msk.f32 $0xffff, v49  }
0x228: {  	v0 =	vmul.f32 v43, v15;
	v54 =	vmul.f32 v46, v36;
	v52 =	vmax.f32 v52, v57  }
0x229: {  	v13 =	vmovc v60;
	v52 =	vmul.f32 v52, v4;
	v1 =	vadd.f32 v51, v1;
	v51 =	vmul.f32 $1.442695020e+00, v63  }
0x22a: {  	v59 =	vmov v6;
	(erf) = vpow2.f32 v47;
	v60, _, _ =	vpop (xrf2);
	v63 =	vmul.f32 v43, v14  }
0x22b: {  	[tilespmem:s20+$0x90] =	vst v37;
	v2 =	vadd.f32 v52, v53;
	v53, _, _ =	vpop (xrf2);
	v49 =	vbroadcast v51, $0xF;
	v51 =	vmul.f32 $1.442695020e+00, v60  }
0x22c: {  	s22 =	sadd.s32 $0x4, s22;
	[tilespmem:s21+$0x70] =	vst v0;
	v0 =	vpop (erf);
	v14 =	vmov v55;
	v55 =	vmul.f32 v45, v34;
	v43 =	vmul.f32 $1.442695020e+00, v53  }
0x22d: {  	p0 =	slt.u32 s22, $0x24;
	v62 =	vmovc v8;
	(xrf2) =	vadd.scan.msk.f32 $0xffff, v50;
	[tilespmem:s21+$0x60] =	vst v63;
	v63 =	vmul.f32 v0, v44;
	v52 =	vbroadcast v51, $0xF  }
.Ltmp2:
0x22e: {  	v58 =	vmovc v5;
	v61 =	vmov v7;
	(xrf2) =	vadd.scan.msk.f32 $0xffff, v1;
	(erf) = vpow2.f32 v49;
	v1 =	vbroadcast v43, $0xF;
	(pc) =	sbr.rel @p0 .LBB2_7-.Ltmp2, $4  }
0x22f: {  	[tilespmem:s21+$0x50] =	vst v42;
	v15 =	vmov v48;
	v60, _, _ =	vpop (xrf2);
	v43 =	vmul.f32 v45, v35;
	v45 =	vmul.f32 v0, v38  }
0x230: {  	[tilespmem:s20+$0xA0] =	vst v54;
	v37 =	vnsel vm0, $0x0, v0;
	v42 =	vpop (erf);
	v34 =	vmul.f32 $1.442695020e+00, v60;
	(erf) = vpow2.f32 v52  }
0x231: {  	v56 =	vld [tilespmem:$0x1FFE0];
	[tilespmem:s20+$0xB0] =	vst v55;
	(xrf2) =	vadd.scan.msk.f32 $0xffff, v2;
	v38 =	vmul.f32 v42, v40;
	(erf) = vpow2.f32 v1;
	v0, _, _ =	vpop (xrf2)  }
0x232: {  	s23 =	sadd.s32 $0x200, s23;
	v57 =	vld [tilespmem:$0x1FFF0];
	v36 =	vpop (erf);
	s21 =	smov.u32 s20;
	[tilespmem:s20+$0xFFFFFEE0] =	vst v63;
	v44 =	vbroadcast v34, $0xF;
	v34 =	vnsel vm0, $0x0, v42;
	v35 =	vmul.f32 $1.442695020e+00, v0  }
0x233: {  	v0 =	vmul.f32 v42, v18;
	_ =	sdelay $0x1  }
0x234: {  	v1 =	vpop (erf)  }
0x235: {  	[tilespmem:s20+$0xFFFFFEF0] =	vst v45;
	(erf) = vpow2.f32 v44;
	v2 =	vmul.f32 v1, v24  }
0x236: {  	[tilespmem:s20+$0xFFFFFF80] =	vst v0;
	v0 =	vpop (erf)  }
0x237: {  	[tilespmem:s20+$0xFFFFFF00] =	vst v2;
	v2 =	vmul.f32 v0, v27  }
0x238: {  	[tilespmem:s20+$0xFFFFFF70] =	vst v38;
	v8 =	vbroadcast v35, $0xF;
	v38, _, _ =	vpop (xrf2)  }
0x239: {  	v44 =	vmul.f32 $1.442695020e+00, v38;
	[tilespmem:s20+$0xFFFFFF90] =	vst v2;
	v2 =	vmul.f32 v36, v16  }
0x23a: {  	v17 =	vmul.f32 v36, v17;
	[tilespmem:s20+$0xC0] =	vst v43;
	(erf) = vpow2.f32 v8  }
0x23b: {  	v55 =	vmul.f32 v39, v10;
	v47, _, _ =	vpop (xrf2);
	[tilespmem:s20+$0x0] =	vst v2;
	v2 =	vbroadcast v44, $0xF  }
0x23c: {  	v35 =	vmul.f32 v1, v25;
	[tilespmem:s20+$0x10] =	vst v17;
	v42 =	vpop (erf)  }
0x23d: {  	[tilespmem:s20+$0xF0] =	vst v55;
	v40 =	vmul.f32 v0, v26;
	v45 =	vpop (erf)  }
0x23e: {  	v1 =	vsel vm1, v37, v1;
	[tilespmem:s20+$0xFFFFFF10] =	vst v35;
	v51 =	vmul.f32 v42, v23;
	v49 =	vpop (erf)  }
0x23f: {  	[tilespmem:s20+$0xFFFFFFA0] =	vst v40;
	v16 =	vmul.f32 $1.442695020e+00, v47;
	v1 =	vsel vm2, v1, v45;
	(erf) = vpow2.f32 v2;
	v2, _, _ =	vpop (xrf2)  }
0x240: {  	v54 =	vmul.f32 v42, v21;
	[tilespmem:s20+$0x20] =	vst v51;
	v1 =	vsel vm3, v1, v49;
	v2 =	vmul.f32 $1.442695020e+00, v2  }
0x241: {  	v46 =	vmul.f32 v45, v31;
	[tilespmem:s20+$0xFFFFFF60] =	vst v1;
	v1 =	vbroadcast v16, $0xF  }
0x242: {  	v48 =	vmul.f32 v45, v30;
	[tilespmem:s20+$0x30] =	vst v54;
	v2 =	vbroadcast v2, $0xF  }
0x243: {  	[tilespmem:s20+$0xFFFFFF20] =	vst v46;
	v50 =	vmul.f32 v49, v28;
	v52 =	vpop (erf);
	(erf) = vpow2.f32 v1  }
0x244: {  	[tilespmem:s20+$0xFFFFFF30] =	vst v48;
	v17 =	vmul.f32 v49, v29;
	(erf) = vpow2.f32 v2  }
0x245: {  	[tilespmem:s20+$0xFFFFFF40] =	vst v50;
	v1 =	vmul.f32 v52, v33  }
0x246: {  	[tilespmem:s20+$0xFFFFFF50] =	vst v17;
	v53 =	vmul.f32 v52, v32;
	v2 =	vmul.f32 v41, v11  }
0x247: {  	[tilespmem:s20+$0xFFFFFFC0] =	vst v1;
	v1 =	vmul.f32 v41, v9  }
0x248: {  	[tilespmem:s20+$0xFFFFFFB0] =	vst v53  }
0x249: {  	v0 =	vsel vm1, v34, v0;
	[tilespmem:s20+$0xD0] =	vst v1;
	v1 =	vmul.f32 v39, v12  }
0x24a: {  	v0 =	vsel vm2, v0, v52;
	[tilespmem:s20+$0xE0] =	vst v2;
	v2 =	vpop (erf)  }
0x24b: {  	v60 =	vnsel vm0, $0x0, v36;
	[tilespmem:s20+$0x100] =	vst v1;
	v0 =	vsel vm3, v0, v2;
	v1 =	vmul.f32 v2, v22  }
0x24c: {  	v9 =	vsel vm1, v60, v42;
	v63 =	vpop (erf);
	[tilespmem:s20+$0xFFFFFFF0] =	vst v0;
	v0 =	vmul.f32 v2, v20  }
0x24d: {  	v9 =	vsel vm2, v9, v63;
	[tilespmem:s20+$0xFFFFFFD0] =	vst v1;
	v2 =	vpop (erf)  }
0x24e: {  	v1 =	vmul.f32 v63, v19;
	[tilespmem:s20+$0xFFFFFFE0] =	vst v0;
	v0 =	vsel vm3, v9, v2  }
0x24f: {  	[tilespmem:s20+$0x80] =	vst v0;
	v0 =	vmul.f32 v63, v13  }
0x250: {  	[tilespmem:s20+$0x40] =	vst v1;
	v1 =	vmul.f32 v2, v14  }
0x251: {  	s18 =	sadd.s32 $0x1, s18;
	[tilespmem:s21+$0x50] =	vst v0;
	v0 =	vmul.f32 v2, v15  }
0x252: {  	p0 =	sne.s32 s18, $0x7D;
	[tilespmem:s21+$0x60] =	vst v1  }
.Ltmp3:
0x253: {  	[tilespmem:s21+$0x70] =	vst v0;
	(pc) =	sbr.rel @p0 .LBB2_4-.Ltmp3, $4  }
0x254: {  	[spmem:s3] =	stream.indirect.scatter.add.f32 [tilespmem:s31], [sflag:$0x5], $0x90, s10, s1, $0xb8;
	[tilespmem:$0x1C730] =	vst v63  }
0x255: {  	_ =	swait.ge [sflag:s0], $0x1680  }
0x256: {  	[sflag:s0] =	ssyncset.done $0x0  }
0x257: {  	[sflag:s0] =	ssyncadd.s32 $0xFFFFE980  }
0x258: {  	s18 =	stileid.u32;
	[bflag:$0x0] =	sbarrier.arrive $0xFFFF;
	s17 =	sadd.s32 $0x1, s17  }
0x259: {  	s19 =	sshrl.u32 s8, $0x3;
	s18 =	sshll.u32 s18, $0x6;
	p0 =	sne.s32 s17, s29  }
.Ltmp4:
0x25a: {  	s20 =	rddreg [dreg:$0x14];
	s18 =	sor.u32 $0x1C05, s18;
	(pc) =	sbr.rel @p0 .LBB2_1-.Ltmp4, $4  }
0x25b: {  	[hbm:s20], [sflag:s18] =	dma.local [spmem:s19], $0x2BF2  }
0x25c: {  	_ =	swait.ge [sflag:s0], $0x2BF2  }
0x25d: {  	[sflag:s0] =	ssyncset.done $0x0  }
0x25e: {  	v0 =	vimm.f32 $0.0e+00;
	[sflag:s0] =	ssyncadd.s32 $0xFFFFD40E  }
0x25f: {  	_ =	sfence.sel $0x180000  }
0x260: {  	[bflag:$0x0] =	sbarrier.arrive $0xFFFF  }
0x261: {  	_ =	strace $0x90000047  }
0x262: {  	s0 =	stileid.u32;
	[bflag:$0x2] =	sbarrier.arrive $0xFFFF  }
0x263: {  	p0 =	sne.s32 s0, $0x0;
	s0 =	rddreg [dreg:$0x3]  }
0x264: {  	s0 =	sadd.s32 @!p0 $0x100000, s0  }
0x265: {  	[sflag:s0] =	ssyncadd.tile.s32 @!p0 $0x1;
	_ =	shalt  }
.Lfunc_end2:
_tile_overlayer_lowered:
.L_overlay_start_2:
0x266: {  	(tag) =	ssettag $0x2  }
0x267: {  	s0 =	rddreg [dreg:$0x0];
	s2 =	stileid.u32  }
0x268: {  	s1 =	rddreg [dreg:$0x1];
	p0 =	sne.s32 s2, $0x0  }
0x269: {  	s3 =	rddreg [dreg:$0x2];
	[bflag:$0x3] =	sbarrier.arrive $0xFFFF;
	s2 =	simm.s32 @!p0 $0x1C05  }
0x26a: {  	[timem:s3], [sflag:s2] =	dma.local @!p0 [hbm:s0], s1  }
0x26b: {  	s0 =	simm.s32 @!p0 $0x5  }
0x26c: {  	_ =	swait.ge @!p0 [sflag:s0], s1  }
0x26d: {  	s1 =	ssub.s32 @!p0 $0x0, s1;
	[sflag:s0] =	ssyncset.done @!p0 $0x0  }
0x26e: {  	[sflag:s0] =	ssyncadd.s32 @!p0 s1  }
0x26f: {  	[bflag:$0x3] =	sbarrier.arrive $0xFFFF  }
0x270: {  	_ =	shalt  }

</sc_bundles>
